<compile_context>
chip_gen: v7x
topology: tpu7x:2x2x1
jax: 0.10.2.dev20260603
libtpu: 0.0.44.dev20260713+nightly
codegen_flags: <defaults>
</compile_context>

<pallas_src>
import functools

import jax
import jax.numpy as jnp
from jax import lax
from jax.experimental import pallas as pl
from jax.experimental.pallas import tpu as pltpu
from jax.experimental.pallas import tpu_sc as plsc

_VOCAB = 1000000
_DIM = 64
_BATCH = 16384

_INFO = plsc.get_sparse_core_info()
_NC = _INFO.num_cores
_NS = _INFO.num_subcores
_L = _INFO.num_lanes
_NW = _NC * _NS
_BPW = _BATCH // _NW
_NCHUNK = _BPW // _L
_NBUF = 4


def _glove_kernel(word_ids_hbm, ctx_ids_hbm, wembT_hbm, cembT_hbm,
                  wbT_hbm, cbT_hbm, out_hbm,
                  widx_v, cidx_v, wslabs, cslabs, wbslabs, cbslabs,
                  out_v, sem):
    wid = lax.axis_index("s") * _NC + lax.axis_index("c")
    base = wid * _BPW

    pltpu.sync_copy(word_ids_hbm.at[pl.ds(base, _BPW)], widx_v)
    pltpu.sync_copy(ctx_ids_hbm.at[pl.ds(base, _BPW)], cidx_v)

    def fire(w, c, slot):
        bw = pl.multiple_of((w >> 7) * 128, 128)
        bc = pl.multiple_of((c >> 7) * 128, 128)
        pltpu.async_copy(wembT_hbm.at[:, pl.ds(bw, 128)], wslabs[slot], sem)
        pltpu.async_copy(cembT_hbm.at[:, pl.ds(bc, 128)], cslabs[slot], sem)
        pltpu.async_copy(wbT_hbm.at[:, pl.ds(bw, 128)], wbslabs[slot], sem)
        pltpu.async_copy(cbT_hbm.at[:, pl.ds(bc, 128)], cbslabs[slot], sem)

    def drain(slot):
        pltpu.make_async_copy(
            wembT_hbm.at[:, pl.ds(0, 128)], wslabs[slot], sem).wait()
        pltpu.make_async_copy(
            cembT_hbm.at[:, pl.ds(0, 128)], cslabs[slot], sem).wait()
        pltpu.make_async_copy(
            wbT_hbm.at[:, pl.ds(0, 128)], wbslabs[slot], sem).wait()
        pltpu.make_async_copy(
            cbT_hbm.at[:, pl.ds(0, 128)], cbslabs[slot], sem).wait()

    lane = lax.iota(jnp.int32, _L)
    zero16 = jnp.zeros((_L,), jnp.int32)

    wvec0 = widx_v[pl.ds(0, _L)]
    cvec0 = cidx_v[pl.ds(0, _L)]
    for b in range(_NBUF):
        fire(wvec0[b], cvec0[b], b)

    def chunk_body(cc, carry):
        o = cc * _L
        wvec = widx_v[pl.ds(o, _L)]
        cvec = cidx_v[pl.ds(o, _L)]
        last = cc == _NCHUNK - 1
        onxt = jnp.where(last, o, o + _L)
        wnxt = widx_v[pl.ds(onxt, _L)]
        cnxt = cidx_v[pl.ds(onxt, _L)]
        acc = jnp.zeros((_L,), jnp.float32)
        for j2 in range(_L):
            slot = j2 % _NBUF
            drain(slot)
            w = wvec[j2]
            c = cvec[j2]
            colw = jnp.full((_L,), 0, jnp.int32) + (w & 127)
            colc = jnp.full((_L,), 0, jnp.int32) + (c & 127)
            p = jnp.zeros((_L,), jnp.float32)
            for q in range(_DIM // _L):
                rows = lane + q * _L
                wv = plsc.load_gather(wslabs[slot], [rows, colw])
                cv = plsc.load_gather(cslabs[slot], [rows, colc])
                p = p + wv * cv
            wb = plsc.load_gather(wbslabs[slot], [zero16, colw])
            cb = plsc.load_gather(cbslabs[slot], [zero16, colc])
            tot = jnp.sum(p) + wb[0] + cb[0]
            acc = jnp.where(lane == j2, tot, acc)
            if j2 < _L - _NBUF:
                wnext, cnext = wvec[j2 + _NBUF], cvec[j2 + _NBUF]
            else:
                wnext = jnp.where(last, wvec[_L - 1], wnxt[j2 - (_L - _NBUF)])
                cnext = jnp.where(last, cvec[_L - 1], cnxt[j2 - (_L - _NBUF)])
            fire(wnext, cnext, slot)
        out_v[pl.ds(o, _L)] = acc
        return carry

    lax.fori_loop(0, _NCHUNK, chunk_body, 0)

    for b in range(_NBUF):
        drain(b)

    pltpu.sync_copy(out_v, out_hbm.at[pl.ds(base, _BPW)])


@jax.jit
def kernel(word_ids, context_ids, word_embeddings, context_embeddings,
           word_biases, context_biases):
    mesh = plsc.VectorSubcoreMesh(core_axis_name="c", subcore_axis_name="s")

    def body(wi, ci, we, ce, wb, cb, out,
             widx_v, cidx_v,
             ws0, ws1, ws2, ws3, cs0, cs1, cs2, cs3,
             wb0, wb1, wb2, wb3, cb0, cb1, cb2, cb3, out_v, sem):
        _glove_kernel(wi, ci, we, ce, wb, cb, out,
                      widx_v, cidx_v,
                      [ws0, ws1, ws2, ws3], [cs0, cs1, cs2, cs3],
                      [wb0, wb1, wb2, wb3], [cb0, cb1, cb2, cb3],
                      out_v, sem)

    run = functools.partial(
        pl.kernel,
        mesh=mesh,
        compiler_params=pltpu.CompilerParams(
            needs_layout_passes=False, disable_bounds_checks=True),
        out_type=jax.ShapeDtypeStruct((_BATCH,), jnp.float32),
        scratch_types=[
            pltpu.VMEM((_BPW,), jnp.int32),
            pltpu.VMEM((_BPW,), jnp.int32),
        ] + [pltpu.VMEM((_DIM, 128), jnp.float32)] * (2 * _NBUF)
          + [pltpu.VMEM((1, 128), jnp.float32)] * (2 * _NBUF)
          + [
            pltpu.VMEM((_BPW,), jnp.float32),
            pltpu.SemaphoreType.DMA,
        ],
    )(body)
    return run(word_ids.astype(jnp.int32), context_ids.astype(jnp.int32),
               word_embeddings.T, context_embeddings.T,
               word_biases.T, context_biases.T)

# --- scband reference (transcript-rebuilt; emitter-appended) ---
"""Pipeline reference for scband-glo-ve-model-59562606461624 (READ-ONLY COPY).

The authoritative reference and input builder live on the scoring server;
editing this copy changes nothing except your own understanding.
"""

import jax, jax.numpy as jnp
import numpy as np

VOCAB = 1000000
DIM = 64
BATCH = 16384

def setup_inputs(seed: int = 0) -> dict:
    key = jax.random.key(seed)
    k1, k2, k3, k4, k5, k6 = jax.random.split(key, 6)
    init_range = 0.01
    word_embeddings = jax.random.uniform(k1, (VOCAB, DIM), dtype=jnp.float32, minval=-init_range, maxval=init_range)
    context_embeddings = jax.random.uniform(k2, (VOCAB, DIM), dtype=jnp.float32, minval=-init_range, maxval=init_range)
    word_biases = jax.random.uniform(k3, (VOCAB, 1), dtype=jnp.float32, minval=-init_range, maxval=init_range)
    context_biases = jax.random.uniform(k4, (VOCAB, 1), dtype=jnp.float32, minval=-init_range, maxval=init_range)
    word_ids = jax.random.randint(k5, (BATCH,), 0, VOCAB, dtype=jnp.int64 if jax.config.jax_enable_x64 else jnp.int32)
    context_ids = jax.random.randint(k6, (BATCH,), 0, VOCAB, dtype=jnp.int64 if jax.config.jax_enable_x64 else jnp.int32)
    return {
        "word_ids": word_ids,
        "context_ids": context_ids,
        "word_embeddings": word_embeddings,
        "context_embeddings": context_embeddings,
        "word_biases": word_biases,
        "context_biases": context_biases,
    }

def reference(word_ids, context_ids, word_embeddings, context_embeddings, word_biases, context_biases):
    # Embedding lookups (gathers)
    word_vectors = jnp.take(word_embeddings, word_ids, axis=0)          # [B, D]
    context_vectors = jnp.take(context_embeddings, context_ids, axis=0)  # [B, D]
    word_bias = jnp.take(word_biases, word_ids, axis=0).squeeze(-1)       # [B]
    context_bias = jnp.take(context_biases, context_ids, axis=0).squeeze(-1)  # [B]
    dot_product = (word_vectors * context_vectors).sum(axis=1)          # [B]
    prediction = dot_product + word_bias + context_bias
    return prediction

if __name__ == "__main__":
    import jax
    _d = setup_inputs()
    print(jax.jit(kernel)(*tuple(_d.values())))

</pallas_src>

<mosaic_0001>
#map = affine_map<(d0, d1) -> (0)>
#map1 = affine_map<(d0, d1) -> (0, 0)>
module attributes {stable_mosaic.version = 14 : i64} {
  func.func @body(%arg0: i32, %arg1: i32, %arg2: memref<16384xi32, #tpu.memory_space<hbm>>, %arg3: memref<16384xi32, #tpu.memory_space<hbm>>, %arg4: memref<64x1000000xf32, #tpu.memory_space<hbm>>, %arg5: memref<64x1000000xf32, #tpu.memory_space<hbm>>, %arg6: memref<1x1000000xf32, #tpu.memory_space<hbm>>, %arg7: memref<1x1000000xf32, #tpu.memory_space<hbm>>, %arg8: memref<16384xf32, #tpu.memory_space<hbm>>, %arg9: memref<512xi32, #tpu.memory_space<vmem>>, %arg10: memref<512xi32, #tpu.memory_space<vmem>>, %arg11: memref<64x128xf32, #tpu.memory_space<vmem>>, %arg12: memref<64x128xf32, #tpu.memory_space<vmem>>, %arg13: memref<64x128xf32, #tpu.memory_space<vmem>>, %arg14: memref<64x128xf32, #tpu.memory_space<vmem>>, %arg15: memref<64x128xf32, #tpu.memory_space<vmem>>, %arg16: memref<64x128xf32, #tpu.memory_space<vmem>>, %arg17: memref<64x128xf32, #tpu.memory_space<vmem>>, %arg18: memref<64x128xf32, #tpu.memory_space<vmem>>, %arg19: memref<1x128xf32, #tpu.memory_space<vmem>>, %arg20: memref<1x128xf32, #tpu.memory_space<vmem>>, %arg21: memref<1x128xf32, #tpu.memory_space<vmem>>, %arg22: memref<1x128xf32, #tpu.memory_space<vmem>>, %arg23: memref<1x128xf32, #tpu.memory_space<vmem>>, %arg24: memref<1x128xf32, #tpu.memory_space<vmem>>, %arg25: memref<1x128xf32, #tpu.memory_space<vmem>>, %arg26: memref<1x128xf32, #tpu.memory_space<vmem>>, %arg27: memref<512xf32, #tpu.memory_space<vmem>>, %arg28: memref<!tpu.dma_semaphore, #tpu.memory_space<semaphore_mem>>) attributes {dimension_semantics = [#tpu.dimension_semantics<core_parallel>, #tpu.dimension_semantics<subcore_parallel>], iteration_bounds = array<i64: 2, 16>, scalar_prefetch = 0 : i64, scratch_operands = 20 : i64, tpu.core_type = #tpu.core_type<sc_vector_subcore>, window_params = [{transform_indices = #map}, {transform_indices = #map}, {transform_indices = #map1}, {transform_indices = #map1}, {transform_indices = #map1}, {transform_indices = #map1}, {transform_indices = #map}]} {
    %mul3A = arith.constant 2 : i32
    %mul3A_0 = arith.muli %arg1, %mul3A : i32
    %add3A = arith.addi %mul3A_0, %arg0 : i32
    %mul3A_1 = arith.constant 512 : i32
    %mul3A_2 = arith.muli %add3A, %mul3A_1 : i32
    "tpu.region"() ({
      %run_scoped3A = tpu.sem_alloc : memref<!tpu.dma_semaphore, #tpu.memory_space<semaphore_mem>>
      %dma_start3A_222 = tpu.memref_slice %arg2[%mul3A_2] : memref<16384xi32, #tpu.memory_space<hbm>> -> memref<512xi32, #tpu.memory_space<hbm>>
      %dma_start3A_223 = tpu.memref_slice %arg2[%mul3A_2] : memref<16384xi32, #tpu.memory_space<hbm>> -> memref<512xi32, #tpu.memory_space<hbm>>
      tpu.enqueue_dma source(%dma_start3A_223 : memref<512xi32, #tpu.memory_space<hbm>>) target(%arg9 : memref<512xi32, #tpu.memory_space<vmem>>) target_semaphore(%run_scoped3A : memref<!tpu.dma_semaphore, #tpu.memory_space<semaphore_mem>>)
      %dma_wait3A_224 = tpu.memref_slice %arg2[%mul3A_2] : memref<16384xi32, #tpu.memory_space<hbm>> -> memref<512xi32, #tpu.memory_space<hbm>>
      %dma_wait3A_225 = tpu.memref_slice %arg2[%mul3A_2] : memref<16384xi32, #tpu.memory_space<hbm>> -> memref<512xi32, #tpu.memory_space<hbm>>
      tpu.wait_dma2 semaphore(%run_scoped3A : memref<!tpu.dma_semaphore, #tpu.memory_space<semaphore_mem>>) src(%dma_wait3A_225 : memref<512xi32, #tpu.memory_space<hbm>>) dst(%arg9 : memref<512xi32, #tpu.memory_space<vmem>>)
      tpu.yield
    }) : () -> ()
    "tpu.region"() ({
      %run_scoped3A = tpu.sem_alloc : memref<!tpu.dma_semaphore, #tpu.memory_space<semaphore_mem>>
      %dma_start3A_222 = tpu.memref_slice %arg3[%mul3A_2] : memref<16384xi32, #tpu.memory_space<hbm>> -> memref<512xi32, #tpu.memory_space<hbm>>
      %dma_start3A_223 = tpu.memref_slice %arg3[%mul3A_2] : memref<16384xi32, #tpu.memory_space<hbm>> -> memref<512xi32, #tpu.memory_space<hbm>>
      tpu.enqueue_dma source(%dma_start3A_223 : memref<512xi32, #tpu.memory_space<hbm>>) target(%arg10 : memref<512xi32, #tpu.memory_space<vmem>>) target_semaphore(%run_scoped3A : memref<!tpu.dma_semaphore, #tpu.memory_space<semaphore_mem>>)
      %dma_wait3A_224 = tpu.memref_slice %arg3[%mul3A_2] : memref<16384xi32, #tpu.memory_space<hbm>> -> memref<512xi32, #tpu.memory_space<hbm>>
      %dma_wait3A_225 = tpu.memref_slice %arg3[%mul3A_2] : memref<16384xi32, #tpu.memory_space<hbm>> -> memref<512xi32, #tpu.memory_space<hbm>>
      tpu.wait_dma2 semaphore(%run_scoped3A : memref<!tpu.dma_semaphore, #tpu.memory_space<semaphore_mem>>) src(%dma_wait3A_225 : memref<512xi32, #tpu.memory_space<hbm>>) dst(%arg10 : memref<512xi32, #tpu.memory_space<vmem>>)
      tpu.yield
    }) : () -> ()
    %iota3A = tpu.iota {dimensions = array<i32: 0>} : vector<16xi32>
    %broadcast_in_dim3A = arith.constant 0 : i32
    %broadcast_in_dim3A_3 = vector.broadcast %broadcast_in_dim3A : i32 to vector<16xi32>
    %get3A = arith.constant 0 : index
    %get3A_4 = tpu.vector_load %arg9[%get3A] {strides = array<i32>} : memref<512xi32, #tpu.memory_space<vmem>>, vector<16xi32>,
    %get3A_5 = arith.constant 0 : index
    %get3A_6 = tpu.vector_load %arg10[%get3A_5] {strides = array<i32>} : memref<512xi32, #tpu.memory_space<vmem>>, vector<16xi32>,
    %slice3A = vector.extract_strided_slice %get3A_4 {offsets = [0], sizes = [1], strides = [1]} : vector<16xi32> to vector<1xi32>
    %squeeze3A = vector.extract %slice3A[0] : i32 from vector<1xi32>
    %slice3A_7 = vector.extract_strided_slice %get3A_6 {offsets = [0], sizes = [1], strides = [1]} : vector<16xi32> to vector<1xi32>
    %squeeze3A_8 = vector.extract %slice3A_7[0] : i32 from vector<1xi32>
    %shift_right_arithmetic3A = arith.constant 7 : i32
    %shift_right_arithmetic3A_9 = arith.shrsi %squeeze3A, %shift_right_arithmetic3A : i32
    %mul3A_10 = arith.constant 128 : i32
    %mul3A_11 = arith.muli %shift_right_arithmetic3A_9, %mul3A_10 : i32
    %multiple_of3A = tpu.assume_multiple %mul3A_11, 128 : i32
    %shift_right_arithmetic3A_12 = arith.constant 7 : i32
    %shift_right_arithmetic3A_13 = arith.shrsi %squeeze3A_8, %shift_right_arithmetic3A_12 : i32
    %mul3A_14 = arith.constant 128 : i32
    %mul3A_15 = arith.muli %shift_right_arithmetic3A_13, %mul3A_14 : i32
    %multiple_of3A_16 = tpu.assume_multiple %mul3A_15, 128 : i32
    %dma_start3A = arith.constant 0 : i32
    %dma_start3A_17 = tpu.memref_slice %arg4[%dma_start3A, %multiple_of3A] : memref<64x1000000xf32, #tpu.memory_space<hbm>> -> memref<64x128xf32, #tpu.memory_space<hbm>>
    %dma_start3A_18 = arith.constant 0 : i32
    %dma_start3A_19 = tpu.memref_slice %arg4[%dma_start3A_18, %multiple_of3A] : memref<64x1000000xf32, #tpu.memory_space<hbm>> -> memref<64x128xf32, #tpu.memory_space<hbm>>
    tpu.enqueue_dma source(%dma_start3A_19 : memref<64x128xf32, #tpu.memory_space<hbm>>) target(%arg11 : memref<64x128xf32, #tpu.memory_space<vmem>>) target_semaphore(%arg28 : memref<!tpu.dma_semaphore, #tpu.memory_space<semaphore_mem>>)
    %dma_start3A_20 = arith.constant 0 : i32
    %dma_start3A_21 = tpu.memref_slice %arg5[%dma_start3A_20, %multiple_of3A_16] : memref<64x1000000xf32, #tpu.memory_space<hbm>> -> memref<64x128xf32, #tpu.memory_space<hbm>>
    %dma_start3A_22 = arith.constant 0 : i32
    %dma_start3A_23 = tpu.memref_slice %arg5[%dma_start3A_22, %multiple_of3A_16] : memref<64x1000000xf32, #tpu.memory_space<hbm>> -> memref<64x128xf32, #tpu.memory_space<hbm>>
    tpu.enqueue_dma source(%dma_start3A_23 : memref<64x128xf32, #tpu.memory_space<hbm>>) target(%arg15 : memref<64x128xf32, #tpu.memory_space<vmem>>) target_semaphore(%arg28 : memref<!tpu.dma_semaphore, #tpu.memory_space<semaphore_mem>>)
    %dma_start3A_24 = arith.constant 0 : i32
    %dma_start3A_25 = tpu.memref_slice %arg6[%dma_start3A_24, %multiple_of3A] : memref<1x1000000xf32, #tpu.memory_space<hbm>> -> memref<1x128xf32, #tpu.memory_space<hbm>>
    %dma_start3A_26 = arith.constant 0 : i32
    %dma_start3A_27 = tpu.memref_slice %arg6[%dma_start3A_26, %multiple_of3A] : memref<1x1000000xf32, #tpu.memory_space<hbm>> -> memref<1x128xf32, #tpu.memory_space<hbm>>
    tpu.enqueue_dma source(%dma_start3A_27 : memref<1x128xf32, #tpu.memory_space<hbm>>) target(%arg19 : memref<1x128xf32, #tpu.memory_space<vmem>>) target_semaphore(%arg28 : memref<!tpu.dma_semaphore, #tpu.memory_space<semaphore_mem>>)
    %dma_start3A_28 = arith.constant 0 : i32
    %dma_start3A_29 = tpu.memref_slice %arg7[%dma_start3A_28, %multiple_of3A_16] : memref<1x1000000xf32, #tpu.memory_space<hbm>> -> memref<1x128xf32, #tpu.memory_space<hbm>>
    %dma_start3A_30 = arith.constant 0 : i32
    %dma_start3A_31 = tpu.memref_slice %arg7[%dma_start3A_30, %multiple_of3A_16] : memref<1x1000000xf32, #tpu.memory_space<hbm>> -> memref<1x128xf32, #tpu.memory_space<hbm>>
    tpu.enqueue_dma source(%dma_start3A_31 : memref<1x128xf32, #tpu.memory_space<hbm>>) target(%arg23 : memref<1x128xf32, #tpu.memory_space<vmem>>) target_semaphore(%arg28 : memref<!tpu.dma_semaphore, #tpu.memory_space<semaphore_mem>>)
    %slice3A_32 = vector.extract_strided_slice %get3A_4 {offsets = [1], sizes = [1], strides = [1]} : vector<16xi32> to vector<1xi32>
    %squeeze3A_33 = vector.extract %slice3A_32[0] : i32 from vector<1xi32>
    %slice3A_34 = vector.extract_strided_slice %get3A_6 {offsets = [1], sizes = [1], strides = [1]} : vector<16xi32> to vector<1xi32>
    %squeeze3A_35 = vector.extract %slice3A_34[0] : i32 from vector<1xi32>
    %shift_right_arithmetic3A_36 = arith.constant 7 : i32
    %shift_right_arithmetic3A_37 = arith.shrsi %squeeze3A_33, %shift_right_arithmetic3A_36 : i32
    %mul3A_38 = arith.constant 128 : i32
    %mul3A_39 = arith.muli %shift_right_arithmetic3A_37, %mul3A_38 : i32
    %multiple_of3A_40 = tpu.assume_multiple %mul3A_39, 128 : i32
    %shift_right_arithmetic3A_41 = arith.constant 7 : i32
    %shift_right_arithmetic3A_42 = arith.shrsi %squeeze3A_35, %shift_right_arithmetic3A_41 : i32
    %mul3A_43 = arith.constant 128 : i32
    %mul3A_44 = arith.muli %shift_right_arithmetic3A_42, %mul3A_43 : i32
    %multiple_of3A_45 = tpu.assume_multiple %mul3A_44, 128 : i32
    %dma_start3A_46 = arith.constant 0 : i32
    %dma_start3A_47 = tpu.memref_slice %arg4[%dma_start3A_46, %multiple_of3A_40] : memref<64x1000000xf32, #tpu.memory_space<hbm>> -> memref<64x128xf32, #tpu.memory_space<hbm>>
    %dma_start3A_48 = arith.constant 0 : i32
    %dma_start3A_49 = tpu.memref_slice %arg4[%dma_start3A_48, %multiple_of3A_40] : memref<64x1000000xf32, #tpu.memory_space<hbm>> -> memref<64x128xf32, #tpu.memory_space<hbm>>
    tpu.enqueue_dma source(%dma_start3A_49 : memref<64x128xf32, #tpu.memory_space<hbm>>) target(%arg12 : memref<64x128xf32, #tpu.memory_space<vmem>>) target_semaphore(%arg28 : memref<!tpu.dma_semaphore, #tpu.memory_space<semaphore_mem>>)
    %dma_start3A_50 = arith.constant 0 : i32
    %dma_start3A_51 = tpu.memref_slice %arg5[%dma_start3A_50, %multiple_of3A_45] : memref<64x1000000xf32, #tpu.memory_space<hbm>> -> memref<64x128xf32, #tpu.memory_space<hbm>>
    %dma_start3A_52 = arith.constant 0 : i32
    %dma_start3A_53 = tpu.memref_slice %arg5[%dma_start3A_52, %multiple_of3A_45] : memref<64x1000000xf32, #tpu.memory_space<hbm>> -> memref<64x128xf32, #tpu.memory_space<hbm>>
    tpu.enqueue_dma source(%dma_start3A_53 : memref<64x128xf32, #tpu.memory_space<hbm>>) target(%arg16 : memref<64x128xf32, #tpu.memory_space<vmem>>) target_semaphore(%arg28 : memref<!tpu.dma_semaphore, #tpu.memory_space<semaphore_mem>>)
    %dma_start3A_54 = arith.constant 0 : i32
    %dma_start3A_55 = tpu.memref_slice %arg6[%dma_start3A_54, %multiple_of3A_40] : memref<1x1000000xf32, #tpu.memory_space<hbm>> -> memref<1x128xf32, #tpu.memory_space<hbm>>
    %dma_start3A_56 = arith.constant 0 : i32
    %dma_start3A_57 = tpu.memref_slice %arg6[%dma_start3A_56, %multiple_of3A_40] : memref<1x1000000xf32, #tpu.memory_space<hbm>> -> memref<1x128xf32, #tpu.memory_space<hbm>>
    tpu.enqueue_dma source(%dma_start3A_57 : memref<1x128xf32, #tpu.memory_space<hbm>>) target(%arg20 : memref<1x128xf32, #tpu.memory_space<vmem>>) target_semaphore(%arg28 : memref<!tpu.dma_semaphore, #tpu.memory_space<semaphore_mem>>)
    %dma_start3A_58 = arith.constant 0 : i32
    %dma_start3A_59 = tpu.memref_slice %arg7[%dma_start3A_58, %multiple_of3A_45] : memref<1x1000000xf32, #tpu.memory_space<hbm>> -> memref<1x128xf32, #tpu.memory_space<hbm>>
    %dma_start3A_60 = arith.constant 0 : i32
    %dma_start3A_61 = tpu.memref_slice %arg7[%dma_start3A_60, %multiple_of3A_45] : memref<1x1000000xf32, #tpu.memory_space<hbm>> -> memref<1x128xf32, #tpu.memory_space<hbm>>
    tpu.enqueue_dma source(%dma_start3A_61 : memref<1x128xf32, #tpu.memory_space<hbm>>) target(%arg24 : memref<1x128xf32, #tpu.memory_space<vmem>>) target_semaphore(%arg28 : memref<!tpu.dma_semaphore, #tpu.memory_space<semaphore_mem>>)
    %slice3A_62 = vector.extract_strided_slice %get3A_4 {offsets = [2], sizes = [1], strides = [1]} : vector<16xi32> to vector<1xi32>
    %squeeze3A_63 = vector.extract %slice3A_62[0] : i32 from vector<1xi32>
    %slice3A_64 = vector.extract_strided_slice %get3A_6 {offsets = [2], sizes = [1], strides = [1]} : vector<16xi32> to vector<1xi32>
    %squeeze3A_65 = vector.extract %slice3A_64[0] : i32 from vector<1xi32>
    %shift_right_arithmetic3A_66 = arith.constant 7 : i32
    %shift_right_arithmetic3A_67 = arith.shrsi %squeeze3A_63, %shift_right_arithmetic3A_66 : i32
    %mul3A_68 = arith.constant 128 : i32
    %mul3A_69 = arith.muli %shift_right_arithmetic3A_67, %mul3A_68 : i32
    %multiple_of3A_70 = tpu.assume_multiple %mul3A_69, 128 : i32
    %shift_right_arithmetic3A_71 = arith.constant 7 : i32
    %shift_right_arithmetic3A_72 = arith.shrsi %squeeze3A_65, %shift_right_arithmetic3A_71 : i32
    %mul3A_73 = arith.constant 128 : i32
    %mul3A_74 = arith.muli %shift_right_arithmetic3A_72, %mul3A_73 : i32
    %multiple_of3A_75 = tpu.assume_multiple %mul3A_74, 128 : i32
    %dma_start3A_76 = arith.constant 0 : i32
    %dma_start3A_77 = tpu.memref_slice %arg4[%dma_start3A_76, %multiple_of3A_70] : memref<64x1000000xf32, #tpu.memory_space<hbm>> -> memref<64x128xf32, #tpu.memory_space<hbm>>
    %dma_start3A_78 = arith.constant 0 : i32
    %dma_start3A_79 = tpu.memref_slice %arg4[%dma_start3A_78, %multiple_of3A_70] : memref<64x1000000xf32, #tpu.memory_space<hbm>> -> memref<64x128xf32, #tpu.memory_space<hbm>>
    tpu.enqueue_dma source(%dma_start3A_79 : memref<64x128xf32, #tpu.memory_space<hbm>>) target(%arg13 : memref<64x128xf32, #tpu.memory_space<vmem>>) target_semaphore(%arg28 : memref<!tpu.dma_semaphore, #tpu.memory_space<semaphore_mem>>)
    %dma_start3A_80 = arith.constant 0 : i32
    %dma_start3A_81 = tpu.memref_slice %arg5[%dma_start3A_80, %multiple_of3A_75] : memref<64x1000000xf32, #tpu.memory_space<hbm>> -> memref<64x128xf32, #tpu.memory_space<hbm>>
    %dma_start3A_82 = arith.constant 0 : i32
    %dma_start3A_83 = tpu.memref_slice %arg5[%dma_start3A_82, %multiple_of3A_75] : memref<64x1000000xf32, #tpu.memory_space<hbm>> -> memref<64x128xf32, #tpu.memory_space<hbm>>
    tpu.enqueue_dma source(%dma_start3A_83 : memref<64x128xf32, #tpu.memory_space<hbm>>) target(%arg17 : memref<64x128xf32, #tpu.memory_space<vmem>>) target_semaphore(%arg28 : memref<!tpu.dma_semaphore, #tpu.memory_space<semaphore_mem>>)
    %dma_start3A_84 = arith.constant 0 : i32
    %dma_start3A_85 = tpu.memref_slice %arg6[%dma_start3A_84, %multiple_of3A_70] : memref<1x1000000xf32, #tpu.memory_space<hbm>> -> memref<1x128xf32, #tpu.memory_space<hbm>>
    %dma_start3A_86 = arith.constant 0 : i32
    %dma_start3A_87 = tpu.memref_slice %arg6[%dma_start3A_86, %multiple_of3A_70] : memref<1x1000000xf32, #tpu.memory_space<hbm>> -> memref<1x128xf32, #tpu.memory_space<hbm>>
    tpu.enqueue_dma source(%dma_start3A_87 : memref<1x128xf32, #tpu.memory_space<hbm>>) target(%arg21 : memref<1x128xf32, #tpu.memory_space<vmem>>) target_semaphore(%arg28 : memref<!tpu.dma_semaphore, #tpu.memory_space<semaphore_mem>>)
    %dma_start3A_88 = arith.constant 0 : i32
    %dma_start3A_89 = tpu.memref_slice %arg7[%dma_start3A_88, %multiple_of3A_75] : memref<1x1000000xf32, #tpu.memory_space<hbm>> -> memref<1x128xf32, #tpu.memory_space<hbm>>
    %dma_start3A_90 = arith.constant 0 : i32
    %dma_start3A_91 = tpu.memref_slice %arg7[%dma_start3A_90, %multiple_of3A_75] : memref<1x1000000xf32, #tpu.memory_space<hbm>> -> memref<1x128xf32, #tpu.memory_space<hbm>>
    tpu.enqueue_dma source(%dma_start3A_91 : memref<1x128xf32, #tpu.memory_space<hbm>>) target(%arg25 : memref<1x128xf32, #tpu.memory_space<vmem>>) target_semaphore(%arg28 : memref<!tpu.dma_semaphore, #tpu.memory_space<semaphore_mem>>)
    %slice3A_92 = vector.extract_strided_slice %get3A_4 {offsets = [3], sizes = [1], strides = [1]} : vector<16xi32> to vector<1xi32>
    %squeeze3A_93 = vector.extract %slice3A_92[0] : i32 from vector<1xi32>
    %slice3A_94 = vector.extract_strided_slice %get3A_6 {offsets = [3], sizes = [1], strides = [1]} : vector<16xi32> to vector<1xi32>
    %squeeze3A_95 = vector.extract %slice3A_94[0] : i32 from vector<1xi32>
    %shift_right_arithmetic3A_96 = arith.constant 7 : i32
    %shift_right_arithmetic3A_97 = arith.shrsi %squeeze3A_93, %shift_right_arithmetic3A_96 : i32
    %mul3A_98 = arith.constant 128 : i32
    %mul3A_99 = arith.muli %shift_right_arithmetic3A_97, %mul3A_98 : i32
    %multiple_of3A_100 = tpu.assume_multiple %mul3A_99, 128 : i32
    %shift_right_arithmetic3A_101 = arith.constant 7 : i32
    %shift_right_arithmetic3A_102 = arith.shrsi %squeeze3A_95, %shift_right_arithmetic3A_101 : i32
    %mul3A_103 = arith.constant 128 : i32
    %mul3A_104 = arith.muli %shift_right_arithmetic3A_102, %mul3A_103 : i32
    %multiple_of3A_105 = tpu.assume_multiple %mul3A_104, 128 : i32
    %dma_start3A_106 = arith.constant 0 : i32
    %dma_start3A_107 = tpu.memref_slice %arg4[%dma_start3A_106, %multiple_of3A_100] : memref<64x1000000xf32, #tpu.memory_space<hbm>> -> memref<64x128xf32, #tpu.memory_space<hbm>>
    %dma_start3A_108 = arith.constant 0 : i32
    %dma_start3A_109 = tpu.memref_slice %arg4[%dma_start3A_108, %multiple_of3A_100] : memref<64x1000000xf32, #tpu.memory_space<hbm>> -> memref<64x128xf32, #tpu.memory_space<hbm>>
    tpu.enqueue_dma source(%dma_start3A_109 : memref<64x128xf32, #tpu.memory_space<hbm>>) target(%arg14 : memref<64x128xf32, #tpu.memory_space<vmem>>) target_semaphore(%arg28 : memref<!tpu.dma_semaphore, #tpu.memory_space<semaphore_mem>>)
    %dma_start3A_110 = arith.constant 0 : i32
    %dma_start3A_111 = tpu.memref_slice %arg5[%dma_start3A_110, %multiple_of3A_105] : memref<64x1000000xf32, #tpu.memory_space<hbm>> -> memref<64x128xf32, #tpu.memory_space<hbm>>
    %dma_start3A_112 = arith.constant 0 : i32
    %dma_start3A_113 = tpu.memref_slice %arg5[%dma_start3A_112, %multiple_of3A_105] : memref<64x1000000xf32, #tpu.memory_space<hbm>> -> memref<64x128xf32, #tpu.memory_space<hbm>>
    tpu.enqueue_dma source(%dma_start3A_113 : memref<64x128xf32, #tpu.memory_space<hbm>>) target(%arg18 : memref<64x128xf32, #tpu.memory_space<vmem>>) target_semaphore(%arg28 : memref<!tpu.dma_semaphore, #tpu.memory_space<semaphore_mem>>)
    %dma_start3A_114 = arith.constant 0 : i32
    %dma_start3A_115 = tpu.memref_slice %arg6[%dma_start3A_114, %multiple_of3A_100] : memref<1x1000000xf32, #tpu.memory_space<hbm>> -> memref<1x128xf32, #tpu.memory_space<hbm>>
    %dma_start3A_116 = arith.constant 0 : i32
    %dma_start3A_117 = tpu.memref_slice %arg6[%dma_start3A_116, %multiple_of3A_100] : memref<1x1000000xf32, #tpu.memory_space<hbm>> -> memref<1x128xf32, #tpu.memory_space<hbm>>
    tpu.enqueue_dma source(%dma_start3A_117 : memref<1x128xf32, #tpu.memory_space<hbm>>) target(%arg22 : memref<1x128xf32, #tpu.memory_space<vmem>>) target_semaphore(%arg28 : memref<!tpu.dma_semaphore, #tpu.memory_space<semaphore_mem>>)
    %dma_start3A_118 = arith.constant 0 : i32
    %dma_start3A_119 = tpu.memref_slice %arg7[%dma_start3A_118, %multiple_of3A_105] : memref<1x1000000xf32, #tpu.memory_space<hbm>> -> memref<1x128xf32, #tpu.memory_space<hbm>>
    %dma_start3A_120 = arith.constant 0 : i32
    %dma_start3A_121 = tpu.memref_slice %arg7[%dma_start3A_120, %multiple_of3A_105] : memref<1x1000000xf32, #tpu.memory_space<hbm>> -> memref<1x128xf32, #tpu.memory_space<hbm>>
    tpu.enqueue_dma source(%dma_start3A_121 : memref<1x128xf32, #tpu.memory_space<hbm>>) target(%arg26 : memref<1x128xf32, #tpu.memory_space<vmem>>) target_semaphore(%arg28 : memref<!tpu.dma_semaphore, #tpu.memory_space<semaphore_mem>>)
    %scan3A = arith.constant 0 : i32
    %scan3A_122 = arith.constant 0 : i32
    %scan3A_123 = arith.constant 32 : i32
    %scan3A_124 = arith.addi %scan3A_122, %scan3A_123 : i32
    %scan3A_125 = arith.constant 1 : i32
    scf.for %scan3A_222 = %scan3A_122 to %scan3A_124 step %scan3A_125  : i32 {
      %mul3A_223 = arith.constant 16 : i32
      %mul3A_224 = arith.muli %scan3A_222, %mul3A_223 : i32
      %get3A_225 = arith.index_cast %mul3A_224 : i32 to index
      %get3A_226 = tpu.vector_load %arg9[%get3A_225] {strides = array<i32>} : memref<512xi32, #tpu.memory_space<vmem>>, vector<16xi32>,
      %get3A_227 = arith.index_cast %mul3A_224 : i32 to index
      %get3A_228 = tpu.vector_load %arg10[%get3A_227] {strides = array<i32>} : memref<512xi32, #tpu.memory_space<vmem>>, vector<16xi32>,
      %eq3A = arith.constant 31 : i32
      %eq3A_229 = arith.cmpi eq, %scan3A_222, %eq3A : i32
      %add3A_230 = arith.constant 16 : i32
      %add3A_231 = arith.addi %mul3A_224, %add3A_230 : i32
      %select_n3A = arith.select %eq3A_229, %mul3A_224, %add3A_231 : i32
      %get3A_232 = arith.index_cast %select_n3A : i32 to index
      %get3A_233 = tpu.vector_load %arg9[%get3A_232] {strides = array<i32>} : memref<512xi32, #tpu.memory_space<vmem>>, vector<16xi32>,
      %get3A_234 = arith.index_cast %select_n3A : i32 to index
      %get3A_235 = tpu.vector_load %arg10[%get3A_234] {strides = array<i32>} : memref<512xi32, #tpu.memory_space<vmem>>, vector<16xi32>,
      %broadcast_in_dim3A_236 = arith.constant 0.000000e+00 : f32
      %broadcast_in_dim3A_237 = vector.broadcast %broadcast_in_dim3A_236 : f32 to vector<16xf32>
      %dma_wait3A_238 = arith.constant 0 : i32
      %dma_wait3A_239 = arith.constant 0 : i32
      %dma_wait3A_240 = tpu.memref_slice %arg4[%dma_wait3A_238, %dma_wait3A_239] : memref<64x1000000xf32, #tpu.memory_space<hbm>> -> memref<64x128xf32, #tpu.memory_space<hbm>>
      %dma_wait3A_241 = arith.constant 0 : i32
      %dma_wait3A_242 = arith.constant 0 : i32
      %dma_wait3A_243 = tpu.memref_slice %arg4[%dma_wait3A_241, %dma_wait3A_242] : memref<64x1000000xf32, #tpu.memory_space<hbm>> -> memref<64x128xf32, #tpu.memory_space<hbm>>
      tpu.wait_dma2 semaphore(%arg28 : memref<!tpu.dma_semaphore, #tpu.memory_space<semaphore_mem>>) src(%dma_wait3A_243 : memref<64x128xf32, #tpu.memory_space<hbm>>) dst(%arg11 : memref<64x128xf32, #tpu.memory_space<vmem>>)
      %dma_wait3A_244 = arith.constant 0 : i32
      %dma_wait3A_245 = arith.constant 0 : i32
      %dma_wait3A_246 = tpu.memref_slice %arg5[%dma_wait3A_244, %dma_wait3A_245] : memref<64x1000000xf32, #tpu.memory_space<hbm>> -> memref<64x128xf32, #tpu.memory_space<hbm>>
      %dma_wait3A_247 = arith.constant 0 : i32
      %dma_wait3A_248 = arith.constant 0 : i32
      %dma_wait3A_249 = tpu.memref_slice %arg5[%dma_wait3A_247, %dma_wait3A_248] : memref<64x1000000xf32, #tpu.memory_space<hbm>> -> memref<64x128xf32, #tpu.memory_space<hbm>>
      tpu.wait_dma2 semaphore(%arg28 : memref<!tpu.dma_semaphore, #tpu.memory_space<semaphore_mem>>) src(%dma_wait3A_249 : memref<64x128xf32, #tpu.memory_space<hbm>>) dst(%arg15 : memref<64x128xf32, #tpu.memory_space<vmem>>)
      %dma_wait3A_250 = arith.constant 0 : i32
      %dma_wait3A_251 = arith.constant 0 : i32
      %dma_wait3A_252 = tpu.memref_slice %arg6[%dma_wait3A_250, %dma_wait3A_251] : memref<1x1000000xf32, #tpu.memory_space<hbm>> -> memref<1x128xf32, #tpu.memory_space<hbm>>
      %dma_wait3A_253 = arith.constant 0 : i32
      %dma_wait3A_254 = arith.constant 0 : i32
      %dma_wait3A_255 = tpu.memref_slice %arg6[%dma_wait3A_253, %dma_wait3A_254] : memref<1x1000000xf32, #tpu.memory_space<hbm>> -> memref<1x128xf32, #tpu.memory_space<hbm>>
      tpu.wait_dma2 semaphore(%arg28 : memref<!tpu.dma_semaphore, #tpu.memory_space<semaphore_mem>>) src(%dma_wait3A_255 : memref<1x128xf32, #tpu.memory_space<hbm>>) dst(%arg19 : memref<1x128xf32, #tpu.memory_space<vmem>>)
      %dma_wait3A_256 = arith.constant 0 : i32
      %dma_wait3A_257 = arith.constant 0 : i32
      %dma_wait3A_258 = tpu.memref_slice %arg7[%dma_wait3A_256, %dma_wait3A_257] : memref<1x1000000xf32, #tpu.memory_space<hbm>> -> memref<1x128xf32, #tpu.memory_space<hbm>>
      %dma_wait3A_259 = arith.constant 0 : i32
      %dma_wait3A_260 = arith.constant 0 : i32
      %dma_wait3A_261 = tpu.memref_slice %arg7[%dma_wait3A_259, %dma_wait3A_260] : memref<1x1000000xf32, #tpu.memory_space<hbm>> -> memref<1x128xf32, #tpu.memory_space<hbm>>
      tpu.wait_dma2 semaphore(%arg28 : memref<!tpu.dma_semaphore, #tpu.memory_space<semaphore_mem>>) src(%dma_wait3A_261 : memref<1x128xf32, #tpu.memory_space<hbm>>) dst(%arg23 : memref<1x128xf32, #tpu.memory_space<vmem>>)
      %slice3A_262 = vector.extract_strided_slice %get3A_226 {offsets = [0], sizes = [1], strides = [1]} : vector<16xi32> to vector<1xi32>
      %squeeze3A_263 = vector.extract %slice3A_262[0] : i32 from vector<1xi32>
      %slice3A_264 = vector.extract_strided_slice %get3A_228 {offsets = [0], sizes = [1], strides = [1]} : vector<16xi32> to vector<1xi32>
      %squeeze3A_265 = vector.extract %slice3A_264[0] : i32 from vector<1xi32>
      %broadcast_in_dim3A_266 = arith.constant 0 : i32
      %broadcast_in_dim3A_267 = vector.broadcast %broadcast_in_dim3A_266 : i32 to vector<16xi32>
      %and3A = arith.constant 127 : i32
      %and3A_268 = arith.andi %squeeze3A_263, %and3A : i32
      %add3A_269 = vector.broadcast %and3A_268 : i32 to vector<16xi32>
      %add3A_270 = arith.addi %broadcast_in_dim3A_267, %add3A_269 : vector<16xi32>
      %broadcast_in_dim3A_271 = arith.constant 0 : i32
      %broadcast_in_dim3A_272 = vector.broadcast %broadcast_in_dim3A_271 : i32 to vector<16xi32>
      %and3A_273 = arith.constant 127 : i32
      %and3A_274 = arith.andi %squeeze3A_265, %and3A_273 : i32
      %add3A_275 = vector.broadcast %and3A_274 : i32 to vector<16xi32>
      %add3A_276 = arith.addi %broadcast_in_dim3A_272, %add3A_275 : vector<16xi32>
      %broadcast_in_dim3A_277 = arith.constant 0.000000e+00 : f32
      %broadcast_in_dim3A_278 = vector.broadcast %broadcast_in_dim3A_277 : f32 to vector<16xf32>
      %add3A_279 = arith.constant 0 : i32
      %add3A_280 = vector.broadcast %add3A_279 : i32 to vector<16xi32>
      %add3A_281 = arith.addi %iota3A, %add3A_280 : vector<16xi32>
      %gather3A = tpu.vector_load_idx %arg11[%add3A_281, %add3A_270] : memref<64x128xf32, #tpu.memory_space<vmem>>[vector<16xi32>, vector<16xi32>], vector<16xf32>,
      %gather3A_282 = tpu.vector_load_idx %arg15[%add3A_281, %add3A_276] : memref<64x128xf32, #tpu.memory_space<vmem>>[vector<16xi32>, vector<16xi32>], vector<16xf32>,
      %mul3A_283 = arith.mulf %gather3A, %gather3A_282 : vector<16xf32>
      %add3A_284 = arith.addf %broadcast_in_dim3A_278, %mul3A_283 : vector<16xf32>
      %add3A_285 = arith.constant 16 : i32
      %add3A_286 = vector.broadcast %add3A_285 : i32 to vector<16xi32>
      %add3A_287 = arith.addi %iota3A, %add3A_286 : vector<16xi32>
      %gather3A_288 = tpu.vector_load_idx %arg11[%add3A_287, %add3A_270] : memref<64x128xf32, #tpu.memory_space<vmem>>[vector<16xi32>, vector<16xi32>], vector<16xf32>,
      %gather3A_289 = tpu.vector_load_idx %arg15[%add3A_287, %add3A_276] : memref<64x128xf32, #tpu.memory_space<vmem>>[vector<16xi32>, vector<16xi32>], vector<16xf32>,
      %mul3A_290 = arith.mulf %gather3A_288, %gather3A_289 : vector<16xf32>
      %add3A_291 = arith.addf %add3A_284, %mul3A_290 : vector<16xf32>
      %add3A_292 = arith.constant 32 : i32
      %add3A_293 = vector.broadcast %add3A_292 : i32 to vector<16xi32>
      %add3A_294 = arith.addi %iota3A, %add3A_293 : vector<16xi32>
      %gather3A_295 = tpu.vector_load_idx %arg11[%add3A_294, %add3A_270] : memref<64x128xf32, #tpu.memory_space<vmem>>[vector<16xi32>, vector<16xi32>], vector<16xf32>,
      %gather3A_296 = tpu.vector_load_idx %arg15[%add3A_294, %add3A_276] : memref<64x128xf32, #tpu.memory_space<vmem>>[vector<16xi32>, vector<16xi32>], vector<16xf32>,
      %mul3A_297 = arith.mulf %gather3A_295, %gather3A_296 : vector<16xf32>
      %add3A_298 = arith.addf %add3A_291, %mul3A_297 : vector<16xf32>
      %add3A_299 = arith.constant 48 : i32
      %add3A_300 = vector.broadcast %add3A_299 : i32 to vector<16xi32>
      %add3A_301 = arith.addi %iota3A, %add3A_300 : vector<16xi32>
      %gather3A_302 = tpu.vector_load_idx %arg11[%add3A_301, %add3A_270] : memref<64x128xf32, #tpu.memory_space<vmem>>[vector<16xi32>, vector<16xi32>], vector<16xf32>,
      %gather3A_303 = tpu.vector_load_idx %arg15[%add3A_301, %add3A_276] : memref<64x128xf32, #tpu.memory_space<vmem>>[vector<16xi32>, vector<16xi32>], vector<16xf32>,
      %mul3A_304 = arith.mulf %gather3A_302, %gather3A_303 : vector<16xf32>
      %add3A_305 = arith.addf %add3A_298, %mul3A_304 : vector<16xf32>
      %gather3A_306 = tpu.vector_load_idx %arg19[%broadcast_in_dim3A_3, %add3A_270] : memref<1x128xf32, #tpu.memory_space<vmem>>[vector<16xi32>, vector<16xi32>], vector<16xf32>,
      %gather3A_307 = tpu.vector_load_idx %arg23[%broadcast_in_dim3A_3, %add3A_276] : memref<1x128xf32, #tpu.memory_space<vmem>>[vector<16xi32>, vector<16xi32>], vector<16xf32>,
      %reduce_sum3A = arith.constant true
      %reduce_sum3A_308 = vector.broadcast %reduce_sum3A : i1 to vector<16xi1>
      %reduce_sum3A_309 = tpu.scan <sum>, %add3A_305 masked %reduce_sum3A_308 : vector<16xf32>, vector<16xi1> -> vector<16xf32>
      %reduce_sum3A_310 = vector.extract %reduce_sum3A_309[15] : f32 from vector<16xf32>
      %slice3A_311 = vector.extract_strided_slice %gather3A_306 {offsets = [0], sizes = [1], strides = [1]} : vector<16xf32> to vector<1xf32>
      %squeeze3A_312 = vector.extract %slice3A_311[0] : f32 from vector<1xf32>
      %add3A_313 = arith.addf %reduce_sum3A_310, %squeeze3A_312 : f32
      %slice3A_314 = vector.extract_strided_slice %gather3A_307 {offsets = [0], sizes = [1], strides = [1]} : vector<16xf32> to vector<1xf32>
      %squeeze3A_315 = vector.extract %slice3A_314[0] : f32 from vector<1xf32>
      %add3A_316 = arith.addf %add3A_313, %squeeze3A_315 : f32
      %eq3A_317 = arith.constant 0 : i32
      %eq3A_318 = vector.broadcast %eq3A_317 : i32 to vector<16xi32>
      %eq3A_319 = arith.cmpi eq, %iota3A, %eq3A_318 : vector<16xi32>
      %broadcast_in_dim3A_320 = vector.broadcast %add3A_316 : f32 to vector<16xf32>
      %select_n3A_321 = arith.select %eq3A_319, %broadcast_in_dim3A_320, %broadcast_in_dim3A_237 : vector<16xi1>, vector<16xf32>
      %slice3A_322 = vector.extract_strided_slice %get3A_226 {offsets = [4], sizes = [1], strides = [1]} : vector<16xi32> to vector<1xi32>
      %squeeze3A_323 = vector.extract %slice3A_322[0] : i32 from vector<1xi32>
      %slice3A_324 = vector.extract_strided_slice %get3A_228 {offsets = [4], sizes = [1], strides = [1]} : vector<16xi32> to vector<1xi32>
      %squeeze3A_325 = vector.extract %slice3A_324[0] : i32 from vector<1xi32>
      %shift_right_arithmetic3A_326 = arith.constant 7 : i32
      %shift_right_arithmetic3A_327 = arith.shrsi %squeeze3A_323, %shift_right_arithmetic3A_326 : i32
      %mul3A_328 = arith.constant 128 : i32
      %mul3A_329 = arith.muli %shift_right_arithmetic3A_327, %mul3A_328 : i32
      %multiple_of3A_330 = tpu.assume_multiple %mul3A_329, 128 : i32
      %shift_right_arithmetic3A_331 = arith.constant 7 : i32
      %shift_right_arithmetic3A_332 = arith.shrsi %squeeze3A_325, %shift_right_arithmetic3A_331 : i32
      %mul3A_333 = arith.constant 128 : i32
      %mul3A_334 = arith.muli %shift_right_arithmetic3A_332, %mul3A_333 : i32
      %multiple_of3A_335 = tpu.assume_multiple %mul3A_334, 128 : i32
      %dma_start3A_336 = arith.constant 0 : i32
      %dma_start3A_337 = tpu.memref_slice %arg4[%dma_start3A_336, %multiple_of3A_330] : memref<64x1000000xf32, #tpu.memory_space<hbm>> -> memref<64x128xf32, #tpu.memory_space<hbm>>
      %dma_start3A_338 = arith.constant 0 : i32
      %dma_start3A_339 = tpu.memref_slice %arg4[%dma_start3A_338, %multiple_of3A_330] : memref<64x1000000xf32, #tpu.memory_space<hbm>> -> memref<64x128xf32, #tpu.memory_space<hbm>>
      tpu.enqueue_dma source(%dma_start3A_339 : memref<64x128xf32, #tpu.memory_space<hbm>>) target(%arg11 : memref<64x128xf32, #tpu.memory_space<vmem>>) target_semaphore(%arg28 : memref<!tpu.dma_semaphore, #tpu.memory_space<semaphore_mem>>)
      %dma_start3A_340 = arith.constant 0 : i32
      %dma_start3A_341 = tpu.memref_slice %arg5[%dma_start3A_340, %multiple_of3A_335] : memref<64x1000000xf32, #tpu.memory_space<hbm>> -> memref<64x128xf32, #tpu.memory_space<hbm>>
      %dma_start3A_342 = arith.constant 0 : i32
      %dma_start3A_343 = tpu.memref_slice %arg5[%dma_start3A_342, %multiple_of3A_335] : memref<64x1000000xf32, #tpu.memory_space<hbm>> -> memref<64x128xf32, #tpu.memory_space<hbm>>
      tpu.enqueue_dma source(%dma_start3A_343 : memref<64x128xf32, #tpu.memory_space<hbm>>) target(%arg15 : memref<64x128xf32, #tpu.memory_space<vmem>>) target_semaphore(%arg28 : memref<!tpu.dma_semaphore, #tpu.memory_space<semaphore_mem>>)
      %dma_start3A_344 = arith.constant 0 : i32
      %dma_start3A_345 = tpu.memref_slice %arg6[%dma_start3A_344, %multiple_of3A_330] : memref<1x1000000xf32, #tpu.memory_space<hbm>> -> memref<1x128xf32, #tpu.memory_space<hbm>>
      %dma_start3A_346 = arith.constant 0 : i32
      %dma_start3A_347 = tpu.memref_slice %arg6[%dma_start3A_346, %multiple_of3A_330] : memref<1x1000000xf32, #tpu.memory_space<hbm>> -> memref<1x128xf32, #tpu.memory_space<hbm>>
      tpu.enqueue_dma source(%dma_start3A_347 : memref<1x128xf32, #tpu.memory_space<hbm>>) target(%arg19 : memref<1x128xf32, #tpu.memory_space<vmem>>) target_semaphore(%arg28 : memref<!tpu.dma_semaphore, #tpu.memory_space<semaphore_mem>>)
      %dma_start3A_348 = arith.constant 0 : i32
      %dma_start3A_349 = tpu.memref_slice %arg7[%dma_start3A_348, %multiple_of3A_335] : memref<1x1000000xf32, #tpu.memory_space<hbm>> -> memref<1x128xf32, #tpu.memory_space<hbm>>
      %dma_start3A_350 = arith.constant 0 : i32
      %dma_start3A_351 = tpu.memref_slice %arg7[%dma_start3A_350, %multiple_of3A_335] : memref<1x1000000xf32, #tpu.memory_space<hbm>> -> memref<1x128xf32, #tpu.memory_space<hbm>>
      tpu.enqueue_dma source(%dma_start3A_351 : memref<1x128xf32, #tpu.memory_space<hbm>>) target(%arg23 : memref<1x128xf32, #tpu.memory_space<vmem>>) target_semaphore(%arg28 : memref<!tpu.dma_semaphore, #tpu.memory_space<semaphore_mem>>)
      %dma_wait3A_352 = arith.constant 0 : i32
      %dma_wait3A_353 = arith.constant 0 : i32
      %dma_wait3A_354 = tpu.memref_slice %arg4[%dma_wait3A_352, %dma_wait3A_353] : memref<64x1000000xf32, #tpu.memory_space<hbm>> -> memref<64x128xf32, #tpu.memory_space<hbm>>
      %dma_wait3A_355 = arith.constant 0 : i32
      %dma_wait3A_356 = arith.constant 0 : i32
      %dma_wait3A_357 = tpu.memref_slice %arg4[%dma_wait3A_355, %dma_wait3A_356] : memref<64x1000000xf32, #tpu.memory_space<hbm>> -> memref<64x128xf32, #tpu.memory_space<hbm>>
      tpu.wait_dma2 semaphore(%arg28 : memref<!tpu.dma_semaphore, #tpu.memory_space<semaphore_mem>>) src(%dma_wait3A_357 : memref<64x128xf32, #tpu.memory_space<hbm>>) dst(%arg12 : memref<64x128xf32, #tpu.memory_space<vmem>>)
      %dma_wait3A_358 = arith.constant 0 : i32
      %dma_wait3A_359 = arith.constant 0 : i32
      %dma_wait3A_360 = tpu.memref_slice %arg5[%dma_wait3A_358, %dma_wait3A_359] : memref<64x1000000xf32, #tpu.memory_space<hbm>> -> memref<64x128xf32, #tpu.memory_space<hbm>>
      %dma_wait3A_361 = arith.constant 0 : i32
      %dma_wait3A_362 = arith.constant 0 : i32
      %dma_wait3A_363 = tpu.memref_slice %arg5[%dma_wait3A_361, %dma_wait3A_362] : memref<64x1000000xf32, #tpu.memory_space<hbm>> -> memref<64x128xf32, #tpu.memory_space<hbm>>
      tpu.wait_dma2 semaphore(%arg28 : memref<!tpu.dma_semaphore, #tpu.memory_space<semaphore_mem>>) src(%dma_wait3A_363 : memref<64x128xf32, #tpu.memory_space<hbm>>) dst(%arg16 : memref<64x128xf32, #tpu.memory_space<vmem>>)
      %dma_wait3A_364 = arith.constant 0 : i32
      %dma_wait3A_365 = arith.constant 0 : i32
      %dma_wait3A_366 = tpu.memref_slice %arg6[%dma_wait3A_364, %dma_wait3A_365] : memref<1x1000000xf32, #tpu.memory_space<hbm>> -> memref<1x128xf32, #tpu.memory_space<hbm>>
      %dma_wait3A_367 = arith.constant 0 : i32
      %dma_wait3A_368 = arith.constant 0 : i32
      %dma_wait3A_369 = tpu.memref_slice %arg6[%dma_wait3A_367, %dma_wait3A_368] : memref<1x1000000xf32, #tpu.memory_space<hbm>> -> memref<1x128xf32, #tpu.memory_space<hbm>>
      tpu.wait_dma2 semaphore(%arg28 : memref<!tpu.dma_semaphore, #tpu.memory_space<semaphore_mem>>) src(%dma_wait3A_369 : memref<1x128xf32, #tpu.memory_space<hbm>>) dst(%arg20 : memref<1x128xf32, #tpu.memory_space<vmem>>)
      %dma_wait3A_370 = arith.constant 0 : i32
      %dma_wait3A_371 = arith.constant 0 : i32
      %dma_wait3A_372 = tpu.memref_slice %arg7[%dma_wait3A_370, %dma_wait3A_371] : memref<1x1000000xf32, #tpu.memory_space<hbm>> -> memref<1x128xf32, #tpu.memory_space<hbm>>
      %dma_wait3A_373 = arith.constant 0 : i32
      %dma_wait3A_374 = arith.constant 0 : i32
      %dma_wait3A_375 = tpu.memref_slice %arg7[%dma_wait3A_373, %dma_wait3A_374] : memref<1x1000000xf32, #tpu.memory_space<hbm>> -> memref<1x128xf32, #tpu.memory_space<hbm>>
      tpu.wait_dma2 semaphore(%arg28 : memref<!tpu.dma_semaphore, #tpu.memory_space<semaphore_mem>>) src(%dma_wait3A_375 : memref<1x128xf32, #tpu.memory_space<hbm>>) dst(%arg24 : memref<1x128xf32, #tpu.memory_space<vmem>>)
      %slice3A_376 = vector.extract_strided_slice %get3A_226 {offsets = [1], sizes = [1], strides = [1]} : vector<16xi32> to vector<1xi32>
      %squeeze3A_377 = vector.extract %slice3A_376[0] : i32 from vector<1xi32>
      %slice3A_378 = vector.extract_strided_slice %get3A_228 {offsets = [1], sizes = [1], strides = [1]} : vector<16xi32> to vector<1xi32>
      %squeeze3A_379 = vector.extract %slice3A_378[0] : i32 from vector<1xi32>
      %broadcast_in_dim3A_380 = arith.constant 0 : i32
      %broadcast_in_dim3A_381 = vector.broadcast %broadcast_in_dim3A_380 : i32 to vector<16xi32>
      %and3A_382 = arith.constant 127 : i32
      %and3A_383 = arith.andi %squeeze3A_377, %and3A_382 : i32
      %add3A_384 = vector.broadcast %and3A_383 : i32 to vector<16xi32>
      %add3A_385 = arith.addi %broadcast_in_dim3A_381, %add3A_384 : vector<16xi32>
      %broadcast_in_dim3A_386 = arith.constant 0 : i32
      %broadcast_in_dim3A_387 = vector.broadcast %broadcast_in_dim3A_386 : i32 to vector<16xi32>
      %and3A_388 = arith.constant 127 : i32
      %and3A_389 = arith.andi %squeeze3A_379, %and3A_388 : i32
      %add3A_390 = vector.broadcast %and3A_389 : i32 to vector<16xi32>
      %add3A_391 = arith.addi %broadcast_in_dim3A_387, %add3A_390 : vector<16xi32>
      %broadcast_in_dim3A_392 = arith.constant 0.000000e+00 : f32
      %broadcast_in_dim3A_393 = vector.broadcast %broadcast_in_dim3A_392 : f32 to vector<16xf32>
      %add3A_394 = arith.constant 0 : i32
      %add3A_395 = vector.broadcast %add3A_394 : i32 to vector<16xi32>
      %add3A_396 = arith.addi %iota3A, %add3A_395 : vector<16xi32>
      %gather3A_397 = tpu.vector_load_idx %arg12[%add3A_396, %add3A_385] : memref<64x128xf32, #tpu.memory_space<vmem>>[vector<16xi32>, vector<16xi32>], vector<16xf32>,
      %gather3A_398 = tpu.vector_load_idx %arg16[%add3A_396, %add3A_391] : memref<64x128xf32, #tpu.memory_space<vmem>>[vector<16xi32>, vector<16xi32>], vector<16xf32>,
      %mul3A_399 = arith.mulf %gather3A_397, %gather3A_398 : vector<16xf32>
      %add3A_400 = arith.addf %broadcast_in_dim3A_393, %mul3A_399 : vector<16xf32>
      %add3A_401 = arith.constant 16 : i32
      %add3A_402 = vector.broadcast %add3A_401 : i32 to vector<16xi32>
      %add3A_403 = arith.addi %iota3A, %add3A_402 : vector<16xi32>
      %gather3A_404 = tpu.vector_load_idx %arg12[%add3A_403, %add3A_385] : memref<64x128xf32, #tpu.memory_space<vmem>>[vector<16xi32>, vector<16xi32>], vector<16xf32>,
      %gather3A_405 = tpu.vector_load_idx %arg16[%add3A_403, %add3A_391] : memref<64x128xf32, #tpu.memory_space<vmem>>[vector<16xi32>, vector<16xi32>], vector<16xf32>,
      %mul3A_406 = arith.mulf %gather3A_404, %gather3A_405 : vector<16xf32>
      %add3A_407 = arith.addf %add3A_400, %mul3A_406 : vector<16xf32>
      %add3A_408 = arith.constant 32 : i32
      %add3A_409 = vector.broadcast %add3A_408 : i32 to vector<16xi32>
      %add3A_410 = arith.addi %iota3A, %add3A_409 : vector<16xi32>
      %gather3A_411 = tpu.vector_load_idx %arg12[%add3A_410, %add3A_385] : memref<64x128xf32, #tpu.memory_space<vmem>>[vector<16xi32>, vector<16xi32>], vector<16xf32>,
      %gather3A_412 = tpu.vector_load_idx %arg16[%add3A_410, %add3A_391] : memref<64x128xf32, #tpu.memory_space<vmem>>[vector<16xi32>, vector<16xi32>], vector<16xf32>,
      %mul3A_413 = arith.mulf %gather3A_411, %gather3A_412 : vector<16xf32>
      %add3A_414 = arith.addf %add3A_407, %mul3A_413 : vector<16xf32>
      %add3A_415 = arith.constant 48 : i32
      %add3A_416 = vector.broadcast %add3A_415 : i32 to vector<16xi32>
      %add3A_417 = arith.addi %iota3A, %add3A_416 : vector<16xi32>
      %gather3A_418 = tpu.vector_load_idx %arg12[%add3A_417, %add3A_385] : memref<64x128xf32, #tpu.memory_space<vmem>>[vector<16xi32>, vector<16xi32>], vector<16xf32>,
      %gather3A_419 = tpu.vector_load_idx %arg16[%add3A_417, %add3A_391] : memref<64x128xf32, #tpu.memory_space<vmem>>[vector<16xi32>, vector<16xi32>], vector<16xf32>,
      %mul3A_420 = arith.mulf %gather3A_418, %gather3A_419 : vector<16xf32>
      %add3A_421 = arith.addf %add3A_414, %mul3A_420 : vector<16xf32>
      %gather3A_422 = tpu.vector_load_idx %arg20[%broadcast_in_dim3A_3, %add3A_385] : memref<1x128xf32, #tpu.memory_space<vmem>>[vector<16xi32>, vector<16xi32>], vector<16xf32>,
      %gather3A_423 = tpu.vector_load_idx %arg24[%broadcast_in_dim3A_3, %add3A_391] : memref<1x128xf32, #tpu.memory_space<vmem>>[vector<16xi32>, vector<16xi32>], vector<16xf32>,
      %reduce_sum3A_424 = arith.constant true
      %reduce_sum3A_425 = vector.broadcast %reduce_sum3A_424 : i1 to vector<16xi1>
      %reduce_sum3A_426 = tpu.scan <sum>, %add3A_421 masked %reduce_sum3A_425 : vector<16xf32>, vector<16xi1> -> vector<16xf32>
      %reduce_sum3A_427 = vector.extract %reduce_sum3A_426[15] : f32 from vector<16xf32>
      %slice3A_428 = vector.extract_strided_slice %gather3A_422 {offsets = [0], sizes = [1], strides = [1]} : vector<16xf32> to vector<1xf32>
      %squeeze3A_429 = vector.extract %slice3A_428[0] : f32 from vector<1xf32>
      %add3A_430 = arith.addf %reduce_sum3A_427, %squeeze3A_429 : f32
      %slice3A_431 = vector.extract_strided_slice %gather3A_423 {offsets = [0], sizes = [1], strides = [1]} : vector<16xf32> to vector<1xf32>
      %squeeze3A_432 = vector.extract %slice3A_431[0] : f32 from vector<1xf32>
      %add3A_433 = arith.addf %add3A_430, %squeeze3A_432 : f32
      %eq3A_434 = arith.constant 1 : i32
      %eq3A_435 = vector.broadcast %eq3A_434 : i32 to vector<16xi32>
      %eq3A_436 = arith.cmpi eq, %iota3A, %eq3A_435 : vector<16xi32>
      %broadcast_in_dim3A_437 = vector.broadcast %add3A_433 : f32 to vector<16xf32>
      %select_n3A_438 = arith.select %eq3A_436, %broadcast_in_dim3A_437, %select_n3A_321 : vector<16xi1>, vector<16xf32>
      %slice3A_439 = vector.extract_strided_slice %get3A_226 {offsets = [5], sizes = [1], strides = [1]} : vector<16xi32> to vector<1xi32>
      %squeeze3A_440 = vector.extract %slice3A_439[0] : i32 from vector<1xi32>
      %slice3A_441 = vector.extract_strided_slice %get3A_228 {offsets = [5], sizes = [1], strides = [1]} : vector<16xi32> to vector<1xi32>
      %squeeze3A_442 = vector.extract %slice3A_441[0] : i32 from vector<1xi32>
      %shift_right_arithmetic3A_443 = arith.constant 7 : i32
      %shift_right_arithmetic3A_444 = arith.shrsi %squeeze3A_440, %shift_right_arithmetic3A_443 : i32
      %mul3A_445 = arith.constant 128 : i32
      %mul3A_446 = arith.muli %shift_right_arithmetic3A_444, %mul3A_445 : i32
      %multiple_of3A_447 = tpu.assume_multiple %mul3A_446, 128 : i32
      %shift_right_arithmetic3A_448 = arith.constant 7 : i32
      %shift_right_arithmetic3A_449 = arith.shrsi %squeeze3A_442, %shift_right_arithmetic3A_448 : i32
      %mul3A_450 = arith.constant 128 : i32
      %mul3A_451 = arith.muli %shift_right_arithmetic3A_449, %mul3A_450 : i32
      %multiple_of3A_452 = tpu.assume_multiple %mul3A_451, 128 : i32
      %dma_start3A_453 = arith.constant 0 : i32
      %dma_start3A_454 = tpu.memref_slice %arg4[%dma_start3A_453, %multiple_of3A_447] : memref<64x1000000xf32, #tpu.memory_space<hbm>> -> memref<64x128xf32, #tpu.memory_space<hbm>>
      %dma_start3A_455 = arith.constant 0 : i32
      %dma_start3A_456 = tpu.memref_slice %arg4[%dma_start3A_455, %multiple_of3A_447] : memref<64x1000000xf32, #tpu.memory_space<hbm>> -> memref<64x128xf32, #tpu.memory_space<hbm>>
      tpu.enqueue_dma source(%dma_start3A_456 : memref<64x128xf32, #tpu.memory_space<hbm>>) target(%arg12 : memref<64x128xf32, #tpu.memory_space<vmem>>) target_semaphore(%arg28 : memref<!tpu.dma_semaphore, #tpu.memory_space<semaphore_mem>>)
      %dma_start3A_457 = arith.constant 0 : i32
      %dma_start3A_458 = tpu.memref_slice %arg5[%dma_start3A_457, %multiple_of3A_452] : memref<64x1000000xf32, #tpu.memory_space<hbm>> -> memref<64x128xf32, #tpu.memory_space<hbm>>
      %dma_start3A_459 = arith.constant 0 : i32
      %dma_start3A_460 = tpu.memref_slice %arg5[%dma_start3A_459, %multiple_of3A_452] : memref<64x1000000xf32, #tpu.memory_space<hbm>> -> memref<64x128xf32, #tpu.memory_space<hbm>>
      tpu.enqueue_dma source(%dma_start3A_460 : memref<64x128xf32, #tpu.memory_space<hbm>>) target(%arg16 : memref<64x128xf32, #tpu.memory_space<vmem>>) target_semaphore(%arg28 : memref<!tpu.dma_semaphore, #tpu.memory_space<semaphore_mem>>)
      %dma_start3A_461 = arith.constant 0 : i32
      %dma_start3A_462 = tpu.memref_slice %arg6[%dma_start3A_461, %multiple_of3A_447] : memref<1x1000000xf32, #tpu.memory_space<hbm>> -> memref<1x128xf32, #tpu.memory_space<hbm>>
      %dma_start3A_463 = arith.constant 0 : i32
      %dma_start3A_464 = tpu.memref_slice %arg6[%dma_start3A_463, %multiple_of3A_447] : memref<1x1000000xf32, #tpu.memory_space<hbm>> -> memref<1x128xf32, #tpu.memory_space<hbm>>
      tpu.enqueue_dma source(%dma_start3A_464 : memref<1x128xf32, #tpu.memory_space<hbm>>) target(%arg20 : memref<1x128xf32, #tpu.memory_space<vmem>>) target_semaphore(%arg28 : memref<!tpu.dma_semaphore, #tpu.memory_space<semaphore_mem>>)
      %dma_start3A_465 = arith.constant 0 : i32
      %dma_start3A_466 = tpu.memref_slice %arg7[%dma_start3A_465, %multiple_of3A_452] : memref<1x1000000xf32, #tpu.memory_space<hbm>> -> memref<1x128xf32, #tpu.memory_space<hbm>>
      %dma_start3A_467 = arith.constant 0 : i32
      %dma_start3A_468 = tpu.memref_slice %arg7[%dma_start3A_467, %multiple_of3A_452] : memref<1x1000000xf32, #tpu.memory_space<hbm>> -> memref<1x128xf32, #tpu.memory_space<hbm>>
      tpu.enqueue_dma source(%dma_start3A_468 : memref<1x128xf32, #tpu.memory_space<hbm>>) target(%arg24 : memref<1x128xf32, #tpu.memory_space<vmem>>) target_semaphore(%arg28 : memref<!tpu.dma_semaphore, #tpu.memory_space<semaphore_mem>>)
      %dma_wait3A_469 = arith.constant 0 : i32
      %dma_wait3A_470 = arith.constant 0 : i32
      %dma_wait3A_471 = tpu.memref_slice %arg4[%dma_wait3A_469, %dma_wait3A_470] : memref<64x1000000xf32, #tpu.memory_space<hbm>> -> memref<64x128xf32, #tpu.memory_space<hbm>>
      %dma_wait3A_472 = arith.constant 0 : i32
      %dma_wait3A_473 = arith.constant 0 : i32
      %dma_wait3A_474 = tpu.memref_slice %arg4[%dma_wait3A_472, %dma_wait3A_473] : memref<64x1000000xf32, #tpu.memory_space<hbm>> -> memref<64x128xf32, #tpu.memory_space<hbm>>
      tpu.wait_dma2 semaphore(%arg28 : memref<!tpu.dma_semaphore, #tpu.memory_space<semaphore_mem>>) src(%dma_wait3A_474 : memref<64x128xf32, #tpu.memory_space<hbm>>) dst(%arg13 : memref<64x128xf32, #tpu.memory_space<vmem>>)
      %dma_wait3A_475 = arith.constant 0 : i32
      %dma_wait3A_476 = arith.constant 0 : i32
      %dma_wait3A_477 = tpu.memref_slice %arg5[%dma_wait3A_475, %dma_wait3A_476] : memref<64x1000000xf32, #tpu.memory_space<hbm>> -> memref<64x128xf32, #tpu.memory_space<hbm>>
      %dma_wait3A_478 = arith.constant 0 : i32
      %dma_wait3A_479 = arith.constant 0 : i32
      %dma_wait3A_480 = tpu.memref_slice %arg5[%dma_wait3A_478, %dma_wait3A_479] : memref<64x1000000xf32, #tpu.memory_space<hbm>> -> memref<64x128xf32, #tpu.memory_space<hbm>>
      tpu.wait_dma2 semaphore(%arg28 : memref<!tpu.dma_semaphore, #tpu.memory_space<semaphore_mem>>) src(%dma_wait3A_480 : memref<64x128xf32, #tpu.memory_space<hbm>>) dst(%arg17 : memref<64x128xf32, #tpu.memory_space<vmem>>)
      %dma_wait3A_481 = arith.constant 0 : i32
      %dma_wait3A_482 = arith.constant 0 : i32
      %dma_wait3A_483 = tpu.memref_slice %arg6[%dma_wait3A_481, %dma_wait3A_482] : memref<1x1000000xf32, #tpu.memory_space<hbm>> -> memref<1x128xf32, #tpu.memory_space<hbm>>
      %dma_wait3A_484 = arith.constant 0 : i32
      %dma_wait3A_485 = arith.constant 0 : i32
      %dma_wait3A_486 = tpu.memref_slice %arg6[%dma_wait3A_484, %dma_wait3A_485] : memref<1x1000000xf32, #tpu.memory_space<hbm>> -> memref<1x128xf32, #tpu.memory_space<hbm>>
      tpu.wait_dma2 semaphore(%arg28 : memref<!tpu.dma_semaphore, #tpu.memory_space<semaphore_mem>>) src(%dma_wait3A_486 : memref<1x128xf32, #tpu.memory_space<hbm>>) dst(%arg21 : memref<1x128xf32, #tpu.memory_space<vmem>>)
      %dma_wait3A_487 = arith.constant 0 : i32
      %dma_wait3A_488 = arith.constant 0 : i32
      %dma_wait3A_489 = tpu.memref_slice %arg7[%dma_wait3A_487, %dma_wait3A_488] : memref<1x1000000xf32, #tpu.memory_space<hbm>> -> memref<1x128xf32, #tpu.memory_space<hbm>>
      %dma_wait3A_490 = arith.constant 0 : i32
      %dma_wait3A_491 = arith.constant 0 : i32
      %dma_wait3A_492 = tpu.memref_slice %arg7[%dma_wait3A_490, %dma_wait3A_491] : memref<1x1000000xf32, #tpu.memory_space<hbm>> -> memref<1x128xf32, #tpu.memory_space<hbm>>
      tpu.wait_dma2 semaphore(%arg28 : memref<!tpu.dma_semaphore, #tpu.memory_space<semaphore_mem>>) src(%dma_wait3A_492 : memref<1x128xf32, #tpu.memory_space<hbm>>) dst(%arg25 : memref<1x128xf32, #tpu.memory_space<vmem>>)
      %slice3A_493 = vector.extract_strided_slice %get3A_226 {offsets = [2], sizes = [1], strides = [1]} : vector<16xi32> to vector<1xi32>
      %squeeze3A_494 = vector.extract %slice3A_493[0] : i32 from vector<1xi32>
      %slice3A_495 = vector.extract_strided_slice %get3A_228 {offsets = [2], sizes = [1], strides = [1]} : vector<16xi32> to vector<1xi32>
      %squeeze3A_496 = vector.extract %slice3A_495[0] : i32 from vector<1xi32>
      %broadcast_in_dim3A_497 = arith.constant 0 : i32
      %broadcast_in_dim3A_498 = vector.broadcast %broadcast_in_dim3A_497 : i32 to vector<16xi32>
      %and3A_499 = arith.constant 127 : i32
      %and3A_500 = arith.andi %squeeze3A_494, %and3A_499 : i32
      %add3A_501 = vector.broadcast %and3A_500 : i32 to vector<16xi32>
      %add3A_502 = arith.addi %broadcast_in_dim3A_498, %add3A_501 : vector<16xi32>
      %broadcast_in_dim3A_503 = arith.constant 0 : i32
      %broadcast_in_dim3A_504 = vector.broadcast %broadcast_in_dim3A_503 : i32 to vector<16xi32>
      %and3A_505 = arith.constant 127 : i32
      %and3A_506 = arith.andi %squeeze3A_496, %and3A_505 : i32
      %add3A_507 = vector.broadcast %and3A_506 : i32 to vector<16xi32>
      %add3A_508 = arith.addi %broadcast_in_dim3A_504, %add3A_507 : vector<16xi32>
      %broadcast_in_dim3A_509 = arith.constant 0.000000e+00 : f32
      %broadcast_in_dim3A_510 = vector.broadcast %broadcast_in_dim3A_509 : f32 to vector<16xf32>
      %add3A_511 = arith.constant 0 : i32
      %add3A_512 = vector.broadcast %add3A_511 : i32 to vector<16xi32>
      %add3A_513 = arith.addi %iota3A, %add3A_512 : vector<16xi32>
      %gather3A_514 = tpu.vector_load_idx %arg13[%add3A_513, %add3A_502] : memref<64x128xf32, #tpu.memory_space<vmem>>[vector<16xi32>, vector<16xi32>], vector<16xf32>,
      %gather3A_515 = tpu.vector_load_idx %arg17[%add3A_513, %add3A_508] : memref<64x128xf32, #tpu.memory_space<vmem>>[vector<16xi32>, vector<16xi32>], vector<16xf32>,
      %mul3A_516 = arith.mulf %gather3A_514, %gather3A_515 : vector<16xf32>
      %add3A_517 = arith.addf %broadcast_in_dim3A_510, %mul3A_516 : vector<16xf32>
      %add3A_518 = arith.constant 16 : i32
      %add3A_519 = vector.broadcast %add3A_518 : i32 to vector<16xi32>
      %add3A_520 = arith.addi %iota3A, %add3A_519 : vector<16xi32>
      %gather3A_521 = tpu.vector_load_idx %arg13[%add3A_520, %add3A_502] : memref<64x128xf32, #tpu.memory_space<vmem>>[vector<16xi32>, vector<16xi32>], vector<16xf32>,
      %gather3A_522 = tpu.vector_load_idx %arg17[%add3A_520, %add3A_508] : memref<64x128xf32, #tpu.memory_space<vmem>>[vector<16xi32>, vector<16xi32>], vector<16xf32>,
      %mul3A_523 = arith.mulf %gather3A_521, %gather3A_522 : vector<16xf32>
      %add3A_524 = arith.addf %add3A_517, %mul3A_523 : vector<16xf32>
      %add3A_525 = arith.constant 32 : i32
      %add3A_526 = vector.broadcast %add3A_525 : i32 to vector<16xi32>
      %add3A_527 = arith.addi %iota3A, %add3A_526 : vector<16xi32>
      %gather3A_528 = tpu.vector_load_idx %arg13[%add3A_527, %add3A_502] : memref<64x128xf32, #tpu.memory_space<vmem>>[vector<16xi32>, vector<16xi32>], vector<16xf32>,
      %gather3A_529 = tpu.vector_load_idx %arg17[%add3A_527, %add3A_508] : memref<64x128xf32, #tpu.memory_space<vmem>>[vector<16xi32>, vector<16xi32>], vector<16xf32>,
      %mul3A_530 = arith.mulf %gather3A_528, %gather3A_529 : vector<16xf32>
      %add3A_531 = arith.addf %add3A_524, %mul3A_530 : vector<16xf32>
      %add3A_532 = arith.constant 48 : i32
      %add3A_533 = vector.broadcast %add3A_532 : i32 to vector<16xi32>
      %add3A_534 = arith.addi %iota3A, %add3A_533 : vector<16xi32>
      %gather3A_535 = tpu.vector_load_idx %arg13[%add3A_534, %add3A_502] : memref<64x128xf32, #tpu.memory_space<vmem>>[vector<16xi32>, vector<16xi32>], vector<16xf32>,
      %gather3A_536 = tpu.vector_load_idx %arg17[%add3A_534, %add3A_508] : memref<64x128xf32, #tpu.memory_space<vmem>>[vector<16xi32>, vector<16xi32>], vector<16xf32>,
      %mul3A_537 = arith.mulf %gather3A_535, %gather3A_536 : vector<16xf32>
      %add3A_538 = arith.addf %add3A_531, %mul3A_537 : vector<16xf32>
      %gather3A_539 = tpu.vector_load_idx %arg21[%broadcast_in_dim3A_3, %add3A_502] : memref<1x128xf32, #tpu.memory_space<vmem>>[vector<16xi32>, vector<16xi32>], vector<16xf32>,
      %gather3A_540 = tpu.vector_load_idx %arg25[%broadcast_in_dim3A_3, %add3A_508] : memref<1x128xf32, #tpu.memory_space<vmem>>[vector<16xi32>, vector<16xi32>], vector<16xf32>,
      %reduce_sum3A_541 = arith.constant true
      %reduce_sum3A_542 = vector.broadcast %reduce_sum3A_541 : i1 to vector<16xi1>
      %reduce_sum3A_543 = tpu.scan <sum>, %add3A_538 masked %reduce_sum3A_542 : vector<16xf32>, vector<16xi1> -> vector<16xf32>
      %reduce_sum3A_544 = vector.extract %reduce_sum3A_543[15] : f32 from vector<16xf32>
      %slice3A_545 = vector.extract_strided_slice %gather3A_539 {offsets = [0], sizes = [1], strides = [1]} : vector<16xf32> to vector<1xf32>
      %squeeze3A_546 = vector.extract %slice3A_545[0] : f32 from vector<1xf32>
      %add3A_547 = arith.addf %reduce_sum3A_544, %squeeze3A_546 : f32
      %slice3A_548 = vector.extract_strided_slice %gather3A_540 {offsets = [0], sizes = [1], strides = [1]} : vector<16xf32> to vector<1xf32>
      %squeeze3A_549 = vector.extract %slice3A_548[0] : f32 from vector<1xf32>
      %add3A_550 = arith.addf %add3A_547, %squeeze3A_549 : f32
      %eq3A_551 = arith.constant 2 : i32
      %eq3A_552 = vector.broadcast %eq3A_551 : i32 to vector<16xi32>
      %eq3A_553 = arith.cmpi eq, %iota3A, %eq3A_552 : vector<16xi32>
      %broadcast_in_dim3A_554 = vector.broadcast %add3A_550 : f32 to vector<16xf32>
      %select_n3A_555 = arith.select %eq3A_553, %broadcast_in_dim3A_554, %select_n3A_438 : vector<16xi1>, vector<16xf32>
      %slice3A_556 = vector.extract_strided_slice %get3A_226 {offsets = [6], sizes = [1], strides = [1]} : vector<16xi32> to vector<1xi32>
      %squeeze3A_557 = vector.extract %slice3A_556[0] : i32 from vector<1xi32>
      %slice3A_558 = vector.extract_strided_slice %get3A_228 {offsets = [6], sizes = [1], strides = [1]} : vector<16xi32> to vector<1xi32>
      %squeeze3A_559 = vector.extract %slice3A_558[0] : i32 from vector<1xi32>
      %shift_right_arithmetic3A_560 = arith.constant 7 : i32
      %shift_right_arithmetic3A_561 = arith.shrsi %squeeze3A_557, %shift_right_arithmetic3A_560 : i32
      %mul3A_562 = arith.constant 128 : i32
      %mul3A_563 = arith.muli %shift_right_arithmetic3A_561, %mul3A_562 : i32
      %multiple_of3A_564 = tpu.assume_multiple %mul3A_563, 128 : i32
      %shift_right_arithmetic3A_565 = arith.constant 7 : i32
      %shift_right_arithmetic3A_566 = arith.shrsi %squeeze3A_559, %shift_right_arithmetic3A_565 : i32
      %mul3A_567 = arith.constant 128 : i32
      %mul3A_568 = arith.muli %shift_right_arithmetic3A_566, %mul3A_567 : i32
      %multiple_of3A_569 = tpu.assume_multiple %mul3A_568, 128 : i32
      %dma_start3A_570 = arith.constant 0 : i32
      %dma_start3A_571 = tpu.memref_slice %arg4[%dma_start3A_570, %multiple_of3A_564] : memref<64x1000000xf32, #tpu.memory_space<hbm>> -> memref<64x128xf32, #tpu.memory_space<hbm>>
      %dma_start3A_572 = arith.constant 0 : i32
      %dma_start3A_573 = tpu.memref_slice %arg4[%dma_start3A_572, %multiple_of3A_564] : memref<64x1000000xf32, #tpu.memory_space<hbm>> -> memref<64x128xf32, #tpu.memory_space<hbm>>
      tpu.enqueue_dma source(%dma_start3A_573 : memref<64x128xf32, #tpu.memory_space<hbm>>) target(%arg13 : memref<64x128xf32, #tpu.memory_space<vmem>>) target_semaphore(%arg28 : memref<!tpu.dma_semaphore, #tpu.memory_space<semaphore_mem>>)
      %dma_start3A_574 = arith.constant 0 : i32
      %dma_start3A_575 = tpu.memref_slice %arg5[%dma_start3A_574, %multiple_of3A_569] : memref<64x1000000xf32, #tpu.memory_space<hbm>> -> memref<64x128xf32, #tpu.memory_space<hbm>>
      %dma_start3A_576 = arith.constant 0 : i32
      %dma_start3A_577 = tpu.memref_slice %arg5[%dma_start3A_576, %multiple_of3A_569] : memref<64x1000000xf32, #tpu.memory_space<hbm>> -> memref<64x128xf32, #tpu.memory_space<hbm>>
      tpu.enqueue_dma source(%dma_start3A_577 : memref<64x128xf32, #tpu.memory_space<hbm>>) target(%arg17 : memref<64x128xf32, #tpu.memory_space<vmem>>) target_semaphore(%arg28 : memref<!tpu.dma_semaphore, #tpu.memory_space<semaphore_mem>>)
      %dma_start3A_578 = arith.constant 0 : i32
      %dma_start3A_579 = tpu.memref_slice %arg6[%dma_start3A_578, %multiple_of3A_564] : memref<1x1000000xf32, #tpu.memory_space<hbm>> -> memref<1x128xf32, #tpu.memory_space<hbm>>
      %dma_start3A_580 = arith.constant 0 : i32
      %dma_start3A_581 = tpu.memref_slice %arg6[%dma_start3A_580, %multiple_of3A_564] : memref<1x1000000xf32, #tpu.memory_space<hbm>> -> memref<1x128xf32, #tpu.memory_space<hbm>>
      tpu.enqueue_dma source(%dma_start3A_581 : memref<1x128xf32, #tpu.memory_space<hbm>>) target(%arg21 : memref<1x128xf32, #tpu.memory_space<vmem>>) target_semaphore(%arg28 : memref<!tpu.dma_semaphore, #tpu.memory_space<semaphore_mem>>)
      %dma_start3A_582 = arith.constant 0 : i32
      %dma_start3A_583 = tpu.memref_slice %arg7[%dma_start3A_582, %multiple_of3A_569] : memref<1x1000000xf32, #tpu.memory_space<hbm>> -> memref<1x128xf32, #tpu.memory_space<hbm>>
      %dma_start3A_584 = arith.constant 0 : i32
      %dma_start3A_585 = tpu.memref_slice %arg7[%dma_start3A_584, %multiple_of3A_569] : memref<1x1000000xf32, #tpu.memory_space<hbm>> -> memref<1x128xf32, #tpu.memory_space<hbm>>
      tpu.enqueue_dma source(%dma_start3A_585 : memref<1x128xf32, #tpu.memory_space<hbm>>) target(%arg25 : memref<1x128xf32, #tpu.memory_space<vmem>>) target_semaphore(%arg28 : memref<!tpu.dma_semaphore, #tpu.memory_space<semaphore_mem>>)
      %dma_wait3A_586 = arith.constant 0 : i32
      %dma_wait3A_587 = arith.constant 0 : i32
      %dma_wait3A_588 = tpu.memref_slice %arg4[%dma_wait3A_586, %dma_wait3A_587] : memref<64x1000000xf32, #tpu.memory_space<hbm>> -> memref<64x128xf32, #tpu.memory_space<hbm>>
      %dma_wait3A_589 = arith.constant 0 : i32
      %dma_wait3A_590 = arith.constant 0 : i32
      %dma_wait3A_591 = tpu.memref_slice %arg4[%dma_wait3A_589, %dma_wait3A_590] : memref<64x1000000xf32, #tpu.memory_space<hbm>> -> memref<64x128xf32, #tpu.memory_space<hbm>>
      tpu.wait_dma2 semaphore(%arg28 : memref<!tpu.dma_semaphore, #tpu.memory_space<semaphore_mem>>) src(%dma_wait3A_591 : memref<64x128xf32, #tpu.memory_space<hbm>>) dst(%arg14 : memref<64x128xf32, #tpu.memory_space<vmem>>)
      %dma_wait3A_592 = arith.constant 0 : i32
      %dma_wait3A_593 = arith.constant 0 : i32
      %dma_wait3A_594 = tpu.memref_slice %arg5[%dma_wait3A_592, %dma_wait3A_593] : memref<64x1000000xf32, #tpu.memory_space<hbm>> -> memref<64x128xf32, #tpu.memory_space<hbm>>
      %dma_wait3A_595 = arith.constant 0 : i32
      %dma_wait3A_596 = arith.constant 0 : i32
      %dma_wait3A_597 = tpu.memref_slice %arg5[%dma_wait3A_595, %dma_wait3A_596] : memref<64x1000000xf32, #tpu.memory_space<hbm>> -> memref<64x128xf32, #tpu.memory_space<hbm>>
      tpu.wait_dma2 semaphore(%arg28 : memref<!tpu.dma_semaphore, #tpu.memory_space<semaphore_mem>>) src(%dma_wait3A_597 : memref<64x128xf32, #tpu.memory_space<hbm>>) dst(%arg18 : memref<64x128xf32, #tpu.memory_space<vmem>>)
      %dma_wait3A_598 = arith.constant 0 : i32
      %dma_wait3A_599 = arith.constant 0 : i32
      %dma_wait3A_600 = tpu.memref_slice %arg6[%dma_wait3A_598, %dma_wait3A_599] : memref<1x1000000xf32, #tpu.memory_space<hbm>> -> memref<1x128xf32, #tpu.memory_space<hbm>>
      %dma_wait3A_601 = arith.constant 0 : i32
      %dma_wait3A_602 = arith.constant 0 : i32
      %dma_wait3A_603 = tpu.memref_slice %arg6[%dma_wait3A_601, %dma_wait3A_602] : memref<1x1000000xf32, #tpu.memory_space<hbm>> -> memref<1x128xf32, #tpu.memory_space<hbm>>
      tpu.wait_dma2 semaphore(%arg28 : memref<!tpu.dma_semaphore, #tpu.memory_space<semaphore_mem>>) src(%dma_wait3A_603 : memref<1x128xf32, #tpu.memory_space<hbm>>) dst(%arg22 : memref<1x128xf32, #tpu.memory_space<vmem>>)
      %dma_wait3A_604 = arith.constant 0 : i32
      %dma_wait3A_605 = arith.constant 0 : i32
      %dma_wait3A_606 = tpu.memref_slice %arg7[%dma_wait3A_604, %dma_wait3A_605] : memref<1x1000000xf32, #tpu.memory_space<hbm>> -> memref<1x128xf32, #tpu.memory_space<hbm>>
      %dma_wait3A_607 = arith.constant 0 : i32
      %dma_wait3A_608 = arith.constant 0 : i32
      %dma_wait3A_609 = tpu.memref_slice %arg7[%dma_wait3A_607, %dma_wait3A_608] : memref<1x1000000xf32, #tpu.memory_space<hbm>> -> memref<1x128xf32, #tpu.memory_space<hbm>>
      tpu.wait_dma2 semaphore(%arg28 : memref<!tpu.dma_semaphore, #tpu.memory_space<semaphore_mem>>) src(%dma_wait3A_609 : memref<1x128xf32, #tpu.memory_space<hbm>>) dst(%arg26 : memref<1x128xf32, #tpu.memory_space<vmem>>)
      %slice3A_610 = vector.extract_strided_slice %get3A_226 {offsets = [3], sizes = [1], strides = [1]} : vector<16xi32> to vector<1xi32>
      %squeeze3A_611 = vector.extract %slice3A_610[0] : i32 from vector<1xi32>
      %slice3A_612 = vector.extract_strided_slice %get3A_228 {offsets = [3], sizes = [1], strides = [1]} : vector<16xi32> to vector<1xi32>
      %squeeze3A_613 = vector.extract %slice3A_612[0] : i32 from vector<1xi32>
      %broadcast_in_dim3A_614 = arith.constant 0 : i32
      %broadcast_in_dim3A_615 = vector.broadcast %broadcast_in_dim3A_614 : i32 to vector<16xi32>
      %and3A_616 = arith.constant 127 : i32
      %and3A_617 = arith.andi %squeeze3A_611, %and3A_616 : i32
      %add3A_618 = vector.broadcast %and3A_617 : i32 to vector<16xi32>
      %add3A_619 = arith.addi %broadcast_in_dim3A_615, %add3A_618 : vector<16xi32>
      %broadcast_in_dim3A_620 = arith.constant 0 : i32
      %broadcast_in_dim3A_621 = vector.broadcast %broadcast_in_dim3A_620 : i32 to vector<16xi32>
      %and3A_622 = arith.constant 127 : i32
      %and3A_623 = arith.andi %squeeze3A_613, %and3A_622 : i32
      %add3A_624 = vector.broadcast %and3A_623 : i32 to vector<16xi32>
      %add3A_625 = arith.addi %broadcast_in_dim3A_621, %add3A_624 : vector<16xi32>
      %broadcast_in_dim3A_626 = arith.constant 0.000000e+00 : f32
      %broadcast_in_dim3A_627 = vector.broadcast %broadcast_in_dim3A_626 : f32 to vector<16xf32>
      %add3A_628 = arith.constant 0 : i32
      %add3A_629 = vector.broadcast %add3A_628 : i32 to vector<16xi32>
      %add3A_630 = arith.addi %iota3A, %add3A_629 : vector<16xi32>
      %gather3A_631 = tpu.vector_load_idx %arg14[%add3A_630, %add3A_619] : memref<64x128xf32, #tpu.memory_space<vmem>>[vector<16xi32>, vector<16xi32>], vector<16xf32>,
      %gather3A_632 = tpu.vector_load_idx %arg18[%add3A_630, %add3A_625] : memref<64x128xf32, #tpu.memory_space<vmem>>[vector<16xi32>, vector<16xi32>], vector<16xf32>,
      %mul3A_633 = arith.mulf %gather3A_631, %gather3A_632 : vector<16xf32>
      %add3A_634 = arith.addf %broadcast_in_dim3A_627, %mul3A_633 : vector<16xf32>
      %add3A_635 = arith.constant 16 : i32
      %add3A_636 = vector.broadcast %add3A_635 : i32 to vector<16xi32>
      %add3A_637 = arith.addi %iota3A, %add3A_636 : vector<16xi32>
      %gather3A_638 = tpu.vector_load_idx %arg14[%add3A_637, %add3A_619] : memref<64x128xf32, #tpu.memory_space<vmem>>[vector<16xi32>, vector<16xi32>], vector<16xf32>,
      %gather3A_639 = tpu.vector_load_idx %arg18[%add3A_637, %add3A_625] : memref<64x128xf32, #tpu.memory_space<vmem>>[vector<16xi32>, vector<16xi32>], vector<16xf32>,
      %mul3A_640 = arith.mulf %gather3A_638, %gather3A_639 : vector<16xf32>
      %add3A_641 = arith.addf %add3A_634, %mul3A_640 : vector<16xf32>
      %add3A_642 = arith.constant 32 : i32
      %add3A_643 = vector.broadcast %add3A_642 : i32 to vector<16xi32>
      %add3A_644 = arith.addi %iota3A, %add3A_643 : vector<16xi32>
      %gather3A_645 = tpu.vector_load_idx %arg14[%add3A_644, %add3A_619] : memref<64x128xf32, #tpu.memory_space<vmem>>[vector<16xi32>, vector<16xi32>], vector<16xf32>,
      %gather3A_646 = tpu.vector_load_idx %arg18[%add3A_644, %add3A_625] : memref<64x128xf32, #tpu.memory_space<vmem>>[vector<16xi32>, vector<16xi32>], vector<16xf32>,
      %mul3A_647 = arith.mulf %gather3A_645, %gather3A_646 : vector<16xf32>
      %add3A_648 = arith.addf %add3A_641, %mul3A_647 : vector<16xf32>
      %add3A_649 = arith.constant 48 : i32
      %add3A_650 = vector.broadcast %add3A_649 : i32 to vector<16xi32>
      %add3A_651 = arith.addi %iota3A, %add3A_650 : vector<16xi32>
      %gather3A_652 = tpu.vector_load_idx %arg14[%add3A_651, %add3A_619] : memref<64x128xf32, #tpu.memory_space<vmem>>[vector<16xi32>, vector<16xi32>], vector<16xf32>,
      %gather3A_653 = tpu.vector_load_idx %arg18[%add3A_651, %add3A_625] : memref<64x128xf32, #tpu.memory_space<vmem>>[vector<16xi32>, vector<16xi32>], vector<16xf32>,
      %mul3A_654 = arith.mulf %gather3A_652, %gather3A_653 : vector<16xf32>
      %add3A_655 = arith.addf %add3A_648, %mul3A_654 : vector<16xf32>
      %gather3A_656 = tpu.vector_load_idx %arg22[%broadcast_in_dim3A_3, %add3A_619] : memref<1x128xf32, #tpu.memory_space<vmem>>[vector<16xi32>, vector<16xi32>], vector<16xf32>,
      %gather3A_657 = tpu.vector_load_idx %arg26[%broadcast_in_dim3A_3, %add3A_625] : memref<1x128xf32, #tpu.memory_space<vmem>>[vector<16xi32>, vector<16xi32>], vector<16xf32>,
      %reduce_sum3A_658 = arith.constant true
      %reduce_sum3A_659 = vector.broadcast %reduce_sum3A_658 : i1 to vector<16xi1>
      %reduce_sum3A_660 = tpu.scan <sum>, %add3A_655 masked %reduce_sum3A_659 : vector<16xf32>, vector<16xi1> -> vector<16xf32>
      %reduce_sum3A_661 = vector.extract %reduce_sum3A_660[15] : f32 from vector<16xf32>
      %slice3A_662 = vector.extract_strided_slice %gather3A_656 {offsets = [0], sizes = [1], strides = [1]} : vector<16xf32> to vector<1xf32>
      %squeeze3A_663 = vector.extract %slice3A_662[0] : f32 from vector<1xf32>
      %add3A_664 = arith.addf %reduce_sum3A_661, %squeeze3A_663 : f32
      %slice3A_665 = vector.extract_strided_slice %gather3A_657 {offsets = [0], sizes = [1], strides = [1]} : vector<16xf32> to vector<1xf32>
      %squeeze3A_666 = vector.extract %slice3A_665[0] : f32 from vector<1xf32>
      %add3A_667 = arith.addf %add3A_664, %squeeze3A_666 : f32
      %eq3A_668 = arith.constant 3 : i32
      %eq3A_669 = vector.broadcast %eq3A_668 : i32 to vector<16xi32>
      %eq3A_670 = arith.cmpi eq, %iota3A, %eq3A_669 : vector<16xi32>
      %broadcast_in_dim3A_671 = vector.broadcast %add3A_667 : f32 to vector<16xf32>
      %select_n3A_672 = arith.select %eq3A_670, %broadcast_in_dim3A_671, %select_n3A_555 : vector<16xi1>, vector<16xf32>
      %slice3A_673 = vector.extract_strided_slice %get3A_226 {offsets = [7], sizes = [1], strides = [1]} : vector<16xi32> to vector<1xi32>
      %squeeze3A_674 = vector.extract %slice3A_673[0] : i32 from vector<1xi32>
      %slice3A_675 = vector.extract_strided_slice %get3A_228 {offsets = [7], sizes = [1], strides = [1]} : vector<16xi32> to vector<1xi32>
      %squeeze3A_676 = vector.extract %slice3A_675[0] : i32 from vector<1xi32>
      %shift_right_arithmetic3A_677 = arith.constant 7 : i32
      %shift_right_arithmetic3A_678 = arith.shrsi %squeeze3A_674, %shift_right_arithmetic3A_677 : i32
      %mul3A_679 = arith.constant 128 : i32
      %mul3A_680 = arith.muli %shift_right_arithmetic3A_678, %mul3A_679 : i32
      %multiple_of3A_681 = tpu.assume_multiple %mul3A_680, 128 : i32
      %shift_right_arithmetic3A_682 = arith.constant 7 : i32
      %shift_right_arithmetic3A_683 = arith.shrsi %squeeze3A_676, %shift_right_arithmetic3A_682 : i32
      %mul3A_684 = arith.constant 128 : i32
      %mul3A_685 = arith.muli %shift_right_arithmetic3A_683, %mul3A_684 : i32
      %multiple_of3A_686 = tpu.assume_multiple %mul3A_685, 128 : i32
      %dma_start3A_687 = arith.constant 0 : i32
      %dma_start3A_688 = tpu.memref_slice %arg4[%dma_start3A_687, %multiple_of3A_681] : memref<64x1000000xf32, #tpu.memory_space<hbm>> -> memref<64x128xf32, #tpu.memory_space<hbm>>
      %dma_start3A_689 = arith.constant 0 : i32
      %dma_start3A_690 = tpu.memref_slice %arg4[%dma_start3A_689, %multiple_of3A_681] : memref<64x1000000xf32, #tpu.memory_space<hbm>> -> memref<64x128xf32, #tpu.memory_space<hbm>>
      tpu.enqueue_dma source(%dma_start3A_690 : memref<64x128xf32, #tpu.memory_space<hbm>>) target(%arg14 : memref<64x128xf32, #tpu.memory_space<vmem>>) target_semaphore(%arg28 : memref<!tpu.dma_semaphore, #tpu.memory_space<semaphore_mem>>)
      %dma_start3A_691 = arith.constant 0 : i32
      %dma_start3A_692 = tpu.memref_slice %arg5[%dma_start3A_691, %multiple_of3A_686] : memref<64x1000000xf32, #tpu.memory_space<hbm>> -> memref<64x128xf32, #tpu.memory_space<hbm>>
      %dma_start3A_693 = arith.constant 0 : i32
      %dma_start3A_694 = tpu.memref_slice %arg5[%dma_start3A_693, %multiple_of3A_686] : memref<64x1000000xf32, #tpu.memory_space<hbm>> -> memref<64x128xf32, #tpu.memory_space<hbm>>
      tpu.enqueue_dma source(%dma_start3A_694 : memref<64x128xf32, #tpu.memory_space<hbm>>) target(%arg18 : memref<64x128xf32, #tpu.memory_space<vmem>>) target_semaphore(%arg28 : memref<!tpu.dma_semaphore, #tpu.memory_space<semaphore_mem>>)
      %dma_start3A_695 = arith.constant 0 : i32
      %dma_start3A_696 = tpu.memref_slice %arg6[%dma_start3A_695, %multiple_of3A_681] : memref<1x1000000xf32, #tpu.memory_space<hbm>> -> memref<1x128xf32, #tpu.memory_space<hbm>>
      %dma_start3A_697 = arith.constant 0 : i32
      %dma_start3A_698 = tpu.memref_slice %arg6[%dma_start3A_697, %multiple_of3A_681] : memref<1x1000000xf32, #tpu.memory_space<hbm>> -> memref<1x128xf32, #tpu.memory_space<hbm>>
      tpu.enqueue_dma source(%dma_start3A_698 : memref<1x128xf32, #tpu.memory_space<hbm>>) target(%arg22 : memref<1x128xf32, #tpu.memory_space<vmem>>) target_semaphore(%arg28 : memref<!tpu.dma_semaphore, #tpu.memory_space<semaphore_mem>>)
      %dma_start3A_699 = arith.constant 0 : i32
      %dma_start3A_700 = tpu.memref_slice %arg7[%dma_start3A_699, %multiple_of3A_686] : memref<1x1000000xf32, #tpu.memory_space<hbm>> -> memref<1x128xf32, #tpu.memory_space<hbm>>
      %dma_start3A_701 = arith.constant 0 : i32
      %dma_start3A_702 = tpu.memref_slice %arg7[%dma_start3A_701, %multiple_of3A_686] : memref<1x1000000xf32, #tpu.memory_space<hbm>> -> memref<1x128xf32, #tpu.memory_space<hbm>>
      tpu.enqueue_dma source(%dma_start3A_702 : memref<1x128xf32, #tpu.memory_space<hbm>>) target(%arg26 : memref<1x128xf32, #tpu.memory_space<vmem>>) target_semaphore(%arg28 : memref<!tpu.dma_semaphore, #tpu.memory_space<semaphore_mem>>)
      %dma_wait3A_703 = arith.constant 0 : i32
      %dma_wait3A_704 = arith.constant 0 : i32
      %dma_wait3A_705 = tpu.memref_slice %arg4[%dma_wait3A_703, %dma_wait3A_704] : memref<64x1000000xf32, #tpu.memory_space<hbm>> -> memref<64x128xf32, #tpu.memory_space<hbm>>
      %dma_wait3A_706 = arith.constant 0 : i32
      %dma_wait3A_707 = arith.constant 0 : i32
      %dma_wait3A_708 = tpu.memref_slice %arg4[%dma_wait3A_706, %dma_wait3A_707] : memref<64x1000000xf32, #tpu.memory_space<hbm>> -> memref<64x128xf32, #tpu.memory_space<hbm>>
      tpu.wait_dma2 semaphore(%arg28 : memref<!tpu.dma_semaphore, #tpu.memory_space<semaphore_mem>>) src(%dma_wait3A_708 : memref<64x128xf32, #tpu.memory_space<hbm>>) dst(%arg11 : memref<64x128xf32, #tpu.memory_space<vmem>>)
      %dma_wait3A_709 = arith.constant 0 : i32
      %dma_wait3A_710 = arith.constant 0 : i32
      %dma_wait3A_711 = tpu.memref_slice %arg5[%dma_wait3A_709, %dma_wait3A_710] : memref<64x1000000xf32, #tpu.memory_space<hbm>> -> memref<64x128xf32, #tpu.memory_space<hbm>>
      %dma_wait3A_712 = arith.constant 0 : i32
      %dma_wait3A_713 = arith.constant 0 : i32
      %dma_wait3A_714 = tpu.memref_slice %arg5[%dma_wait3A_712, %dma_wait3A_713] : memref<64x1000000xf32, #tpu.memory_space<hbm>> -> memref<64x128xf32, #tpu.memory_space<hbm>>
      tpu.wait_dma2 semaphore(%arg28 : memref<!tpu.dma_semaphore, #tpu.memory_space<semaphore_mem>>) src(%dma_wait3A_714 : memref<64x128xf32, #tpu.memory_space<hbm>>) dst(%arg15 : memref<64x128xf32, #tpu.memory_space<vmem>>)
      %dma_wait3A_715 = arith.constant 0 : i32
      %dma_wait3A_716 = arith.constant 0 : i32
      %dma_wait3A_717 = tpu.memref_slice %arg6[%dma_wait3A_715, %dma_wait3A_716] : memref<1x1000000xf32, #tpu.memory_space<hbm>> -> memref<1x128xf32, #tpu.memory_space<hbm>>
      %dma_wait3A_718 = arith.constant 0 : i32
      %dma_wait3A_719 = arith.constant 0 : i32
      %dma_wait3A_720 = tpu.memref_slice %arg6[%dma_wait3A_718, %dma_wait3A_719] : memref<1x1000000xf32, #tpu.memory_space<hbm>> -> memref<1x128xf32, #tpu.memory_space<hbm>>
      tpu.wait_dma2 semaphore(%arg28 : memref<!tpu.dma_semaphore, #tpu.memory_space<semaphore_mem>>) src(%dma_wait3A_720 : memref<1x128xf32, #tpu.memory_space<hbm>>) dst(%arg19 : memref<1x128xf32, #tpu.memory_space<vmem>>)
      %dma_wait3A_721 = arith.constant 0 : i32
      %dma_wait3A_722 = arith.constant 0 : i32
      %dma_wait3A_723 = tpu.memref_slice %arg7[%dma_wait3A_721, %dma_wait3A_722] : memref<1x1000000xf32, #tpu.memory_space<hbm>> -> memref<1x128xf32, #tpu.memory_space<hbm>>
      %dma_wait3A_724 = arith.constant 0 : i32
      %dma_wait3A_725 = arith.constant 0 : i32
      %dma_wait3A_726 = tpu.memref_slice %arg7[%dma_wait3A_724, %dma_wait3A_725] : memref<1x1000000xf32, #tpu.memory_space<hbm>> -> memref<1x128xf32, #tpu.memory_space<hbm>>
      tpu.wait_dma2 semaphore(%arg28 : memref<!tpu.dma_semaphore, #tpu.memory_space<semaphore_mem>>) src(%dma_wait3A_726 : memref<1x128xf32, #tpu.memory_space<hbm>>) dst(%arg23 : memref<1x128xf32, #tpu.memory_space<vmem>>)
      %slice3A_727 = vector.extract_strided_slice %get3A_226 {offsets = [4], sizes = [1], strides = [1]} : vector<16xi32> to vector<1xi32>
      %squeeze3A_728 = vector.extract %slice3A_727[0] : i32 from vector<1xi32>
      %slice3A_729 = vector.extract_strided_slice %get3A_228 {offsets = [4], sizes = [1], strides = [1]} : vector<16xi32> to vector<1xi32>
      %squeeze3A_730 = vector.extract %slice3A_729[0] : i32 from vector<1xi32>
      %broadcast_in_dim3A_731 = arith.constant 0 : i32
      %broadcast_in_dim3A_732 = vector.broadcast %broadcast_in_dim3A_731 : i32 to vector<16xi32>
      %and3A_733 = arith.constant 127 : i32
      %and3A_734 = arith.andi %squeeze3A_728, %and3A_733 : i32
      %add3A_735 = vector.broadcast %and3A_734 : i32 to vector<16xi32>
      %add3A_736 = arith.addi %broadcast_in_dim3A_732, %add3A_735 : vector<16xi32>
      %broadcast_in_dim3A_737 = arith.constant 0 : i32
      %broadcast_in_dim3A_738 = vector.broadcast %broadcast_in_dim3A_737 : i32 to vector<16xi32>
      %and3A_739 = arith.constant 127 : i32
      %and3A_740 = arith.andi %squeeze3A_730, %and3A_739 : i32
      %add3A_741 = vector.broadcast %and3A_740 : i32 to vector<16xi32>
      %add3A_742 = arith.addi %broadcast_in_dim3A_738, %add3A_741 : vector<16xi32>
      %broadcast_in_dim3A_743 = arith.constant 0.000000e+00 : f32
      %broadcast_in_dim3A_744 = vector.broadcast %broadcast_in_dim3A_743 : f32 to vector<16xf32>
      %add3A_745 = arith.constant 0 : i32
      %add3A_746 = vector.broadcast %add3A_745 : i32 to vector<16xi32>
      %add3A_747 = arith.addi %iota3A, %add3A_746 : vector<16xi32>
      %gather3A_748 = tpu.vector_load_idx %arg11[%add3A_747, %add3A_736] : memref<64x128xf32, #tpu.memory_space<vmem>>[vector<16xi32>, vector<16xi32>], vector<16xf32>,
      %gather3A_749 = tpu.vector_load_idx %arg15[%add3A_747, %add3A_742] : memref<64x128xf32, #tpu.memory_space<vmem>>[vector<16xi32>, vector<16xi32>], vector<16xf32>,
      %mul3A_750 = arith.mulf %gather3A_748, %gather3A_749 : vector<16xf32>
      %add3A_751 = arith.addf %broadcast_in_dim3A_744, %mul3A_750 : vector<16xf32>
      %add3A_752 = arith.constant 16 : i32
      %add3A_753 = vector.broadcast %add3A_752 : i32 to vector<16xi32>
      %add3A_754 = arith.addi %iota3A, %add3A_753 : vector<16xi32>
      %gather3A_755 = tpu.vector_load_idx %arg11[%add3A_754, %add3A_736] : memref<64x128xf32, #tpu.memory_space<vmem>>[vector<16xi32>, vector<16xi32>], vector<16xf32>,
      %gather3A_756 = tpu.vector_load_idx %arg15[%add3A_754, %add3A_742] : memref<64x128xf32, #tpu.memory_space<vmem>>[vector<16xi32>, vector<16xi32>], vector<16xf32>,
      %mul3A_757 = arith.mulf %gather3A_755, %gather3A_756 : vector<16xf32>
      %add3A_758 = arith.addf %add3A_751, %mul3A_757 : vector<16xf32>
      %add3A_759 = arith.constant 32 : i32
      %add3A_760 = vector.broadcast %add3A_759 : i32 to vector<16xi32>
      %add3A_761 = arith.addi %iota3A, %add3A_760 : vector<16xi32>
      %gather3A_762 = tpu.vector_load_idx %arg11[%add3A_761, %add3A_736] : memref<64x128xf32, #tpu.memory_space<vmem>>[vector<16xi32>, vector<16xi32>], vector<16xf32>,
      %gather3A_763 = tpu.vector_load_idx %arg15[%add3A_761, %add3A_742] : memref<64x128xf32, #tpu.memory_space<vmem>>[vector<16xi32>, vector<16xi32>], vector<16xf32>,
      %mul3A_764 = arith.mulf %gather3A_762, %gather3A_763 : vector<16xf32>
      %add3A_765 = arith.addf %add3A_758, %mul3A_764 : vector<16xf32>
      %add3A_766 = arith.constant 48 : i32
      %add3A_767 = vector.broadcast %add3A_766 : i32 to vector<16xi32>
      %add3A_768 = arith.addi %iota3A, %add3A_767 : vector<16xi32>
      %gather3A_769 = tpu.vector_load_idx %arg11[%add3A_768, %add3A_736] : memref<64x128xf32, #tpu.memory_space<vmem>>[vector<16xi32>, vector<16xi32>], vector<16xf32>,
      %gather3A_770 = tpu.vector_load_idx %arg15[%add3A_768, %add3A_742] : memref<64x128xf32, #tpu.memory_space<vmem>>[vector<16xi32>, vector<16xi32>], vector<16xf32>,
      %mul3A_771 = arith.mulf %gather3A_769, %gather3A_770 : vector<16xf32>
      %add3A_772 = arith.addf %add3A_765, %mul3A_771 : vector<16xf32>
      %gather3A_773 = tpu.vector_load_idx %arg19[%broadcast_in_dim3A_3, %add3A_736] : memref<1x128xf32, #tpu.memory_space<vmem>>[vector<16xi32>, vector<16xi32>], vector<16xf32>,
      %gather3A_774 = tpu.vector_load_idx %arg23[%broadcast_in_dim3A_3, %add3A_742] : memref<1x128xf32, #tpu.memory_space<vmem>>[vector<16xi32>, vector<16xi32>], vector<16xf32>,
      %reduce_sum3A_775 = arith.constant true
      %reduce_sum3A_776 = vector.broadcast %reduce_sum3A_775 : i1 to vector<16xi1>
      %reduce_sum3A_777 = tpu.scan <sum>, %add3A_772 masked %reduce_sum3A_776 : vector<16xf32>, vector<16xi1> -> vector<16xf32>
      %reduce_sum3A_778 = vector.extract %reduce_sum3A_777[15] : f32 from vector<16xf32>
      %slice3A_779 = vector.extract_strided_slice %gather3A_773 {offsets = [0], sizes = [1], strides = [1]} : vector<16xf32> to vector<1xf32>
      %squeeze3A_780 = vector.extract %slice3A_779[0] : f32 from vector<1xf32>
      %add3A_781 = arith.addf %reduce_sum3A_778, %squeeze3A_780 : f32
      %slice3A_782 = vector.extract_strided_slice %gather3A_774 {offsets = [0], sizes = [1], strides = [1]} : vector<16xf32> to vector<1xf32>
      %squeeze3A_783 = vector.extract %slice3A_782[0] : f32 from vector<1xf32>
      %add3A_784 = arith.addf %add3A_781, %squeeze3A_783 : f32
      %eq3A_785 = arith.constant 4 : i32
      %eq3A_786 = vector.broadcast %eq3A_785 : i32 to vector<16xi32>
      %eq3A_787 = arith.cmpi eq, %iota3A, %eq3A_786 : vector<16xi32>
      %broadcast_in_dim3A_788 = vector.broadcast %add3A_784 : f32 to vector<16xf32>
      %select_n3A_789 = arith.select %eq3A_787, %broadcast_in_dim3A_788, %select_n3A_672 : vector<16xi1>, vector<16xf32>
      %slice3A_790 = vector.extract_strided_slice %get3A_226 {offsets = [8], sizes = [1], strides = [1]} : vector<16xi32> to vector<1xi32>
      %squeeze3A_791 = vector.extract %slice3A_790[0] : i32 from vector<1xi32>
      %slice3A_792 = vector.extract_strided_slice %get3A_228 {offsets = [8], sizes = [1], strides = [1]} : vector<16xi32> to vector<1xi32>
      %squeeze3A_793 = vector.extract %slice3A_792[0] : i32 from vector<1xi32>
      %shift_right_arithmetic3A_794 = arith.constant 7 : i32
      %shift_right_arithmetic3A_795 = arith.shrsi %squeeze3A_791, %shift_right_arithmetic3A_794 : i32
      %mul3A_796 = arith.constant 128 : i32
      %mul3A_797 = arith.muli %shift_right_arithmetic3A_795, %mul3A_796 : i32
      %multiple_of3A_798 = tpu.assume_multiple %mul3A_797, 128 : i32
      %shift_right_arithmetic3A_799 = arith.constant 7 : i32
      %shift_right_arithmetic3A_800 = arith.shrsi %squeeze3A_793, %shift_right_arithmetic3A_799 : i32
      %mul3A_801 = arith.constant 128 : i32
      %mul3A_802 = arith.muli %shift_right_arithmetic3A_800, %mul3A_801 : i32
      %multiple_of3A_803 = tpu.assume_multiple %mul3A_802, 128 : i32
      %dma_start3A_804 = arith.constant 0 : i32
      %dma_start3A_805 = tpu.memref_slice %arg4[%dma_start3A_804, %multiple_of3A_798] : memref<64x1000000xf32, #tpu.memory_space<hbm>> -> memref<64x128xf32, #tpu.memory_space<hbm>>
      %dma_start3A_806 = arith.constant 0 : i32
      %dma_start3A_807 = tpu.memref_slice %arg4[%dma_start3A_806, %multiple_of3A_798] : memref<64x1000000xf32, #tpu.memory_space<hbm>> -> memref<64x128xf32, #tpu.memory_space<hbm>>
      tpu.enqueue_dma source(%dma_start3A_807 : memref<64x128xf32, #tpu.memory_space<hbm>>) target(%arg11 : memref<64x128xf32, #tpu.memory_space<vmem>>) target_semaphore(%arg28 : memref<!tpu.dma_semaphore, #tpu.memory_space<semaphore_mem>>)
      %dma_start3A_808 = arith.constant 0 : i32
      %dma_start3A_809 = tpu.memref_slice %arg5[%dma_start3A_808, %multiple_of3A_803] : memref<64x1000000xf32, #tpu.memory_space<hbm>> -> memref<64x128xf32, #tpu.memory_space<hbm>>
      %dma_start3A_810 = arith.constant 0 : i32
      %dma_start3A_811 = tpu.memref_slice %arg5[%dma_start3A_810, %multiple_of3A_803] : memref<64x1000000xf32, #tpu.memory_space<hbm>> -> memref<64x128xf32, #tpu.memory_space<hbm>>
      tpu.enqueue_dma source(%dma_start3A_811 : memref<64x128xf32, #tpu.memory_space<hbm>>) target(%arg15 : memref<64x128xf32, #tpu.memory_space<vmem>>) target_semaphore(%arg28 : memref<!tpu.dma_semaphore, #tpu.memory_space<semaphore_mem>>)
      %dma_start3A_812 = arith.constant 0 : i32
      %dma_start3A_813 = tpu.memref_slice %arg6[%dma_start3A_812, %multiple_of3A_798] : memref<1x1000000xf32, #tpu.memory_space<hbm>> -> memref<1x128xf32, #tpu.memory_space<hbm>>
      %dma_start3A_814 = arith.constant 0 : i32
      %dma_start3A_815 = tpu.memref_slice %arg6[%dma_start3A_814, %multiple_of3A_798] : memref<1x1000000xf32, #tpu.memory_space<hbm>> -> memref<1x128xf32, #tpu.memory_space<hbm>>
      tpu.enqueue_dma source(%dma_start3A_815 : memref<1x128xf32, #tpu.memory_space<hbm>>) target(%arg19 : memref<1x128xf32, #tpu.memory_space<vmem>>) target_semaphore(%arg28 : memref<!tpu.dma_semaphore, #tpu.memory_space<semaphore_mem>>)
      %dma_start3A_816 = arith.constant 0 : i32
      %dma_start3A_817 = tpu.memref_slice %arg7[%dma_start3A_816, %multiple_of3A_803] : memref<1x1000000xf32, #tpu.memory_space<hbm>> -> memref<1x128xf32, #tpu.memory_space<hbm>>
      %dma_start3A_818 = arith.constant 0 : i32
      %dma_start3A_819 = tpu.memref_slice %arg7[%dma_start3A_818, %multiple_of3A_803] : memref<1x1000000xf32, #tpu.memory_space<hbm>> -> memref<1x128xf32, #tpu.memory_space<hbm>>
      tpu.enqueue_dma source(%dma_start3A_819 : memref<1x128xf32, #tpu.memory_space<hbm>>) target(%arg23 : memref<1x128xf32, #tpu.memory_space<vmem>>) target_semaphore(%arg28 : memref<!tpu.dma_semaphore, #tpu.memory_space<semaphore_mem>>)
      %dma_wait3A_820 = arith.constant 0 : i32
      %dma_wait3A_821 = arith.constant 0 : i32
      %dma_wait3A_822 = tpu.memref_slice %arg4[%dma_wait3A_820, %dma_wait3A_821] : memref<64x1000000xf32, #tpu.memory_space<hbm>> -> memref<64x128xf32, #tpu.memory_space<hbm>>
      %dma_wait3A_823 = arith.constant 0 : i32
      %dma_wait3A_824 = arith.constant 0 : i32
      %dma_wait3A_825 = tpu.memref_slice %arg4[%dma_wait3A_823, %dma_wait3A_824] : memref<64x1000000xf32, #tpu.memory_space<hbm>> -> memref<64x128xf32, #tpu.memory_space<hbm>>
      tpu.wait_dma2 semaphore(%arg28 : memref<!tpu.dma_semaphore, #tpu.memory_space<semaphore_mem>>) src(%dma_wait3A_825 : memref<64x128xf32, #tpu.memory_space<hbm>>) dst(%arg12 : memref<64x128xf32, #tpu.memory_space<vmem>>)
      %dma_wait3A_826 = arith.constant 0 : i32
      %dma_wait3A_827 = arith.constant 0 : i32
      %dma_wait3A_828 = tpu.memref_slice %arg5[%dma_wait3A_826, %dma_wait3A_827] : memref<64x1000000xf32, #tpu.memory_space<hbm>> -> memref<64x128xf32, #tpu.memory_space<hbm>>
      %dma_wait3A_829 = arith.constant 0 : i32
      %dma_wait3A_830 = arith.constant 0 : i32
      %dma_wait3A_831 = tpu.memref_slice %arg5[%dma_wait3A_829, %dma_wait3A_830] : memref<64x1000000xf32, #tpu.memory_space<hbm>> -> memref<64x128xf32, #tpu.memory_space<hbm>>
      tpu.wait_dma2 semaphore(%arg28 : memref<!tpu.dma_semaphore, #tpu.memory_space<semaphore_mem>>) src(%dma_wait3A_831 : memref<64x128xf32, #tpu.memory_space<hbm>>) dst(%arg16 : memref<64x128xf32, #tpu.memory_space<vmem>>)
      %dma_wait3A_832 = arith.constant 0 : i32
      %dma_wait3A_833 = arith.constant 0 : i32
      %dma_wait3A_834 = tpu.memref_slice %arg6[%dma_wait3A_832, %dma_wait3A_833] : memref<1x1000000xf32, #tpu.memory_space<hbm>> -> memref<1x128xf32, #tpu.memory_space<hbm>>
      %dma_wait3A_835 = arith.constant 0 : i32
      %dma_wait3A_836 = arith.constant 0 : i32
      %dma_wait3A_837 = tpu.memref_slice %arg6[%dma_wait3A_835, %dma_wait3A_836] : memref<1x1000000xf32, #tpu.memory_space<hbm>> -> memref<1x128xf32, #tpu.memory_space<hbm>>
      tpu.wait_dma2 semaphore(%arg28 : memref<!tpu.dma_semaphore, #tpu.memory_space<semaphore_mem>>) src(%dma_wait3A_837 : memref<1x128xf32, #tpu.memory_space<hbm>>) dst(%arg20 : memref<1x128xf32, #tpu.memory_space<vmem>>)
      %dma_wait3A_838 = arith.constant 0 : i32
      %dma_wait3A_839 = arith.constant 0 : i32
      %dma_wait3A_840 = tpu.memref_slice %arg7[%dma_wait3A_838, %dma_wait3A_839] : memref<1x1000000xf32, #tpu.memory_space<hbm>> -> memref<1x128xf32, #tpu.memory_space<hbm>>
      %dma_wait3A_841 = arith.constant 0 : i32
      %dma_wait3A_842 = arith.constant 0 : i32
      %dma_wait3A_843 = tpu.memref_slice %arg7[%dma_wait3A_841, %dma_wait3A_842] : memref<1x1000000xf32, #tpu.memory_space<hbm>> -> memref<1x128xf32, #tpu.memory_space<hbm>>
      tpu.wait_dma2 semaphore(%arg28 : memref<!tpu.dma_semaphore, #tpu.memory_space<semaphore_mem>>) src(%dma_wait3A_843 : memref<1x128xf32, #tpu.memory_space<hbm>>) dst(%arg24 : memref<1x128xf32, #tpu.memory_space<vmem>>)
      %slice3A_844 = vector.extract_strided_slice %get3A_226 {offsets = [5], sizes = [1], strides = [1]} : vector<16xi32> to vector<1xi32>
      %squeeze3A_845 = vector.extract %slice3A_844[0] : i32 from vector<1xi32>
      %slice3A_846 = vector.extract_strided_slice %get3A_228 {offsets = [5], sizes = [1], strides = [1]} : vector<16xi32> to vector<1xi32>
      %squeeze3A_847 = vector.extract %slice3A_846[0] : i32 from vector<1xi32>
      %broadcast_in_dim3A_848 = arith.constant 0 : i32
      %broadcast_in_dim3A_849 = vector.broadcast %broadcast_in_dim3A_848 : i32 to vector<16xi32>
      %and3A_850 = arith.constant 127 : i32
      %and3A_851 = arith.andi %squeeze3A_845, %and3A_850 : i32
      %add3A_852 = vector.broadcast %and3A_851 : i32 to vector<16xi32>
      %add3A_853 = arith.addi %broadcast_in_dim3A_849, %add3A_852 : vector<16xi32>
      %broadcast_in_dim3A_854 = arith.constant 0 : i32
      %broadcast_in_dim3A_855 = vector.broadcast %broadcast_in_dim3A_854 : i32 to vector<16xi32>
      %and3A_856 = arith.constant 127 : i32
      %and3A_857 = arith.andi %squeeze3A_847, %and3A_856 : i32
      %add3A_858 = vector.broadcast %and3A_857 : i32 to vector<16xi32>
      %add3A_859 = arith.addi %broadcast_in_dim3A_855, %add3A_858 : vector<16xi32>
      %broadcast_in_dim3A_860 = arith.constant 0.000000e+00 : f32
      %broadcast_in_dim3A_861 = vector.broadcast %broadcast_in_dim3A_860 : f32 to vector<16xf32>
      %add3A_862 = arith.constant 0 : i32
      %add3A_863 = vector.broadcast %add3A_862 : i32 to vector<16xi32>
      %add3A_864 = arith.addi %iota3A, %add3A_863 : vector<16xi32>
      %gather3A_865 = tpu.vector_load_idx %arg12[%add3A_864, %add3A_853] : memref<64x128xf32, #tpu.memory_space<vmem>>[vector<16xi32>, vector<16xi32>], vector<16xf32>,
      %gather3A_866 = tpu.vector_load_idx %arg16[%add3A_864, %add3A_859] : memref<64x128xf32, #tpu.memory_space<vmem>>[vector<16xi32>, vector<16xi32>], vector<16xf32>,
      %mul3A_867 = arith.mulf %gather3A_865, %gather3A_866 : vector<16xf32>
      %add3A_868 = arith.addf %broadcast_in_dim3A_861, %mul3A_867 : vector<16xf32>
      %add3A_869 = arith.constant 16 : i32
      %add3A_870 = vector.broadcast %add3A_869 : i32 to vector<16xi32>
      %add3A_871 = arith.addi %iota3A, %add3A_870 : vector<16xi32>
      %gather3A_872 = tpu.vector_load_idx %arg12[%add3A_871, %add3A_853] : memref<64x128xf32, #tpu.memory_space<vmem>>[vector<16xi32>, vector<16xi32>], vector<16xf32>,
      %gather3A_873 = tpu.vector_load_idx %arg16[%add3A_871, %add3A_859] : memref<64x128xf32, #tpu.memory_space<vmem>>[vector<16xi32>, vector<16xi32>], vector<16xf32>,
      %mul3A_874 = arith.mulf %gather3A_872, %gather3A_873 : vector<16xf32>
      %add3A_875 = arith.addf %add3A_868, %mul3A_874 : vector<16xf32>
      %add3A_876 = arith.constant 32 : i32
      %add3A_877 = vector.broadcast %add3A_876 : i32 to vector<16xi32>
      %add3A_878 = arith.addi %iota3A, %add3A_877 : vector<16xi32>
      %gather3A_879 = tpu.vector_load_idx %arg12[%add3A_878, %add3A_853] : memref<64x128xf32, #tpu.memory_space<vmem>>[vector<16xi32>, vector<16xi32>], vector<16xf32>,
      %gather3A_880 = tpu.vector_load_idx %arg16[%add3A_878, %add3A_859] : memref<64x128xf32, #tpu.memory_space<vmem>>[vector<16xi32>, vector<16xi32>], vector<16xf32>,
      %mul3A_881 = arith.mulf %gather3A_879, %gather3A_880 : vector<16xf32>
      %add3A_882 = arith.addf %add3A_875, %mul3A_881 : vector<16xf32>
      %add3A_883 = arith.constant 48 : i32
      %add3A_884 = vector.broadcast %add3A_883 : i32 to vector<16xi32>
      %add3A_885 = arith.addi %iota3A, %add3A_884 : vector<16xi32>
      %gather3A_886 = tpu.vector_load_idx %arg12[%add3A_885, %add3A_853] : memref<64x128xf32, #tpu.memory_space<vmem>>[vector<16xi32>, vector<16xi32>], vector<16xf32>,
      %gather3A_887 = tpu.vector_load_idx %arg16[%add3A_885, %add3A_859] : memref<64x128xf32, #tpu.memory_space<vmem>>[vector<16xi32>, vector<16xi32>], vector<16xf32>,
      %mul3A_888 = arith.mulf %gather3A_886, %gather3A_887 : vector<16xf32>
      %add3A_889 = arith.addf %add3A_882, %mul3A_888 : vector<16xf32>
      %gather3A_890 = tpu.vector_load_idx %arg20[%broadcast_in_dim3A_3, %add3A_853] : memref<1x128xf32, #tpu.memory_space<vmem>>[vector<16xi32>, vector<16xi32>], vector<16xf32>,
      %gather3A_891 = tpu.vector_load_idx %arg24[%broadcast_in_dim3A_3, %add3A_859] : memref<1x128xf32, #tpu.memory_space<vmem>>[vector<16xi32>, vector<16xi32>], vector<16xf32>,
      %reduce_sum3A_892 = arith.constant true
      %reduce_sum3A_893 = vector.broadcast %reduce_sum3A_892 : i1 to vector<16xi1>
      %reduce_sum3A_894 = tpu.scan <sum>, %add3A_889 masked %reduce_sum3A_893 : vector<16xf32>, vector<16xi1> -> vector<16xf32>
      %reduce_sum3A_895 = vector.extract %reduce_sum3A_894[15] : f32 from vector<16xf32>
      %slice3A_896 = vector.extract_strided_slice %gather3A_890 {offsets = [0], sizes = [1], strides = [1]} : vector<16xf32> to vector<1xf32>
      %squeeze3A_897 = vector.extract %slice3A_896[0] : f32 from vector<1xf32>
      %add3A_898 = arith.addf %reduce_sum3A_895, %squeeze3A_897 : f32
      %slice3A_899 = vector.extract_strided_slice %gather3A_891 {offsets = [0], sizes = [1], strides = [1]} : vector<16xf32> to vector<1xf32>
      %squeeze3A_900 = vector.extract %slice3A_899[0] : f32 from vector<1xf32>
      %add3A_901 = arith.addf %add3A_898, %squeeze3A_900 : f32
      %eq3A_902 = arith.constant 5 : i32
      %eq3A_903 = vector.broadcast %eq3A_902 : i32 to vector<16xi32>
      %eq3A_904 = arith.cmpi eq, %iota3A, %eq3A_903 : vector<16xi32>
      %broadcast_in_dim3A_905 = vector.broadcast %add3A_901 : f32 to vector<16xf32>
      %select_n3A_906 = arith.select %eq3A_904, %broadcast_in_dim3A_905, %select_n3A_789 : vector<16xi1>, vector<16xf32>
      %slice3A_907 = vector.extract_strided_slice %get3A_226 {offsets = [9], sizes = [1], strides = [1]} : vector<16xi32> to vector<1xi32>
      %squeeze3A_908 = vector.extract %slice3A_907[0] : i32 from vector<1xi32>
      %slice3A_909 = vector.extract_strided_slice %get3A_228 {offsets = [9], sizes = [1], strides = [1]} : vector<16xi32> to vector<1xi32>
      %squeeze3A_910 = vector.extract %slice3A_909[0] : i32 from vector<1xi32>
      %shift_right_arithmetic3A_911 = arith.constant 7 : i32
      %shift_right_arithmetic3A_912 = arith.shrsi %squeeze3A_908, %shift_right_arithmetic3A_911 : i32
      %mul3A_913 = arith.constant 128 : i32
      %mul3A_914 = arith.muli %shift_right_arithmetic3A_912, %mul3A_913 : i32
      %multiple_of3A_915 = tpu.assume_multiple %mul3A_914, 128 : i32
      %shift_right_arithmetic3A_916 = arith.constant 7 : i32
      %shift_right_arithmetic3A_917 = arith.shrsi %squeeze3A_910, %shift_right_arithmetic3A_916 : i32
      %mul3A_918 = arith.constant 128 : i32
      %mul3A_919 = arith.muli %shift_right_arithmetic3A_917, %mul3A_918 : i32
      %multiple_of3A_920 = tpu.assume_multiple %mul3A_919, 128 : i32
      %dma_start3A_921 = arith.constant 0 : i32
      %dma_start3A_922 = tpu.memref_slice %arg4[%dma_start3A_921, %multiple_of3A_915] : memref<64x1000000xf32, #tpu.memory_space<hbm>> -> memref<64x128xf32, #tpu.memory_space<hbm>>
      %dma_start3A_923 = arith.constant 0 : i32
      %dma_start3A_924 = tpu.memref_slice %arg4[%dma_start3A_923, %multiple_of3A_915] : memref<64x1000000xf32, #tpu.memory_space<hbm>> -> memref<64x128xf32, #tpu.memory_space<hbm>>
      tpu.enqueue_dma source(%dma_start3A_924 : memref<64x128xf32, #tpu.memory_space<hbm>>) target(%arg12 : memref<64x128xf32, #tpu.memory_space<vmem>>) target_semaphore(%arg28 : memref<!tpu.dma_semaphore, #tpu.memory_space<semaphore_mem>>)
      %dma_start3A_925 = arith.constant 0 : i32
      %dma_start3A_926 = tpu.memref_slice %arg5[%dma_start3A_925, %multiple_of3A_920] : memref<64x1000000xf32, #tpu.memory_space<hbm>> -> memref<64x128xf32, #tpu.memory_space<hbm>>
      %dma_start3A_927 = arith.constant 0 : i32
      %dma_start3A_928 = tpu.memref_slice %arg5[%dma_start3A_927, %multiple_of3A_920] : memref<64x1000000xf32, #tpu.memory_space<hbm>> -> memref<64x128xf32, #tpu.memory_space<hbm>>
      tpu.enqueue_dma source(%dma_start3A_928 : memref<64x128xf32, #tpu.memory_space<hbm>>) target(%arg16 : memref<64x128xf32, #tpu.memory_space<vmem>>) target_semaphore(%arg28 : memref<!tpu.dma_semaphore, #tpu.memory_space<semaphore_mem>>)
      %dma_start3A_929 = arith.constant 0 : i32
      %dma_start3A_930 = tpu.memref_slice %arg6[%dma_start3A_929, %multiple_of3A_915] : memref<1x1000000xf32, #tpu.memory_space<hbm>> -> memref<1x128xf32, #tpu.memory_space<hbm>>
      %dma_start3A_931 = arith.constant 0 : i32
      %dma_start3A_932 = tpu.memref_slice %arg6[%dma_start3A_931, %multiple_of3A_915] : memref<1x1000000xf32, #tpu.memory_space<hbm>> -> memref<1x128xf32, #tpu.memory_space<hbm>>
      tpu.enqueue_dma source(%dma_start3A_932 : memref<1x128xf32, #tpu.memory_space<hbm>>) target(%arg20 : memref<1x128xf32, #tpu.memory_space<vmem>>) target_semaphore(%arg28 : memref<!tpu.dma_semaphore, #tpu.memory_space<semaphore_mem>>)
      %dma_start3A_933 = arith.constant 0 : i32
      %dma_start3A_934 = tpu.memref_slice %arg7[%dma_start3A_933, %multiple_of3A_920] : memref<1x1000000xf32, #tpu.memory_space<hbm>> -> memref<1x128xf32, #tpu.memory_space<hbm>>
      %dma_start3A_935 = arith.constant 0 : i32
      %dma_start3A_936 = tpu.memref_slice %arg7[%dma_start3A_935, %multiple_of3A_920] : memref<1x1000000xf32, #tpu.memory_space<hbm>> -> memref<1x128xf32, #tpu.memory_space<hbm>>
      tpu.enqueue_dma source(%dma_start3A_936 : memref<1x128xf32, #tpu.memory_space<hbm>>) target(%arg24 : memref<1x128xf32, #tpu.memory_space<vmem>>) target_semaphore(%arg28 : memref<!tpu.dma_semaphore, #tpu.memory_space<semaphore_mem>>)
      %dma_wait3A_937 = arith.constant 0 : i32
      %dma_wait3A_938 = arith.constant 0 : i32
      %dma_wait3A_939 = tpu.memref_slice %arg4[%dma_wait3A_937, %dma_wait3A_938] : memref<64x1000000xf32, #tpu.memory_space<hbm>> -> memref<64x128xf32, #tpu.memory_space<hbm>>
      %dma_wait3A_940 = arith.constant 0 : i32
      %dma_wait3A_941 = arith.constant 0 : i32
      %dma_wait3A_942 = tpu.memref_slice %arg4[%dma_wait3A_940, %dma_wait3A_941] : memref<64x1000000xf32, #tpu.memory_space<hbm>> -> memref<64x128xf32, #tpu.memory_space<hbm>>
      tpu.wait_dma2 semaphore(%arg28 : memref<!tpu.dma_semaphore, #tpu.memory_space<semaphore_mem>>) src(%dma_wait3A_942 : memref<64x128xf32, #tpu.memory_space<hbm>>) dst(%arg13 : memref<64x128xf32, #tpu.memory_space<vmem>>)
      %dma_wait3A_943 = arith.constant 0 : i32
      %dma_wait3A_944 = arith.constant 0 : i32
      %dma_wait3A_945 = tpu.memref_slice %arg5[%dma_wait3A_943, %dma_wait3A_944] : memref<64x1000000xf32, #tpu.memory_space<hbm>> -> memref<64x128xf32, #tpu.memory_space<hbm>>
      %dma_wait3A_946 = arith.constant 0 : i32
      %dma_wait3A_947 = arith.constant 0 : i32
      %dma_wait3A_948 = tpu.memref_slice %arg5[%dma_wait3A_946, %dma_wait3A_947] : memref<64x1000000xf32, #tpu.memory_space<hbm>> -> memref<64x128xf32, #tpu.memory_space<hbm>>
      tpu.wait_dma2 semaphore(%arg28 : memref<!tpu.dma_semaphore, #tpu.memory_space<semaphore_mem>>) src(%dma_wait3A_948 : memref<64x128xf32, #tpu.memory_space<hbm>>) dst(%arg17 : memref<64x128xf32, #tpu.memory_space<vmem>>)
      %dma_wait3A_949 = arith.constant 0 : i32
      %dma_wait3A_950 = arith.constant 0 : i32
      %dma_wait3A_951 = tpu.memref_slice %arg6[%dma_wait3A_949, %dma_wait3A_950] : memref<1x1000000xf32, #tpu.memory_space<hbm>> -> memref<1x128xf32, #tpu.memory_space<hbm>>
      %dma_wait3A_952 = arith.constant 0 : i32
      %dma_wait3A_953 = arith.constant 0 : i32
      %dma_wait3A_954 = tpu.memref_slice %arg6[%dma_wait3A_952, %dma_wait3A_953] : memref<1x1000000xf32, #tpu.memory_space<hbm>> -> memref<1x128xf32, #tpu.memory_space<hbm>>
      tpu.wait_dma2 semaphore(%arg28 : memref<!tpu.dma_semaphore, #tpu.memory_space<semaphore_mem>>) src(%dma_wait3A_954 : memref<1x128xf32, #tpu.memory_space<hbm>>) dst(%arg21 : memref<1x128xf32, #tpu.memory_space<vmem>>)
      %dma_wait3A_955 = arith.constant 0 : i32
      %dma_wait3A_956 = arith.constant 0 : i32
      %dma_wait3A_957 = tpu.memref_slice %arg7[%dma_wait3A_955, %dma_wait3A_956] : memref<1x1000000xf32, #tpu.memory_space<hbm>> -> memref<1x128xf32, #tpu.memory_space<hbm>>
      %dma_wait3A_958 = arith.constant 0 : i32
      %dma_wait3A_959 = arith.constant 0 : i32
      %dma_wait3A_960 = tpu.memref_slice %arg7[%dma_wait3A_958, %dma_wait3A_959] : memref<1x1000000xf32, #tpu.memory_space<hbm>> -> memref<1x128xf32, #tpu.memory_space<hbm>>
      tpu.wait_dma2 semaphore(%arg28 : memref<!tpu.dma_semaphore, #tpu.memory_space<semaphore_mem>>) src(%dma_wait3A_960 : memref<1x128xf32, #tpu.memory_space<hbm>>) dst(%arg25 : memref<1x128xf32, #tpu.memory_space<vmem>>)
      %slice3A_961 = vector.extract_strided_slice %get3A_226 {offsets = [6], sizes = [1], strides = [1]} : vector<16xi32> to vector<1xi32>
      %squeeze3A_962 = vector.extract %slice3A_961[0] : i32 from vector<1xi32>
      %slice3A_963 = vector.extract_strided_slice %get3A_228 {offsets = [6], sizes = [1], strides = [1]} : vector<16xi32> to vector<1xi32>
      %squeeze3A_964 = vector.extract %slice3A_963[0] : i32 from vector<1xi32>
      %broadcast_in_dim3A_965 = arith.constant 0 : i32
      %broadcast_in_dim3A_966 = vector.broadcast %broadcast_in_dim3A_965 : i32 to vector<16xi32>
      %and3A_967 = arith.constant 127 : i32
      %and3A_968 = arith.andi %squeeze3A_962, %and3A_967 : i32
      %add3A_969 = vector.broadcast %and3A_968 : i32 to vector<16xi32>
      %add3A_970 = arith.addi %broadcast_in_dim3A_966, %add3A_969 : vector<16xi32>
      %broadcast_in_dim3A_971 = arith.constant 0 : i32
      %broadcast_in_dim3A_972 = vector.broadcast %broadcast_in_dim3A_971 : i32 to vector<16xi32>
      %and3A_973 = arith.constant 127 : i32
      %and3A_974 = arith.andi %squeeze3A_964, %and3A_973 : i32
      %add3A_975 = vector.broadcast %and3A_974 : i32 to vector<16xi32>
      %add3A_976 = arith.addi %broadcast_in_dim3A_972, %add3A_975 : vector<16xi32>
      %broadcast_in_dim3A_977 = arith.constant 0.000000e+00 : f32
      %broadcast_in_dim3A_978 = vector.broadcast %broadcast_in_dim3A_977 : f32 to vector<16xf32>
      %add3A_979 = arith.constant 0 : i32
      %add3A_980 = vector.broadcast %add3A_979 : i32 to vector<16xi32>
      %add3A_981 = arith.addi %iota3A, %add3A_980 : vector<16xi32>
      %gather3A_982 = tpu.vector_load_idx %arg13[%add3A_981, %add3A_970] : memref<64x128xf32, #tpu.memory_space<vmem>>[vector<16xi32>, vector<16xi32>], vector<16xf32>,
      %gather3A_983 = tpu.vector_load_idx %arg17[%add3A_981, %add3A_976] : memref<64x128xf32, #tpu.memory_space<vmem>>[vector<16xi32>, vector<16xi32>], vector<16xf32>,
      %mul3A_984 = arith.mulf %gather3A_982, %gather3A_983 : vector<16xf32>
      %add3A_985 = arith.addf %broadcast_in_dim3A_978, %mul3A_984 : vector<16xf32>
      %add3A_986 = arith.constant 16 : i32
      %add3A_987 = vector.broadcast %add3A_986 : i32 to vector<16xi32>
      %add3A_988 = arith.addi %iota3A, %add3A_987 : vector<16xi32>
      %gather3A_989 = tpu.vector_load_idx %arg13[%add3A_988, %add3A_970] : memref<64x128xf32, #tpu.memory_space<vmem>>[vector<16xi32>, vector<16xi32>], vector<16xf32>,
      %gather3A_990 = tpu.vector_load_idx %arg17[%add3A_988, %add3A_976] : memref<64x128xf32, #tpu.memory_space<vmem>>[vector<16xi32>, vector<16xi32>], vector<16xf32>,
      %mul3A_991 = arith.mulf %gather3A_989, %gather3A_990 : vector<16xf32>
      %add3A_992 = arith.addf %add3A_985, %mul3A_991 : vector<16xf32>
      %add3A_993 = arith.constant 32 : i32
      %add3A_994 = vector.broadcast %add3A_993 : i32 to vector<16xi32>
      %add3A_995 = arith.addi %iota3A, %add3A_994 : vector<16xi32>
      %gather3A_996 = tpu.vector_load_idx %arg13[%add3A_995, %add3A_970] : memref<64x128xf32, #tpu.memory_space<vmem>>[vector<16xi32>, vector<16xi32>], vector<16xf32>,
      %gather3A_997 = tpu.vector_load_idx %arg17[%add3A_995, %add3A_976] : memref<64x128xf32, #tpu.memory_space<vmem>>[vector<16xi32>, vector<16xi32>], vector<16xf32>,
      %mul3A_998 = arith.mulf %gather3A_996, %gather3A_997 : vector<16xf32>
      %add3A_999 = arith.addf %add3A_992, %mul3A_998 : vector<16xf32>
      %add3A_1000 = arith.constant 48 : i32
      %add3A_1001 = vector.broadcast %add3A_1000 : i32 to vector<16xi32>
      %add3A_1002 = arith.addi %iota3A, %add3A_1001 : vector<16xi32>
      %gather3A_1003 = tpu.vector_load_idx %arg13[%add3A_1002, %add3A_970] : memref<64x128xf32, #tpu.memory_space<vmem>>[vector<16xi32>, vector<16xi32>], vector<16xf32>,
      %gather3A_1004 = tpu.vector_load_idx %arg17[%add3A_1002, %add3A_976] : memref<64x128xf32, #tpu.memory_space<vmem>>[vector<16xi32>, vector<16xi32>], vector<16xf32>,
      %mul3A_1005 = arith.mulf %gather3A_1003, %gather3A_1004 : vector<16xf32>
      %add3A_1006 = arith.addf %add3A_999, %mul3A_1005 : vector<16xf32>
      %gather3A_1007 = tpu.vector_load_idx %arg21[%broadcast_in_dim3A_3, %add3A_970] : memref<1x128xf32, #tpu.memory_space<vmem>>[vector<16xi32>, vector<16xi32>], vector<16xf32>,
      %gather3A_1008 = tpu.vector_load_idx %arg25[%broadcast_in_dim3A_3, %add3A_976] : memref<1x128xf32, #tpu.memory_space<vmem>>[vector<16xi32>, vector<16xi32>], vector<16xf32>,
      %reduce_sum3A_1009 = arith.constant true
      %reduce_sum3A_1010 = vector.broadcast %reduce_sum3A_1009 : i1 to vector<16xi1>
      %reduce_sum3A_1011 = tpu.scan <sum>, %add3A_1006 masked %reduce_sum3A_1010 : vector<16xf32>, vector<16xi1> -> vector<16xf32>
      %reduce_sum3A_1012 = vector.extract %reduce_sum3A_1011[15] : f32 from vector<16xf32>
      %slice3A_1013 = vector.extract_strided_slice %gather3A_1007 {offsets = [0], sizes = [1], strides = [1]} : vector<16xf32> to vector<1xf32>
      %squeeze3A_1014 = vector.extract %slice3A_1013[0] : f32 from vector<1xf32>
      %add3A_1015 = arith.addf %reduce_sum3A_1012, %squeeze3A_1014 : f32
      %slice3A_1016 = vector.extract_strided_slice %gather3A_1008 {offsets = [0], sizes = [1], strides = [1]} : vector<16xf32> to vector<1xf32>
      %squeeze3A_1017 = vector.extract %slice3A_1016[0] : f32 from vector<1xf32>
      %add3A_1018 = arith.addf %add3A_1015, %squeeze3A_1017 : f32
      %eq3A_1019 = arith.constant 6 : i32
      %eq3A_1020 = vector.broadcast %eq3A_1019 : i32 to vector<16xi32>
      %eq3A_1021 = arith.cmpi eq, %iota3A, %eq3A_1020 : vector<16xi32>
      %broadcast_in_dim3A_1022 = vector.broadcast %add3A_1018 : f32 to vector<16xf32>
      %select_n3A_1023 = arith.select %eq3A_1021, %broadcast_in_dim3A_1022, %select_n3A_906 : vector<16xi1>, vector<16xf32>
      %slice3A_1024 = vector.extract_strided_slice %get3A_226 {offsets = [10], sizes = [1], strides = [1]} : vector<16xi32> to vector<1xi32>
      %squeeze3A_1025 = vector.extract %slice3A_1024[0] : i32 from vector<1xi32>
      %slice3A_1026 = vector.extract_strided_slice %get3A_228 {offsets = [10], sizes = [1], strides = [1]} : vector<16xi32> to vector<1xi32>
      %squeeze3A_1027 = vector.extract %slice3A_1026[0] : i32 from vector<1xi32>
      %shift_right_arithmetic3A_1028 = arith.constant 7 : i32
      %shift_right_arithmetic3A_1029 = arith.shrsi %squeeze3A_1025, %shift_right_arithmetic3A_1028 : i32
      %mul3A_1030 = arith.constant 128 : i32
      %mul3A_1031 = arith.muli %shift_right_arithmetic3A_1029, %mul3A_1030 : i32
      %multiple_of3A_1032 = tpu.assume_multiple %mul3A_1031, 128 : i32
      %shift_right_arithmetic3A_1033 = arith.constant 7 : i32
      %shift_right_arithmetic3A_1034 = arith.shrsi %squeeze3A_1027, %shift_right_arithmetic3A_1033 : i32
      %mul3A_1035 = arith.constant 128 : i32
      %mul3A_1036 = arith.muli %shift_right_arithmetic3A_1034, %mul3A_1035 : i32
      %multiple_of3A_1037 = tpu.assume_multiple %mul3A_1036, 128 : i32
      %dma_start3A_1038 = arith.constant 0 : i32
      %dma_start3A_1039 = tpu.memref_slice %arg4[%dma_start3A_1038, %multiple_of3A_1032] : memref<64x1000000xf32, #tpu.memory_space<hbm>> -> memref<64x128xf32, #tpu.memory_space<hbm>>
      %dma_start3A_1040 = arith.constant 0 : i32
      %dma_start3A_1041 = tpu.memref_slice %arg4[%dma_start3A_1040, %multiple_of3A_1032] : memref<64x1000000xf32, #tpu.memory_space<hbm>> -> memref<64x128xf32, #tpu.memory_space<hbm>>
      tpu.enqueue_dma source(%dma_start3A_1041 : memref<64x128xf32, #tpu.memory_space<hbm>>) target(%arg13 : memref<64x128xf32, #tpu.memory_space<vmem>>) target_semaphore(%arg28 : memref<!tpu.dma_semaphore, #tpu.memory_space<semaphore_mem>>)
      %dma_start3A_1042 = arith.constant 0 : i32
      %dma_start3A_1043 = tpu.memref_slice %arg5[%dma_start3A_1042, %multiple_of3A_1037] : memref<64x1000000xf32, #tpu.memory_space<hbm>> -> memref<64x128xf32, #tpu.memory_space<hbm>>
      %dma_start3A_1044 = arith.constant 0 : i32
      %dma_start3A_1045 = tpu.memref_slice %arg5[%dma_start3A_1044, %multiple_of3A_1037] : memref<64x1000000xf32, #tpu.memory_space<hbm>> -> memref<64x128xf32, #tpu.memory_space<hbm>>
      tpu.enqueue_dma source(%dma_start3A_1045 : memref<64x128xf32, #tpu.memory_space<hbm>>) target(%arg17 : memref<64x128xf32, #tpu.memory_space<vmem>>) target_semaphore(%arg28 : memref<!tpu.dma_semaphore, #tpu.memory_space<semaphore_mem>>)
      %dma_start3A_1046 = arith.constant 0 : i32
      %dma_start3A_1047 = tpu.memref_slice %arg6[%dma_start3A_1046, %multiple_of3A_1032] : memref<1x1000000xf32, #tpu.memory_space<hbm>> -> memref<1x128xf32, #tpu.memory_space<hbm>>
      %dma_start3A_1048 = arith.constant 0 : i32
      %dma_start3A_1049 = tpu.memref_slice %arg6[%dma_start3A_1048, %multiple_of3A_1032] : memref<1x1000000xf32, #tpu.memory_space<hbm>> -> memref<1x128xf32, #tpu.memory_space<hbm>>
      tpu.enqueue_dma source(%dma_start3A_1049 : memref<1x128xf32, #tpu.memory_space<hbm>>) target(%arg21 : memref<1x128xf32, #tpu.memory_space<vmem>>) target_semaphore(%arg28 : memref<!tpu.dma_semaphore, #tpu.memory_space<semaphore_mem>>)
      %dma_start3A_1050 = arith.constant 0 : i32
      %dma_start3A_1051 = tpu.memref_slice %arg7[%dma_start3A_1050, %multiple_of3A_1037] : memref<1x1000000xf32, #tpu.memory_space<hbm>> -> memref<1x128xf32, #tpu.memory_space<hbm>>
      %dma_start3A_1052 = arith.constant 0 : i32
      %dma_start3A_1053 = tpu.memref_slice %arg7[%dma_start3A_1052, %multiple_of3A_1037] : memref<1x1000000xf32, #tpu.memory_space<hbm>> -> memref<1x128xf32, #tpu.memory_space<hbm>>
      tpu.enqueue_dma source(%dma_start3A_1053 : memref<1x128xf32, #tpu.memory_space<hbm>>) target(%arg25 : memref<1x128xf32, #tpu.memory_space<vmem>>) target_semaphore(%arg28 : memref<!tpu.dma_semaphore, #tpu.memory_space<semaphore_mem>>)
      %dma_wait3A_1054 = arith.constant 0 : i32
      %dma_wait3A_1055 = arith.constant 0 : i32
      %dma_wait3A_1056 = tpu.memref_slice %arg4[%dma_wait3A_1054, %dma_wait3A_1055] : memref<64x1000000xf32, #tpu.memory_space<hbm>> -> memref<64x128xf32, #tpu.memory_space<hbm>>
      %dma_wait3A_1057 = arith.constant 0 : i32
      %dma_wait3A_1058 = arith.constant 0 : i32
      %dma_wait3A_1059 = tpu.memref_slice %arg4[%dma_wait3A_1057, %dma_wait3A_1058] : memref<64x1000000xf32, #tpu.memory_space<hbm>> -> memref<64x128xf32, #tpu.memory_space<hbm>>
      tpu.wait_dma2 semaphore(%arg28 : memref<!tpu.dma_semaphore, #tpu.memory_space<semaphore_mem>>) src(%dma_wait3A_1059 : memref<64x128xf32, #tpu.memory_space<hbm>>) dst(%arg14 : memref<64x128xf32, #tpu.memory_space<vmem>>)
      %dma_wait3A_1060 = arith.constant 0 : i32
      %dma_wait3A_1061 = arith.constant 0 : i32
      %dma_wait3A_1062 = tpu.memref_slice %arg5[%dma_wait3A_1060, %dma_wait3A_1061] : memref<64x1000000xf32, #tpu.memory_space<hbm>> -> memref<64x128xf32, #tpu.memory_space<hbm>>
      %dma_wait3A_1063 = arith.constant 0 : i32
      %dma_wait3A_1064 = arith.constant 0 : i32
      %dma_wait3A_1065 = tpu.memref_slice %arg5[%dma_wait3A_1063, %dma_wait3A_1064] : memref<64x1000000xf32, #tpu.memory_space<hbm>> -> memref<64x128xf32, #tpu.memory_space<hbm>>
      tpu.wait_dma2 semaphore(%arg28 : memref<!tpu.dma_semaphore, #tpu.memory_space<semaphore_mem>>) src(%dma_wait3A_1065 : memref<64x128xf32, #tpu.memory_space<hbm>>) dst(%arg18 : memref<64x128xf32, #tpu.memory_space<vmem>>)
      %dma_wait3A_1066 = arith.constant 0 : i32
      %dma_wait3A_1067 = arith.constant 0 : i32
      %dma_wait3A_1068 = tpu.memref_slice %arg6[%dma_wait3A_1066, %dma_wait3A_1067] : memref<1x1000000xf32, #tpu.memory_space<hbm>> -> memref<1x128xf32, #tpu.memory_space<hbm>>
      %dma_wait3A_1069 = arith.constant 0 : i32
      %dma_wait3A_1070 = arith.constant 0 : i32
      %dma_wait3A_1071 = tpu.memref_slice %arg6[%dma_wait3A_1069, %dma_wait3A_1070] : memref<1x1000000xf32, #tpu.memory_space<hbm>> -> memref<1x128xf32, #tpu.memory_space<hbm>>
      tpu.wait_dma2 semaphore(%arg28 : memref<!tpu.dma_semaphore, #tpu.memory_space<semaphore_mem>>) src(%dma_wait3A_1071 : memref<1x128xf32, #tpu.memory_space<hbm>>) dst(%arg22 : memref<1x128xf32, #tpu.memory_space<vmem>>)
      %dma_wait3A_1072 = arith.constant 0 : i32
      %dma_wait3A_1073 = arith.constant 0 : i32
      %dma_wait3A_1074 = tpu.memref_slice %arg7[%dma_wait3A_1072, %dma_wait3A_1073] : memref<1x1000000xf32, #tpu.memory_space<hbm>> -> memref<1x128xf32, #tpu.memory_space<hbm>>
      %dma_wait3A_1075 = arith.constant 0 : i32
      %dma_wait3A_1076 = arith.constant 0 : i32
      %dma_wait3A_1077 = tpu.memref_slice %arg7[%dma_wait3A_1075, %dma_wait3A_1076] : memref<1x1000000xf32, #tpu.memory_space<hbm>> -> memref<1x128xf32, #tpu.memory_space<hbm>>
      tpu.wait_dma2 semaphore(%arg28 : memref<!tpu.dma_semaphore, #tpu.memory_space<semaphore_mem>>) src(%dma_wait3A_1077 : memref<1x128xf32, #tpu.memory_space<hbm>>) dst(%arg26 : memref<1x128xf32, #tpu.memory_space<vmem>>)
      %slice3A_1078 = vector.extract_strided_slice %get3A_226 {offsets = [7], sizes = [1], strides = [1]} : vector<16xi32> to vector<1xi32>
      %squeeze3A_1079 = vector.extract %slice3A_1078[0] : i32 from vector<1xi32>
      %slice3A_1080 = vector.extract_strided_slice %get3A_228 {offsets = [7], sizes = [1], strides = [1]} : vector<16xi32> to vector<1xi32>
      %squeeze3A_1081 = vector.extract %slice3A_1080[0] : i32 from vector<1xi32>
      %broadcast_in_dim3A_1082 = arith.constant 0 : i32
      %broadcast_in_dim3A_1083 = vector.broadcast %broadcast_in_dim3A_1082 : i32 to vector<16xi32>
      %and3A_1084 = arith.constant 127 : i32
      %and3A_1085 = arith.andi %squeeze3A_1079, %and3A_1084 : i32
      %add3A_1086 = vector.broadcast %and3A_1085 : i32 to vector<16xi32>
      %add3A_1087 = arith.addi %broadcast_in_dim3A_1083, %add3A_1086 : vector<16xi32>
      %broadcast_in_dim3A_1088 = arith.constant 0 : i32
      %broadcast_in_dim3A_1089 = vector.broadcast %broadcast_in_dim3A_1088 : i32 to vector<16xi32>
      %and3A_1090 = arith.constant 127 : i32
      %and3A_1091 = arith.andi %squeeze3A_1081, %and3A_1090 : i32
      %add3A_1092 = vector.broadcast %and3A_1091 : i32 to vector<16xi32>
      %add3A_1093 = arith.addi %broadcast_in_dim3A_1089, %add3A_1092 : vector<16xi32>
      %broadcast_in_dim3A_1094 = arith.constant 0.000000e+00 : f32
      %broadcast_in_dim3A_1095 = vector.broadcast %broadcast_in_dim3A_1094 : f32 to vector<16xf32>
      %add3A_1096 = arith.constant 0 : i32
      %add3A_1097 = vector.broadcast %add3A_1096 : i32 to vector<16xi32>
      %add3A_1098 = arith.addi %iota3A, %add3A_1097 : vector<16xi32>
      %gather3A_1099 = tpu.vector_load_idx %arg14[%add3A_1098, %add3A_1087] : memref<64x128xf32, #tpu.memory_space<vmem>>[vector<16xi32>, vector<16xi32>], vector<16xf32>,
      %gather3A_1100 = tpu.vector_load_idx %arg18[%add3A_1098, %add3A_1093] : memref<64x128xf32, #tpu.memory_space<vmem>>[vector<16xi32>, vector<16xi32>], vector<16xf32>,
      %mul3A_1101 = arith.mulf %gather3A_1099, %gather3A_1100 : vector<16xf32>
      %add3A_1102 = arith.addf %broadcast_in_dim3A_1095, %mul3A_1101 : vector<16xf32>
      %add3A_1103 = arith.constant 16 : i32
      %add3A_1104 = vector.broadcast %add3A_1103 : i32 to vector<16xi32>
      %add3A_1105 = arith.addi %iota3A, %add3A_1104 : vector<16xi32>
      %gather3A_1106 = tpu.vector_load_idx %arg14[%add3A_1105, %add3A_1087] : memref<64x128xf32, #tpu.memory_space<vmem>>[vector<16xi32>, vector<16xi32>], vector<16xf32>,
      %gather3A_1107 = tpu.vector_load_idx %arg18[%add3A_1105, %add3A_1093] : memref<64x128xf32, #tpu.memory_space<vmem>>[vector<16xi32>, vector<16xi32>], vector<16xf32>,
      %mul3A_1108 = arith.mulf %gather3A_1106, %gather3A_1107 : vector<16xf32>
      %add3A_1109 = arith.addf %add3A_1102, %mul3A_1108 : vector<16xf32>
      %add3A_1110 = arith.constant 32 : i32
      %add3A_1111 = vector.broadcast %add3A_1110 : i32 to vector<16xi32>
      %add3A_1112 = arith.addi %iota3A, %add3A_1111 : vector<16xi32>
      %gather3A_1113 = tpu.vector_load_idx %arg14[%add3A_1112, %add3A_1087] : memref<64x128xf32, #tpu.memory_space<vmem>>[vector<16xi32>, vector<16xi32>], vector<16xf32>,
      %gather3A_1114 = tpu.vector_load_idx %arg18[%add3A_1112, %add3A_1093] : memref<64x128xf32, #tpu.memory_space<vmem>>[vector<16xi32>, vector<16xi32>], vector<16xf32>,
      %mul3A_1115 = arith.mulf %gather3A_1113, %gather3A_1114 : vector<16xf32>
      %add3A_1116 = arith.addf %add3A_1109, %mul3A_1115 : vector<16xf32>
      %add3A_1117 = arith.constant 48 : i32
      %add3A_1118 = vector.broadcast %add3A_1117 : i32 to vector<16xi32>
      %add3A_1119 = arith.addi %iota3A, %add3A_1118 : vector<16xi32>
      %gather3A_1120 = tpu.vector_load_idx %arg14[%add3A_1119, %add3A_1087] : memref<64x128xf32, #tpu.memory_space<vmem>>[vector<16xi32>, vector<16xi32>], vector<16xf32>,
      %gather3A_1121 = tpu.vector_load_idx %arg18[%add3A_1119, %add3A_1093] : memref<64x128xf32, #tpu.memory_space<vmem>>[vector<16xi32>, vector<16xi32>], vector<16xf32>,
      %mul3A_1122 = arith.mulf %gather3A_1120, %gather3A_1121 : vector<16xf32>
      %add3A_1123 = arith.addf %add3A_1116, %mul3A_1122 : vector<16xf32>
      %gather3A_1124 = tpu.vector_load_idx %arg22[%broadcast_in_dim3A_3, %add3A_1087] : memref<1x128xf32, #tpu.memory_space<vmem>>[vector<16xi32>, vector<16xi32>], vector<16xf32>,
      %gather3A_1125 = tpu.vector_load_idx %arg26[%broadcast_in_dim3A_3, %add3A_1093] : memref<1x128xf32, #tpu.memory_space<vmem>>[vector<16xi32>, vector<16xi32>], vector<16xf32>,
      %reduce_sum3A_1126 = arith.constant true
      %reduce_sum3A_1127 = vector.broadcast %reduce_sum3A_1126 : i1 to vector<16xi1>
      %reduce_sum3A_1128 = tpu.scan <sum>, %add3A_1123 masked %reduce_sum3A_1127 : vector<16xf32>, vector<16xi1> -> vector<16xf32>
      %reduce_sum3A_1129 = vector.extract %reduce_sum3A_1128[15] : f32 from vector<16xf32>
      %slice3A_1130 = vector.extract_strided_slice %gather3A_1124 {offsets = [0], sizes = [1], strides = [1]} : vector<16xf32> to vector<1xf32>
      %squeeze3A_1131 = vector.extract %slice3A_1130[0] : f32 from vector<1xf32>
      %add3A_1132 = arith.addf %reduce_sum3A_1129, %squeeze3A_1131 : f32
      %slice3A_1133 = vector.extract_strided_slice %gather3A_1125 {offsets = [0], sizes = [1], strides = [1]} : vector<16xf32> to vector<1xf32>
      %squeeze3A_1134 = vector.extract %slice3A_1133[0] : f32 from vector<1xf32>
      %add3A_1135 = arith.addf %add3A_1132, %squeeze3A_1134 : f32
      %eq3A_1136 = arith.constant 7 : i32
      %eq3A_1137 = vector.broadcast %eq3A_1136 : i32 to vector<16xi32>
      %eq3A_1138 = arith.cmpi eq, %iota3A, %eq3A_1137 : vector<16xi32>
      %broadcast_in_dim3A_1139 = vector.broadcast %add3A_1135 : f32 to vector<16xf32>
      %select_n3A_1140 = arith.select %eq3A_1138, %broadcast_in_dim3A_1139, %select_n3A_1023 : vector<16xi1>, vector<16xf32>
      %slice3A_1141 = vector.extract_strided_slice %get3A_226 {offsets = [11], sizes = [1], strides = [1]} : vector<16xi32> to vector<1xi32>
      %squeeze3A_1142 = vector.extract %slice3A_1141[0] : i32 from vector<1xi32>
      %slice3A_1143 = vector.extract_strided_slice %get3A_228 {offsets = [11], sizes = [1], strides = [1]} : vector<16xi32> to vector<1xi32>
      %squeeze3A_1144 = vector.extract %slice3A_1143[0] : i32 from vector<1xi32>
      %shift_right_arithmetic3A_1145 = arith.constant 7 : i32
      %shift_right_arithmetic3A_1146 = arith.shrsi %squeeze3A_1142, %shift_right_arithmetic3A_1145 : i32
      %mul3A_1147 = arith.constant 128 : i32
      %mul3A_1148 = arith.muli %shift_right_arithmetic3A_1146, %mul3A_1147 : i32
      %multiple_of3A_1149 = tpu.assume_multiple %mul3A_1148, 128 : i32
      %shift_right_arithmetic3A_1150 = arith.constant 7 : i32
      %shift_right_arithmetic3A_1151 = arith.shrsi %squeeze3A_1144, %shift_right_arithmetic3A_1150 : i32
      %mul3A_1152 = arith.constant 128 : i32
      %mul3A_1153 = arith.muli %shift_right_arithmetic3A_1151, %mul3A_1152 : i32
      %multiple_of3A_1154 = tpu.assume_multiple %mul3A_1153, 128 : i32
      %dma_start3A_1155 = arith.constant 0 : i32
      %dma_start3A_1156 = tpu.memref_slice %arg4[%dma_start3A_1155, %multiple_of3A_1149] : memref<64x1000000xf32, #tpu.memory_space<hbm>> -> memref<64x128xf32, #tpu.memory_space<hbm>>
      %dma_start3A_1157 = arith.constant 0 : i32
      %dma_start3A_1158 = tpu.memref_slice %arg4[%dma_start3A_1157, %multiple_of3A_1149] : memref<64x1000000xf32, #tpu.memory_space<hbm>> -> memref<64x128xf32, #tpu.memory_space<hbm>>
      tpu.enqueue_dma source(%dma_start3A_1158 : memref<64x128xf32, #tpu.memory_space<hbm>>) target(%arg14 : memref<64x128xf32, #tpu.memory_space<vmem>>) target_semaphore(%arg28 : memref<!tpu.dma_semaphore, #tpu.memory_space<semaphore_mem>>)
      %dma_start3A_1159 = arith.constant 0 : i32
      %dma_start3A_1160 = tpu.memref_slice %arg5[%dma_start3A_1159, %multiple_of3A_1154] : memref<64x1000000xf32, #tpu.memory_space<hbm>> -> memref<64x128xf32, #tpu.memory_space<hbm>>
      %dma_start3A_1161 = arith.constant 0 : i32
      %dma_start3A_1162 = tpu.memref_slice %arg5[%dma_start3A_1161, %multiple_of3A_1154] : memref<64x1000000xf32, #tpu.memory_space<hbm>> -> memref<64x128xf32, #tpu.memory_space<hbm>>
      tpu.enqueue_dma source(%dma_start3A_1162 : memref<64x128xf32, #tpu.memory_space<hbm>>) target(%arg18 : memref<64x128xf32, #tpu.memory_space<vmem>>) target_semaphore(%arg28 : memref<!tpu.dma_semaphore, #tpu.memory_space<semaphore_mem>>)
      %dma_start3A_1163 = arith.constant 0 : i32
      %dma_start3A_1164 = tpu.memref_slice %arg6[%dma_start3A_1163, %multiple_of3A_1149] : memref<1x1000000xf32, #tpu.memory_space<hbm>> -> memref<1x128xf32, #tpu.memory_space<hbm>>
      %dma_start3A_1165 = arith.constant 0 : i32
      %dma_start3A_1166 = tpu.memref_slice %arg6[%dma_start3A_1165, %multiple_of3A_1149] : memref<1x1000000xf32, #tpu.memory_space<hbm>> -> memref<1x128xf32, #tpu.memory_space<hbm>>
      tpu.enqueue_dma source(%dma_start3A_1166 : memref<1x128xf32, #tpu.memory_space<hbm>>) target(%arg22 : memref<1x128xf32, #tpu.memory_space<vmem>>) target_semaphore(%arg28 : memref<!tpu.dma_semaphore, #tpu.memory_space<semaphore_mem>>)
      %dma_start3A_1167 = arith.constant 0 : i32
      %dma_start3A_1168 = tpu.memref_slice %arg7[%dma_start3A_1167, %multiple_of3A_1154] : memref<1x1000000xf32, #tpu.memory_space<hbm>> -> memref<1x128xf32, #tpu.memory_space<hbm>>
      %dma_start3A_1169 = arith.constant 0 : i32
      %dma_start3A_1170 = tpu.memref_slice %arg7[%dma_start3A_1169, %multiple_of3A_1154] : memref<1x1000000xf32, #tpu.memory_space<hbm>> -> memref<1x128xf32, #tpu.memory_space<hbm>>
      tpu.enqueue_dma source(%dma_start3A_1170 : memref<1x128xf32, #tpu.memory_space<hbm>>) target(%arg26 : memref<1x128xf32, #tpu.memory_space<vmem>>) target_semaphore(%arg28 : memref<!tpu.dma_semaphore, #tpu.memory_space<semaphore_mem>>)
      %dma_wait3A_1171 = arith.constant 0 : i32
      %dma_wait3A_1172 = arith.constant 0 : i32
      %dma_wait3A_1173 = tpu.memref_slice %arg4[%dma_wait3A_1171, %dma_wait3A_1172] : memref<64x1000000xf32, #tpu.memory_space<hbm>> -> memref<64x128xf32, #tpu.memory_space<hbm>>
      %dma_wait3A_1174 = arith.constant 0 : i32
      %dma_wait3A_1175 = arith.constant 0 : i32
      %dma_wait3A_1176 = tpu.memref_slice %arg4[%dma_wait3A_1174, %dma_wait3A_1175] : memref<64x1000000xf32, #tpu.memory_space<hbm>> -> memref<64x128xf32, #tpu.memory_space<hbm>>
      tpu.wait_dma2 semaphore(%arg28 : memref<!tpu.dma_semaphore, #tpu.memory_space<semaphore_mem>>) src(%dma_wait3A_1176 : memref<64x128xf32, #tpu.memory_space<hbm>>) dst(%arg11 : memref<64x128xf32, #tpu.memory_space<vmem>>)
      %dma_wait3A_1177 = arith.constant 0 : i32
      %dma_wait3A_1178 = arith.constant 0 : i32
      %dma_wait3A_1179 = tpu.memref_slice %arg5[%dma_wait3A_1177, %dma_wait3A_1178] : memref<64x1000000xf32, #tpu.memory_space<hbm>> -> memref<64x128xf32, #tpu.memory_space<hbm>>
      %dma_wait3A_1180 = arith.constant 0 : i32
      %dma_wait3A_1181 = arith.constant 0 : i32
      %dma_wait3A_1182 = tpu.memref_slice %arg5[%dma_wait3A_1180, %dma_wait3A_1181] : memref<64x1000000xf32, #tpu.memory_space<hbm>> -> memref<64x128xf32, #tpu.memory_space<hbm>>
      tpu.wait_dma2 semaphore(%arg28 : memref<!tpu.dma_semaphore, #tpu.memory_space<semaphore_mem>>) src(%dma_wait3A_1182 : memref<64x128xf32, #tpu.memory_space<hbm>>) dst(%arg15 : memref<64x128xf32, #tpu.memory_space<vmem>>)
      %dma_wait3A_1183 = arith.constant 0 : i32
      %dma_wait3A_1184 = arith.constant 0 : i32
      %dma_wait3A_1185 = tpu.memref_slice %arg6[%dma_wait3A_1183, %dma_wait3A_1184] : memref<1x1000000xf32, #tpu.memory_space<hbm>> -> memref<1x128xf32, #tpu.memory_space<hbm>>
      %dma_wait3A_1186 = arith.constant 0 : i32
      %dma_wait3A_1187 = arith.constant 0 : i32
      %dma_wait3A_1188 = tpu.memref_slice %arg6[%dma_wait3A_1186, %dma_wait3A_1187] : memref<1x1000000xf32, #tpu.memory_space<hbm>> -> memref<1x128xf32, #tpu.memory_space<hbm>>
      tpu.wait_dma2 semaphore(%arg28 : memref<!tpu.dma_semaphore, #tpu.memory_space<semaphore_mem>>) src(%dma_wait3A_1188 : memref<1x128xf32, #tpu.memory_space<hbm>>) dst(%arg19 : memref<1x128xf32, #tpu.memory_space<vmem>>)
      %dma_wait3A_1189 = arith.constant 0 : i32
      %dma_wait3A_1190 = arith.constant 0 : i32
      %dma_wait3A_1191 = tpu.memref_slice %arg7[%dma_wait3A_1189, %dma_wait3A_1190] : memref<1x1000000xf32, #tpu.memory_space<hbm>> -> memref<1x128xf32, #tpu.memory_space<hbm>>
      %dma_wait3A_1192 = arith.constant 0 : i32
      %dma_wait3A_1193 = arith.constant 0 : i32
      %dma_wait3A_1194 = tpu.memref_slice %arg7[%dma_wait3A_1192, %dma_wait3A_1193] : memref<1x1000000xf32, #tpu.memory_space<hbm>> -> memref<1x128xf32, #tpu.memory_space<hbm>>
      tpu.wait_dma2 semaphore(%arg28 : memref<!tpu.dma_semaphore, #tpu.memory_space<semaphore_mem>>) src(%dma_wait3A_1194 : memref<1x128xf32, #tpu.memory_space<hbm>>) dst(%arg23 : memref<1x128xf32, #tpu.memory_space<vmem>>)
      %slice3A_1195 = vector.extract_strided_slice %get3A_226 {offsets = [8], sizes = [1], strides = [1]} : vector<16xi32> to vector<1xi32>
      %squeeze3A_1196 = vector.extract %slice3A_1195[0] : i32 from vector<1xi32>
      %slice3A_1197 = vector.extract_strided_slice %get3A_228 {offsets = [8], sizes = [1], strides = [1]} : vector<16xi32> to vector<1xi32>
      %squeeze3A_1198 = vector.extract %slice3A_1197[0] : i32 from vector<1xi32>
      %broadcast_in_dim3A_1199 = arith.constant 0 : i32
      %broadcast_in_dim3A_1200 = vector.broadcast %broadcast_in_dim3A_1199 : i32 to vector<16xi32>
      %and3A_1201 = arith.constant 127 : i32
      %and3A_1202 = arith.andi %squeeze3A_1196, %and3A_1201 : i32
      %add3A_1203 = vector.broadcast %and3A_1202 : i32 to vector<16xi32>
      %add3A_1204 = arith.addi %broadcast_in_dim3A_1200, %add3A_1203 : vector<16xi32>
      %broadcast_in_dim3A_1205 = arith.constant 0 : i32
      %broadcast_in_dim3A_1206 = vector.broadcast %broadcast_in_dim3A_1205 : i32 to vector<16xi32>
      %and3A_1207 = arith.constant 127 : i32
      %and3A_1208 = arith.andi %squeeze3A_1198, %and3A_1207 : i32
      %add3A_1209 = vector.broadcast %and3A_1208 : i32 to vector<16xi32>
      %add3A_1210 = arith.addi %broadcast_in_dim3A_1206, %add3A_1209 : vector<16xi32>
      %broadcast_in_dim3A_1211 = arith.constant 0.000000e+00 : f32
      %broadcast_in_dim3A_1212 = vector.broadcast %broadcast_in_dim3A_1211 : f32 to vector<16xf32>
      %add3A_1213 = arith.constant 0 : i32
      %add3A_1214 = vector.broadcast %add3A_1213 : i32 to vector<16xi32>
      %add3A_1215 = arith.addi %iota3A, %add3A_1214 : vector<16xi32>
      %gather3A_1216 = tpu.vector_load_idx %arg11[%add3A_1215, %add3A_1204] : memref<64x128xf32, #tpu.memory_space<vmem>>[vector<16xi32>, vector<16xi32>], vector<16xf32>,
      %gather3A_1217 = tpu.vector_load_idx %arg15[%add3A_1215, %add3A_1210] : memref<64x128xf32, #tpu.memory_space<vmem>>[vector<16xi32>, vector<16xi32>], vector<16xf32>,
      %mul3A_1218 = arith.mulf %gather3A_1216, %gather3A_1217 : vector<16xf32>
      %add3A_1219 = arith.addf %broadcast_in_dim3A_1212, %mul3A_1218 : vector<16xf32>
      %add3A_1220 = arith.constant 16 : i32
      %add3A_1221 = vector.broadcast %add3A_1220 : i32 to vector<16xi32>
      %add3A_1222 = arith.addi %iota3A, %add3A_1221 : vector<16xi32>
      %gather3A_1223 = tpu.vector_load_idx %arg11[%add3A_1222, %add3A_1204] : memref<64x128xf32, #tpu.memory_space<vmem>>[vector<16xi32>, vector<16xi32>], vector<16xf32>,
      %gather3A_1224 = tpu.vector_load_idx %arg15[%add3A_1222, %add3A_1210] : memref<64x128xf32, #tpu.memory_space<vmem>>[vector<16xi32>, vector<16xi32>], vector<16xf32>,
      %mul3A_1225 = arith.mulf %gather3A_1223, %gather3A_1224 : vector<16xf32>
      %add3A_1226 = arith.addf %add3A_1219, %mul3A_1225 : vector<16xf32>
      %add3A_1227 = arith.constant 32 : i32
      %add3A_1228 = vector.broadcast %add3A_1227 : i32 to vector<16xi32>
      %add3A_1229 = arith.addi %iota3A, %add3A_1228 : vector<16xi32>
      %gather3A_1230 = tpu.vector_load_idx %arg11[%add3A_1229, %add3A_1204] : memref<64x128xf32, #tpu.memory_space<vmem>>[vector<16xi32>, vector<16xi32>], vector<16xf32>,
      %gather3A_1231 = tpu.vector_load_idx %arg15[%add3A_1229, %add3A_1210] : memref<64x128xf32, #tpu.memory_space<vmem>>[vector<16xi32>, vector<16xi32>], vector<16xf32>,
      %mul3A_1232 = arith.mulf %gather3A_1230, %gather3A_1231 : vector<16xf32>
      %add3A_1233 = arith.addf %add3A_1226, %mul3A_1232 : vector<16xf32>
      %add3A_1234 = arith.constant 48 : i32
      %add3A_1235 = vector.broadcast %add3A_1234 : i32 to vector<16xi32>
      %add3A_1236 = arith.addi %iota3A, %add3A_1235 : vector<16xi32>
      %gather3A_1237 = tpu.vector_load_idx %arg11[%add3A_1236, %add3A_1204] : memref<64x128xf32, #tpu.memory_space<vmem>>[vector<16xi32>, vector<16xi32>], vector<16xf32>,
      %gather3A_1238 = tpu.vector_load_idx %arg15[%add3A_1236, %add3A_1210] : memref<64x128xf32, #tpu.memory_space<vmem>>[vector<16xi32>, vector<16xi32>], vector<16xf32>,
      %mul3A_1239 = arith.mulf %gather3A_1237, %gather3A_1238 : vector<16xf32>
      %add3A_1240 = arith.addf %add3A_1233, %mul3A_1239 : vector<16xf32>
      %gather3A_1241 = tpu.vector_load_idx %arg19[%broadcast_in_dim3A_3, %add3A_1204] : memref<1x128xf32, #tpu.memory_space<vmem>>[vector<16xi32>, vector<16xi32>], vector<16xf32>,
      %gather3A_1242 = tpu.vector_load_idx %arg23[%broadcast_in_dim3A_3, %add3A_1210] : memref<1x128xf32, #tpu.memory_space<vmem>>[vector<16xi32>, vector<16xi32>], vector<16xf32>,
      %reduce_sum3A_1243 = arith.constant true
      %reduce_sum3A_1244 = vector.broadcast %reduce_sum3A_1243 : i1 to vector<16xi1>
      %reduce_sum3A_1245 = tpu.scan <sum>, %add3A_1240 masked %reduce_sum3A_1244 : vector<16xf32>, vector<16xi1> -> vector<16xf32>
      %reduce_sum3A_1246 = vector.extract %reduce_sum3A_1245[15] : f32 from vector<16xf32>
      %slice3A_1247 = vector.extract_strided_slice %gather3A_1241 {offsets = [0], sizes = [1], strides = [1]} : vector<16xf32> to vector<1xf32>
      %squeeze3A_1248 = vector.extract %slice3A_1247[0] : f32 from vector<1xf32>
      %add3A_1249 = arith.addf %reduce_sum3A_1246, %squeeze3A_1248 : f32
      %slice3A_1250 = vector.extract_strided_slice %gather3A_1242 {offsets = [0], sizes = [1], strides = [1]} : vector<16xf32> to vector<1xf32>
      %squeeze3A_1251 = vector.extract %slice3A_1250[0] : f32 from vector<1xf32>
      %add3A_1252 = arith.addf %add3A_1249, %squeeze3A_1251 : f32
      %eq3A_1253 = arith.constant 8 : i32
      %eq3A_1254 = vector.broadcast %eq3A_1253 : i32 to vector<16xi32>
      %eq3A_1255 = arith.cmpi eq, %iota3A, %eq3A_1254 : vector<16xi32>
      %broadcast_in_dim3A_1256 = vector.broadcast %add3A_1252 : f32 to vector<16xf32>
      %select_n3A_1257 = arith.select %eq3A_1255, %broadcast_in_dim3A_1256, %select_n3A_1140 : vector<16xi1>, vector<16xf32>
      %slice3A_1258 = vector.extract_strided_slice %get3A_226 {offsets = [12], sizes = [1], strides = [1]} : vector<16xi32> to vector<1xi32>
      %squeeze3A_1259 = vector.extract %slice3A_1258[0] : i32 from vector<1xi32>
      %slice3A_1260 = vector.extract_strided_slice %get3A_228 {offsets = [12], sizes = [1], strides = [1]} : vector<16xi32> to vector<1xi32>
      %squeeze3A_1261 = vector.extract %slice3A_1260[0] : i32 from vector<1xi32>
      %shift_right_arithmetic3A_1262 = arith.constant 7 : i32
      %shift_right_arithmetic3A_1263 = arith.shrsi %squeeze3A_1259, %shift_right_arithmetic3A_1262 : i32
      %mul3A_1264 = arith.constant 128 : i32
      %mul3A_1265 = arith.muli %shift_right_arithmetic3A_1263, %mul3A_1264 : i32
      %multiple_of3A_1266 = tpu.assume_multiple %mul3A_1265, 128 : i32
      %shift_right_arithmetic3A_1267 = arith.constant 7 : i32
      %shift_right_arithmetic3A_1268 = arith.shrsi %squeeze3A_1261, %shift_right_arithmetic3A_1267 : i32
      %mul3A_1269 = arith.constant 128 : i32
      %mul3A_1270 = arith.muli %shift_right_arithmetic3A_1268, %mul3A_1269 : i32
      %multiple_of3A_1271 = tpu.assume_multiple %mul3A_1270, 128 : i32
      %dma_start3A_1272 = arith.constant 0 : i32
      %dma_start3A_1273 = tpu.memref_slice %arg4[%dma_start3A_1272, %multiple_of3A_1266] : memref<64x1000000xf32, #tpu.memory_space<hbm>> -> memref<64x128xf32, #tpu.memory_space<hbm>>
      %dma_start3A_1274 = arith.constant 0 : i32
      %dma_start3A_1275 = tpu.memref_slice %arg4[%dma_start3A_1274, %multiple_of3A_1266] : memref<64x1000000xf32, #tpu.memory_space<hbm>> -> memref<64x128xf32, #tpu.memory_space<hbm>>
      tpu.enqueue_dma source(%dma_start3A_1275 : memref<64x128xf32, #tpu.memory_space<hbm>>) target(%arg11 : memref<64x128xf32, #tpu.memory_space<vmem>>) target_semaphore(%arg28 : memref<!tpu.dma_semaphore, #tpu.memory_space<semaphore_mem>>)
      %dma_start3A_1276 = arith.constant 0 : i32
      %dma_start3A_1277 = tpu.memref_slice %arg5[%dma_start3A_1276, %multiple_of3A_1271] : memref<64x1000000xf32, #tpu.memory_space<hbm>> -> memref<64x128xf32, #tpu.memory_space<hbm>>
      %dma_start3A_1278 = arith.constant 0 : i32
      %dma_start3A_1279 = tpu.memref_slice %arg5[%dma_start3A_1278, %multiple_of3A_1271] : memref<64x1000000xf32, #tpu.memory_space<hbm>> -> memref<64x128xf32, #tpu.memory_space<hbm>>
      tpu.enqueue_dma source(%dma_start3A_1279 : memref<64x128xf32, #tpu.memory_space<hbm>>) target(%arg15 : memref<64x128xf32, #tpu.memory_space<vmem>>) target_semaphore(%arg28 : memref<!tpu.dma_semaphore, #tpu.memory_space<semaphore_mem>>)
      %dma_start3A_1280 = arith.constant 0 : i32
      %dma_start3A_1281 = tpu.memref_slice %arg6[%dma_start3A_1280, %multiple_of3A_1266] : memref<1x1000000xf32, #tpu.memory_space<hbm>> -> memref<1x128xf32, #tpu.memory_space<hbm>>
      %dma_start3A_1282 = arith.constant 0 : i32
      %dma_start3A_1283 = tpu.memref_slice %arg6[%dma_start3A_1282, %multiple_of3A_1266] : memref<1x1000000xf32, #tpu.memory_space<hbm>> -> memref<1x128xf32, #tpu.memory_space<hbm>>
      tpu.enqueue_dma source(%dma_start3A_1283 : memref<1x128xf32, #tpu.memory_space<hbm>>) target(%arg19 : memref<1x128xf32, #tpu.memory_space<vmem>>) target_semaphore(%arg28 : memref<!tpu.dma_semaphore, #tpu.memory_space<semaphore_mem>>)
      %dma_start3A_1284 = arith.constant 0 : i32
      %dma_start3A_1285 = tpu.memref_slice %arg7[%dma_start3A_1284, %multiple_of3A_1271] : memref<1x1000000xf32, #tpu.memory_space<hbm>> -> memref<1x128xf32, #tpu.memory_space<hbm>>
      %dma_start3A_1286 = arith.constant 0 : i32
      %dma_start3A_1287 = tpu.memref_slice %arg7[%dma_start3A_1286, %multiple_of3A_1271] : memref<1x1000000xf32, #tpu.memory_space<hbm>> -> memref<1x128xf32, #tpu.memory_space<hbm>>
      tpu.enqueue_dma source(%dma_start3A_1287 : memref<1x128xf32, #tpu.memory_space<hbm>>) target(%arg23 : memref<1x128xf32, #tpu.memory_space<vmem>>) target_semaphore(%arg28 : memref<!tpu.dma_semaphore, #tpu.memory_space<semaphore_mem>>)
      %dma_wait3A_1288 = arith.constant 0 : i32
      %dma_wait3A_1289 = arith.constant 0 : i32
      %dma_wait3A_1290 = tpu.memref_slice %arg4[%dma_wait3A_1288, %dma_wait3A_1289] : memref<64x1000000xf32, #tpu.memory_space<hbm>> -> memref<64x128xf32, #tpu.memory_space<hbm>>
      %dma_wait3A_1291 = arith.constant 0 : i32
      %dma_wait3A_1292 = arith.constant 0 : i32
      %dma_wait3A_1293 = tpu.memref_slice %arg4[%dma_wait3A_1291, %dma_wait3A_1292] : memref<64x1000000xf32, #tpu.memory_space<hbm>> -> memref<64x128xf32, #tpu.memory_space<hbm>>
      tpu.wait_dma2 semaphore(%arg28 : memref<!tpu.dma_semaphore, #tpu.memory_space<semaphore_mem>>) src(%dma_wait3A_1293 : memref<64x128xf32, #tpu.memory_space<hbm>>) dst(%arg12 : memref<64x128xf32, #tpu.memory_space<vmem>>)
      %dma_wait3A_1294 = arith.constant 0 : i32
      %dma_wait3A_1295 = arith.constant 0 : i32
      %dma_wait3A_1296 = tpu.memref_slice %arg5[%dma_wait3A_1294, %dma_wait3A_1295] : memref<64x1000000xf32, #tpu.memory_space<hbm>> -> memref<64x128xf32, #tpu.memory_space<hbm>>
      %dma_wait3A_1297 = arith.constant 0 : i32
      %dma_wait3A_1298 = arith.constant 0 : i32
      %dma_wait3A_1299 = tpu.memref_slice %arg5[%dma_wait3A_1297, %dma_wait3A_1298] : memref<64x1000000xf32, #tpu.memory_space<hbm>> -> memref<64x128xf32, #tpu.memory_space<hbm>>
      tpu.wait_dma2 semaphore(%arg28 : memref<!tpu.dma_semaphore, #tpu.memory_space<semaphore_mem>>) src(%dma_wait3A_1299 : memref<64x128xf32, #tpu.memory_space<hbm>>) dst(%arg16 : memref<64x128xf32, #tpu.memory_space<vmem>>)
      %dma_wait3A_1300 = arith.constant 0 : i32
      %dma_wait3A_1301 = arith.constant 0 : i32
      %dma_wait3A_1302 = tpu.memref_slice %arg6[%dma_wait3A_1300, %dma_wait3A_1301] : memref<1x1000000xf32, #tpu.memory_space<hbm>> -> memref<1x128xf32, #tpu.memory_space<hbm>>
      %dma_wait3A_1303 = arith.constant 0 : i32
      %dma_wait3A_1304 = arith.constant 0 : i32
      %dma_wait3A_1305 = tpu.memref_slice %arg6[%dma_wait3A_1303, %dma_wait3A_1304] : memref<1x1000000xf32, #tpu.memory_space<hbm>> -> memref<1x128xf32, #tpu.memory_space<hbm>>
      tpu.wait_dma2 semaphore(%arg28 : memref<!tpu.dma_semaphore, #tpu.memory_space<semaphore_mem>>) src(%dma_wait3A_1305 : memref<1x128xf32, #tpu.memory_space<hbm>>) dst(%arg20 : memref<1x128xf32, #tpu.memory_space<vmem>>)
      %dma_wait3A_1306 = arith.constant 0 : i32
      %dma_wait3A_1307 = arith.constant 0 : i32
      %dma_wait3A_1308 = tpu.memref_slice %arg7[%dma_wait3A_1306, %dma_wait3A_1307] : memref<1x1000000xf32, #tpu.memory_space<hbm>> -> memref<1x128xf32, #tpu.memory_space<hbm>>
      %dma_wait3A_1309 = arith.constant 0 : i32
      %dma_wait3A_1310 = arith.constant 0 : i32
      %dma_wait3A_1311 = tpu.memref_slice %arg7[%dma_wait3A_1309, %dma_wait3A_1310] : memref<1x1000000xf32, #tpu.memory_space<hbm>> -> memref<1x128xf32, #tpu.memory_space<hbm>>
      tpu.wait_dma2 semaphore(%arg28 : memref<!tpu.dma_semaphore, #tpu.memory_space<semaphore_mem>>) src(%dma_wait3A_1311 : memref<1x128xf32, #tpu.memory_space<hbm>>) dst(%arg24 : memref<1x128xf32, #tpu.memory_space<vmem>>)
      %slice3A_1312 = vector.extract_strided_slice %get3A_226 {offsets = [9], sizes = [1], strides = [1]} : vector<16xi32> to vector<1xi32>
      %squeeze3A_1313 = vector.extract %slice3A_1312[0] : i32 from vector<1xi32>
      %slice3A_1314 = vector.extract_strided_slice %get3A_228 {offsets = [9], sizes = [1], strides = [1]} : vector<16xi32> to vector<1xi32>
      %squeeze3A_1315 = vector.extract %slice3A_1314[0] : i32 from vector<1xi32>
      %broadcast_in_dim3A_1316 = arith.constant 0 : i32
      %broadcast_in_dim3A_1317 = vector.broadcast %broadcast_in_dim3A_1316 : i32 to vector<16xi32>
      %and3A_1318 = arith.constant 127 : i32
      %and3A_1319 = arith.andi %squeeze3A_1313, %and3A_1318 : i32
      %add3A_1320 = vector.broadcast %and3A_1319 : i32 to vector<16xi32>
      %add3A_1321 = arith.addi %broadcast_in_dim3A_1317, %add3A_1320 : vector<16xi32>
      %broadcast_in_dim3A_1322 = arith.constant 0 : i32
      %broadcast_in_dim3A_1323 = vector.broadcast %broadcast_in_dim3A_1322 : i32 to vector<16xi32>
      %and3A_1324 = arith.constant 127 : i32
      %and3A_1325 = arith.andi %squeeze3A_1315, %and3A_1324 : i32
      %add3A_1326 = vector.broadcast %and3A_1325 : i32 to vector<16xi32>
      %add3A_1327 = arith.addi %broadcast_in_dim3A_1323, %add3A_1326 : vector<16xi32>
      %broadcast_in_dim3A_1328 = arith.constant 0.000000e+00 : f32
      %broadcast_in_dim3A_1329 = vector.broadcast %broadcast_in_dim3A_1328 : f32 to vector<16xf32>
      %add3A_1330 = arith.constant 0 : i32
      %add3A_1331 = vector.broadcast %add3A_1330 : i32 to vector<16xi32>
      %add3A_1332 = arith.addi %iota3A, %add3A_1331 : vector<16xi32>
      %gather3A_1333 = tpu.vector_load_idx %arg12[%add3A_1332, %add3A_1321] : memref<64x128xf32, #tpu.memory_space<vmem>>[vector<16xi32>, vector<16xi32>], vector<16xf32>,
      %gather3A_1334 = tpu.vector_load_idx %arg16[%add3A_1332, %add3A_1327] : memref<64x128xf32, #tpu.memory_space<vmem>>[vector<16xi32>, vector<16xi32>], vector<16xf32>,
      %mul3A_1335 = arith.mulf %gather3A_1333, %gather3A_1334 : vector<16xf32>
      %add3A_1336 = arith.addf %broadcast_in_dim3A_1329, %mul3A_1335 : vector<16xf32>
      %add3A_1337 = arith.constant 16 : i32
      %add3A_1338 = vector.broadcast %add3A_1337 : i32 to vector<16xi32>
      %add3A_1339 = arith.addi %iota3A, %add3A_1338 : vector<16xi32>
      %gather3A_1340 = tpu.vector_load_idx %arg12[%add3A_1339, %add3A_1321] : memref<64x128xf32, #tpu.memory_space<vmem>>[vector<16xi32>, vector<16xi32>], vector<16xf32>,
      %gather3A_1341 = tpu.vector_load_idx %arg16[%add3A_1339, %add3A_1327] : memref<64x128xf32, #tpu.memory_space<vmem>>[vector<16xi32>, vector<16xi32>], vector<16xf32>,
      %mul3A_1342 = arith.mulf %gather3A_1340, %gather3A_1341 : vector<16xf32>
      %add3A_1343 = arith.addf %add3A_1336, %mul3A_1342 : vector<16xf32>
      %add3A_1344 = arith.constant 32 : i32
      %add3A_1345 = vector.broadcast %add3A_1344 : i32 to vector<16xi32>
      %add3A_1346 = arith.addi %iota3A, %add3A_1345 : vector<16xi32>
      %gather3A_1347 = tpu.vector_load_idx %arg12[%add3A_1346, %add3A_1321] : memref<64x128xf32, #tpu.memory_space<vmem>>[vector<16xi32>, vector<16xi32>], vector<16xf32>,
      %gather3A_1348 = tpu.vector_load_idx %arg16[%add3A_1346, %add3A_1327] : memref<64x128xf32, #tpu.memory_space<vmem>>[vector<16xi32>, vector<16xi32>], vector<16xf32>,
      %mul3A_1349 = arith.mulf %gather3A_1347, %gather3A_1348 : vector<16xf32>
      %add3A_1350 = arith.addf %add3A_1343, %mul3A_1349 : vector<16xf32>
      %add3A_1351 = arith.constant 48 : i32
      %add3A_1352 = vector.broadcast %add3A_1351 : i32 to vector<16xi32>
      %add3A_1353 = arith.addi %iota3A, %add3A_1352 : vector<16xi32>
      %gather3A_1354 = tpu.vector_load_idx %arg12[%add3A_1353, %add3A_1321] : memref<64x128xf32, #tpu.memory_space<vmem>>[vector<16xi32>, vector<16xi32>], vector<16xf32>,
      %gather3A_1355 = tpu.vector_load_idx %arg16[%add3A_1353, %add3A_1327] : memref<64x128xf32, #tpu.memory_space<vmem>>[vector<16xi32>, vector<16xi32>], vector<16xf32>,
      %mul3A_1356 = arith.mulf %gather3A_1354, %gather3A_1355 : vector<16xf32>
      %add3A_1357 = arith.addf %add3A_1350, %mul3A_1356 : vector<16xf32>
      %gather3A_1358 = tpu.vector_load_idx %arg20[%broadcast_in_dim3A_3, %add3A_1321] : memref<1x128xf32, #tpu.memory_space<vmem>>[vector<16xi32>, vector<16xi32>], vector<16xf32>,
      %gather3A_1359 = tpu.vector_load_idx %arg24[%broadcast_in_dim3A_3, %add3A_1327] : memref<1x128xf32, #tpu.memory_space<vmem>>[vector<16xi32>, vector<16xi32>], vector<16xf32>,
      %reduce_sum3A_1360 = arith.constant true
      %reduce_sum3A_1361 = vector.broadcast %reduce_sum3A_1360 : i1 to vector<16xi1>
      %reduce_sum3A_1362 = tpu.scan <sum>, %add3A_1357 masked %reduce_sum3A_1361 : vector<16xf32>, vector<16xi1> -> vector<16xf32>
      %reduce_sum3A_1363 = vector.extract %reduce_sum3A_1362[15] : f32 from vector<16xf32>
      %slice3A_1364 = vector.extract_strided_slice %gather3A_1358 {offsets = [0], sizes = [1], strides = [1]} : vector<16xf32> to vector<1xf32>
      %squeeze3A_1365 = vector.extract %slice3A_1364[0] : f32 from vector<1xf32>
      %add3A_1366 = arith.addf %reduce_sum3A_1363, %squeeze3A_1365 : f32
      %slice3A_1367 = vector.extract_strided_slice %gather3A_1359 {offsets = [0], sizes = [1], strides = [1]} : vector<16xf32> to vector<1xf32>
      %squeeze3A_1368 = vector.extract %slice3A_1367[0] : f32 from vector<1xf32>
      %add3A_1369 = arith.addf %add3A_1366, %squeeze3A_1368 : f32
      %eq3A_1370 = arith.constant 9 : i32
      %eq3A_1371 = vector.broadcast %eq3A_1370 : i32 to vector<16xi32>
      %eq3A_1372 = arith.cmpi eq, %iota3A, %eq3A_1371 : vector<16xi32>
      %broadcast_in_dim3A_1373 = vector.broadcast %add3A_1369 : f32 to vector<16xf32>
      %select_n3A_1374 = arith.select %eq3A_1372, %broadcast_in_dim3A_1373, %select_n3A_1257 : vector<16xi1>, vector<16xf32>
      %slice3A_1375 = vector.extract_strided_slice %get3A_226 {offsets = [13], sizes = [1], strides = [1]} : vector<16xi32> to vector<1xi32>
      %squeeze3A_1376 = vector.extract %slice3A_1375[0] : i32 from vector<1xi32>
      %slice3A_1377 = vector.extract_strided_slice %get3A_228 {offsets = [13], sizes = [1], strides = [1]} : vector<16xi32> to vector<1xi32>
      %squeeze3A_1378 = vector.extract %slice3A_1377[0] : i32 from vector<1xi32>
      %shift_right_arithmetic3A_1379 = arith.constant 7 : i32
      %shift_right_arithmetic3A_1380 = arith.shrsi %squeeze3A_1376, %shift_right_arithmetic3A_1379 : i32
      %mul3A_1381 = arith.constant 128 : i32
      %mul3A_1382 = arith.muli %shift_right_arithmetic3A_1380, %mul3A_1381 : i32
      %multiple_of3A_1383 = tpu.assume_multiple %mul3A_1382, 128 : i32
      %shift_right_arithmetic3A_1384 = arith.constant 7 : i32
      %shift_right_arithmetic3A_1385 = arith.shrsi %squeeze3A_1378, %shift_right_arithmetic3A_1384 : i32
      %mul3A_1386 = arith.constant 128 : i32
      %mul3A_1387 = arith.muli %shift_right_arithmetic3A_1385, %mul3A_1386 : i32
      %multiple_of3A_1388 = tpu.assume_multiple %mul3A_1387, 128 : i32
      %dma_start3A_1389 = arith.constant 0 : i32
      %dma_start3A_1390 = tpu.memref_slice %arg4[%dma_start3A_1389, %multiple_of3A_1383] : memref<64x1000000xf32, #tpu.memory_space<hbm>> -> memref<64x128xf32, #tpu.memory_space<hbm>>
      %dma_start3A_1391 = arith.constant 0 : i32
      %dma_start3A_1392 = tpu.memref_slice %arg4[%dma_start3A_1391, %multiple_of3A_1383] : memref<64x1000000xf32, #tpu.memory_space<hbm>> -> memref<64x128xf32, #tpu.memory_space<hbm>>
      tpu.enqueue_dma source(%dma_start3A_1392 : memref<64x128xf32, #tpu.memory_space<hbm>>) target(%arg12 : memref<64x128xf32, #tpu.memory_space<vmem>>) target_semaphore(%arg28 : memref<!tpu.dma_semaphore, #tpu.memory_space<semaphore_mem>>)
      %dma_start3A_1393 = arith.constant 0 : i32
      %dma_start3A_1394 = tpu.memref_slice %arg5[%dma_start3A_1393, %multiple_of3A_1388] : memref<64x1000000xf32, #tpu.memory_space<hbm>> -> memref<64x128xf32, #tpu.memory_space<hbm>>
      %dma_start3A_1395 = arith.constant 0 : i32
      %dma_start3A_1396 = tpu.memref_slice %arg5[%dma_start3A_1395, %multiple_of3A_1388] : memref<64x1000000xf32, #tpu.memory_space<hbm>> -> memref<64x128xf32, #tpu.memory_space<hbm>>
      tpu.enqueue_dma source(%dma_start3A_1396 : memref<64x128xf32, #tpu.memory_space<hbm>>) target(%arg16 : memref<64x128xf32, #tpu.memory_space<vmem>>) target_semaphore(%arg28 : memref<!tpu.dma_semaphore, #tpu.memory_space<semaphore_mem>>)
      %dma_start3A_1397 = arith.constant 0 : i32
      %dma_start3A_1398 = tpu.memref_slice %arg6[%dma_start3A_1397, %multiple_of3A_1383] : memref<1x1000000xf32, #tpu.memory_space<hbm>> -> memref<1x128xf32, #tpu.memory_space<hbm>>
      %dma_start3A_1399 = arith.constant 0 : i32
      %dma_start3A_1400 = tpu.memref_slice %arg6[%dma_start3A_1399, %multiple_of3A_1383] : memref<1x1000000xf32, #tpu.memory_space<hbm>> -> memref<1x128xf32, #tpu.memory_space<hbm>>
      tpu.enqueue_dma source(%dma_start3A_1400 : memref<1x128xf32, #tpu.memory_space<hbm>>) target(%arg20 : memref<1x128xf32, #tpu.memory_space<vmem>>) target_semaphore(%arg28 : memref<!tpu.dma_semaphore, #tpu.memory_space<semaphore_mem>>)
      %dma_start3A_1401 = arith.constant 0 : i32
      %dma_start3A_1402 = tpu.memref_slice %arg7[%dma_start3A_1401, %multiple_of3A_1388] : memref<1x1000000xf32, #tpu.memory_space<hbm>> -> memref<1x128xf32, #tpu.memory_space<hbm>>
      %dma_start3A_1403 = arith.constant 0 : i32
      %dma_start3A_1404 = tpu.memref_slice %arg7[%dma_start3A_1403, %multiple_of3A_1388] : memref<1x1000000xf32, #tpu.memory_space<hbm>> -> memref<1x128xf32, #tpu.memory_space<hbm>>
      tpu.enqueue_dma source(%dma_start3A_1404 : memref<1x128xf32, #tpu.memory_space<hbm>>) target(%arg24 : memref<1x128xf32, #tpu.memory_space<vmem>>) target_semaphore(%arg28 : memref<!tpu.dma_semaphore, #tpu.memory_space<semaphore_mem>>)
      %dma_wait3A_1405 = arith.constant 0 : i32
      %dma_wait3A_1406 = arith.constant 0 : i32
      %dma_wait3A_1407 = tpu.memref_slice %arg4[%dma_wait3A_1405, %dma_wait3A_1406] : memref<64x1000000xf32, #tpu.memory_space<hbm>> -> memref<64x128xf32, #tpu.memory_space<hbm>>
      %dma_wait3A_1408 = arith.constant 0 : i32
      %dma_wait3A_1409 = arith.constant 0 : i32
      %dma_wait3A_1410 = tpu.memref_slice %arg4[%dma_wait3A_1408, %dma_wait3A_1409] : memref<64x1000000xf32, #tpu.memory_space<hbm>> -> memref<64x128xf32, #tpu.memory_space<hbm>>
      tpu.wait_dma2 semaphore(%arg28 : memref<!tpu.dma_semaphore, #tpu.memory_space<semaphore_mem>>) src(%dma_wait3A_1410 : memref<64x128xf32, #tpu.memory_space<hbm>>) dst(%arg13 : memref<64x128xf32, #tpu.memory_space<vmem>>)
      %dma_wait3A_1411 = arith.constant 0 : i32
      %dma_wait3A_1412 = arith.constant 0 : i32
      %dma_wait3A_1413 = tpu.memref_slice %arg5[%dma_wait3A_1411, %dma_wait3A_1412] : memref<64x1000000xf32, #tpu.memory_space<hbm>> -> memref<64x128xf32, #tpu.memory_space<hbm>>
      %dma_wait3A_1414 = arith.constant 0 : i32
      %dma_wait3A_1415 = arith.constant 0 : i32
      %dma_wait3A_1416 = tpu.memref_slice %arg5[%dma_wait3A_1414, %dma_wait3A_1415] : memref<64x1000000xf32, #tpu.memory_space<hbm>> -> memref<64x128xf32, #tpu.memory_space<hbm>>
      tpu.wait_dma2 semaphore(%arg28 : memref<!tpu.dma_semaphore, #tpu.memory_space<semaphore_mem>>) src(%dma_wait3A_1416 : memref<64x128xf32, #tpu.memory_space<hbm>>) dst(%arg17 : memref<64x128xf32, #tpu.memory_space<vmem>>)
      %dma_wait3A_1417 = arith.constant 0 : i32
      %dma_wait3A_1418 = arith.constant 0 : i32
      %dma_wait3A_1419 = tpu.memref_slice %arg6[%dma_wait3A_1417, %dma_wait3A_1418] : memref<1x1000000xf32, #tpu.memory_space<hbm>> -> memref<1x128xf32, #tpu.memory_space<hbm>>
      %dma_wait3A_1420 = arith.constant 0 : i32
      %dma_wait3A_1421 = arith.constant 0 : i32
      %dma_wait3A_1422 = tpu.memref_slice %arg6[%dma_wait3A_1420, %dma_wait3A_1421] : memref<1x1000000xf32, #tpu.memory_space<hbm>> -> memref<1x128xf32, #tpu.memory_space<hbm>>
      tpu.wait_dma2 semaphore(%arg28 : memref<!tpu.dma_semaphore, #tpu.memory_space<semaphore_mem>>) src(%dma_wait3A_1422 : memref<1x128xf32, #tpu.memory_space<hbm>>) dst(%arg21 : memref<1x128xf32, #tpu.memory_space<vmem>>)
      %dma_wait3A_1423 = arith.constant 0 : i32
      %dma_wait3A_1424 = arith.constant 0 : i32
      %dma_wait3A_1425 = tpu.memref_slice %arg7[%dma_wait3A_1423, %dma_wait3A_1424] : memref<1x1000000xf32, #tpu.memory_space<hbm>> -> memref<1x128xf32, #tpu.memory_space<hbm>>
      %dma_wait3A_1426 = arith.constant 0 : i32
      %dma_wait3A_1427 = arith.constant 0 : i32
      %dma_wait3A_1428 = tpu.memref_slice %arg7[%dma_wait3A_1426, %dma_wait3A_1427] : memref<1x1000000xf32, #tpu.memory_space<hbm>> -> memref<1x128xf32, #tpu.memory_space<hbm>>
      tpu.wait_dma2 semaphore(%arg28 : memref<!tpu.dma_semaphore, #tpu.memory_space<semaphore_mem>>) src(%dma_wait3A_1428 : memref<1x128xf32, #tpu.memory_space<hbm>>) dst(%arg25 : memref<1x128xf32, #tpu.memory_space<vmem>>)
      %slice3A_1429 = vector.extract_strided_slice %get3A_226 {offsets = [10], sizes = [1], strides = [1]} : vector<16xi32> to vector<1xi32>
      %squeeze3A_1430 = vector.extract %slice3A_1429[0] : i32 from vector<1xi32>
      %slice3A_1431 = vector.extract_strided_slice %get3A_228 {offsets = [10], sizes = [1], strides = [1]} : vector<16xi32> to vector<1xi32>
      %squeeze3A_1432 = vector.extract %slice3A_1431[0] : i32 from vector<1xi32>
      %broadcast_in_dim3A_1433 = arith.constant 0 : i32
      %broadcast_in_dim3A_1434 = vector.broadcast %broadcast_in_dim3A_1433 : i32 to vector<16xi32>
      %and3A_1435 = arith.constant 127 : i32
      %and3A_1436 = arith.andi %squeeze3A_1430, %and3A_1435 : i32
      %add3A_1437 = vector.broadcast %and3A_1436 : i32 to vector<16xi32>
      %add3A_1438 = arith.addi %broadcast_in_dim3A_1434, %add3A_1437 : vector<16xi32>
      %broadcast_in_dim3A_1439 = arith.constant 0 : i32
      %broadcast_in_dim3A_1440 = vector.broadcast %broadcast_in_dim3A_1439 : i32 to vector<16xi32>
      %and3A_1441 = arith.constant 127 : i32
      %and3A_1442 = arith.andi %squeeze3A_1432, %and3A_1441 : i32
      %add3A_1443 = vector.broadcast %and3A_1442 : i32 to vector<16xi32>
      %add3A_1444 = arith.addi %broadcast_in_dim3A_1440, %add3A_1443 : vector<16xi32>
      %broadcast_in_dim3A_1445 = arith.constant 0.000000e+00 : f32
      %broadcast_in_dim3A_1446 = vector.broadcast %broadcast_in_dim3A_1445 : f32 to vector<16xf32>
      %add3A_1447 = arith.constant 0 : i32
      %add3A_1448 = vector.broadcast %add3A_1447 : i32 to vector<16xi32>
      %add3A_1449 = arith.addi %iota3A, %add3A_1448 : vector<16xi32>
      %gather3A_1450 = tpu.vector_load_idx %arg13[%add3A_1449, %add3A_1438] : memref<64x128xf32, #tpu.memory_space<vmem>>[vector<16xi32>, vector<16xi32>], vector<16xf32>,
      %gather3A_1451 = tpu.vector_load_idx %arg17[%add3A_1449, %add3A_1444] : memref<64x128xf32, #tpu.memory_space<vmem>>[vector<16xi32>, vector<16xi32>], vector<16xf32>,
      %mul3A_1452 = arith.mulf %gather3A_1450, %gather3A_1451 : vector<16xf32>
      %add3A_1453 = arith.addf %broadcast_in_dim3A_1446, %mul3A_1452 : vector<16xf32>
      %add3A_1454 = arith.constant 16 : i32
      %add3A_1455 = vector.broadcast %add3A_1454 : i32 to vector<16xi32>
      %add3A_1456 = arith.addi %iota3A, %add3A_1455 : vector<16xi32>
      %gather3A_1457 = tpu.vector_load_idx %arg13[%add3A_1456, %add3A_1438] : memref<64x128xf32, #tpu.memory_space<vmem>>[vector<16xi32>, vector<16xi32>], vector<16xf32>,
      %gather3A_1458 = tpu.vector_load_idx %arg17[%add3A_1456, %add3A_1444] : memref<64x128xf32, #tpu.memory_space<vmem>>[vector<16xi32>, vector<16xi32>], vector<16xf32>,
      %mul3A_1459 = arith.mulf %gather3A_1457, %gather3A_1458 : vector<16xf32>
      %add3A_1460 = arith.addf %add3A_1453, %mul3A_1459 : vector<16xf32>
      %add3A_1461 = arith.constant 32 : i32
      %add3A_1462 = vector.broadcast %add3A_1461 : i32 to vector<16xi32>
      %add3A_1463 = arith.addi %iota3A, %add3A_1462 : vector<16xi32>
      %gather3A_1464 = tpu.vector_load_idx %arg13[%add3A_1463, %add3A_1438] : memref<64x128xf32, #tpu.memory_space<vmem>>[vector<16xi32>, vector<16xi32>], vector<16xf32>,
      %gather3A_1465 = tpu.vector_load_idx %arg17[%add3A_1463, %add3A_1444] : memref<64x128xf32, #tpu.memory_space<vmem>>[vector<16xi32>, vector<16xi32>], vector<16xf32>,
      %mul3A_1466 = arith.mulf %gather3A_1464, %gather3A_1465 : vector<16xf32>
      %add3A_1467 = arith.addf %add3A_1460, %mul3A_1466 : vector<16xf32>
      %add3A_1468 = arith.constant 48 : i32
      %add3A_1469 = vector.broadcast %add3A_1468 : i32 to vector<16xi32>
      %add3A_1470 = arith.addi %iota3A, %add3A_1469 : vector<16xi32>
      %gather3A_1471 = tpu.vector_load_idx %arg13[%add3A_1470, %add3A_1438] : memref<64x128xf32, #tpu.memory_space<vmem>>[vector<16xi32>, vector<16xi32>], vector<16xf32>,
      %gather3A_1472 = tpu.vector_load_idx %arg17[%add3A_1470, %add3A_1444] : memref<64x128xf32, #tpu.memory_space<vmem>>[vector<16xi32>, vector<16xi32>], vector<16xf32>,
      %mul3A_1473 = arith.mulf %gather3A_1471, %gather3A_1472 : vector<16xf32>
      %add3A_1474 = arith.addf %add3A_1467, %mul3A_1473 : vector<16xf32>
      %gather3A_1475 = tpu.vector_load_idx %arg21[%broadcast_in_dim3A_3, %add3A_1438] : memref<1x128xf32, #tpu.memory_space<vmem>>[vector<16xi32>, vector<16xi32>], vector<16xf32>,
      %gather3A_1476 = tpu.vector_load_idx %arg25[%broadcast_in_dim3A_3, %add3A_1444] : memref<1x128xf32, #tpu.memory_space<vmem>>[vector<16xi32>, vector<16xi32>], vector<16xf32>,
      %reduce_sum3A_1477 = arith.constant true
      %reduce_sum3A_1478 = vector.broadcast %reduce_sum3A_1477 : i1 to vector<16xi1>
      %reduce_sum3A_1479 = tpu.scan <sum>, %add3A_1474 masked %reduce_sum3A_1478 : vector<16xf32>, vector<16xi1> -> vector<16xf32>
      %reduce_sum3A_1480 = vector.extract %reduce_sum3A_1479[15] : f32 from vector<16xf32>
      %slice3A_1481 = vector.extract_strided_slice %gather3A_1475 {offsets = [0], sizes = [1], strides = [1]} : vector<16xf32> to vector<1xf32>
      %squeeze3A_1482 = vector.extract %slice3A_1481[0] : f32 from vector<1xf32>
      %add3A_1483 = arith.addf %reduce_sum3A_1480, %squeeze3A_1482 : f32
      %slice3A_1484 = vector.extract_strided_slice %gather3A_1476 {offsets = [0], sizes = [1], strides = [1]} : vector<16xf32> to vector<1xf32>
      %squeeze3A_1485 = vector.extract %slice3A_1484[0] : f32 from vector<1xf32>
      %add3A_1486 = arith.addf %add3A_1483, %squeeze3A_1485 : f32
      %eq3A_1487 = arith.constant 10 : i32
      %eq3A_1488 = vector.broadcast %eq3A_1487 : i32 to vector<16xi32>
      %eq3A_1489 = arith.cmpi eq, %iota3A, %eq3A_1488 : vector<16xi32>
      %broadcast_in_dim3A_1490 = vector.broadcast %add3A_1486 : f32 to vector<16xf32>
      %select_n3A_1491 = arith.select %eq3A_1489, %broadcast_in_dim3A_1490, %select_n3A_1374 : vector<16xi1>, vector<16xf32>
      %slice3A_1492 = vector.extract_strided_slice %get3A_226 {offsets = [14], sizes = [1], strides = [1]} : vector<16xi32> to vector<1xi32>
      %squeeze3A_1493 = vector.extract %slice3A_1492[0] : i32 from vector<1xi32>
      %slice3A_1494 = vector.extract_strided_slice %get3A_228 {offsets = [14], sizes = [1], strides = [1]} : vector<16xi32> to vector<1xi32>
      %squeeze3A_1495 = vector.extract %slice3A_1494[0] : i32 from vector<1xi32>
      %shift_right_arithmetic3A_1496 = arith.constant 7 : i32
      %shift_right_arithmetic3A_1497 = arith.shrsi %squeeze3A_1493, %shift_right_arithmetic3A_1496 : i32
      %mul3A_1498 = arith.constant 128 : i32
      %mul3A_1499 = arith.muli %shift_right_arithmetic3A_1497, %mul3A_1498 : i32
      %multiple_of3A_1500 = tpu.assume_multiple %mul3A_1499, 128 : i32
      %shift_right_arithmetic3A_1501 = arith.constant 7 : i32
      %shift_right_arithmetic3A_1502 = arith.shrsi %squeeze3A_1495, %shift_right_arithmetic3A_1501 : i32
      %mul3A_1503 = arith.constant 128 : i32
      %mul3A_1504 = arith.muli %shift_right_arithmetic3A_1502, %mul3A_1503 : i32
      %multiple_of3A_1505 = tpu.assume_multiple %mul3A_1504, 128 : i32
      %dma_start3A_1506 = arith.constant 0 : i32
      %dma_start3A_1507 = tpu.memref_slice %arg4[%dma_start3A_1506, %multiple_of3A_1500] : memref<64x1000000xf32, #tpu.memory_space<hbm>> -> memref<64x128xf32, #tpu.memory_space<hbm>>
      %dma_start3A_1508 = arith.constant 0 : i32
      %dma_start3A_1509 = tpu.memref_slice %arg4[%dma_start3A_1508, %multiple_of3A_1500] : memref<64x1000000xf32, #tpu.memory_space<hbm>> -> memref<64x128xf32, #tpu.memory_space<hbm>>
      tpu.enqueue_dma source(%dma_start3A_1509 : memref<64x128xf32, #tpu.memory_space<hbm>>) target(%arg13 : memref<64x128xf32, #tpu.memory_space<vmem>>) target_semaphore(%arg28 : memref<!tpu.dma_semaphore, #tpu.memory_space<semaphore_mem>>)
      %dma_start3A_1510 = arith.constant 0 : i32
      %dma_start3A_1511 = tpu.memref_slice %arg5[%dma_start3A_1510, %multiple_of3A_1505] : memref<64x1000000xf32, #tpu.memory_space<hbm>> -> memref<64x128xf32, #tpu.memory_space<hbm>>
      %dma_start3A_1512 = arith.constant 0 : i32
      %dma_start3A_1513 = tpu.memref_slice %arg5[%dma_start3A_1512, %multiple_of3A_1505] : memref<64x1000000xf32, #tpu.memory_space<hbm>> -> memref<64x128xf32, #tpu.memory_space<hbm>>
      tpu.enqueue_dma source(%dma_start3A_1513 : memref<64x128xf32, #tpu.memory_space<hbm>>) target(%arg17 : memref<64x128xf32, #tpu.memory_space<vmem>>) target_semaphore(%arg28 : memref<!tpu.dma_semaphore, #tpu.memory_space<semaphore_mem>>)
      %dma_start3A_1514 = arith.constant 0 : i32
      %dma_start3A_1515 = tpu.memref_slice %arg6[%dma_start3A_1514, %multiple_of3A_1500] : memref<1x1000000xf32, #tpu.memory_space<hbm>> -> memref<1x128xf32, #tpu.memory_space<hbm>>
      %dma_start3A_1516 = arith.constant 0 : i32
      %dma_start3A_1517 = tpu.memref_slice %arg6[%dma_start3A_1516, %multiple_of3A_1500] : memref<1x1000000xf32, #tpu.memory_space<hbm>> -> memref<1x128xf32, #tpu.memory_space<hbm>>
      tpu.enqueue_dma source(%dma_start3A_1517 : memref<1x128xf32, #tpu.memory_space<hbm>>) target(%arg21 : memref<1x128xf32, #tpu.memory_space<vmem>>) target_semaphore(%arg28 : memref<!tpu.dma_semaphore, #tpu.memory_space<semaphore_mem>>)
      %dma_start3A_1518 = arith.constant 0 : i32
      %dma_start3A_1519 = tpu.memref_slice %arg7[%dma_start3A_1518, %multiple_of3A_1505] : memref<1x1000000xf32, #tpu.memory_space<hbm>> -> memref<1x128xf32, #tpu.memory_space<hbm>>
      %dma_start3A_1520 = arith.constant 0 : i32
      %dma_start3A_1521 = tpu.memref_slice %arg7[%dma_start3A_1520, %multiple_of3A_1505] : memref<1x1000000xf32, #tpu.memory_space<hbm>> -> memref<1x128xf32, #tpu.memory_space<hbm>>
      tpu.enqueue_dma source(%dma_start3A_1521 : memref<1x128xf32, #tpu.memory_space<hbm>>) target(%arg25 : memref<1x128xf32, #tpu.memory_space<vmem>>) target_semaphore(%arg28 : memref<!tpu.dma_semaphore, #tpu.memory_space<semaphore_mem>>)
      %dma_wait3A_1522 = arith.constant 0 : i32
      %dma_wait3A_1523 = arith.constant 0 : i32
      %dma_wait3A_1524 = tpu.memref_slice %arg4[%dma_wait3A_1522, %dma_wait3A_1523] : memref<64x1000000xf32, #tpu.memory_space<hbm>> -> memref<64x128xf32, #tpu.memory_space<hbm>>
      %dma_wait3A_1525 = arith.constant 0 : i32
      %dma_wait3A_1526 = arith.constant 0 : i32
      %dma_wait3A_1527 = tpu.memref_slice %arg4[%dma_wait3A_1525, %dma_wait3A_1526] : memref<64x1000000xf32, #tpu.memory_space<hbm>> -> memref<64x128xf32, #tpu.memory_space<hbm>>
      tpu.wait_dma2 semaphore(%arg28 : memref<!tpu.dma_semaphore, #tpu.memory_space<semaphore_mem>>) src(%dma_wait3A_1527 : memref<64x128xf32, #tpu.memory_space<hbm>>) dst(%arg14 : memref<64x128xf32, #tpu.memory_space<vmem>>)
      %dma_wait3A_1528 = arith.constant 0 : i32
      %dma_wait3A_1529 = arith.constant 0 : i32
      %dma_wait3A_1530 = tpu.memref_slice %arg5[%dma_wait3A_1528, %dma_wait3A_1529] : memref<64x1000000xf32, #tpu.memory_space<hbm>> -> memref<64x128xf32, #tpu.memory_space<hbm>>
      %dma_wait3A_1531 = arith.constant 0 : i32
      %dma_wait3A_1532 = arith.constant 0 : i32
      %dma_wait3A_1533 = tpu.memref_slice %arg5[%dma_wait3A_1531, %dma_wait3A_1532] : memref<64x1000000xf32, #tpu.memory_space<hbm>> -> memref<64x128xf32, #tpu.memory_space<hbm>>
      tpu.wait_dma2 semaphore(%arg28 : memref<!tpu.dma_semaphore, #tpu.memory_space<semaphore_mem>>) src(%dma_wait3A_1533 : memref<64x128xf32, #tpu.memory_space<hbm>>) dst(%arg18 : memref<64x128xf32, #tpu.memory_space<vmem>>)
      %dma_wait3A_1534 = arith.constant 0 : i32
      %dma_wait3A_1535 = arith.constant 0 : i32
      %dma_wait3A_1536 = tpu.memref_slice %arg6[%dma_wait3A_1534, %dma_wait3A_1535] : memref<1x1000000xf32, #tpu.memory_space<hbm>> -> memref<1x128xf32, #tpu.memory_space<hbm>>
      %dma_wait3A_1537 = arith.constant 0 : i32
      %dma_wait3A_1538 = arith.constant 0 : i32
      %dma_wait3A_1539 = tpu.memref_slice %arg6[%dma_wait3A_1537, %dma_wait3A_1538] : memref<1x1000000xf32, #tpu.memory_space<hbm>> -> memref<1x128xf32, #tpu.memory_space<hbm>>
      tpu.wait_dma2 semaphore(%arg28 : memref<!tpu.dma_semaphore, #tpu.memory_space<semaphore_mem>>) src(%dma_wait3A_1539 : memref<1x128xf32, #tpu.memory_space<hbm>>) dst(%arg22 : memref<1x128xf32, #tpu.memory_space<vmem>>)
      %dma_wait3A_1540 = arith.constant 0 : i32
      %dma_wait3A_1541 = arith.constant 0 : i32
      %dma_wait3A_1542 = tpu.memref_slice %arg7[%dma_wait3A_1540, %dma_wait3A_1541] : memref<1x1000000xf32, #tpu.memory_space<hbm>> -> memref<1x128xf32, #tpu.memory_space<hbm>>
      %dma_wait3A_1543 = arith.constant 0 : i32
      %dma_wait3A_1544 = arith.constant 0 : i32
      %dma_wait3A_1545 = tpu.memref_slice %arg7[%dma_wait3A_1543, %dma_wait3A_1544] : memref<1x1000000xf32, #tpu.memory_space<hbm>> -> memref<1x128xf32, #tpu.memory_space<hbm>>
      tpu.wait_dma2 semaphore(%arg28 : memref<!tpu.dma_semaphore, #tpu.memory_space<semaphore_mem>>) src(%dma_wait3A_1545 : memref<1x128xf32, #tpu.memory_space<hbm>>) dst(%arg26 : memref<1x128xf32, #tpu.memory_space<vmem>>)
      %slice3A_1546 = vector.extract_strided_slice %get3A_226 {offsets = [11], sizes = [1], strides = [1]} : vector<16xi32> to vector<1xi32>
      %squeeze3A_1547 = vector.extract %slice3A_1546[0] : i32 from vector<1xi32>
      %slice3A_1548 = vector.extract_strided_slice %get3A_228 {offsets = [11], sizes = [1], strides = [1]} : vector<16xi32> to vector<1xi32>
      %squeeze3A_1549 = vector.extract %slice3A_1548[0] : i32 from vector<1xi32>
      %broadcast_in_dim3A_1550 = arith.constant 0 : i32
      %broadcast_in_dim3A_1551 = vector.broadcast %broadcast_in_dim3A_1550 : i32 to vector<16xi32>
      %and3A_1552 = arith.constant 127 : i32
      %and3A_1553 = arith.andi %squeeze3A_1547, %and3A_1552 : i32
      %add3A_1554 = vector.broadcast %and3A_1553 : i32 to vector<16xi32>
      %add3A_1555 = arith.addi %broadcast_in_dim3A_1551, %add3A_1554 : vector<16xi32>
      %broadcast_in_dim3A_1556 = arith.constant 0 : i32
      %broadcast_in_dim3A_1557 = vector.broadcast %broadcast_in_dim3A_1556 : i32 to vector<16xi32>
      %and3A_1558 = arith.constant 127 : i32
      %and3A_1559 = arith.andi %squeeze3A_1549, %and3A_1558 : i32
      %add3A_1560 = vector.broadcast %and3A_1559 : i32 to vector<16xi32>
      %add3A_1561 = arith.addi %broadcast_in_dim3A_1557, %add3A_1560 : vector<16xi32>
      %broadcast_in_dim3A_1562 = arith.constant 0.000000e+00 : f32
      %broadcast_in_dim3A_1563 = vector.broadcast %broadcast_in_dim3A_1562 : f32 to vector<16xf32>
      %add3A_1564 = arith.constant 0 : i32
      %add3A_1565 = vector.broadcast %add3A_1564 : i32 to vector<16xi32>
      %add3A_1566 = arith.addi %iota3A, %add3A_1565 : vector<16xi32>
      %gather3A_1567 = tpu.vector_load_idx %arg14[%add3A_1566, %add3A_1555] : memref<64x128xf32, #tpu.memory_space<vmem>>[vector<16xi32>, vector<16xi32>], vector<16xf32>,
      %gather3A_1568 = tpu.vector_load_idx %arg18[%add3A_1566, %add3A_1561] : memref<64x128xf32, #tpu.memory_space<vmem>>[vector<16xi32>, vector<16xi32>], vector<16xf32>,
      %mul3A_1569 = arith.mulf %gather3A_1567, %gather3A_1568 : vector<16xf32>
      %add3A_1570 = arith.addf %broadcast_in_dim3A_1563, %mul3A_1569 : vector<16xf32>
      %add3A_1571 = arith.constant 16 : i32
      %add3A_1572 = vector.broadcast %add3A_1571 : i32 to vector<16xi32>
      %add3A_1573 = arith.addi %iota3A, %add3A_1572 : vector<16xi32>
      %gather3A_1574 = tpu.vector_load_idx %arg14[%add3A_1573, %add3A_1555] : memref<64x128xf32, #tpu.memory_space<vmem>>[vector<16xi32>, vector<16xi32>], vector<16xf32>,
      %gather3A_1575 = tpu.vector_load_idx %arg18[%add3A_1573, %add3A_1561] : memref<64x128xf32, #tpu.memory_space<vmem>>[vector<16xi32>, vector<16xi32>], vector<16xf32>,
      %mul3A_1576 = arith.mulf %gather3A_1574, %gather3A_1575 : vector<16xf32>
      %add3A_1577 = arith.addf %add3A_1570, %mul3A_1576 : vector<16xf32>
      %add3A_1578 = arith.constant 32 : i32
      %add3A_1579 = vector.broadcast %add3A_1578 : i32 to vector<16xi32>
      %add3A_1580 = arith.addi %iota3A, %add3A_1579 : vector<16xi32>
      %gather3A_1581 = tpu.vector_load_idx %arg14[%add3A_1580, %add3A_1555] : memref<64x128xf32, #tpu.memory_space<vmem>>[vector<16xi32>, vector<16xi32>], vector<16xf32>,
      %gather3A_1582 = tpu.vector_load_idx %arg18[%add3A_1580, %add3A_1561] : memref<64x128xf32, #tpu.memory_space<vmem>>[vector<16xi32>, vector<16xi32>], vector<16xf32>,
      %mul3A_1583 = arith.mulf %gather3A_1581, %gather3A_1582 : vector<16xf32>
      %add3A_1584 = arith.addf %add3A_1577, %mul3A_1583 : vector<16xf32>
      %add3A_1585 = arith.constant 48 : i32
      %add3A_1586 = vector.broadcast %add3A_1585 : i32 to vector<16xi32>
      %add3A_1587 = arith.addi %iota3A, %add3A_1586 : vector<16xi32>
      %gather3A_1588 = tpu.vector_load_idx %arg14[%add3A_1587, %add3A_1555] : memref<64x128xf32, #tpu.memory_space<vmem>>[vector<16xi32>, vector<16xi32>], vector<16xf32>,
      %gather3A_1589 = tpu.vector_load_idx %arg18[%add3A_1587, %add3A_1561] : memref<64x128xf32, #tpu.memory_space<vmem>>[vector<16xi32>, vector<16xi32>], vector<16xf32>,
      %mul3A_1590 = arith.mulf %gather3A_1588, %gather3A_1589 : vector<16xf32>
      %add3A_1591 = arith.addf %add3A_1584, %mul3A_1590 : vector<16xf32>
      %gather3A_1592 = tpu.vector_load_idx %arg22[%broadcast_in_dim3A_3, %add3A_1555] : memref<1x128xf32, #tpu.memory_space<vmem>>[vector<16xi32>, vector<16xi32>], vector<16xf32>,
      %gather3A_1593 = tpu.vector_load_idx %arg26[%broadcast_in_dim3A_3, %add3A_1561] : memref<1x128xf32, #tpu.memory_space<vmem>>[vector<16xi32>, vector<16xi32>], vector<16xf32>,
      %reduce_sum3A_1594 = arith.constant true
      %reduce_sum3A_1595 = vector.broadcast %reduce_sum3A_1594 : i1 to vector<16xi1>
      %reduce_sum3A_1596 = tpu.scan <sum>, %add3A_1591 masked %reduce_sum3A_1595 : vector<16xf32>, vector<16xi1> -> vector<16xf32>
      %reduce_sum3A_1597 = vector.extract %reduce_sum3A_1596[15] : f32 from vector<16xf32>
      %slice3A_1598 = vector.extract_strided_slice %gather3A_1592 {offsets = [0], sizes = [1], strides = [1]} : vector<16xf32> to vector<1xf32>
      %squeeze3A_1599 = vector.extract %slice3A_1598[0] : f32 from vector<1xf32>
      %add3A_1600 = arith.addf %reduce_sum3A_1597, %squeeze3A_1599 : f32
      %slice3A_1601 = vector.extract_strided_slice %gather3A_1593 {offsets = [0], sizes = [1], strides = [1]} : vector<16xf32> to vector<1xf32>
      %squeeze3A_1602 = vector.extract %slice3A_1601[0] : f32 from vector<1xf32>
      %add3A_1603 = arith.addf %add3A_1600, %squeeze3A_1602 : f32
      %eq3A_1604 = arith.constant 11 : i32
      %eq3A_1605 = vector.broadcast %eq3A_1604 : i32 to vector<16xi32>
      %eq3A_1606 = arith.cmpi eq, %iota3A, %eq3A_1605 : vector<16xi32>
      %broadcast_in_dim3A_1607 = vector.broadcast %add3A_1603 : f32 to vector<16xf32>
      %select_n3A_1608 = arith.select %eq3A_1606, %broadcast_in_dim3A_1607, %select_n3A_1491 : vector<16xi1>, vector<16xf32>
      %slice3A_1609 = vector.extract_strided_slice %get3A_226 {offsets = [15], sizes = [1], strides = [1]} : vector<16xi32> to vector<1xi32>
      %squeeze3A_1610 = vector.extract %slice3A_1609[0] : i32 from vector<1xi32>
      %slice3A_1611 = vector.extract_strided_slice %get3A_228 {offsets = [15], sizes = [1], strides = [1]} : vector<16xi32> to vector<1xi32>
      %squeeze3A_1612 = vector.extract %slice3A_1611[0] : i32 from vector<1xi32>
      %shift_right_arithmetic3A_1613 = arith.constant 7 : i32
      %shift_right_arithmetic3A_1614 = arith.shrsi %squeeze3A_1610, %shift_right_arithmetic3A_1613 : i32
      %mul3A_1615 = arith.constant 128 : i32
      %mul3A_1616 = arith.muli %shift_right_arithmetic3A_1614, %mul3A_1615 : i32
      %multiple_of3A_1617 = tpu.assume_multiple %mul3A_1616, 128 : i32
      %shift_right_arithmetic3A_1618 = arith.constant 7 : i32
      %shift_right_arithmetic3A_1619 = arith.shrsi %squeeze3A_1612, %shift_right_arithmetic3A_1618 : i32
      %mul3A_1620 = arith.constant 128 : i32
      %mul3A_1621 = arith.muli %shift_right_arithmetic3A_1619, %mul3A_1620 : i32
      %multiple_of3A_1622 = tpu.assume_multiple %mul3A_1621, 128 : i32
      %dma_start3A_1623 = arith.constant 0 : i32
      %dma_start3A_1624 = tpu.memref_slice %arg4[%dma_start3A_1623, %multiple_of3A_1617] : memref<64x1000000xf32, #tpu.memory_space<hbm>> -> memref<64x128xf32, #tpu.memory_space<hbm>>
      %dma_start3A_1625 = arith.constant 0 : i32
      %dma_start3A_1626 = tpu.memref_slice %arg4[%dma_start3A_1625, %multiple_of3A_1617] : memref<64x1000000xf32, #tpu.memory_space<hbm>> -> memref<64x128xf32, #tpu.memory_space<hbm>>
      tpu.enqueue_dma source(%dma_start3A_1626 : memref<64x128xf32, #tpu.memory_space<hbm>>) target(%arg14 : memref<64x128xf32, #tpu.memory_space<vmem>>) target_semaphore(%arg28 : memref<!tpu.dma_semaphore, #tpu.memory_space<semaphore_mem>>)
      %dma_start3A_1627 = arith.constant 0 : i32
      %dma_start3A_1628 = tpu.memref_slice %arg5[%dma_start3A_1627, %multiple_of3A_1622] : memref<64x1000000xf32, #tpu.memory_space<hbm>> -> memref<64x128xf32, #tpu.memory_space<hbm>>
      %dma_start3A_1629 = arith.constant 0 : i32
      %dma_start3A_1630 = tpu.memref_slice %arg5[%dma_start3A_1629, %multiple_of3A_1622] : memref<64x1000000xf32, #tpu.memory_space<hbm>> -> memref<64x128xf32, #tpu.memory_space<hbm>>
      tpu.enqueue_dma source(%dma_start3A_1630 : memref<64x128xf32, #tpu.memory_space<hbm>>) target(%arg18 : memref<64x128xf32, #tpu.memory_space<vmem>>) target_semaphore(%arg28 : memref<!tpu.dma_semaphore, #tpu.memory_space<semaphore_mem>>)
      %dma_start3A_1631 = arith.constant 0 : i32
      %dma_start3A_1632 = tpu.memref_slice %arg6[%dma_start3A_1631, %multiple_of3A_1617] : memref<1x1000000xf32, #tpu.memory_space<hbm>> -> memref<1x128xf32, #tpu.memory_space<hbm>>
      %dma_start3A_1633 = arith.constant 0 : i32
      %dma_start3A_1634 = tpu.memref_slice %arg6[%dma_start3A_1633, %multiple_of3A_1617] : memref<1x1000000xf32, #tpu.memory_space<hbm>> -> memref<1x128xf32, #tpu.memory_space<hbm>>
      tpu.enqueue_dma source(%dma_start3A_1634 : memref<1x128xf32, #tpu.memory_space<hbm>>) target(%arg22 : memref<1x128xf32, #tpu.memory_space<vmem>>) target_semaphore(%arg28 : memref<!tpu.dma_semaphore, #tpu.memory_space<semaphore_mem>>)
      %dma_start3A_1635 = arith.constant 0 : i32
      %dma_start3A_1636 = tpu.memref_slice %arg7[%dma_start3A_1635, %multiple_of3A_1622] : memref<1x1000000xf32, #tpu.memory_space<hbm>> -> memref<1x128xf32, #tpu.memory_space<hbm>>
      %dma_start3A_1637 = arith.constant 0 : i32
      %dma_start3A_1638 = tpu.memref_slice %arg7[%dma_start3A_1637, %multiple_of3A_1622] : memref<1x1000000xf32, #tpu.memory_space<hbm>> -> memref<1x128xf32, #tpu.memory_space<hbm>>
      tpu.enqueue_dma source(%dma_start3A_1638 : memref<1x128xf32, #tpu.memory_space<hbm>>) target(%arg26 : memref<1x128xf32, #tpu.memory_space<vmem>>) target_semaphore(%arg28 : memref<!tpu.dma_semaphore, #tpu.memory_space<semaphore_mem>>)
      %dma_wait3A_1639 = arith.constant 0 : i32
      %dma_wait3A_1640 = arith.constant 0 : i32
      %dma_wait3A_1641 = tpu.memref_slice %arg4[%dma_wait3A_1639, %dma_wait3A_1640] : memref<64x1000000xf32, #tpu.memory_space<hbm>> -> memref<64x128xf32, #tpu.memory_space<hbm>>
      %dma_wait3A_1642 = arith.constant 0 : i32
      %dma_wait3A_1643 = arith.constant 0 : i32
      %dma_wait3A_1644 = tpu.memref_slice %arg4[%dma_wait3A_1642, %dma_wait3A_1643] : memref<64x1000000xf32, #tpu.memory_space<hbm>> -> memref<64x128xf32, #tpu.memory_space<hbm>>
      tpu.wait_dma2 semaphore(%arg28 : memref<!tpu.dma_semaphore, #tpu.memory_space<semaphore_mem>>) src(%dma_wait3A_1644 : memref<64x128xf32, #tpu.memory_space<hbm>>) dst(%arg11 : memref<64x128xf32, #tpu.memory_space<vmem>>)
      %dma_wait3A_1645 = arith.constant 0 : i32
      %dma_wait3A_1646 = arith.constant 0 : i32
      %dma_wait3A_1647 = tpu.memref_slice %arg5[%dma_wait3A_1645, %dma_wait3A_1646] : memref<64x1000000xf32, #tpu.memory_space<hbm>> -> memref<64x128xf32, #tpu.memory_space<hbm>>
      %dma_wait3A_1648 = arith.constant 0 : i32
      %dma_wait3A_1649 = arith.constant 0 : i32
      %dma_wait3A_1650 = tpu.memref_slice %arg5[%dma_wait3A_1648, %dma_wait3A_1649] : memref<64x1000000xf32, #tpu.memory_space<hbm>> -> memref<64x128xf32, #tpu.memory_space<hbm>>
      tpu.wait_dma2 semaphore(%arg28 : memref<!tpu.dma_semaphore, #tpu.memory_space<semaphore_mem>>) src(%dma_wait3A_1650 : memref<64x128xf32, #tpu.memory_space<hbm>>) dst(%arg15 : memref<64x128xf32, #tpu.memory_space<vmem>>)
      %dma_wait3A_1651 = arith.constant 0 : i32
      %dma_wait3A_1652 = arith.constant 0 : i32
      %dma_wait3A_1653 = tpu.memref_slice %arg6[%dma_wait3A_1651, %dma_wait3A_1652] : memref<1x1000000xf32, #tpu.memory_space<hbm>> -> memref<1x128xf32, #tpu.memory_space<hbm>>
      %dma_wait3A_1654 = arith.constant 0 : i32
      %dma_wait3A_1655 = arith.constant 0 : i32
      %dma_wait3A_1656 = tpu.memref_slice %arg6[%dma_wait3A_1654, %dma_wait3A_1655] : memref<1x1000000xf32, #tpu.memory_space<hbm>> -> memref<1x128xf32, #tpu.memory_space<hbm>>
      tpu.wait_dma2 semaphore(%arg28 : memref<!tpu.dma_semaphore, #tpu.memory_space<semaphore_mem>>) src(%dma_wait3A_1656 : memref<1x128xf32, #tpu.memory_space<hbm>>) dst(%arg19 : memref<1x128xf32, #tpu.memory_space<vmem>>)
      %dma_wait3A_1657 = arith.constant 0 : i32
      %dma_wait3A_1658 = arith.constant 0 : i32
      %dma_wait3A_1659 = tpu.memref_slice %arg7[%dma_wait3A_1657, %dma_wait3A_1658] : memref<1x1000000xf32, #tpu.memory_space<hbm>> -> memref<1x128xf32, #tpu.memory_space<hbm>>
      %dma_wait3A_1660 = arith.constant 0 : i32
      %dma_wait3A_1661 = arith.constant 0 : i32
      %dma_wait3A_1662 = tpu.memref_slice %arg7[%dma_wait3A_1660, %dma_wait3A_1661] : memref<1x1000000xf32, #tpu.memory_space<hbm>> -> memref<1x128xf32, #tpu.memory_space<hbm>>
      tpu.wait_dma2 semaphore(%arg28 : memref<!tpu.dma_semaphore, #tpu.memory_space<semaphore_mem>>) src(%dma_wait3A_1662 : memref<1x128xf32, #tpu.memory_space<hbm>>) dst(%arg23 : memref<1x128xf32, #tpu.memory_space<vmem>>)
      %slice3A_1663 = vector.extract_strided_slice %get3A_226 {offsets = [12], sizes = [1], strides = [1]} : vector<16xi32> to vector<1xi32>
      %squeeze3A_1664 = vector.extract %slice3A_1663[0] : i32 from vector<1xi32>
      %slice3A_1665 = vector.extract_strided_slice %get3A_228 {offsets = [12], sizes = [1], strides = [1]} : vector<16xi32> to vector<1xi32>
      %squeeze3A_1666 = vector.extract %slice3A_1665[0] : i32 from vector<1xi32>
      %broadcast_in_dim3A_1667 = arith.constant 0 : i32
      %broadcast_in_dim3A_1668 = vector.broadcast %broadcast_in_dim3A_1667 : i32 to vector<16xi32>
      %and3A_1669 = arith.constant 127 : i32
      %and3A_1670 = arith.andi %squeeze3A_1664, %and3A_1669 : i32
      %add3A_1671 = vector.broadcast %and3A_1670 : i32 to vector<16xi32>
      %add3A_1672 = arith.addi %broadcast_in_dim3A_1668, %add3A_1671 : vector<16xi32>
      %broadcast_in_dim3A_1673 = arith.constant 0 : i32
      %broadcast_in_dim3A_1674 = vector.broadcast %broadcast_in_dim3A_1673 : i32 to vector<16xi32>
      %and3A_1675 = arith.constant 127 : i32
      %and3A_1676 = arith.andi %squeeze3A_1666, %and3A_1675 : i32
      %add3A_1677 = vector.broadcast %and3A_1676 : i32 to vector<16xi32>
      %add3A_1678 = arith.addi %broadcast_in_dim3A_1674, %add3A_1677 : vector<16xi32>
      %broadcast_in_dim3A_1679 = arith.constant 0.000000e+00 : f32
      %broadcast_in_dim3A_1680 = vector.broadcast %broadcast_in_dim3A_1679 : f32 to vector<16xf32>
      %add3A_1681 = arith.constant 0 : i32
      %add3A_1682 = vector.broadcast %add3A_1681 : i32 to vector<16xi32>
      %add3A_1683 = arith.addi %iota3A, %add3A_1682 : vector<16xi32>
      %gather3A_1684 = tpu.vector_load_idx %arg11[%add3A_1683, %add3A_1672] : memref<64x128xf32, #tpu.memory_space<vmem>>[vector<16xi32>, vector<16xi32>], vector<16xf32>,
      %gather3A_1685 = tpu.vector_load_idx %arg15[%add3A_1683, %add3A_1678] : memref<64x128xf32, #tpu.memory_space<vmem>>[vector<16xi32>, vector<16xi32>], vector<16xf32>,
      %mul3A_1686 = arith.mulf %gather3A_1684, %gather3A_1685 : vector<16xf32>
      %add3A_1687 = arith.addf %broadcast_in_dim3A_1680, %mul3A_1686 : vector<16xf32>
      %add3A_1688 = arith.constant 16 : i32
      %add3A_1689 = vector.broadcast %add3A_1688 : i32 to vector<16xi32>
      %add3A_1690 = arith.addi %iota3A, %add3A_1689 : vector<16xi32>
      %gather3A_1691 = tpu.vector_load_idx %arg11[%add3A_1690, %add3A_1672] : memref<64x128xf32, #tpu.memory_space<vmem>>[vector<16xi32>, vector<16xi32>], vector<16xf32>,
      %gather3A_1692 = tpu.vector_load_idx %arg15[%add3A_1690, %add3A_1678] : memref<64x128xf32, #tpu.memory_space<vmem>>[vector<16xi32>, vector<16xi32>], vector<16xf32>,
      %mul3A_1693 = arith.mulf %gather3A_1691, %gather3A_1692 : vector<16xf32>
      %add3A_1694 = arith.addf %add3A_1687, %mul3A_1693 : vector<16xf32>
      %add3A_1695 = arith.constant 32 : i32
      %add3A_1696 = vector.broadcast %add3A_1695 : i32 to vector<16xi32>
      %add3A_1697 = arith.addi %iota3A, %add3A_1696 : vector<16xi32>
      %gather3A_1698 = tpu.vector_load_idx %arg11[%add3A_1697, %add3A_1672] : memref<64x128xf32, #tpu.memory_space<vmem>>[vector<16xi32>, vector<16xi32>], vector<16xf32>,
      %gather3A_1699 = tpu.vector_load_idx %arg15[%add3A_1697, %add3A_1678] : memref<64x128xf32, #tpu.memory_space<vmem>>[vector<16xi32>, vector<16xi32>], vector<16xf32>,
      %mul3A_1700 = arith.mulf %gather3A_1698, %gather3A_1699 : vector<16xf32>
      %add3A_1701 = arith.addf %add3A_1694, %mul3A_1700 : vector<16xf32>
      %add3A_1702 = arith.constant 48 : i32
      %add3A_1703 = vector.broadcast %add3A_1702 : i32 to vector<16xi32>
      %add3A_1704 = arith.addi %iota3A, %add3A_1703 : vector<16xi32>
      %gather3A_1705 = tpu.vector_load_idx %arg11[%add3A_1704, %add3A_1672] : memref<64x128xf32, #tpu.memory_space<vmem>>[vector<16xi32>, vector<16xi32>], vector<16xf32>,
      %gather3A_1706 = tpu.vector_load_idx %arg15[%add3A_1704, %add3A_1678] : memref<64x128xf32, #tpu.memory_space<vmem>>[vector<16xi32>, vector<16xi32>], vector<16xf32>,
      %mul3A_1707 = arith.mulf %gather3A_1705, %gather3A_1706 : vector<16xf32>
      %add3A_1708 = arith.addf %add3A_1701, %mul3A_1707 : vector<16xf32>
      %gather3A_1709 = tpu.vector_load_idx %arg19[%broadcast_in_dim3A_3, %add3A_1672] : memref<1x128xf32, #tpu.memory_space<vmem>>[vector<16xi32>, vector<16xi32>], vector<16xf32>,
      %gather3A_1710 = tpu.vector_load_idx %arg23[%broadcast_in_dim3A_3, %add3A_1678] : memref<1x128xf32, #tpu.memory_space<vmem>>[vector<16xi32>, vector<16xi32>], vector<16xf32>,
      %reduce_sum3A_1711 = arith.constant true
      %reduce_sum3A_1712 = vector.broadcast %reduce_sum3A_1711 : i1 to vector<16xi1>
      %reduce_sum3A_1713 = tpu.scan <sum>, %add3A_1708 masked %reduce_sum3A_1712 : vector<16xf32>, vector<16xi1> -> vector<16xf32>
      %reduce_sum3A_1714 = vector.extract %reduce_sum3A_1713[15] : f32 from vector<16xf32>
      %slice3A_1715 = vector.extract_strided_slice %gather3A_1709 {offsets = [0], sizes = [1], strides = [1]} : vector<16xf32> to vector<1xf32>
      %squeeze3A_1716 = vector.extract %slice3A_1715[0] : f32 from vector<1xf32>
      %add3A_1717 = arith.addf %reduce_sum3A_1714, %squeeze3A_1716 : f32
      %slice3A_1718 = vector.extract_strided_slice %gather3A_1710 {offsets = [0], sizes = [1], strides = [1]} : vector<16xf32> to vector<1xf32>
      %squeeze3A_1719 = vector.extract %slice3A_1718[0] : f32 from vector<1xf32>
      %add3A_1720 = arith.addf %add3A_1717, %squeeze3A_1719 : f32
      %eq3A_1721 = arith.constant 12 : i32
      %eq3A_1722 = vector.broadcast %eq3A_1721 : i32 to vector<16xi32>
      %eq3A_1723 = arith.cmpi eq, %iota3A, %eq3A_1722 : vector<16xi32>
      %broadcast_in_dim3A_1724 = vector.broadcast %add3A_1720 : f32 to vector<16xf32>
      %select_n3A_1725 = arith.select %eq3A_1723, %broadcast_in_dim3A_1724, %select_n3A_1608 : vector<16xi1>, vector<16xf32>
      %slice3A_1726 = vector.extract_strided_slice %get3A_226 {offsets = [15], sizes = [1], strides = [1]} : vector<16xi32> to vector<1xi32>
      %squeeze3A_1727 = vector.extract %slice3A_1726[0] : i32 from vector<1xi32>
      %slice3A_1728 = vector.extract_strided_slice %get3A_233 {offsets = [0], sizes = [1], strides = [1]} : vector<16xi32> to vector<1xi32>
      %squeeze3A_1729 = vector.extract %slice3A_1728[0] : i32 from vector<1xi32>
      %select_n3A_1730 = arith.select %eq3A_229, %squeeze3A_1727, %squeeze3A_1729 : i32
      %slice3A_1731 = vector.extract_strided_slice %get3A_228 {offsets = [15], sizes = [1], strides = [1]} : vector<16xi32> to vector<1xi32>
      %squeeze3A_1732 = vector.extract %slice3A_1731[0] : i32 from vector<1xi32>
      %slice3A_1733 = vector.extract_strided_slice %get3A_235 {offsets = [0], sizes = [1], strides = [1]} : vector<16xi32> to vector<1xi32>
      %squeeze3A_1734 = vector.extract %slice3A_1733[0] : i32 from vector<1xi32>
      %select_n3A_1735 = arith.select %eq3A_229, %squeeze3A_1732, %squeeze3A_1734 : i32
      %shift_right_arithmetic3A_1736 = arith.constant 7 : i32
      %shift_right_arithmetic3A_1737 = arith.shrsi %select_n3A_1730, %shift_right_arithmetic3A_1736 : i32
      %mul3A_1738 = arith.constant 128 : i32
      %mul3A_1739 = arith.muli %shift_right_arithmetic3A_1737, %mul3A_1738 : i32
      %multiple_of3A_1740 = tpu.assume_multiple %mul3A_1739, 128 : i32
      %shift_right_arithmetic3A_1741 = arith.constant 7 : i32
      %shift_right_arithmetic3A_1742 = arith.shrsi %select_n3A_1735, %shift_right_arithmetic3A_1741 : i32
      %mul3A_1743 = arith.constant 128 : i32
      %mul3A_1744 = arith.muli %shift_right_arithmetic3A_1742, %mul3A_1743 : i32
      %multiple_of3A_1745 = tpu.assume_multiple %mul3A_1744, 128 : i32
      %dma_start3A_1746 = arith.constant 0 : i32
      %dma_start3A_1747 = tpu.memref_slice %arg4[%dma_start3A_1746, %multiple_of3A_1740] : memref<64x1000000xf32, #tpu.memory_space<hbm>> -> memref<64x128xf32, #tpu.memory_space<hbm>>
      %dma_start3A_1748 = arith.constant 0 : i32
      %dma_start3A_1749 = tpu.memref_slice %arg4[%dma_start3A_1748, %multiple_of3A_1740] : memref<64x1000000xf32, #tpu.memory_space<hbm>> -> memref<64x128xf32, #tpu.memory_space<hbm>>
      tpu.enqueue_dma source(%dma_start3A_1749 : memref<64x128xf32, #tpu.memory_space<hbm>>) target(%arg11 : memref<64x128xf32, #tpu.memory_space<vmem>>) target_semaphore(%arg28 : memref<!tpu.dma_semaphore, #tpu.memory_space<semaphore_mem>>)
      %dma_start3A_1750 = arith.constant 0 : i32
      %dma_start3A_1751 = tpu.memref_slice %arg5[%dma_start3A_1750, %multiple_of3A_1745] : memref<64x1000000xf32, #tpu.memory_space<hbm>> -> memref<64x128xf32, #tpu.memory_space<hbm>>
      %dma_start3A_1752 = arith.constant 0 : i32
      %dma_start3A_1753 = tpu.memref_slice %arg5[%dma_start3A_1752, %multiple_of3A_1745] : memref<64x1000000xf32, #tpu.memory_space<hbm>> -> memref<64x128xf32, #tpu.memory_space<hbm>>
      tpu.enqueue_dma source(%dma_start3A_1753 : memref<64x128xf32, #tpu.memory_space<hbm>>) target(%arg15 : memref<64x128xf32, #tpu.memory_space<vmem>>) target_semaphore(%arg28 : memref<!tpu.dma_semaphore, #tpu.memory_space<semaphore_mem>>)
      %dma_start3A_1754 = arith.constant 0 : i32
      %dma_start3A_1755 = tpu.memref_slice %arg6[%dma_start3A_1754, %multiple_of3A_1740] : memref<1x1000000xf32, #tpu.memory_space<hbm>> -> memref<1x128xf32, #tpu.memory_space<hbm>>
      %dma_start3A_1756 = arith.constant 0 : i32
      %dma_start3A_1757 = tpu.memref_slice %arg6[%dma_start3A_1756, %multiple_of3A_1740] : memref<1x1000000xf32, #tpu.memory_space<hbm>> -> memref<1x128xf32, #tpu.memory_space<hbm>>
      tpu.enqueue_dma source(%dma_start3A_1757 : memref<1x128xf32, #tpu.memory_space<hbm>>) target(%arg19 : memref<1x128xf32, #tpu.memory_space<vmem>>) target_semaphore(%arg28 : memref<!tpu.dma_semaphore, #tpu.memory_space<semaphore_mem>>)
      %dma_start3A_1758 = arith.constant 0 : i32
      %dma_start3A_1759 = tpu.memref_slice %arg7[%dma_start3A_1758, %multiple_of3A_1745] : memref<1x1000000xf32, #tpu.memory_space<hbm>> -> memref<1x128xf32, #tpu.memory_space<hbm>>
      %dma_start3A_1760 = arith.constant 0 : i32
      %dma_start3A_1761 = tpu.memref_slice %arg7[%dma_start3A_1760, %multiple_of3A_1745] : memref<1x1000000xf32, #tpu.memory_space<hbm>> -> memref<1x128xf32, #tpu.memory_space<hbm>>
      tpu.enqueue_dma source(%dma_start3A_1761 : memref<1x128xf32, #tpu.memory_space<hbm>>) target(%arg23 : memref<1x128xf32, #tpu.memory_space<vmem>>) target_semaphore(%arg28 : memref<!tpu.dma_semaphore, #tpu.memory_space<semaphore_mem>>)
      %dma_wait3A_1762 = arith.constant 0 : i32
      %dma_wait3A_1763 = arith.constant 0 : i32
      %dma_wait3A_1764 = tpu.memref_slice %arg4[%dma_wait3A_1762, %dma_wait3A_1763] : memref<64x1000000xf32, #tpu.memory_space<hbm>> -> memref<64x128xf32, #tpu.memory_space<hbm>>
      %dma_wait3A_1765 = arith.constant 0 : i32
      %dma_wait3A_1766 = arith.constant 0 : i32
      %dma_wait3A_1767 = tpu.memref_slice %arg4[%dma_wait3A_1765, %dma_wait3A_1766] : memref<64x1000000xf32, #tpu.memory_space<hbm>> -> memref<64x128xf32, #tpu.memory_space<hbm>>
      tpu.wait_dma2 semaphore(%arg28 : memref<!tpu.dma_semaphore, #tpu.memory_space<semaphore_mem>>) src(%dma_wait3A_1767 : memref<64x128xf32, #tpu.memory_space<hbm>>) dst(%arg12 : memref<64x128xf32, #tpu.memory_space<vmem>>)
      %dma_wait3A_1768 = arith.constant 0 : i32
      %dma_wait3A_1769 = arith.constant 0 : i32
      %dma_wait3A_1770 = tpu.memref_slice %arg5[%dma_wait3A_1768, %dma_wait3A_1769] : memref<64x1000000xf32, #tpu.memory_space<hbm>> -> memref<64x128xf32, #tpu.memory_space<hbm>>
      %dma_wait3A_1771 = arith.constant 0 : i32
      %dma_wait3A_1772 = arith.constant 0 : i32
      %dma_wait3A_1773 = tpu.memref_slice %arg5[%dma_wait3A_1771, %dma_wait3A_1772] : memref<64x1000000xf32, #tpu.memory_space<hbm>> -> memref<64x128xf32, #tpu.memory_space<hbm>>
      tpu.wait_dma2 semaphore(%arg28 : memref<!tpu.dma_semaphore, #tpu.memory_space<semaphore_mem>>) src(%dma_wait3A_1773 : memref<64x128xf32, #tpu.memory_space<hbm>>) dst(%arg16 : memref<64x128xf32, #tpu.memory_space<vmem>>)
      %dma_wait3A_1774 = arith.constant 0 : i32
      %dma_wait3A_1775 = arith.constant 0 : i32
      %dma_wait3A_1776 = tpu.memref_slice %arg6[%dma_wait3A_1774, %dma_wait3A_1775] : memref<1x1000000xf32, #tpu.memory_space<hbm>> -> memref<1x128xf32, #tpu.memory_space<hbm>>
      %dma_wait3A_1777 = arith.constant 0 : i32
      %dma_wait3A_1778 = arith.constant 0 : i32
      %dma_wait3A_1779 = tpu.memref_slice %arg6[%dma_wait3A_1777, %dma_wait3A_1778] : memref<1x1000000xf32, #tpu.memory_space<hbm>> -> memref<1x128xf32, #tpu.memory_space<hbm>>
      tpu.wait_dma2 semaphore(%arg28 : memref<!tpu.dma_semaphore, #tpu.memory_space<semaphore_mem>>) src(%dma_wait3A_1779 : memref<1x128xf32, #tpu.memory_space<hbm>>) dst(%arg20 : memref<1x128xf32, #tpu.memory_space<vmem>>)
      %dma_wait3A_1780 = arith.constant 0 : i32
      %dma_wait3A_1781 = arith.constant 0 : i32
      %dma_wait3A_1782 = tpu.memref_slice %arg7[%dma_wait3A_1780, %dma_wait3A_1781] : memref<1x1000000xf32, #tpu.memory_space<hbm>> -> memref<1x128xf32, #tpu.memory_space<hbm>>
      %dma_wait3A_1783 = arith.constant 0 : i32
      %dma_wait3A_1784 = arith.constant 0 : i32
      %dma_wait3A_1785 = tpu.memref_slice %arg7[%dma_wait3A_1783, %dma_wait3A_1784] : memref<1x1000000xf32, #tpu.memory_space<hbm>> -> memref<1x128xf32, #tpu.memory_space<hbm>>
      tpu.wait_dma2 semaphore(%arg28 : memref<!tpu.dma_semaphore, #tpu.memory_space<semaphore_mem>>) src(%dma_wait3A_1785 : memref<1x128xf32, #tpu.memory_space<hbm>>) dst(%arg24 : memref<1x128xf32, #tpu.memory_space<vmem>>)
      %slice3A_1786 = vector.extract_strided_slice %get3A_226 {offsets = [13], sizes = [1], strides = [1]} : vector<16xi32> to vector<1xi32>
      %squeeze3A_1787 = vector.extract %slice3A_1786[0] : i32 from vector<1xi32>
      %slice3A_1788 = vector.extract_strided_slice %get3A_228 {offsets = [13], sizes = [1], strides = [1]} : vector<16xi32> to vector<1xi32>
      %squeeze3A_1789 = vector.extract %slice3A_1788[0] : i32 from vector<1xi32>
      %broadcast_in_dim3A_1790 = arith.constant 0 : i32
      %broadcast_in_dim3A_1791 = vector.broadcast %broadcast_in_dim3A_1790 : i32 to vector<16xi32>
      %and3A_1792 = arith.constant 127 : i32
      %and3A_1793 = arith.andi %squeeze3A_1787, %and3A_1792 : i32
      %add3A_1794 = vector.broadcast %and3A_1793 : i32 to vector<16xi32>
      %add3A_1795 = arith.addi %broadcast_in_dim3A_1791, %add3A_1794 : vector<16xi32>
      %broadcast_in_dim3A_1796 = arith.constant 0 : i32
      %broadcast_in_dim3A_1797 = vector.broadcast %broadcast_in_dim3A_1796 : i32 to vector<16xi32>
      %and3A_1798 = arith.constant 127 : i32
      %and3A_1799 = arith.andi %squeeze3A_1789, %and3A_1798 : i32
      %add3A_1800 = vector.broadcast %and3A_1799 : i32 to vector<16xi32>
      %add3A_1801 = arith.addi %broadcast_in_dim3A_1797, %add3A_1800 : vector<16xi32>
      %broadcast_in_dim3A_1802 = arith.constant 0.000000e+00 : f32
      %broadcast_in_dim3A_1803 = vector.broadcast %broadcast_in_dim3A_1802 : f32 to vector<16xf32>
      %add3A_1804 = arith.constant 0 : i32
      %add3A_1805 = vector.broadcast %add3A_1804 : i32 to vector<16xi32>
      %add3A_1806 = arith.addi %iota3A, %add3A_1805 : vector<16xi32>
      %gather3A_1807 = tpu.vector_load_idx %arg12[%add3A_1806, %add3A_1795] : memref<64x128xf32, #tpu.memory_space<vmem>>[vector<16xi32>, vector<16xi32>], vector<16xf32>,
      %gather3A_1808 = tpu.vector_load_idx %arg16[%add3A_1806, %add3A_1801] : memref<64x128xf32, #tpu.memory_space<vmem>>[vector<16xi32>, vector<16xi32>], vector<16xf32>,
      %mul3A_1809 = arith.mulf %gather3A_1807, %gather3A_1808 : vector<16xf32>
      %add3A_1810 = arith.addf %broadcast_in_dim3A_1803, %mul3A_1809 : vector<16xf32>
      %add3A_1811 = arith.constant 16 : i32
      %add3A_1812 = vector.broadcast %add3A_1811 : i32 to vector<16xi32>
      %add3A_1813 = arith.addi %iota3A, %add3A_1812 : vector<16xi32>
      %gather3A_1814 = tpu.vector_load_idx %arg12[%add3A_1813, %add3A_1795] : memref<64x128xf32, #tpu.memory_space<vmem>>[vector<16xi32>, vector<16xi32>], vector<16xf32>,
      %gather3A_1815 = tpu.vector_load_idx %arg16[%add3A_1813, %add3A_1801] : memref<64x128xf32, #tpu.memory_space<vmem>>[vector<16xi32>, vector<16xi32>], vector<16xf32>,
      %mul3A_1816 = arith.mulf %gather3A_1814, %gather3A_1815 : vector<16xf32>
      %add3A_1817 = arith.addf %add3A_1810, %mul3A_1816 : vector<16xf32>
      %add3A_1818 = arith.constant 32 : i32
      %add3A_1819 = vector.broadcast %add3A_1818 : i32 to vector<16xi32>
      %add3A_1820 = arith.addi %iota3A, %add3A_1819 : vector<16xi32>
      %gather3A_1821 = tpu.vector_load_idx %arg12[%add3A_1820, %add3A_1795] : memref<64x128xf32, #tpu.memory_space<vmem>>[vector<16xi32>, vector<16xi32>], vector<16xf32>,
      %gather3A_1822 = tpu.vector_load_idx %arg16[%add3A_1820, %add3A_1801] : memref<64x128xf32, #tpu.memory_space<vmem>>[vector<16xi32>, vector<16xi32>], vector<16xf32>,
      %mul3A_1823 = arith.mulf %gather3A_1821, %gather3A_1822 : vector<16xf32>
      %add3A_1824 = arith.addf %add3A_1817, %mul3A_1823 : vector<16xf32>
      %add3A_1825 = arith.constant 48 : i32
      %add3A_1826 = vector.broadcast %add3A_1825 : i32 to vector<16xi32>
      %add3A_1827 = arith.addi %iota3A, %add3A_1826 : vector<16xi32>
      %gather3A_1828 = tpu.vector_load_idx %arg12[%add3A_1827, %add3A_1795] : memref<64x128xf32, #tpu.memory_space<vmem>>[vector<16xi32>, vector<16xi32>], vector<16xf32>,
      %gather3A_1829 = tpu.vector_load_idx %arg16[%add3A_1827, %add3A_1801] : memref<64x128xf32, #tpu.memory_space<vmem>>[vector<16xi32>, vector<16xi32>], vector<16xf32>,
      %mul3A_1830 = arith.mulf %gather3A_1828, %gather3A_1829 : vector<16xf32>
      %add3A_1831 = arith.addf %add3A_1824, %mul3A_1830 : vector<16xf32>
      %gather3A_1832 = tpu.vector_load_idx %arg20[%broadcast_in_dim3A_3, %add3A_1795] : memref<1x128xf32, #tpu.memory_space<vmem>>[vector<16xi32>, vector<16xi32>], vector<16xf32>,
      %gather3A_1833 = tpu.vector_load_idx %arg24[%broadcast_in_dim3A_3, %add3A_1801] : memref<1x128xf32, #tpu.memory_space<vmem>>[vector<16xi32>, vector<16xi32>], vector<16xf32>,
      %reduce_sum3A_1834 = arith.constant true
      %reduce_sum3A_1835 = vector.broadcast %reduce_sum3A_1834 : i1 to vector<16xi1>
      %reduce_sum3A_1836 = tpu.scan <sum>, %add3A_1831 masked %reduce_sum3A_1835 : vector<16xf32>, vector<16xi1> -> vector<16xf32>
      %reduce_sum3A_1837 = vector.extract %reduce_sum3A_1836[15] : f32 from vector<16xf32>
      %slice3A_1838 = vector.extract_strided_slice %gather3A_1832 {offsets = [0], sizes = [1], strides = [1]} : vector<16xf32> to vector<1xf32>
      %squeeze3A_1839 = vector.extract %slice3A_1838[0] : f32 from vector<1xf32>
      %add3A_1840 = arith.addf %reduce_sum3A_1837, %squeeze3A_1839 : f32
      %slice3A_1841 = vector.extract_strided_slice %gather3A_1833 {offsets = [0], sizes = [1], strides = [1]} : vector<16xf32> to vector<1xf32>
      %squeeze3A_1842 = vector.extract %slice3A_1841[0] : f32 from vector<1xf32>
      %add3A_1843 = arith.addf %add3A_1840, %squeeze3A_1842 : f32
      %eq3A_1844 = arith.constant 13 : i32
      %eq3A_1845 = vector.broadcast %eq3A_1844 : i32 to vector<16xi32>
      %eq3A_1846 = arith.cmpi eq, %iota3A, %eq3A_1845 : vector<16xi32>
      %broadcast_in_dim3A_1847 = vector.broadcast %add3A_1843 : f32 to vector<16xf32>
      %select_n3A_1848 = arith.select %eq3A_1846, %broadcast_in_dim3A_1847, %select_n3A_1725 : vector<16xi1>, vector<16xf32>
      %slice3A_1849 = vector.extract_strided_slice %get3A_226 {offsets = [15], sizes = [1], strides = [1]} : vector<16xi32> to vector<1xi32>
      %squeeze3A_1850 = vector.extract %slice3A_1849[0] : i32 from vector<1xi32>
      %slice3A_1851 = vector.extract_strided_slice %get3A_233 {offsets = [1], sizes = [1], strides = [1]} : vector<16xi32> to vector<1xi32>
      %squeeze3A_1852 = vector.extract %slice3A_1851[0] : i32 from vector<1xi32>
      %select_n3A_1853 = arith.select %eq3A_229, %squeeze3A_1850, %squeeze3A_1852 : i32
      %slice3A_1854 = vector.extract_strided_slice %get3A_228 {offsets = [15], sizes = [1], strides = [1]} : vector<16xi32> to vector<1xi32>
      %squeeze3A_1855 = vector.extract %slice3A_1854[0] : i32 from vector<1xi32>
      %slice3A_1856 = vector.extract_strided_slice %get3A_235 {offsets = [1], sizes = [1], strides = [1]} : vector<16xi32> to vector<1xi32>
      %squeeze3A_1857 = vector.extract %slice3A_1856[0] : i32 from vector<1xi32>
      %select_n3A_1858 = arith.select %eq3A_229, %squeeze3A_1855, %squeeze3A_1857 : i32
      %shift_right_arithmetic3A_1859 = arith.constant 7 : i32
      %shift_right_arithmetic3A_1860 = arith.shrsi %select_n3A_1853, %shift_right_arithmetic3A_1859 : i32
      %mul3A_1861 = arith.constant 128 : i32
      %mul3A_1862 = arith.muli %shift_right_arithmetic3A_1860, %mul3A_1861 : i32
      %multiple_of3A_1863 = tpu.assume_multiple %mul3A_1862, 128 : i32
      %shift_right_arithmetic3A_1864 = arith.constant 7 : i32
      %shift_right_arithmetic3A_1865 = arith.shrsi %select_n3A_1858, %shift_right_arithmetic3A_1864 : i32
      %mul3A_1866 = arith.constant 128 : i32
      %mul3A_1867 = arith.muli %shift_right_arithmetic3A_1865, %mul3A_1866 : i32
      %multiple_of3A_1868 = tpu.assume_multiple %mul3A_1867, 128 : i32
      %dma_start3A_1869 = arith.constant 0 : i32
      %dma_start3A_1870 = tpu.memref_slice %arg4[%dma_start3A_1869, %multiple_of3A_1863] : memref<64x1000000xf32, #tpu.memory_space<hbm>> -> memref<64x128xf32, #tpu.memory_space<hbm>>
      %dma_start3A_1871 = arith.constant 0 : i32
      %dma_start3A_1872 = tpu.memref_slice %arg4[%dma_start3A_1871, %multiple_of3A_1863] : memref<64x1000000xf32, #tpu.memory_space<hbm>> -> memref<64x128xf32, #tpu.memory_space<hbm>>
      tpu.enqueue_dma source(%dma_start3A_1872 : memref<64x128xf32, #tpu.memory_space<hbm>>) target(%arg12 : memref<64x128xf32, #tpu.memory_space<vmem>>) target_semaphore(%arg28 : memref<!tpu.dma_semaphore, #tpu.memory_space<semaphore_mem>>)
      %dma_start3A_1873 = arith.constant 0 : i32
      %dma_start3A_1874 = tpu.memref_slice %arg5[%dma_start3A_1873, %multiple_of3A_1868] : memref<64x1000000xf32, #tpu.memory_space<hbm>> -> memref<64x128xf32, #tpu.memory_space<hbm>>
      %dma_start3A_1875 = arith.constant 0 : i32
      %dma_start3A_1876 = tpu.memref_slice %arg5[%dma_start3A_1875, %multiple_of3A_1868] : memref<64x1000000xf32, #tpu.memory_space<hbm>> -> memref<64x128xf32, #tpu.memory_space<hbm>>
      tpu.enqueue_dma source(%dma_start3A_1876 : memref<64x128xf32, #tpu.memory_space<hbm>>) target(%arg16 : memref<64x128xf32, #tpu.memory_space<vmem>>) target_semaphore(%arg28 : memref<!tpu.dma_semaphore, #tpu.memory_space<semaphore_mem>>)
      %dma_start3A_1877 = arith.constant 0 : i32
      %dma_start3A_1878 = tpu.memref_slice %arg6[%dma_start3A_1877, %multiple_of3A_1863] : memref<1x1000000xf32, #tpu.memory_space<hbm>> -> memref<1x128xf32, #tpu.memory_space<hbm>>
      %dma_start3A_1879 = arith.constant 0 : i32
      %dma_start3A_1880 = tpu.memref_slice %arg6[%dma_start3A_1879, %multiple_of3A_1863] : memref<1x1000000xf32, #tpu.memory_space<hbm>> -> memref<1x128xf32, #tpu.memory_space<hbm>>
      tpu.enqueue_dma source(%dma_start3A_1880 : memref<1x128xf32, #tpu.memory_space<hbm>>) target(%arg20 : memref<1x128xf32, #tpu.memory_space<vmem>>) target_semaphore(%arg28 : memref<!tpu.dma_semaphore, #tpu.memory_space<semaphore_mem>>)
      %dma_start3A_1881 = arith.constant 0 : i32
      %dma_start3A_1882 = tpu.memref_slice %arg7[%dma_start3A_1881, %multiple_of3A_1868] : memref<1x1000000xf32, #tpu.memory_space<hbm>> -> memref<1x128xf32, #tpu.memory_space<hbm>>
      %dma_start3A_1883 = arith.constant 0 : i32
      %dma_start3A_1884 = tpu.memref_slice %arg7[%dma_start3A_1883, %multiple_of3A_1868] : memref<1x1000000xf32, #tpu.memory_space<hbm>> -> memref<1x128xf32, #tpu.memory_space<hbm>>
      tpu.enqueue_dma source(%dma_start3A_1884 : memref<1x128xf32, #tpu.memory_space<hbm>>) target(%arg24 : memref<1x128xf32, #tpu.memory_space<vmem>>) target_semaphore(%arg28 : memref<!tpu.dma_semaphore, #tpu.memory_space<semaphore_mem>>)
      %dma_wait3A_1885 = arith.constant 0 : i32
      %dma_wait3A_1886 = arith.constant 0 : i32
      %dma_wait3A_1887 = tpu.memref_slice %arg4[%dma_wait3A_1885, %dma_wait3A_1886] : memref<64x1000000xf32, #tpu.memory_space<hbm>> -> memref<64x128xf32, #tpu.memory_space<hbm>>
      %dma_wait3A_1888 = arith.constant 0 : i32
      %dma_wait3A_1889 = arith.constant 0 : i32
      %dma_wait3A_1890 = tpu.memref_slice %arg4[%dma_wait3A_1888, %dma_wait3A_1889] : memref<64x1000000xf32, #tpu.memory_space<hbm>> -> memref<64x128xf32, #tpu.memory_space<hbm>>
      tpu.wait_dma2 semaphore(%arg28 : memref<!tpu.dma_semaphore, #tpu.memory_space<semaphore_mem>>) src(%dma_wait3A_1890 : memref<64x128xf32, #tpu.memory_space<hbm>>) dst(%arg13 : memref<64x128xf32, #tpu.memory_space<vmem>>)
      %dma_wait3A_1891 = arith.constant 0 : i32
      %dma_wait3A_1892 = arith.constant 0 : i32
      %dma_wait3A_1893 = tpu.memref_slice %arg5[%dma_wait3A_1891, %dma_wait3A_1892] : memref<64x1000000xf32, #tpu.memory_space<hbm>> -> memref<64x128xf32, #tpu.memory_space<hbm>>
      %dma_wait3A_1894 = arith.constant 0 : i32
      %dma_wait3A_1895 = arith.constant 0 : i32
      %dma_wait3A_1896 = tpu.memref_slice %arg5[%dma_wait3A_1894, %dma_wait3A_1895] : memref<64x1000000xf32, #tpu.memory_space<hbm>> -> memref<64x128xf32, #tpu.memory_space<hbm>>
      tpu.wait_dma2 semaphore(%arg28 : memref<!tpu.dma_semaphore, #tpu.memory_space<semaphore_mem>>) src(%dma_wait3A_1896 : memref<64x128xf32, #tpu.memory_space<hbm>>) dst(%arg17 : memref<64x128xf32, #tpu.memory_space<vmem>>)
      %dma_wait3A_1897 = arith.constant 0 : i32
      %dma_wait3A_1898 = arith.constant 0 : i32
      %dma_wait3A_1899 = tpu.memref_slice %arg6[%dma_wait3A_1897, %dma_wait3A_1898] : memref<1x1000000xf32, #tpu.memory_space<hbm>> -> memref<1x128xf32, #tpu.memory_space<hbm>>
      %dma_wait3A_1900 = arith.constant 0 : i32
      %dma_wait3A_1901 = arith.constant 0 : i32
      %dma_wait3A_1902 = tpu.memref_slice %arg6[%dma_wait3A_1900, %dma_wait3A_1901] : memref<1x1000000xf32, #tpu.memory_space<hbm>> -> memref<1x128xf32, #tpu.memory_space<hbm>>
      tpu.wait_dma2 semaphore(%arg28 : memref<!tpu.dma_semaphore, #tpu.memory_space<semaphore_mem>>) src(%dma_wait3A_1902 : memref<1x128xf32, #tpu.memory_space<hbm>>) dst(%arg21 : memref<1x128xf32, #tpu.memory_space<vmem>>)
      %dma_wait3A_1903 = arith.constant 0 : i32
      %dma_wait3A_1904 = arith.constant 0 : i32
      %dma_wait3A_1905 = tpu.memref_slice %arg7[%dma_wait3A_1903, %dma_wait3A_1904] : memref<1x1000000xf32, #tpu.memory_space<hbm>> -> memref<1x128xf32, #tpu.memory_space<hbm>>
      %dma_wait3A_1906 = arith.constant 0 : i32
      %dma_wait3A_1907 = arith.constant 0 : i32
      %dma_wait3A_1908 = tpu.memref_slice %arg7[%dma_wait3A_1906, %dma_wait3A_1907] : memref<1x1000000xf32, #tpu.memory_space<hbm>> -> memref<1x128xf32, #tpu.memory_space<hbm>>
      tpu.wait_dma2 semaphore(%arg28 : memref<!tpu.dma_semaphore, #tpu.memory_space<semaphore_mem>>) src(%dma_wait3A_1908 : memref<1x128xf32, #tpu.memory_space<hbm>>) dst(%arg25 : memref<1x128xf32, #tpu.memory_space<vmem>>)
      %slice3A_1909 = vector.extract_strided_slice %get3A_226 {offsets = [14], sizes = [1], strides = [1]} : vector<16xi32> to vector<1xi32>
      %squeeze3A_1910 = vector.extract %slice3A_1909[0] : i32 from vector<1xi32>
      %slice3A_1911 = vector.extract_strided_slice %get3A_228 {offsets = [14], sizes = [1], strides = [1]} : vector<16xi32> to vector<1xi32>
      %squeeze3A_1912 = vector.extract %slice3A_1911[0] : i32 from vector<1xi32>
      %broadcast_in_dim3A_1913 = arith.constant 0 : i32
      %broadcast_in_dim3A_1914 = vector.broadcast %broadcast_in_dim3A_1913 : i32 to vector<16xi32>
      %and3A_1915 = arith.constant 127 : i32
      %and3A_1916 = arith.andi %squeeze3A_1910, %and3A_1915 : i32
      %add3A_1917 = vector.broadcast %and3A_1916 : i32 to vector<16xi32>
      %add3A_1918 = arith.addi %broadcast_in_dim3A_1914, %add3A_1917 : vector<16xi32>
      %broadcast_in_dim3A_1919 = arith.constant 0 : i32
      %broadcast_in_dim3A_1920 = vector.broadcast %broadcast_in_dim3A_1919 : i32 to vector<16xi32>
      %and3A_1921 = arith.constant 127 : i32
      %and3A_1922 = arith.andi %squeeze3A_1912, %and3A_1921 : i32
      %add3A_1923 = vector.broadcast %and3A_1922 : i32 to vector<16xi32>
      %add3A_1924 = arith.addi %broadcast_in_dim3A_1920, %add3A_1923 : vector<16xi32>
      %broadcast_in_dim3A_1925 = arith.constant 0.000000e+00 : f32
      %broadcast_in_dim3A_1926 = vector.broadcast %broadcast_in_dim3A_1925 : f32 to vector<16xf32>
      %add3A_1927 = arith.constant 0 : i32
      %add3A_1928 = vector.broadcast %add3A_1927 : i32 to vector<16xi32>
      %add3A_1929 = arith.addi %iota3A, %add3A_1928 : vector<16xi32>
      %gather3A_1930 = tpu.vector_load_idx %arg13[%add3A_1929, %add3A_1918] : memref<64x128xf32, #tpu.memory_space<vmem>>[vector<16xi32>, vector<16xi32>], vector<16xf32>,
      %gather3A_1931 = tpu.vector_load_idx %arg17[%add3A_1929, %add3A_1924] : memref<64x128xf32, #tpu.memory_space<vmem>>[vector<16xi32>, vector<16xi32>], vector<16xf32>,
      %mul3A_1932 = arith.mulf %gather3A_1930, %gather3A_1931 : vector<16xf32>
      %add3A_1933 = arith.addf %broadcast_in_dim3A_1926, %mul3A_1932 : vector<16xf32>
      %add3A_1934 = arith.constant 16 : i32
      %add3A_1935 = vector.broadcast %add3A_1934 : i32 to vector<16xi32>
      %add3A_1936 = arith.addi %iota3A, %add3A_1935 : vector<16xi32>
      %gather3A_1937 = tpu.vector_load_idx %arg13[%add3A_1936, %add3A_1918] : memref<64x128xf32, #tpu.memory_space<vmem>>[vector<16xi32>, vector<16xi32>], vector<16xf32>,
      %gather3A_1938 = tpu.vector_load_idx %arg17[%add3A_1936, %add3A_1924] : memref<64x128xf32, #tpu.memory_space<vmem>>[vector<16xi32>, vector<16xi32>], vector<16xf32>,
      %mul3A_1939 = arith.mulf %gather3A_1937, %gather3A_1938 : vector<16xf32>
      %add3A_1940 = arith.addf %add3A_1933, %mul3A_1939 : vector<16xf32>
      %add3A_1941 = arith.constant 32 : i32
      %add3A_1942 = vector.broadcast %add3A_1941 : i32 to vector<16xi32>
      %add3A_1943 = arith.addi %iota3A, %add3A_1942 : vector<16xi32>
      %gather3A_1944 = tpu.vector_load_idx %arg13[%add3A_1943, %add3A_1918] : memref<64x128xf32, #tpu.memory_space<vmem>>[vector<16xi32>, vector<16xi32>], vector<16xf32>,
      %gather3A_1945 = tpu.vector_load_idx %arg17[%add3A_1943, %add3A_1924] : memref<64x128xf32, #tpu.memory_space<vmem>>[vector<16xi32>, vector<16xi32>], vector<16xf32>,
      %mul3A_1946 = arith.mulf %gather3A_1944, %gather3A_1945 : vector<16xf32>
      %add3A_1947 = arith.addf %add3A_1940, %mul3A_1946 : vector<16xf32>
      %add3A_1948 = arith.constant 48 : i32
      %add3A_1949 = vector.broadcast %add3A_1948 : i32 to vector<16xi32>
      %add3A_1950 = arith.addi %iota3A, %add3A_1949 : vector<16xi32>
      %gather3A_1951 = tpu.vector_load_idx %arg13[%add3A_1950, %add3A_1918] : memref<64x128xf32, #tpu.memory_space<vmem>>[vector<16xi32>, vector<16xi32>], vector<16xf32>,
      %gather3A_1952 = tpu.vector_load_idx %arg17[%add3A_1950, %add3A_1924] : memref<64x128xf32, #tpu.memory_space<vmem>>[vector<16xi32>, vector<16xi32>], vector<16xf32>,
      %mul3A_1953 = arith.mulf %gather3A_1951, %gather3A_1952 : vector<16xf32>
      %add3A_1954 = arith.addf %add3A_1947, %mul3A_1953 : vector<16xf32>
      %gather3A_1955 = tpu.vector_load_idx %arg21[%broadcast_in_dim3A_3, %add3A_1918] : memref<1x128xf32, #tpu.memory_space<vmem>>[vector<16xi32>, vector<16xi32>], vector<16xf32>,
      %gather3A_1956 = tpu.vector_load_idx %arg25[%broadcast_in_dim3A_3, %add3A_1924] : memref<1x128xf32, #tpu.memory_space<vmem>>[vector<16xi32>, vector<16xi32>], vector<16xf32>,
      %reduce_sum3A_1957 = arith.constant true
      %reduce_sum3A_1958 = vector.broadcast %reduce_sum3A_1957 : i1 to vector<16xi1>
      %reduce_sum3A_1959 = tpu.scan <sum>, %add3A_1954 masked %reduce_sum3A_1958 : vector<16xf32>, vector<16xi1> -> vector<16xf32>
      %reduce_sum3A_1960 = vector.extract %reduce_sum3A_1959[15] : f32 from vector<16xf32>
      %slice3A_1961 = vector.extract_strided_slice %gather3A_1955 {offsets = [0], sizes = [1], strides = [1]} : vector<16xf32> to vector<1xf32>
      %squeeze3A_1962 = vector.extract %slice3A_1961[0] : f32 from vector<1xf32>
      %add3A_1963 = arith.addf %reduce_sum3A_1960, %squeeze3A_1962 : f32
      %slice3A_1964 = vector.extract_strided_slice %gather3A_1956 {offsets = [0], sizes = [1], strides = [1]} : vector<16xf32> to vector<1xf32>
      %squeeze3A_1965 = vector.extract %slice3A_1964[0] : f32 from vector<1xf32>
      %add3A_1966 = arith.addf %add3A_1963, %squeeze3A_1965 : f32
      %eq3A_1967 = arith.constant 14 : i32
      %eq3A_1968 = vector.broadcast %eq3A_1967 : i32 to vector<16xi32>
      %eq3A_1969 = arith.cmpi eq, %iota3A, %eq3A_1968 : vector<16xi32>
      %broadcast_in_dim3A_1970 = vector.broadcast %add3A_1966 : f32 to vector<16xf32>
      %select_n3A_1971 = arith.select %eq3A_1969, %broadcast_in_dim3A_1970, %select_n3A_1848 : vector<16xi1>, vector<16xf32>
      %slice3A_1972 = vector.extract_strided_slice %get3A_226 {offsets = [15], sizes = [1], strides = [1]} : vector<16xi32> to vector<1xi32>
      %squeeze3A_1973 = vector.extract %slice3A_1972[0] : i32 from vector<1xi32>
      %slice3A_1974 = vector.extract_strided_slice %get3A_233 {offsets = [2], sizes = [1], strides = [1]} : vector<16xi32> to vector<1xi32>
      %squeeze3A_1975 = vector.extract %slice3A_1974[0] : i32 from vector<1xi32>
      %select_n3A_1976 = arith.select %eq3A_229, %squeeze3A_1973, %squeeze3A_1975 : i32
      %slice3A_1977 = vector.extract_strided_slice %get3A_228 {offsets = [15], sizes = [1], strides = [1]} : vector<16xi32> to vector<1xi32>
      %squeeze3A_1978 = vector.extract %slice3A_1977[0] : i32 from vector<1xi32>
      %slice3A_1979 = vector.extract_strided_slice %get3A_235 {offsets = [2], sizes = [1], strides = [1]} : vector<16xi32> to vector<1xi32>
      %squeeze3A_1980 = vector.extract %slice3A_1979[0] : i32 from vector<1xi32>
      %select_n3A_1981 = arith.select %eq3A_229, %squeeze3A_1978, %squeeze3A_1980 : i32
      %shift_right_arithmetic3A_1982 = arith.constant 7 : i32
      %shift_right_arithmetic3A_1983 = arith.shrsi %select_n3A_1976, %shift_right_arithmetic3A_1982 : i32
      %mul3A_1984 = arith.constant 128 : i32
      %mul3A_1985 = arith.muli %shift_right_arithmetic3A_1983, %mul3A_1984 : i32
      %multiple_of3A_1986 = tpu.assume_multiple %mul3A_1985, 128 : i32
      %shift_right_arithmetic3A_1987 = arith.constant 7 : i32
      %shift_right_arithmetic3A_1988 = arith.shrsi %select_n3A_1981, %shift_right_arithmetic3A_1987 : i32
      %mul3A_1989 = arith.constant 128 : i32
      %mul3A_1990 = arith.muli %shift_right_arithmetic3A_1988, %mul3A_1989 : i32
      %multiple_of3A_1991 = tpu.assume_multiple %mul3A_1990, 128 : i32
      %dma_start3A_1992 = arith.constant 0 : i32
      %dma_start3A_1993 = tpu.memref_slice %arg4[%dma_start3A_1992, %multiple_of3A_1986] : memref<64x1000000xf32, #tpu.memory_space<hbm>> -> memref<64x128xf32, #tpu.memory_space<hbm>>
      %dma_start3A_1994 = arith.constant 0 : i32
      %dma_start3A_1995 = tpu.memref_slice %arg4[%dma_start3A_1994, %multiple_of3A_1986] : memref<64x1000000xf32, #tpu.memory_space<hbm>> -> memref<64x128xf32, #tpu.memory_space<hbm>>
      tpu.enqueue_dma source(%dma_start3A_1995 : memref<64x128xf32, #tpu.memory_space<hbm>>) target(%arg13 : memref<64x128xf32, #tpu.memory_space<vmem>>) target_semaphore(%arg28 : memref<!tpu.dma_semaphore, #tpu.memory_space<semaphore_mem>>)
      %dma_start3A_1996 = arith.constant 0 : i32
      %dma_start3A_1997 = tpu.memref_slice %arg5[%dma_start3A_1996, %multiple_of3A_1991] : memref<64x1000000xf32, #tpu.memory_space<hbm>> -> memref<64x128xf32, #tpu.memory_space<hbm>>
      %dma_start3A_1998 = arith.constant 0 : i32
      %dma_start3A_1999 = tpu.memref_slice %arg5[%dma_start3A_1998, %multiple_of3A_1991] : memref<64x1000000xf32, #tpu.memory_space<hbm>> -> memref<64x128xf32, #tpu.memory_space<hbm>>
      tpu.enqueue_dma source(%dma_start3A_1999 : memref<64x128xf32, #tpu.memory_space<hbm>>) target(%arg17 : memref<64x128xf32, #tpu.memory_space<vmem>>) target_semaphore(%arg28 : memref<!tpu.dma_semaphore, #tpu.memory_space<semaphore_mem>>)
      %dma_start3A_2000 = arith.constant 0 : i32
      %dma_start3A_2001 = tpu.memref_slice %arg6[%dma_start3A_2000, %multiple_of3A_1986] : memref<1x1000000xf32, #tpu.memory_space<hbm>> -> memref<1x128xf32, #tpu.memory_space<hbm>>
      %dma_start3A_2002 = arith.constant 0 : i32
      %dma_start3A_2003 = tpu.memref_slice %arg6[%dma_start3A_2002, %multiple_of3A_1986] : memref<1x1000000xf32, #tpu.memory_space<hbm>> -> memref<1x128xf32, #tpu.memory_space<hbm>>
      tpu.enqueue_dma source(%dma_start3A_2003 : memref<1x128xf32, #tpu.memory_space<hbm>>) target(%arg21 : memref<1x128xf32, #tpu.memory_space<vmem>>) target_semaphore(%arg28 : memref<!tpu.dma_semaphore, #tpu.memory_space<semaphore_mem>>)
      %dma_start3A_2004 = arith.constant 0 : i32
      %dma_start3A_2005 = tpu.memref_slice %arg7[%dma_start3A_2004, %multiple_of3A_1991] : memref<1x1000000xf32, #tpu.memory_space<hbm>> -> memref<1x128xf32, #tpu.memory_space<hbm>>
      %dma_start3A_2006 = arith.constant 0 : i32
      %dma_start3A_2007 = tpu.memref_slice %arg7[%dma_start3A_2006, %multiple_of3A_1991] : memref<1x1000000xf32, #tpu.memory_space<hbm>> -> memref<1x128xf32, #tpu.memory_space<hbm>>
      tpu.enqueue_dma source(%dma_start3A_2007 : memref<1x128xf32, #tpu.memory_space<hbm>>) target(%arg25 : memref<1x128xf32, #tpu.memory_space<vmem>>) target_semaphore(%arg28 : memref<!tpu.dma_semaphore, #tpu.memory_space<semaphore_mem>>)
      %dma_wait3A_2008 = arith.constant 0 : i32
      %dma_wait3A_2009 = arith.constant 0 : i32
      %dma_wait3A_2010 = tpu.memref_slice %arg4[%dma_wait3A_2008, %dma_wait3A_2009] : memref<64x1000000xf32, #tpu.memory_space<hbm>> -> memref<64x128xf32, #tpu.memory_space<hbm>>
      %dma_wait3A_2011 = arith.constant 0 : i32
      %dma_wait3A_2012 = arith.constant 0 : i32
      %dma_wait3A_2013 = tpu.memref_slice %arg4[%dma_wait3A_2011, %dma_wait3A_2012] : memref<64x1000000xf32, #tpu.memory_space<hbm>> -> memref<64x128xf32, #tpu.memory_space<hbm>>
      tpu.wait_dma2 semaphore(%arg28 : memref<!tpu.dma_semaphore, #tpu.memory_space<semaphore_mem>>) src(%dma_wait3A_2013 : memref<64x128xf32, #tpu.memory_space<hbm>>) dst(%arg14 : memref<64x128xf32, #tpu.memory_space<vmem>>)
      %dma_wait3A_2014 = arith.constant 0 : i32
      %dma_wait3A_2015 = arith.constant 0 : i32
      %dma_wait3A_2016 = tpu.memref_slice %arg5[%dma_wait3A_2014, %dma_wait3A_2015] : memref<64x1000000xf32, #tpu.memory_space<hbm>> -> memref<64x128xf32, #tpu.memory_space<hbm>>
      %dma_wait3A_2017 = arith.constant 0 : i32
      %dma_wait3A_2018 = arith.constant 0 : i32
      %dma_wait3A_2019 = tpu.memref_slice %arg5[%dma_wait3A_2017, %dma_wait3A_2018] : memref<64x1000000xf32, #tpu.memory_space<hbm>> -> memref<64x128xf32, #tpu.memory_space<hbm>>
      tpu.wait_dma2 semaphore(%arg28 : memref<!tpu.dma_semaphore, #tpu.memory_space<semaphore_mem>>) src(%dma_wait3A_2019 : memref<64x128xf32, #tpu.memory_space<hbm>>) dst(%arg18 : memref<64x128xf32, #tpu.memory_space<vmem>>)
      %dma_wait3A_2020 = arith.constant 0 : i32
      %dma_wait3A_2021 = arith.constant 0 : i32
      %dma_wait3A_2022 = tpu.memref_slice %arg6[%dma_wait3A_2020, %dma_wait3A_2021] : memref<1x1000000xf32, #tpu.memory_space<hbm>> -> memref<1x128xf32, #tpu.memory_space<hbm>>
      %dma_wait3A_2023 = arith.constant 0 : i32
      %dma_wait3A_2024 = arith.constant 0 : i32
      %dma_wait3A_2025 = tpu.memref_slice %arg6[%dma_wait3A_2023, %dma_wait3A_2024] : memref<1x1000000xf32, #tpu.memory_space<hbm>> -> memref<1x128xf32, #tpu.memory_space<hbm>>
      tpu.wait_dma2 semaphore(%arg28 : memref<!tpu.dma_semaphore, #tpu.memory_space<semaphore_mem>>) src(%dma_wait3A_2025 : memref<1x128xf32, #tpu.memory_space<hbm>>) dst(%arg22 : memref<1x128xf32, #tpu.memory_space<vmem>>)
      %dma_wait3A_2026 = arith.constant 0 : i32
      %dma_wait3A_2027 = arith.constant 0 : i32
      %dma_wait3A_2028 = tpu.memref_slice %arg7[%dma_wait3A_2026, %dma_wait3A_2027] : memref<1x1000000xf32, #tpu.memory_space<hbm>> -> memref<1x128xf32, #tpu.memory_space<hbm>>
      %dma_wait3A_2029 = arith.constant 0 : i32
      %dma_wait3A_2030 = arith.constant 0 : i32
      %dma_wait3A_2031 = tpu.memref_slice %arg7[%dma_wait3A_2029, %dma_wait3A_2030] : memref<1x1000000xf32, #tpu.memory_space<hbm>> -> memref<1x128xf32, #tpu.memory_space<hbm>>
      tpu.wait_dma2 semaphore(%arg28 : memref<!tpu.dma_semaphore, #tpu.memory_space<semaphore_mem>>) src(%dma_wait3A_2031 : memref<1x128xf32, #tpu.memory_space<hbm>>) dst(%arg26 : memref<1x128xf32, #tpu.memory_space<vmem>>)
      %slice3A_2032 = vector.extract_strided_slice %get3A_226 {offsets = [15], sizes = [1], strides = [1]} : vector<16xi32> to vector<1xi32>
      %squeeze3A_2033 = vector.extract %slice3A_2032[0] : i32 from vector<1xi32>
      %slice3A_2034 = vector.extract_strided_slice %get3A_228 {offsets = [15], sizes = [1], strides = [1]} : vector<16xi32> to vector<1xi32>
      %squeeze3A_2035 = vector.extract %slice3A_2034[0] : i32 from vector<1xi32>
      %broadcast_in_dim3A_2036 = arith.constant 0 : i32
      %broadcast_in_dim3A_2037 = vector.broadcast %broadcast_in_dim3A_2036 : i32 to vector<16xi32>
      %and3A_2038 = arith.constant 127 : i32
      %and3A_2039 = arith.andi %squeeze3A_2033, %and3A_2038 : i32
      %add3A_2040 = vector.broadcast %and3A_2039 : i32 to vector<16xi32>
      %add3A_2041 = arith.addi %broadcast_in_dim3A_2037, %add3A_2040 : vector<16xi32>
      %broadcast_in_dim3A_2042 = arith.constant 0 : i32
      %broadcast_in_dim3A_2043 = vector.broadcast %broadcast_in_dim3A_2042 : i32 to vector<16xi32>
      %and3A_2044 = arith.constant 127 : i32
      %and3A_2045 = arith.andi %squeeze3A_2035, %and3A_2044 : i32
      %add3A_2046 = vector.broadcast %and3A_2045 : i32 to vector<16xi32>
      %add3A_2047 = arith.addi %broadcast_in_dim3A_2043, %add3A_2046 : vector<16xi32>
      %broadcast_in_dim3A_2048 = arith.constant 0.000000e+00 : f32
      %broadcast_in_dim3A_2049 = vector.broadcast %broadcast_in_dim3A_2048 : f32 to vector<16xf32>
      %add3A_2050 = arith.constant 0 : i32
      %add3A_2051 = vector.broadcast %add3A_2050 : i32 to vector<16xi32>
      %add3A_2052 = arith.addi %iota3A, %add3A_2051 : vector<16xi32>
      %gather3A_2053 = tpu.vector_load_idx %arg14[%add3A_2052, %add3A_2041] : memref<64x128xf32, #tpu.memory_space<vmem>>[vector<16xi32>, vector<16xi32>], vector<16xf32>,
      %gather3A_2054 = tpu.vector_load_idx %arg18[%add3A_2052, %add3A_2047] : memref<64x128xf32, #tpu.memory_space<vmem>>[vector<16xi32>, vector<16xi32>], vector<16xf32>,
      %mul3A_2055 = arith.mulf %gather3A_2053, %gather3A_2054 : vector<16xf32>
      %add3A_2056 = arith.addf %broadcast_in_dim3A_2049, %mul3A_2055 : vector<16xf32>
      %add3A_2057 = arith.constant 16 : i32
      %add3A_2058 = vector.broadcast %add3A_2057 : i32 to vector<16xi32>
      %add3A_2059 = arith.addi %iota3A, %add3A_2058 : vector<16xi32>
      %gather3A_2060 = tpu.vector_load_idx %arg14[%add3A_2059, %add3A_2041] : memref<64x128xf32, #tpu.memory_space<vmem>>[vector<16xi32>, vector<16xi32>], vector<16xf32>,
      %gather3A_2061 = tpu.vector_load_idx %arg18[%add3A_2059, %add3A_2047] : memref<64x128xf32, #tpu.memory_space<vmem>>[vector<16xi32>, vector<16xi32>], vector<16xf32>,
      %mul3A_2062 = arith.mulf %gather3A_2060, %gather3A_2061 : vector<16xf32>
      %add3A_2063 = arith.addf %add3A_2056, %mul3A_2062 : vector<16xf32>
      %add3A_2064 = arith.constant 32 : i32
      %add3A_2065 = vector.broadcast %add3A_2064 : i32 to vector<16xi32>
      %add3A_2066 = arith.addi %iota3A, %add3A_2065 : vector<16xi32>
      %gather3A_2067 = tpu.vector_load_idx %arg14[%add3A_2066, %add3A_2041] : memref<64x128xf32, #tpu.memory_space<vmem>>[vector<16xi32>, vector<16xi32>], vector<16xf32>,
      %gather3A_2068 = tpu.vector_load_idx %arg18[%add3A_2066, %add3A_2047] : memref<64x128xf32, #tpu.memory_space<vmem>>[vector<16xi32>, vector<16xi32>], vector<16xf32>,
      %mul3A_2069 = arith.mulf %gather3A_2067, %gather3A_2068 : vector<16xf32>
      %add3A_2070 = arith.addf %add3A_2063, %mul3A_2069 : vector<16xf32>
      %add3A_2071 = arith.constant 48 : i32
      %add3A_2072 = vector.broadcast %add3A_2071 : i32 to vector<16xi32>
      %add3A_2073 = arith.addi %iota3A, %add3A_2072 : vector<16xi32>
      %gather3A_2074 = tpu.vector_load_idx %arg14[%add3A_2073, %add3A_2041] : memref<64x128xf32, #tpu.memory_space<vmem>>[vector<16xi32>, vector<16xi32>], vector<16xf32>,
      %gather3A_2075 = tpu.vector_load_idx %arg18[%add3A_2073, %add3A_2047] : memref<64x128xf32, #tpu.memory_space<vmem>>[vector<16xi32>, vector<16xi32>], vector<16xf32>,
      %mul3A_2076 = arith.mulf %gather3A_2074, %gather3A_2075 : vector<16xf32>
      %add3A_2077 = arith.addf %add3A_2070, %mul3A_2076 : vector<16xf32>
      %gather3A_2078 = tpu.vector_load_idx %arg22[%broadcast_in_dim3A_3, %add3A_2041] : memref<1x128xf32, #tpu.memory_space<vmem>>[vector<16xi32>, vector<16xi32>], vector<16xf32>,
      %gather3A_2079 = tpu.vector_load_idx %arg26[%broadcast_in_dim3A_3, %add3A_2047] : memref<1x128xf32, #tpu.memory_space<vmem>>[vector<16xi32>, vector<16xi32>], vector<16xf32>,
      %reduce_sum3A_2080 = arith.constant true
      %reduce_sum3A_2081 = vector.broadcast %reduce_sum3A_2080 : i1 to vector<16xi1>
      %reduce_sum3A_2082 = tpu.scan <sum>, %add3A_2077 masked %reduce_sum3A_2081 : vector<16xf32>, vector<16xi1> -> vector<16xf32>
      %reduce_sum3A_2083 = vector.extract %reduce_sum3A_2082[15] : f32 from vector<16xf32>
      %slice3A_2084 = vector.extract_strided_slice %gather3A_2078 {offsets = [0], sizes = [1], strides = [1]} : vector<16xf32> to vector<1xf32>
      %squeeze3A_2085 = vector.extract %slice3A_2084[0] : f32 from vector<1xf32>
      %add3A_2086 = arith.addf %reduce_sum3A_2083, %squeeze3A_2085 : f32
      %slice3A_2087 = vector.extract_strided_slice %gather3A_2079 {offsets = [0], sizes = [1], strides = [1]} : vector<16xf32> to vector<1xf32>
      %squeeze3A_2088 = vector.extract %slice3A_2087[0] : f32 from vector<1xf32>
      %add3A_2089 = arith.addf %add3A_2086, %squeeze3A_2088 : f32
      %eq3A_2090 = arith.constant 15 : i32
      %eq3A_2091 = vector.broadcast %eq3A_2090 : i32 to vector<16xi32>
      %eq3A_2092 = arith.cmpi eq, %iota3A, %eq3A_2091 : vector<16xi32>
      %broadcast_in_dim3A_2093 = vector.broadcast %add3A_2089 : f32 to vector<16xf32>
      %select_n3A_2094 = arith.select %eq3A_2092, %broadcast_in_dim3A_2093, %select_n3A_1971 : vector<16xi1>, vector<16xf32>
      %slice3A_2095 = vector.extract_strided_slice %get3A_226 {offsets = [15], sizes = [1], strides = [1]} : vector<16xi32> to vector<1xi32>
      %squeeze3A_2096 = vector.extract %slice3A_2095[0] : i32 from vector<1xi32>
      %slice3A_2097 = vector.extract_strided_slice %get3A_233 {offsets = [3], sizes = [1], strides = [1]} : vector<16xi32> to vector<1xi32>
      %squeeze3A_2098 = vector.extract %slice3A_2097[0] : i32 from vector<1xi32>
      %select_n3A_2099 = arith.select %eq3A_229, %squeeze3A_2096, %squeeze3A_2098 : i32
      %slice3A_2100 = vector.extract_strided_slice %get3A_228 {offsets = [15], sizes = [1], strides = [1]} : vector<16xi32> to vector<1xi32>
      %squeeze3A_2101 = vector.extract %slice3A_2100[0] : i32 from vector<1xi32>
      %slice3A_2102 = vector.extract_strided_slice %get3A_235 {offsets = [3], sizes = [1], strides = [1]} : vector<16xi32> to vector<1xi32>
      %squeeze3A_2103 = vector.extract %slice3A_2102[0] : i32 from vector<1xi32>
      %select_n3A_2104 = arith.select %eq3A_229, %squeeze3A_2101, %squeeze3A_2103 : i32
      %shift_right_arithmetic3A_2105 = arith.constant 7 : i32
      %shift_right_arithmetic3A_2106 = arith.shrsi %select_n3A_2099, %shift_right_arithmetic3A_2105 : i32
      %mul3A_2107 = arith.constant 128 : i32
      %mul3A_2108 = arith.muli %shift_right_arithmetic3A_2106, %mul3A_2107 : i32
      %multiple_of3A_2109 = tpu.assume_multiple %mul3A_2108, 128 : i32
      %shift_right_arithmetic3A_2110 = arith.constant 7 : i32
      %shift_right_arithmetic3A_2111 = arith.shrsi %select_n3A_2104, %shift_right_arithmetic3A_2110 : i32
      %mul3A_2112 = arith.constant 128 : i32
      %mul3A_2113 = arith.muli %shift_right_arithmetic3A_2111, %mul3A_2112 : i32
      %multiple_of3A_2114 = tpu.assume_multiple %mul3A_2113, 128 : i32
      %dma_start3A_2115 = arith.constant 0 : i32
      %dma_start3A_2116 = tpu.memref_slice %arg4[%dma_start3A_2115, %multiple_of3A_2109] : memref<64x1000000xf32, #tpu.memory_space<hbm>> -> memref<64x128xf32, #tpu.memory_space<hbm>>
      %dma_start3A_2117 = arith.constant 0 : i32
      %dma_start3A_2118 = tpu.memref_slice %arg4[%dma_start3A_2117, %multiple_of3A_2109] : memref<64x1000000xf32, #tpu.memory_space<hbm>> -> memref<64x128xf32, #tpu.memory_space<hbm>>
      tpu.enqueue_dma source(%dma_start3A_2118 : memref<64x128xf32, #tpu.memory_space<hbm>>) target(%arg14 : memref<64x128xf32, #tpu.memory_space<vmem>>) target_semaphore(%arg28 : memref<!tpu.dma_semaphore, #tpu.memory_space<semaphore_mem>>)
      %dma_start3A_2119 = arith.constant 0 : i32
      %dma_start3A_2120 = tpu.memref_slice %arg5[%dma_start3A_2119, %multiple_of3A_2114] : memref<64x1000000xf32, #tpu.memory_space<hbm>> -> memref<64x128xf32, #tpu.memory_space<hbm>>
      %dma_start3A_2121 = arith.constant 0 : i32
      %dma_start3A_2122 = tpu.memref_slice %arg5[%dma_start3A_2121, %multiple_of3A_2114] : memref<64x1000000xf32, #tpu.memory_space<hbm>> -> memref<64x128xf32, #tpu.memory_space<hbm>>
      tpu.enqueue_dma source(%dma_start3A_2122 : memref<64x128xf32, #tpu.memory_space<hbm>>) target(%arg18 : memref<64x128xf32, #tpu.memory_space<vmem>>) target_semaphore(%arg28 : memref<!tpu.dma_semaphore, #tpu.memory_space<semaphore_mem>>)
      %dma_start3A_2123 = arith.constant 0 : i32
      %dma_start3A_2124 = tpu.memref_slice %arg6[%dma_start3A_2123, %multiple_of3A_2109] : memref<1x1000000xf32, #tpu.memory_space<hbm>> -> memref<1x128xf32, #tpu.memory_space<hbm>>
      %dma_start3A_2125 = arith.constant 0 : i32
      %dma_start3A_2126 = tpu.memref_slice %arg6[%dma_start3A_2125, %multiple_of3A_2109] : memref<1x1000000xf32, #tpu.memory_space<hbm>> -> memref<1x128xf32, #tpu.memory_space<hbm>>
      tpu.enqueue_dma source(%dma_start3A_2126 : memref<1x128xf32, #tpu.memory_space<hbm>>) target(%arg22 : memref<1x128xf32, #tpu.memory_space<vmem>>) target_semaphore(%arg28 : memref<!tpu.dma_semaphore, #tpu.memory_space<semaphore_mem>>)
      %dma_start3A_2127 = arith.constant 0 : i32
      %dma_start3A_2128 = tpu.memref_slice %arg7[%dma_start3A_2127, %multiple_of3A_2114] : memref<1x1000000xf32, #tpu.memory_space<hbm>> -> memref<1x128xf32, #tpu.memory_space<hbm>>
      %dma_start3A_2129 = arith.constant 0 : i32
      %dma_start3A_2130 = tpu.memref_slice %arg7[%dma_start3A_2129, %multiple_of3A_2114] : memref<1x1000000xf32, #tpu.memory_space<hbm>> -> memref<1x128xf32, #tpu.memory_space<hbm>>
      tpu.enqueue_dma source(%dma_start3A_2130 : memref<1x128xf32, #tpu.memory_space<hbm>>) target(%arg26 : memref<1x128xf32, #tpu.memory_space<vmem>>) target_semaphore(%arg28 : memref<!tpu.dma_semaphore, #tpu.memory_space<semaphore_mem>>)
      %swap3A = arith.index_cast %mul3A_224 : i32 to index
      %swap3A_2131 = tpu.vector_load %arg27[%swap3A] {strides = array<i32>} : memref<512xf32, #tpu.memory_space<vmem>>, vector<16xf32>,
      tpu.vector_store %arg27[%swap3A], %select_n3A_2094 {strides = array<i32>} : memref<512xf32, #tpu.memory_space<vmem>>, vector<16xf32>,
    }
    %scan3A_126 = arith.constant 32 : i32
    %dma_wait3A = arith.constant 0 : i32
    %dma_wait3A_127 = arith.constant 0 : i32
    %dma_wait3A_128 = tpu.memref_slice %arg4[%dma_wait3A, %dma_wait3A_127] : memref<64x1000000xf32, #tpu.memory_space<hbm>> -> memref<64x128xf32, #tpu.memory_space<hbm>>
    %dma_wait3A_129 = arith.constant 0 : i32
    %dma_wait3A_130 = arith.constant 0 : i32
    %dma_wait3A_131 = tpu.memref_slice %arg4[%dma_wait3A_129, %dma_wait3A_130] : memref<64x1000000xf32, #tpu.memory_space<hbm>> -> memref<64x128xf32, #tpu.memory_space<hbm>>
    tpu.wait_dma2 semaphore(%arg28 : memref<!tpu.dma_semaphore, #tpu.memory_space<semaphore_mem>>) src(%dma_wait3A_131 : memref<64x128xf32, #tpu.memory_space<hbm>>) dst(%arg11 : memref<64x128xf32, #tpu.memory_space<vmem>>)
    %dma_wait3A_132 = arith.constant 0 : i32
    %dma_wait3A_133 = arith.constant 0 : i32
    %dma_wait3A_134 = tpu.memref_slice %arg5[%dma_wait3A_132, %dma_wait3A_133] : memref<64x1000000xf32, #tpu.memory_space<hbm>> -> memref<64x128xf32, #tpu.memory_space<hbm>>
    %dma_wait3A_135 = arith.constant 0 : i32
    %dma_wait3A_136 = arith.constant 0 : i32
    %dma_wait3A_137 = tpu.memref_slice %arg5[%dma_wait3A_135, %dma_wait3A_136] : memref<64x1000000xf32, #tpu.memory_space<hbm>> -> memref<64x128xf32, #tpu.memory_space<hbm>>
    tpu.wait_dma2 semaphore(%arg28 : memref<!tpu.dma_semaphore, #tpu.memory_space<semaphore_mem>>) src(%dma_wait3A_137 : memref<64x128xf32, #tpu.memory_space<hbm>>) dst(%arg15 : memref<64x128xf32, #tpu.memory_space<vmem>>)
    %dma_wait3A_138 = arith.constant 0 : i32
    %dma_wait3A_139 = arith.constant 0 : i32
    %dma_wait3A_140 = tpu.memref_slice %arg6[%dma_wait3A_138, %dma_wait3A_139] : memref<1x1000000xf32, #tpu.memory_space<hbm>> -> memref<1x128xf32, #tpu.memory_space<hbm>>
    %dma_wait3A_141 = arith.constant 0 : i32
    %dma_wait3A_142 = arith.constant 0 : i32
    %dma_wait3A_143 = tpu.memref_slice %arg6[%dma_wait3A_141, %dma_wait3A_142] : memref<1x1000000xf32, #tpu.memory_space<hbm>> -> memref<1x128xf32, #tpu.memory_space<hbm>>
    tpu.wait_dma2 semaphore(%arg28 : memref<!tpu.dma_semaphore, #tpu.memory_space<semaphore_mem>>) src(%dma_wait3A_143 : memref<1x128xf32, #tpu.memory_space<hbm>>) dst(%arg19 : memref<1x128xf32, #tpu.memory_space<vmem>>)
    %dma_wait3A_144 = arith.constant 0 : i32
    %dma_wait3A_145 = arith.constant 0 : i32
    %dma_wait3A_146 = tpu.memref_slice %arg7[%dma_wait3A_144, %dma_wait3A_145] : memref<1x1000000xf32, #tpu.memory_space<hbm>> -> memref<1x128xf32, #tpu.memory_space<hbm>>
    %dma_wait3A_147 = arith.constant 0 : i32
    %dma_wait3A_148 = arith.constant 0 : i32
    %dma_wait3A_149 = tpu.memref_slice %arg7[%dma_wait3A_147, %dma_wait3A_148] : memref<1x1000000xf32, #tpu.memory_space<hbm>> -> memref<1x128xf32, #tpu.memory_space<hbm>>
    tpu.wait_dma2 semaphore(%arg28 : memref<!tpu.dma_semaphore, #tpu.memory_space<semaphore_mem>>) src(%dma_wait3A_149 : memref<1x128xf32, #tpu.memory_space<hbm>>) dst(%arg23 : memref<1x128xf32, #tpu.memory_space<vmem>>)
    %dma_wait3A_150 = arith.constant 0 : i32
    %dma_wait3A_151 = arith.constant 0 : i32
    %dma_wait3A_152 = tpu.memref_slice %arg4[%dma_wait3A_150, %dma_wait3A_151] : memref<64x1000000xf32, #tpu.memory_space<hbm>> -> memref<64x128xf32, #tpu.memory_space<hbm>>
    %dma_wait3A_153 = arith.constant 0 : i32
    %dma_wait3A_154 = arith.constant 0 : i32
    %dma_wait3A_155 = tpu.memref_slice %arg4[%dma_wait3A_153, %dma_wait3A_154] : memref<64x1000000xf32, #tpu.memory_space<hbm>> -> memref<64x128xf32, #tpu.memory_space<hbm>>
    tpu.wait_dma2 semaphore(%arg28 : memref<!tpu.dma_semaphore, #tpu.memory_space<semaphore_mem>>) src(%dma_wait3A_155 : memref<64x128xf32, #tpu.memory_space<hbm>>) dst(%arg12 : memref<64x128xf32, #tpu.memory_space<vmem>>)
    %dma_wait3A_156 = arith.constant 0 : i32
    %dma_wait3A_157 = arith.constant 0 : i32
    %dma_wait3A_158 = tpu.memref_slice %arg5[%dma_wait3A_156, %dma_wait3A_157] : memref<64x1000000xf32, #tpu.memory_space<hbm>> -> memref<64x128xf32, #tpu.memory_space<hbm>>
    %dma_wait3A_159 = arith.constant 0 : i32
    %dma_wait3A_160 = arith.constant 0 : i32
    %dma_wait3A_161 = tpu.memref_slice %arg5[%dma_wait3A_159, %dma_wait3A_160] : memref<64x1000000xf32, #tpu.memory_space<hbm>> -> memref<64x128xf32, #tpu.memory_space<hbm>>
    tpu.wait_dma2 semaphore(%arg28 : memref<!tpu.dma_semaphore, #tpu.memory_space<semaphore_mem>>) src(%dma_wait3A_161 : memref<64x128xf32, #tpu.memory_space<hbm>>) dst(%arg16 : memref<64x128xf32, #tpu.memory_space<vmem>>)
    %dma_wait3A_162 = arith.constant 0 : i32
    %dma_wait3A_163 = arith.constant 0 : i32
    %dma_wait3A_164 = tpu.memref_slice %arg6[%dma_wait3A_162, %dma_wait3A_163] : memref<1x1000000xf32, #tpu.memory_space<hbm>> -> memref<1x128xf32, #tpu.memory_space<hbm>>
    %dma_wait3A_165 = arith.constant 0 : i32
    %dma_wait3A_166 = arith.constant 0 : i32
    %dma_wait3A_167 = tpu.memref_slice %arg6[%dma_wait3A_165, %dma_wait3A_166] : memref<1x1000000xf32, #tpu.memory_space<hbm>> -> memref<1x128xf32, #tpu.memory_space<hbm>>
    tpu.wait_dma2 semaphore(%arg28 : memref<!tpu.dma_semaphore, #tpu.memory_space<semaphore_mem>>) src(%dma_wait3A_167 : memref<1x128xf32, #tpu.memory_space<hbm>>) dst(%arg20 : memref<1x128xf32, #tpu.memory_space<vmem>>)
    %dma_wait3A_168 = arith.constant 0 : i32
    %dma_wait3A_169 = arith.constant 0 : i32
    %dma_wait3A_170 = tpu.memref_slice %arg7[%dma_wait3A_168, %dma_wait3A_169] : memref<1x1000000xf32, #tpu.memory_space<hbm>> -> memref<1x128xf32, #tpu.memory_space<hbm>>
    %dma_wait3A_171 = arith.constant 0 : i32
    %dma_wait3A_172 = arith.constant 0 : i32
    %dma_wait3A_173 = tpu.memref_slice %arg7[%dma_wait3A_171, %dma_wait3A_172] : memref<1x1000000xf32, #tpu.memory_space<hbm>> -> memref<1x128xf32, #tpu.memory_space<hbm>>
    tpu.wait_dma2 semaphore(%arg28 : memref<!tpu.dma_semaphore, #tpu.memory_space<semaphore_mem>>) src(%dma_wait3A_173 : memref<1x128xf32, #tpu.memory_space<hbm>>) dst(%arg24 : memref<1x128xf32, #tpu.memory_space<vmem>>)
    %dma_wait3A_174 = arith.constant 0 : i32
    %dma_wait3A_175 = arith.constant 0 : i32
    %dma_wait3A_176 = tpu.memref_slice %arg4[%dma_wait3A_174, %dma_wait3A_175] : memref<64x1000000xf32, #tpu.memory_space<hbm>> -> memref<64x128xf32, #tpu.memory_space<hbm>>
    %dma_wait3A_177 = arith.constant 0 : i32
    %dma_wait3A_178 = arith.constant 0 : i32
    %dma_wait3A_179 = tpu.memref_slice %arg4[%dma_wait3A_177, %dma_wait3A_178] : memref<64x1000000xf32, #tpu.memory_space<hbm>> -> memref<64x128xf32, #tpu.memory_space<hbm>>
    tpu.wait_dma2 semaphore(%arg28 : memref<!tpu.dma_semaphore, #tpu.memory_space<semaphore_mem>>) src(%dma_wait3A_179 : memref<64x128xf32, #tpu.memory_space<hbm>>) dst(%arg13 : memref<64x128xf32, #tpu.memory_space<vmem>>)
    %dma_wait3A_180 = arith.constant 0 : i32
    %dma_wait3A_181 = arith.constant 0 : i32
    %dma_wait3A_182 = tpu.memref_slice %arg5[%dma_wait3A_180, %dma_wait3A_181] : memref<64x1000000xf32, #tpu.memory_space<hbm>> -> memref<64x128xf32, #tpu.memory_space<hbm>>
    %dma_wait3A_183 = arith.constant 0 : i32
    %dma_wait3A_184 = arith.constant 0 : i32
    %dma_wait3A_185 = tpu.memref_slice %arg5[%dma_wait3A_183, %dma_wait3A_184] : memref<64x1000000xf32, #tpu.memory_space<hbm>> -> memref<64x128xf32, #tpu.memory_space<hbm>>
    tpu.wait_dma2 semaphore(%arg28 : memref<!tpu.dma_semaphore, #tpu.memory_space<semaphore_mem>>) src(%dma_wait3A_185 : memref<64x128xf32, #tpu.memory_space<hbm>>) dst(%arg17 : memref<64x128xf32, #tpu.memory_space<vmem>>)
    %dma_wait3A_186 = arith.constant 0 : i32
    %dma_wait3A_187 = arith.constant 0 : i32
    %dma_wait3A_188 = tpu.memref_slice %arg6[%dma_wait3A_186, %dma_wait3A_187] : memref<1x1000000xf32, #tpu.memory_space<hbm>> -> memref<1x128xf32, #tpu.memory_space<hbm>>
    %dma_wait3A_189 = arith.constant 0 : i32
    %dma_wait3A_190 = arith.constant 0 : i32
    %dma_wait3A_191 = tpu.memref_slice %arg6[%dma_wait3A_189, %dma_wait3A_190] : memref<1x1000000xf32, #tpu.memory_space<hbm>> -> memref<1x128xf32, #tpu.memory_space<hbm>>
    tpu.wait_dma2 semaphore(%arg28 : memref<!tpu.dma_semaphore, #tpu.memory_space<semaphore_mem>>) src(%dma_wait3A_191 : memref<1x128xf32, #tpu.memory_space<hbm>>) dst(%arg21 : memref<1x128xf32, #tpu.memory_space<vmem>>)
    %dma_wait3A_192 = arith.constant 0 : i32
    %dma_wait3A_193 = arith.constant 0 : i32
    %dma_wait3A_194 = tpu.memref_slice %arg7[%dma_wait3A_192, %dma_wait3A_193] : memref<1x1000000xf32, #tpu.memory_space<hbm>> -> memref<1x128xf32, #tpu.memory_space<hbm>>
    %dma_wait3A_195 = arith.constant 0 : i32
    %dma_wait3A_196 = arith.constant 0 : i32
    %dma_wait3A_197 = tpu.memref_slice %arg7[%dma_wait3A_195, %dma_wait3A_196] : memref<1x1000000xf32, #tpu.memory_space<hbm>> -> memref<1x128xf32, #tpu.memory_space<hbm>>
    tpu.wait_dma2 semaphore(%arg28 : memref<!tpu.dma_semaphore, #tpu.memory_space<semaphore_mem>>) src(%dma_wait3A_197 : memref<1x128xf32, #tpu.memory_space<hbm>>) dst(%arg25 : memref<1x128xf32, #tpu.memory_space<vmem>>)
    %dma_wait3A_198 = arith.constant 0 : i32
    %dma_wait3A_199 = arith.constant 0 : i32
    %dma_wait3A_200 = tpu.memref_slice %arg4[%dma_wait3A_198, %dma_wait3A_199] : memref<64x1000000xf32, #tpu.memory_space<hbm>> -> memref<64x128xf32, #tpu.memory_space<hbm>>
    %dma_wait3A_201 = arith.constant 0 : i32
    %dma_wait3A_202 = arith.constant 0 : i32
    %dma_wait3A_203 = tpu.memref_slice %arg4[%dma_wait3A_201, %dma_wait3A_202] : memref<64x1000000xf32, #tpu.memory_space<hbm>> -> memref<64x128xf32, #tpu.memory_space<hbm>>
    tpu.wait_dma2 semaphore(%arg28 : memref<!tpu.dma_semaphore, #tpu.memory_space<semaphore_mem>>) src(%dma_wait3A_203 : memref<64x128xf32, #tpu.memory_space<hbm>>) dst(%arg14 : memref<64x128xf32, #tpu.memory_space<vmem>>)
    %dma_wait3A_204 = arith.constant 0 : i32
    %dma_wait3A_205 = arith.constant 0 : i32
    %dma_wait3A_206 = tpu.memref_slice %arg5[%dma_wait3A_204, %dma_wait3A_205] : memref<64x1000000xf32, #tpu.memory_space<hbm>> -> memref<64x128xf32, #tpu.memory_space<hbm>>
    %dma_wait3A_207 = arith.constant 0 : i32
    %dma_wait3A_208 = arith.constant 0 : i32
    %dma_wait3A_209 = tpu.memref_slice %arg5[%dma_wait3A_207, %dma_wait3A_208] : memref<64x1000000xf32, #tpu.memory_space<hbm>> -> memref<64x128xf32, #tpu.memory_space<hbm>>
    tpu.wait_dma2 semaphore(%arg28 : memref<!tpu.dma_semaphore, #tpu.memory_space<semaphore_mem>>) src(%dma_wait3A_209 : memref<64x128xf32, #tpu.memory_space<hbm>>) dst(%arg18 : memref<64x128xf32, #tpu.memory_space<vmem>>)
    %dma_wait3A_210 = arith.constant 0 : i32
    %dma_wait3A_211 = arith.constant 0 : i32
    %dma_wait3A_212 = tpu.memref_slice %arg6[%dma_wait3A_210, %dma_wait3A_211] : memref<1x1000000xf32, #tpu.memory_space<hbm>> -> memref<1x128xf32, #tpu.memory_space<hbm>>
    %dma_wait3A_213 = arith.constant 0 : i32
    %dma_wait3A_214 = arith.constant 0 : i32
    %dma_wait3A_215 = tpu.memref_slice %arg6[%dma_wait3A_213, %dma_wait3A_214] : memref<1x1000000xf32, #tpu.memory_space<hbm>> -> memref<1x128xf32, #tpu.memory_space<hbm>>
    tpu.wait_dma2 semaphore(%arg28 : memref<!tpu.dma_semaphore, #tpu.memory_space<semaphore_mem>>) src(%dma_wait3A_215 : memref<1x128xf32, #tpu.memory_space<hbm>>) dst(%arg22 : memref<1x128xf32, #tpu.memory_space<vmem>>)
    %dma_wait3A_216 = arith.constant 0 : i32
    %dma_wait3A_217 = arith.constant 0 : i32
    %dma_wait3A_218 = tpu.memref_slice %arg7[%dma_wait3A_216, %dma_wait3A_217] : memref<1x1000000xf32, #tpu.memory_space<hbm>> -> memref<1x128xf32, #tpu.memory_space<hbm>>
    %dma_wait3A_219 = arith.constant 0 : i32
    %dma_wait3A_220 = arith.constant 0 : i32
    %dma_wait3A_221 = tpu.memref_slice %arg7[%dma_wait3A_219, %dma_wait3A_220] : memref<1x1000000xf32, #tpu.memory_space<hbm>> -> memref<1x128xf32, #tpu.memory_space<hbm>>
    tpu.wait_dma2 semaphore(%arg28 : memref<!tpu.dma_semaphore, #tpu.memory_space<semaphore_mem>>) src(%dma_wait3A_221 : memref<1x128xf32, #tpu.memory_space<hbm>>) dst(%arg26 : memref<1x128xf32, #tpu.memory_space<vmem>>)
    "tpu.region"() ({
      %run_scoped3A = tpu.sem_alloc : memref<!tpu.dma_semaphore, #tpu.memory_space<semaphore_mem>>
      %dma_start3A_222 = tpu.memref_slice %arg8[%mul3A_2] : memref<16384xf32, #tpu.memory_space<hbm>> -> memref<512xf32, #tpu.memory_space<hbm>>
      %dma_start3A_223 = tpu.memref_slice %arg8[%mul3A_2] : memref<16384xf32, #tpu.memory_space<hbm>> -> memref<512xf32, #tpu.memory_space<hbm>>
      tpu.enqueue_dma source(%arg27 : memref<512xf32, #tpu.memory_space<vmem>>) target(%dma_start3A_223 : memref<512xf32, #tpu.memory_space<hbm>>) target_semaphore(%run_scoped3A : memref<!tpu.dma_semaphore, #tpu.memory_space<semaphore_mem>>)
      %dma_wait3A_224 = tpu.memref_slice %arg8[%mul3A_2] : memref<16384xf32, #tpu.memory_space<hbm>> -> memref<512xf32, #tpu.memory_space<hbm>>
      %dma_wait3A_225 = tpu.memref_slice %arg8[%mul3A_2] : memref<16384xf32, #tpu.memory_space<hbm>> -> memref<512xf32, #tpu.memory_space<hbm>>
      tpu.wait_dma2 semaphore(%run_scoped3A : memref<!tpu.dma_semaphore, #tpu.memory_space<semaphore_mem>>) src(%arg27 : memref<512xf32, #tpu.memory_space<vmem>>) dst(%dma_wait3A_225 : memref<512xf32, #tpu.memory_space<hbm>>)
      tpu.yield
    }) : () -> ()
    return
  }
}

</mosaic_0001>

<sc_bundles>
// kernel: kernel.3.cloned.1.call-start
scs
__scs_entry_jumppad:
0x0: {  	(pc) =	sbr.rel $0x88, $3  }
0x1: {  	(tag) =	ssettag $0x0;
	lr =	simm.s32 $0x1  }
0x2: {  	[smem:$0x3F9B] =	sst lr;
	_ =	strace $0xD0000000  }
0x3: {  	_ = 	snop  }
0x4: {  	_ = 	snop  }
0x5: {  	_ = 	snop  }
0x6: {  	_ = 	snop  }
0x7: {  	_ = 	snop  }
__scs_overlays_trampoline_lowered:
0x8: {  	[smem:$0x3FAA] =	sst s0  }
0x9: {  	[smem:$0x3FAB] =	sst s1  }
0xa: {  	[smem:$0x3FAC] =	sst s2  }
0xb: {  	[smem:$0x3FAD] =	sst s3  }
0xc: {  	[smem:$0x3FAE] =	sst s4  }
0xd: {  	[smem:$0x3FAF] =	sst s5  }
0xe: {  	[smem:$0x3FB0] =	sst s6  }
0xf: {  	[smem:$0x3FB1] =	sst s7  }
0x10: {  	[smem:$0x3FB2] =	sst s8  }
0x11: {  	[smem:$0x3FB3] =	sst s9;
	s0 =	simm.s32 @!p0 $0x0  }
0x12: {  	s1 =	sld [smem:$0x3F99];
	s0 =	simm.s32 @p0 $0x1  }
0x13: {  	[smem:$0x3FB4] =	sst s0;
	s0 =	simm.s32 @!p1 $0x0  }
0x14: {  	s2 =	sld [smem:$0x3F98];
	s0 =	simm.s32 @p1 $0x1  }
0x15: {  	[smem:$0x3FB5] =	sst s0;
	s0 =	simm.s32 @!p2 $0x0  }
0x16: {  	s3 =	sld [smem:$0x3FDB];
	s0 =	simm.s32 @p2 $0x1  }
0x17: {  	s4 =	simm.s32 $0x1BF5;
	[smem:$0x3FB7] =	sst s0  }
0x18: {  	s0 =	sld [smem:$0x3F9A];
	_ =	swait.ge [sflag:s4], $0x0  }
0x19: {  	s7 =	sld [smem:$0x3F9B]  }
0x1a: {  	s8 =	sadd.s32 $0xFFFFE003, lr  }
0x1b: {  	s9 =	sadd.s32 $0xFFFFFEF7, lr;
	s5 =	simm.s32 $0xFFFFFFFF;
	p2 =	slt.u32 s8, $0xFFFFF086  }
0x1c: {  	p1 =	slt.u32 s9, $0xF7A;
	s5 =	simm.s32 @!p2 $0x0  }
0x1d: {  	s5 =	simm.s32 @p1 $0x1;
	p0 =	seq.s32 s7, s2  }
0x1e: {  	s7 =	smul.u32 @!p0 $0xF7A, s2;
	p2 =	seq.s32 @!p0 s5, $0x0  }
0x1f: {  	s9 =	smul.u32 $0xF7A, s1;
	s8 =	simm.s32 @!p0 $0x1BF5;
	p2 =	por !p2, p0  }
0x20: {  	[sflag:s8] =	ssyncset.s32 @!p0 $0xFFFFF086;
	s6 =	sadd.s32 @!p0 s3, s7;
	s7 =	simm.s32 @!p0 $0x108  }
0x21: {  	s3 =	sadd.s32 s3, s9;
	s6 =	sadd.s32 @!p0 $0x88, s6;
	s7 =	simm.s32 @p2 $0x1082  }
0x22: {  	[simem:s7], [sflag:s8] =	dma.local @!p0 [hbm:s6], $0xF7A  }
0x23: {  	s9 =	sor.u32 $0xD0000000, s2;
	s6 =	simm.s32 $0x108;
	_ =	swait.ge @!p0 [sflag:s8], $0x0  }
0x24: {  	s3 =	sadd.s32 $0x88, s3;
	s6 =	simm.s32 @!p1 $0x1082;
	[sflag:s4] =	ssyncset.s32 $0xFFFFF086  }
0x25: {  	[simem:s6], [sflag:s4] =	dma.local [hbm:s3], $0xF7A  }
0x26: {  	[smem:$0x3F9B] =	sst s1;
	(tag) =	ssettag s2;
	_ =	strace s9  }
0x27: {  	s1 =	sld [smem:$0x3FAB]  }
0x28: {  	s2 =	sld [smem:$0x3FAC]  }
0x29: {  	s4 =	sld [smem:$0x3FAE]  }
0x2a: {  	p0 =	seq.s32 s5, $0x0;
	s5 =	sld [smem:$0x3FAF]  }
0x2b: {  	s6 =	sld [smem:$0x3FB0]  }
0x2c: {  	s7 =	sld [smem:$0x3FB1]  }
0x2d: {  	s3 =	simm.s32 $0x108;
	s8 =	sld [smem:$0x3FB2]  }
0x2e: {  	s3 =	simm.s32 @!p0 $0x1082;
	s9 =	sld [smem:$0x3FB3]  }
0x2f: {  	lr =	sadd.s32 s0, s3;
	s0 =	sld [smem:$0x3FAA]  }
0x30: {  	s3 =	sld [smem:$0x3FAD]  }
0x31: {  	[smem:$0x3FB6] =	sst s10  }
0x32: {  	s10 =	sld [smem:$0x3FB4];
	_ =	sdelay $0x3  }
0x33: {  	p0 =	seq.s32 s10, $0x1;
	s10 =	sld [smem:$0x3FB6];
	_ =	sdelay $0x3  }
0x34: {  	[smem:$0x3FB6] =	sst s10  }
0x35: {  	s10 =	sld [smem:$0x3FB5];
	_ =	sdelay $0x3  }
0x36: {  	p1 =	seq.s32 s10, $0x1;
	s10 =	sld [smem:$0x3FB6];
	_ =	sdelay $0x3  }
0x37: {  	[smem:$0x3FB6] =	sst s10  }
0x38: {  	s10 =	sld [smem:$0x3FB7]  }
0x39: {  	_ = 	snop;
	(pc) =	sbr.ind lr, $3  }
0x3a: {  	_ = 	snop  }
0x3b: {  	_ = 	snop  }
0x3c: {  	p2 =	seq.s32 s10, $0x1;
	s10 =	sld [smem:$0x3FB6]  }
0x3d: {  	_ =	shalt  }
0x3e: {  	_ =	shalt  }
0x3f: {  	_ =	shalt  }
0x40: {  	_ =	shalt  }
0x41: {  	_ =	shalt  }
0x42: {  	_ =	shalt  }
0x43: {  	_ =	shalt  }
0x44: {  	_ =	shalt  }
0x45: {  	_ =	shalt  }
0x46: {  	_ =	shalt  }
0x47: {  	_ =	shalt  }
0x48: {  	_ =	shalt  }
0x49: {  	_ =	shalt  }
0x4a: {  	_ =	shalt  }
0x4b: {  	_ =	shalt  }
0x4c: {  	_ =	shalt  }
0x4d: {  	_ =	shalt  }
0x4e: {  	_ =	shalt  }
0x4f: {  	_ =	shalt  }
0x50: {  	_ =	shalt  }
0x51: {  	_ =	shalt  }
0x52: {  	_ =	shalt  }
0x53: {  	_ =	shalt  }
0x54: {  	_ =	shalt  }
0x55: {  	_ =	shalt  }
0x56: {  	_ =	shalt  }
0x57: {  	_ =	shalt  }
0x58: {  	_ =	shalt  }
0x59: {  	_ =	shalt  }
0x5a: {  	_ =	shalt  }
0x5b: {  	_ =	shalt  }
0x5c: {  	_ =	shalt  }
0x5d: {  	_ =	shalt  }
0x5e: {  	_ =	shalt  }
0x5f: {  	_ =	shalt  }
0x60: {  	_ =	shalt  }
0x61: {  	_ =	shalt  }
0x62: {  	_ =	shalt  }
0x63: {  	_ =	shalt  }
0x64: {  	_ =	shalt  }
0x65: {  	_ =	shalt  }
0x66: {  	_ =	shalt  }
0x67: {  	_ =	shalt  }
0x68: {  	_ =	shalt  }
0x69: {  	_ =	shalt  }
0x6a: {  	_ =	shalt  }
0x6b: {  	_ =	shalt  }
0x6c: {  	_ =	shalt  }
0x6d: {  	_ =	shalt  }
0x6e: {  	_ =	shalt  }
0x6f: {  	_ =	shalt  }
0x70: {  	_ =	shalt  }
0x71: {  	_ =	shalt  }
0x72: {  	_ =	shalt  }
0x73: {  	_ =	shalt  }
0x74: {  	_ =	shalt  }
0x75: {  	_ =	shalt  }
0x76: {  	_ =	shalt  }
0x77: {  	_ =	shalt  }
0x78: {  	_ =	shalt  }
0x79: {  	_ =	shalt  }
0x7a: {  	_ =	shalt  }
0x7b: {  	_ =	shalt  }
0x7c: {  	_ =	shalt  }
0x7d: {  	_ =	shalt  }
0x7e: {  	_ =	shalt  }
0x7f: {  	_ =	shalt  }
0x80: {  	_ =	shalt  }
0x81: {  	_ =	shalt  }
0x82: {  	_ =	shalt  }
0x83: {  	_ =	shalt  }
0x84: {  	_ =	shalt  }
0x85: {  	_ =	shalt  }
0x86: {  	_ =	shalt  }
0x87: {  	_ =	shalt  }
.Lfunc_end0:
.L_simem_size_0:
called_computation_lowered:
.L_overlay_start_0:
0x88: {  	s2 =	sld [smem:$0x3FD9]  }
0x89: {  	s3 =	sld [smem:$0x3FFE];
	_ =	sdelay $0x1  }
0x8a: {  	s1 =	srdreg.scid  }
0x8b: {  	s0 =	sand.u32 $0x1, s1  }
0x8c: {  	s18 =	sshll.u32 s0, $0xA;
	s2 =	sadd.s32 s3, s2  }
0x8d: {  	s2 =	sadd.s32 s2, s18  }
0x8e: {  	[smem:$0x3FC2] =	sst s2  }
0x8f: {  	_ = 	snop  }
0x90: {  	s2 =	sld [smem:$0x3FC9]  }
0x91: {  	s19 =	sld [smem:$0x3FC8]  }
0x92: {  	s4 =	sld [smem:$0x3FC7]  }
0x93: {  	s5 =	sld [smem:$0x3FC6]  }
0x94: {  	s6 =	sld [smem:$0x3FC5]  }
0x95: {  	s7 =	sld [smem:$0x3FC4]  }
0x96: {  	s8 =	sld [smem:$0x3FD0];
	(tm) =	ssettm $0x1  }
0x97: {  	s9 =	sld [smem:$0x3FFB];
	_ =	sdelay $0x3  }
0x98: {  	_ =	strace s9  }
0x99: {  	s9 =	sld [smem:$0x3FFC];
	_ =	sdelay $0x3  }
0x9a: {  	_ =	strace s9  }
0x9b: {  	s9 =	sld [smem:$0x3FFD];
	_ =	sdelay $0x3  }
0x9c: {  	_ =	strace s9  }
0x9d: {  	_ =	strace $0x8FFFFFFF  }
0x9e: {  	s20 =	sld [smem:$0x3FDB];
	_ =	sdelay $0x1  }
0x9f: {  	s10 =	simm.s32 $_scs_section_size  }
0xa0: {  	s11 =	simm.s32 $_size__tile_overlayer_lowered;
	s12 =	simm.s32 $_tile_overlayer_lowered  }
0xa1: {  	s23 =	simm.s32 $0x1BFF;
	s22 =	sshll.u32 s12, $0x1;
	s9 =	sadd.s32 s10, s20  }
0xa2: {  	s13 =	simm.s32 $0x0;
	s21 =	sshll.u32 s11, $0x1;
	s11 =	sadd.s32 s22, s9  }
0xa3: {  	[timem:s13], [sflag:s23] =	dma.local [hbm:s11], s21  }
0xa4: {  	_ =	swait.ge [sflag:s23], s21  }
0xa5: {  	s10 =	ssub.s32 $0x0, s21;
	[sflag:s23] =	ssyncset.done $0x0  }
0xa6: {  	[sflag:s23] =	ssyncadd.s32 s10;
	_ =	sdelay $0x1  }
0xa7: {  	s24 =	simm.s32 $0x1B8B  }
0xa8: {  	_ =	swait.ge [sflag:s24], $0x1  }
0xa9: {  	[sflag:s24] =	ssyncset.done $0x0  }
0xaa: {  	s25 =	simm.s32 $0x1B8E;
	[sflag:s24] =	ssyncadd.s32 $0xFFFFFFFF  }
0xab: {  	s26 =	simm.s32 $execute0_lowered;
	[smem:$0x3FD2] =	sst s25  }
0xac: {  	s10 =	sshll.u32 s26, $0x1;
	_ =	strace $0x80000046;
	[dreg:$0x1] =	wrdreg $0xFFFFFFFF  }
0xad: {  	s28 =	simm.s32 $_size_execute0_lowered;
	s9 =	sadd.s32 s9, s10;
	[dreg:$0x0] =	wrdreg $0x0  }
0xae: {  	s10 =	sshll.u32 s28, $0x1;
	[dreg:$0x2] =	wrdreg s9  }
0xaf: {  	[dreg:$0x3] =	wrdreg s10  }
0xb0: {  	[dreg:$0x4] =	wrdreg $0xC0  }
0xb1: {  	_ =	task [dreg:s13], $0x5FFFF  }
0xb2: {  	[dreg:$0x1] =	wrdreg $0xFFFFFFFF  }
0xb3: {  	[dreg:$0x0] =	wrdreg $0x60  }
0xb4: {  	[dreg:$0x2] =	wrdreg s2  }
0xb5: {  	[dreg:$0x3] =	wrdreg s19  }
0xb6: {  	[dreg:$0x4] =	wrdreg s4  }
0xb7: {  	[dreg:$0x5] =	wrdreg s5  }
0xb8: {  	[dreg:$0x6] =	wrdreg s6  }
0xb9: {  	[dreg:$0x7] =	wrdreg s7  }
0xba: {  	[dreg:$0x8] =	wrdreg s8  }
0xbb: {  	[dreg:$0x9] =	wrdreg $0x9  }
0xbc: {  	_ =	task.clear_ibuf [dreg:s13], $0xAFFFF;
	_ =	strace $0x90000046  }
0xbd: {  	s29 =	simm.s32 $0x9;
	_ =	strace $0x80000048  }
0xbe: {  	_ =	swait.ge [sflag:s29], $0x1  }
0xbf: {  	[sflag:s29] =	ssyncadd.s32 $0xFFFFFFFF  }
0xc0: {  	_ =	strace $0x90000048  }
0xc1: {  	_ =	sfence  }
0xc2: {  	s30 =	sld [smem:$0x0];
	_ =	sdelay $0x2  }
0xc3: {  	s31 =	sshll.u32 s1, $0xD;
	s1 =	sshrl.u32 s1, $0x2  }
0xc4: {  	s3 =	sand.u32 $0x4000, s31;
	s1 =	sadd.s32 s1, s30  }
0xc5: {  	s0 =	sor.u32 s3, s0;
	s1 =	sshll.u32 s1, $0x11  }
0xc6: {  	s0 =	sor.u32 s1, s0  }
0xc7: {  	s0 =	sadd.s32 $0x8F2B, s0  }
0xc8: {  	[sflag:s0] =	ssyncadd.remote.s32 $0x1  }
0xc9: {  	_ =	sfence.sel $0xFFFF  }
0xca: {  	[dreg:$0x0] =	wrdreg $0xFFFFFFFF;
	(pc) =	sbr.abs _section_cstart, $3  }
0xcb: {  	[dreg:$0x1] =	wrdreg $0xFFFFFFFF  }
0xcc: {  	_ =	task.clear_ibuf [dreg:s13], $0x2FFFF;
	_ =	strace $0x9FFFFFFF  }
0xcd: {  	(tm) =	ssettm $0x7FFFFFFF  }
tec
execute0_lowered:
.L_overlay_start_1:
0x0: {  	(tag) =	ssettag $0x1  }
0x1: {  	s0 =	rddreg [dreg:$0x0]  }
0x2: {  	s1 =	rddreg [dreg:$0x1]  }
0x3: {  	s22 =	rddreg [dreg:$0x2]  }
0x4: {  	s8 =	rddreg [dreg:$0x3]  }
0x5: {  	s26 =	rddreg [dreg:$0x4]  }
0x6: {  	s31 =	rddreg [dreg:$0x5]  }
0x7: {  	s2 =	rddreg [dreg:$0x6];
	s3 =	srdreg.scid  }
0x8: {  	s6 =	simm.s32 $0x0;
	s5 =	stileid.u32;
	s12 =	simm.s32 $0x7A1400  }
0x9: {  	s13 =	simm.s32 $0x400;
	s14 =	simm.s32 $0x10400;
	s17 =	simm.s32 $0x10600  }
0xa: {  	s18 =	simm.s32 $0x2400;
	s21 =	simm.s32 $0xA400;
	s24 =	simm.s32 $0x10480  }
0xb: {  	s11 =	simm.s32 $0x10680;
	s9 =	simm.s32 $0x10700;
	s16 =	simm.s32 $0x6400  }
0xc: {  	s19 =	simm.s32 $0xE400;
	s20 =	simm.s32 $0x10580;
	s23 =	simm.s32 $0x10780  }
0xd: {  	s30 =	simm.s32 $0x1;
	s3 =	sand.u32 $0x1, s3;
	s5 =	sshll.u32 s5, $0x7  }
0xe: {  	v0 =	vlaneseq.u32;
	vm0 =	vcmask $0x300;
	[smem:$0x7FF] =	sst s6;
	s4 =	ssub.s32 $0x2, s3;
	s3 =	sshll.u32 s3, $0x6  }
0xf: {  	vm1 =	vcmask $0x704;
	vm2 =	vcmask $0xB08;
	vm3 =	vcmask $0xF0C;
	_ =	strace $0x80000047;
	s7 =	sshrl.u32 s4, $0x1;
	s3 =	sor.u32 s3, s5  }
0x10: {  	vm4 =	vcmask $0x1310;
	vm5 =	vcmask $0x1714;
	vm6 =	vcmask $0x1B18;
	s5 =	simm.s32 $0x10500;
	s4 =	ssub.s32 s4, s7;
	s0 =	sadd.s32 s0, s3  }
0x11: {  	vm7 =	vcmask $0x1F1C;
	vm8 =	vcmask $0x2320;
	vm9 =	vcmask $0x2724;
	s25 =	sadd.s32 s1, s3;
	s28 =	sadd.s32 s2, s3;
	[dreg:$0x8] =	wrdreg s0  }
0x12: {  	vm10 =	vcmask $0x2B28;
	vm11 =	vcmask $0x2F2C;
	v0 =	vmul.u32 $0x80, v0;
	s1 =	simm.s32 $0x2;
	s7 =	simm.s32 $0x8400;
	[dreg:$0x9] =	wrdreg s25  }
0x13: {  	vm12 =	vcmask $0x3330;
	vm13 =	vcmask $0x3734;
	vm14 =	vcmask $0x3B38;
	s3 =	simm.s32 $0x4400;
	[dreg:$0xa] =	wrdreg s28;
	s29 =	smax.u32 s4, $0x1  }
0x14: {  	v1 =	vor.u32 $0x800, v0;
	v2 =	vor.u32 $0x1000, v0;
	v3 =	vor.u32 $0x1800, v0;
	s2 =	simm.s32 $0x0;
	s4 =	simm.s32 $0xC400;
	[dreg:$0xb] =	wrdreg s29  }
.LBB2_1:
0x15: {  	[dreg:$0xc] =	wrdreg s2  }
0x16: {  	s0 =	rddreg [dreg:$0x8]  }
0x17: {  	[tilespmem:s6], [sflag:$0x2] =	stream.linear.gather [hbm4b:s0+s6], $0x200, $0x38;
	[tilespmem:$0x10A00] =	vst v63  }
0x18: {  	_ =	swait.ge [sflag:s1], $0x200  }
0x19: {  	[sflag:s1] =	ssyncset.done $0x0  }
0x1a: {  	s10 =	simm.s32 $0x200;
	s28 =	rddreg [dreg:$0x9];
	[sflag:s1] =	ssyncadd.s32 $0xFFFFFE00  }
0x1b: {  	[tilespmem:s10], [sflag:$0x2] =	stream.linear.gather [hbm4b:s28+s6], $0x200, $0x38;
	[tilespmem:$0x10A00] =	vst v63  }
0x1c: {  	_ =	swait.ge [sflag:s1], $0x200  }
0x1d: {  	[sflag:s1] =	ssyncset.done $0x0  }
0x1e: {  	[sflag:s1] =	ssyncadd.s32 $0xFFFFFE00  }
0x1f: {  	v4 =	vld [tilespmem:$0x0];
	_ =	sdelay $0x4  }
0x20: {  	(v2sf) =	vpush v4, $0x0;
	_ =	sdelay $0x4  }
0x21: {  	v5 =	vld [tilespmem:$0x200];
	_ =	sdelay $0x4  }
0x22: {  	(v2sf) =	vpush v5, $0x0;
	_ =	sdelay $0x4  }
0x23: {  	s29 =	spop (v2sf);
	(v2sf) =	vpush v4, $0x1;
	_ =	sdelay $0x5  }
0x24: {  	(v2sf) =	vpush v5, $0x1;
	_ =	sdelay $0x3  }
0x25: {  	s2 =	sand.u32 $0x1FFFFF80, s29;
	s15 =	spop (v2sf)  }
0x26: {  	s1 =	sadd.s32 s22, s2;
	s25 =	sand.u32 $0x1FFFFF80, s15  }
0x27: {  	[tilespmem:s13], [sflag:$0x1] =	stream.strided.gather [hbm4b:s1+s13], $0x2000, s12, s13, $0x38;
	[tilespmem:$0x10A00] =	vst v63  }
0x28: {  	s0 =	sshrl.u32 s29, $0x3;
	s1 =	sadd.s32 s8, s25  }
0x29: {  	[tilespmem:s7], [sflag:$0x1] =	stream.strided.gather [hbm4b:s1+s13], $0x2000, s12, s13, $0x38;
	[tilespmem:$0x10A00] =	vst v63  }
0x2a: {  	s0 =	sand.u32 $0x1FFFFFF0, s0;
	s29 =	spop (v2sf);
	(v2sf) =	vpush v4, $0x2  }
0x2b: {  	s28 =	sshrl.u32 s15, $0x3;
	s0 =	sadd.s32 s26, s0  }
0x2c: {  	[tilespmem:s14], [sflag:$0x1] =	stream.linear.gather [hbm4b:s0+s6], $0x80, $0x38;
	[tilespmem:$0x10A00] =	vst v63  }
0x2d: {  	s0 =	sand.u32 $0x1FFFFFF0, s28;
	(v2sf) =	vpush v5, $0x2  }
0x2e: {  	s0 =	sadd.s32 s31, s0  }
0x2f: {  	[tilespmem:s17], [sflag:$0x1] =	stream.linear.gather [hbm4b:s0+s6], $0x80, $0x38;
	[tilespmem:$0x10A00] =	vst v63  }
0x30: {  	s2 =	sand.u32 $0x1FFFFF80, s29;
	s14 =	spop (v2sf)  }
0x31: {  	s0 =	sshrl.u32 s29, $0x3;
	s1 =	sadd.s32 s22, s2;
	s15 =	sand.u32 $0x1FFFFF80, s14  }
0x32: {  	[tilespmem:s18], [sflag:$0x1] =	stream.strided.gather [hbm4b:s1+s13], $0x2000, s12, s13, $0x38;
	[tilespmem:$0x10A00] =	vst v63  }
0x33: {  	s0 =	sand.u32 $0x1FFFFFF0, s0;
	s1 =	sadd.s32 s8, s15  }
0x34: {  	(v2sf) =	vpush v4, $0x3;
	[tilespmem:s21], [sflag:$0x1] =	stream.strided.gather [hbm4b:s1+s13], $0x2000, s12, s13, $0x38;
	[tilespmem:$0x10A00] =	vst v63  }
0x35: {  	s0 =	sadd.s32 s26, s0  }
0x36: {  	[tilespmem:s24], [sflag:$0x1] =	stream.linear.gather [hbm4b:s0+s6], $0x80, $0x38;
	[tilespmem:$0x10A00] =	vst v63  }
0x37: {  	s24 =	sshrl.u32 s14, $0x3  }
0x38: {  	s0 =	sand.u32 $0x1FFFFFF0, s24  }
0x39: {  	s0 =	sadd.s32 s31, s0;
	s25 =	spop (v2sf);
	(v2sf) =	vpush v5, $0x3  }
0x3a: {  	[tilespmem:s11], [sflag:$0x1] =	stream.linear.gather [hbm4b:s0+s6], $0x80, $0x38;
	[tilespmem:$0x10A00] =	vst v63  }
0x3b: {  	s28 =	sand.u32 $0x1FFFFF80, s25  }
0x3c: {  	s29 =	spop (v2sf);
	s1 =	sadd.s32 s22, s28  }
0x3d: {  	[tilespmem:s3], [sflag:$0x1] =	stream.strided.gather [hbm4b:s1+s13], $0x2000, s12, s13, $0x38;
	[tilespmem:$0x10A00] =	vst v63  }
0x3e: {  	s0 =	sshrl.u32 s25, $0x3;
	s3 =	sand.u32 $0x1FFFFF80, s29  }
0x3f: {  	s0 =	sand.u32 $0x1FFFFFF0, s0;
	s1 =	sadd.s32 s8, s3  }
0x40: {  	[tilespmem:s4], [sflag:$0x1] =	stream.strided.gather [hbm4b:s1+s13], $0x2000, s12, s13, $0x38;
	[tilespmem:$0x10A00] =	vst v63  }
0x41: {  	s11 =	sshrl.u32 s29, $0x3;
	s0 =	sadd.s32 s26, s0  }
0x42: {  	[tilespmem:s5], [sflag:$0x1] =	stream.linear.gather [hbm4b:s0+s6], $0x80, $0x38;
	[tilespmem:$0x10A00] =	vst v63  }
0x43: {  	s14 =	spop (v2sf);
	s0 =	sand.u32 $0x1FFFFFF0, s11  }
0x44: {  	s15 =	sand.u32 $0x1FFFFF80, s14;
	s0 =	sadd.s32 s31, s0  }
0x45: {  	[tilespmem:s9], [sflag:$0x1] =	stream.linear.gather [hbm4b:s0+s6], $0x80, $0x38;
	[tilespmem:$0x10A00] =	vst v63  }
0x46: {  	s0 =	sadd.s32 s22, s15  }
0x47: {  	[tilespmem:s16], [sflag:$0x1] =	stream.strided.gather [hbm4b:s0+s13], $0x2000, s12, s13, $0x38;
	[tilespmem:$0x10A00] =	vst v63  }
0x48: {  	s24 =	spop (v2sf)  }
0x49: {  	s25 =	sand.u32 $0x1FFFFF80, s24  }
0x4a: {  	s28 =	sshrl.u32 s14, $0x3;
	s0 =	sadd.s32 s8, s25  }
0x4b: {  	[tilespmem:s19], [sflag:$0x1] =	stream.strided.gather [hbm4b:s0+s13], $0x2000, s12, s13, $0x38;
	[tilespmem:$0x10A00] =	vst v63  }
0x4c: {  	s0 =	sand.u32 $0x1FFFFFF0, s28  }
0x4d: {  	s29 =	sshrl.u32 s24, $0x3;
	s0 =	sadd.s32 s26, s0  }
0x4e: {  	[tilespmem:s20], [sflag:$0x1] =	stream.linear.gather [hbm4b:s0+s6], $0x80, $0x38;
	[tilespmem:$0x10A00] =	vst v63  }
0x4f: {  	s0 =	sand.u32 $0x1FFFFFF0, s29  }
0x50: {  	s0 =	sadd.s32 s31, s0  }
0x51: {  	[tilespmem:s23], [sflag:$0x1] =	stream.linear.gather [hbm4b:s0+s6], $0x80, $0x38;
	[tilespmem:$0x10A00] =	vst v63  }
0x52: {  	s2 =	simm.s32 $0x0;
	s1 =	simm.s32 $0x10800;
	s0 =	simm.s32 $0x10  }
.LBB2_2:
0x53: {  	[dreg:$0x10] =	wrdreg s2  }
0x54: {  	[dreg:$0xe] =	wrdreg s0  }
0x55: {  	v6 =	vld [tilespmem:s2+$0x0];
	p0 =	seq.s32 s0, $0x200;
	s0 =	rddreg [dreg:$0xe]  }
0x56: {  	[dreg:$0xf] =	wrdreg s1;
	v7 =	vld [tilespmem:s10+$0x0];
	s0 =	simm.s32 @p0 $0x1F0  }
0x57: {  	[dreg:$0xd] =	wrdreg s10;
	v5 =	vld [tilespmem:s0+$0x0]  }
0x58: {  	v4 =	vld [tilespmem:s0+$0x200];
	_ =	swait.ge [sflag:s30], $0x2000  }
0x59: {  	[sflag:s30] =	ssyncset.done $0x0  }
0x5a: {  	[sflag:s30] =	ssyncadd.s32 $0xFFFFE000  }
0x5b: {  	_ =	swait.ge [sflag:s30], $0x2000  }
0x5c: {  	[sflag:s30] =	ssyncset.done $0x0  }
0x5d: {  	[sflag:s30] =	ssyncadd.s32 $0xFFFFE000  }
0x5e: {  	_ =	swait.ge [sflag:s30], $0x80  }
0x5f: {  	[sflag:s30] =	ssyncset.done $0x0  }
0x60: {  	[sflag:s30] =	ssyncadd.s32 $0xFFFFFF80  }
0x61: {  	_ =	swait.ge [sflag:s30], $0x80  }
0x62: {  	(v2sf) =	vpush v6, $0x0  }
0x63: {  	(v2sf) =	vpush v7, $0x0;
	_ =	sdelay $0xd  }
0x64: {  	s10 =	spop (v2sf)  }
0x65: {  	s11 =	spop (v2sf);
	s0 =	sand.u32 $0x7F, s10  }
0x66: {  	s1 =	sand.u32 $0x7F, s11;
	v8 =	vor.u32 s0, v0  }
0x67: {  	v9 =	vor.u32 s1, v0  }
0x68: {  	v10 =	vor.u32 s0, v1  }
0x69: {  	[sflag:s30] =	ssyncset.done $0x0;
	v11 =	vor.u32 s1, v1  }
0x6a: {  	[sflag:s30] =	ssyncadd.s32 $0xFFFFFF80;
	v12 =	vor.u32 s0, v2  }
0x6b: {  	v13 =	vor.u32 s1, v2;
	v8 =	vld.idx.msk [tilespmem:v8+s13+$0x0], $0xffff  }
0x6c: {  	v14 =	vor.u32 s0, v3;
	v9 =	vld.idx.msk [tilespmem:v9+s7+$0x0], $0xffff  }
0x6d: {  	v15 =	vor.u32 s1, v3;
	v10 =	vld.idx.msk [tilespmem:v10+s13+$0x0], $0xffff  }
0x6e: {  	v11 =	vld.idx.msk [tilespmem:v11+s7+$0x0], $0xffff  }
0x6f: {  	v12 =	vld.idx.msk [tilespmem:v12+s13+$0x0], $0xffff  }
0x70: {  	v13 =	vld.idx.msk [tilespmem:v13+s7+$0x0], $0xffff  }
0x71: {  	v38 =	vld.idx.msk [tilespmem:v14+s13+$0x0], $0xffff;
	v8 =	vmul.f32 v9, v8  }
0x72: {  	v39 =	vld.idx.msk [tilespmem:v15+s7+$0x0], $0xffff  }
0x73: {  	v10 =	vmul.f32 v11, v10;
	v8 =	vadd.f32 $0.0e+00, v8;
	_ =	sdelay $0x1  }
0x74: {  	v40 =	vmul.f32 v13, v12;
	v8 =	vadd.f32 v10, v8;
	_ =	sdelay $0x1  }
0x75: {  	v9 =	vmul.f32 v39, v38;
	v8 =	vadd.f32 v40, v8;
	_ =	sdelay $0x1  }
0x76: {  	v8 =	vadd.f32 v9, v8;
	_ =	sdelay $0x1  }
0x77: {  	(xrf2) =	vadd.scan.msk.f32 $0xffff, v8;
	_ =	sdelay $0x1  }
0x78: {  	v41 =	vmov s0  }
0x79: {  	v42 =	vmov s1;
	_ =	sdelay $0x2  }
0x7a: {  	s14 =	simm.s32 $0x10400  }
0x7b: {  	v8 =	vld.idx.msk [tilespmem:v41+s14+$0x0], $0xffff  }
0x7c: {  	v9 =	vld.idx.msk [tilespmem:v42+s17+$0x0], $0xffff;
	_ =	sdelay $0x1  }
0x7d: {  	v43, _, _ =	vpop (xrf2)  }
0x7e: {  	(v2sf) =	vpush v43, $0xF  }
0x7f: {  	(v2sf) =	vpush v8, $0x0  }
0x80: {  	(v2sf) =	vpush v9, $0x0  }
0x81: {  	(v2sf) =	vpush v6, $0x4  }
0x82: {  	(v2sf) =	vpush v7, $0x4;
	_ =	sdelay $0xa  }
0x83: {  	s15 =	spop (v2sf)  }
0x84: {  	s24 =	spop (v2sf)  }
0x85: {  	s25 =	spop (v2sf)  }
0x86: {  	s0 =	spop (v2sf)  }
0x87: {  	s28 =	sand.u32 $0x1FFFFF80, s0;
	s5 =	spop (v2sf)  }
0x88: {  	s1 =	sadd.s32 s22, s28;
	s29 =	sand.u32 $0x1FFFFF80, s5  }
0x89: {  	[tilespmem:s13], [sflag:$0x1] =	stream.strided.gather [hbm4b:s1+s13], $0x2000, s12, s13, $0x38;
	[tilespmem:$0x10A00] =	vst v63  }
0x8a: {  	s2 =	sshrl.u32 s0, $0x3;
	s1 =	sadd.s32 s8, s29  }
0x8b: {  	[tilespmem:s7], [sflag:$0x1] =	stream.strided.gather [hbm4b:s1+s13], $0x2000, s12, s13, $0x38;
	[tilespmem:$0x10A00] =	vst v63  }
0x8c: {  	s3 =	simm.s32 $0x10400;
	s1 =	sand.u32 $0x1FFFFFF0, s2  }
0x8d: {  	[dreg:$0x12] =	wrdreg s15;
	s4 =	sshrl.u32 s5, $0x3;
	s1 =	sadd.s32 s26, s1  }
0x8e: {  	[tilespmem:s3], [sflag:$0x1] =	stream.linear.gather [hbm4b:s1+s6], $0x80, $0x38;
	[tilespmem:$0x10A00] =	vst v63  }
0x8f: {  	[dreg:$0x13] =	wrdreg s24;
	s1 =	sand.u32 $0x1FFFFFF0, s4  }
0x90: {  	[dreg:$0x11] =	wrdreg s25;
	s1 =	sadd.s32 s31, s1  }
0x91: {  	[tilespmem:s17], [sflag:$0x1] =	stream.linear.gather [hbm4b:s1+s6], $0x80, $0x38;
	[tilespmem:$0x10A00] =	vst v63  }
0x92: {  	_ =	swait.ge [sflag:s30], $0x2000  }
0x93: {  	[sflag:s30] =	ssyncset.done $0x0  }
0x94: {  	[sflag:s30] =	ssyncadd.s32 $0xFFFFE000  }
0x95: {  	_ =	swait.ge [sflag:s30], $0x2000  }
0x96: {  	[sflag:s30] =	ssyncset.done $0x0  }
0x97: {  	[sflag:s30] =	ssyncadd.s32 $0xFFFFE000  }
0x98: {  	_ =	swait.ge [sflag:s30], $0x80  }
0x99: {  	[sflag:s30] =	ssyncset.done $0x0  }
0x9a: {  	[sflag:s30] =	ssyncadd.s32 $0xFFFFFF80  }
0x9b: {  	_ =	swait.ge [sflag:s30], $0x80  }
0x9c: {  	(v2sf) =	vpush v6, $0x1  }
0x9d: {  	(v2sf) =	vpush v7, $0x1;
	_ =	sdelay $0xd  }
0x9e: {  	s9 =	spop (v2sf)  }
0x9f: {  	s10 =	spop (v2sf);
	s1 =	sand.u32 $0x7F, s9  }
0xa0: {  	s2 =	sand.u32 $0x7F, s10;
	v44 =	vor.u32 s1, v0  }
0xa1: {  	v45 =	vor.u32 s2, v0  }
0xa2: {  	v46 =	vor.u32 s1, v1  }
0xa3: {  	[sflag:s30] =	ssyncset.done $0x0;
	v47 =	vor.u32 s2, v1  }
0xa4: {  	[sflag:s30] =	ssyncadd.s32 $0xFFFFFF80;
	v48 =	vor.u32 s1, v2  }
0xa5: {  	v49 =	vor.u32 s2, v2;
	v8 =	vld.idx.msk [tilespmem:v44+s18+$0x0], $0xffff  }
0xa6: {  	v50 =	vor.u32 s1, v3;
	v9 =	vld.idx.msk [tilespmem:v45+s21+$0x0], $0xffff  }
0xa7: {  	v51 =	vor.u32 s2, v3;
	v10 =	vld.idx.msk [tilespmem:v46+s18+$0x0], $0xffff  }
0xa8: {  	v11 =	vld.idx.msk [tilespmem:v47+s21+$0x0], $0xffff  }
0xa9: {  	v12 =	vld.idx.msk [tilespmem:v48+s18+$0x0], $0xffff  }
0xaa: {  	v13 =	vld.idx.msk [tilespmem:v49+s21+$0x0], $0xffff  }
0xab: {  	v52 =	vld.idx.msk [tilespmem:v50+s18+$0x0], $0xffff;
	v8 =	vmul.f32 v9, v8  }
0xac: {  	v53 =	vld.idx.msk [tilespmem:v51+s21+$0x0], $0xffff  }
0xad: {  	v10 =	vmul.f32 v11, v10;
	v8 =	vadd.f32 $0.0e+00, v8;
	_ =	sdelay $0x1  }
0xae: {  	v54 =	vmul.f32 v13, v12;
	v8 =	vadd.f32 v10, v8;
	_ =	sdelay $0x1  }
0xaf: {  	v9 =	vmul.f32 v53, v52;
	v8 =	vadd.f32 v54, v8;
	_ =	sdelay $0x1  }
0xb0: {  	v8 =	vadd.f32 v9, v8;
	_ =	sdelay $0x1  }
0xb1: {  	(xrf2) =	vadd.scan.msk.f32 $0xffff, v8;
	_ =	sdelay $0x1  }
0xb2: {  	v55 =	vmov s1  }
0xb3: {  	v56 =	vmov s2;
	_ =	sdelay $0x2  }
0xb4: {  	s11 =	simm.s32 $0x10480  }
0xb5: {  	s14 =	simm.s32 $0x10680;
	v8 =	vld.idx.msk [tilespmem:v55+s11+$0x0], $0xffff  }
0xb6: {  	v9 =	vld.idx.msk [tilespmem:v56+s14+$0x0], $0xffff;
	_ =	sdelay $0x1  }
0xb7: {  	v57, _, _ =	vpop (xrf2)  }
0xb8: {  	(v2sf) =	vpush v57, $0xF  }
0xb9: {  	(v2sf) =	vpush v8, $0x0  }
0xba: {  	(v2sf) =	vpush v9, $0x0  }
0xbb: {  	(v2sf) =	vpush v6, $0x5  }
0xbc: {  	(v2sf) =	vpush v7, $0x5;
	_ =	sdelay $0xa  }
0xbd: {  	s15 =	spop (v2sf)  }
0xbe: {  	s24 =	spop (v2sf)  }
0xbf: {  	s25 =	spop (v2sf)  }
0xc0: {  	s9 =	spop (v2sf)  }
0xc1: {  	s28 =	sand.u32 $0x1FFFFF80, s9;
	s10 =	spop (v2sf)  }
0xc2: {  	s1 =	sadd.s32 s22, s28;
	s29 =	sand.u32 $0x1FFFFF80, s10  }
0xc3: {  	[tilespmem:s18], [sflag:$0x1] =	stream.strided.gather [hbm4b:s1+s13], $0x2000, s12, s13, $0x38;
	[tilespmem:$0x10A00] =	vst v63  }
0xc4: {  	s11 =	sshrl.u32 s9, $0x3;
	s1 =	sadd.s32 s8, s29  }
0xc5: {  	[tilespmem:s21], [sflag:$0x1] =	stream.strided.gather [hbm4b:s1+s13], $0x2000, s12, s13, $0x38;
	[tilespmem:$0x10A00] =	vst v63  }
0xc6: {  	s4 =	simm.s32 $0x10480;
	s1 =	sand.u32 $0x1FFFFFF0, s11  }
0xc7: {  	[dreg:$0x15] =	wrdreg s15;
	s14 =	sshrl.u32 s10, $0x3;
	s1 =	sadd.s32 s26, s1  }
0xc8: {  	[tilespmem:s4], [sflag:$0x1] =	stream.linear.gather [hbm4b:s1+s6], $0x80, $0x38;
	[tilespmem:$0x10A00] =	vst v63  }
0xc9: {  	[dreg:$0x16] =	wrdreg s24;
	s1 =	sand.u32 $0x1FFFFFF0, s14  }
0xca: {  	s2 =	simm.s32 $0x10680;
	[dreg:$0x14] =	wrdreg s25;
	s1 =	sadd.s32 s31, s1  }
0xcb: {  	[tilespmem:s2], [sflag:$0x1] =	stream.linear.gather [hbm4b:s1+s6], $0x80, $0x38;
	[tilespmem:$0x10A00] =	vst v63  }
0xcc: {  	_ =	swait.ge [sflag:s30], $0x2000  }
0xcd: {  	[sflag:s30] =	ssyncset.done $0x0  }
0xce: {  	[sflag:s30] =	ssyncadd.s32 $0xFFFFE000  }
0xcf: {  	_ =	swait.ge [sflag:s30], $0x2000  }
0xd0: {  	[sflag:s30] =	ssyncset.done $0x0  }
0xd1: {  	[sflag:s30] =	ssyncadd.s32 $0xFFFFE000  }
0xd2: {  	_ =	swait.ge [sflag:s30], $0x80  }
0xd3: {  	[sflag:s30] =	ssyncset.done $0x0  }
0xd4: {  	[sflag:s30] =	ssyncadd.s32 $0xFFFFFF80  }
0xd5: {  	_ =	swait.ge [sflag:s30], $0x80  }
0xd6: {  	(v2sf) =	vpush v6, $0x2  }
0xd7: {  	(v2sf) =	vpush v7, $0x2;
	_ =	sdelay $0xd  }
0xd8: {  	s15 =	spop (v2sf)  }
0xd9: {  	s24 =	spop (v2sf);
	s1 =	sand.u32 $0x7F, s15  }
0xda: {  	s2 =	sand.u32 $0x7F, s24;
	v58 =	vor.u32 s1, v0  }
0xdb: {  	v59 =	vor.u32 s2, v0  }
0xdc: {  	v60 =	vor.u32 s1, v1  }
0xdd: {  	[sflag:s30] =	ssyncset.done $0x0;
	v61 =	vor.u32 s2, v1  }
0xde: {  	[sflag:s30] =	ssyncadd.s32 $0xFFFFFF80;
	v62 =	vor.u32 s1, v2;
	s24 =	simm.s32 $0x4400  }
0xdf: {  	s14 =	simm.s32 $0xC400;
	v63 =	vor.u32 s2, v2;
	v8 =	vld.idx.msk [tilespmem:v58+s24+$0x0], $0xffff  }
0xe0: {  	v18 =	vor.u32 s1, v3;
	v9 =	vld.idx.msk [tilespmem:v59+s14+$0x0], $0xffff  }
0xe1: {  	v19 =	vor.u32 s2, v3;
	v10 =	vld.idx.msk [tilespmem:v60+s24+$0x0], $0xffff  }
0xe2: {  	v11 =	vld.idx.msk [tilespmem:v61+s14+$0x0], $0xffff  }
0xe3: {  	v12 =	vld.idx.msk [tilespmem:v62+s24+$0x0], $0xffff  }
0xe4: {  	v13 =	vld.idx.msk [tilespmem:v63+s14+$0x0], $0xffff  }
0xe5: {  	v20 =	vld.idx.msk [tilespmem:v18+s24+$0x0], $0xffff;
	v8 =	vmul.f32 v9, v8  }
0xe6: {  	v21 =	vld.idx.msk [tilespmem:v19+s14+$0x0], $0xffff  }
0xe7: {  	v10 =	vmul.f32 v11, v10;
	v8 =	vadd.f32 $0.0e+00, v8;
	_ =	sdelay $0x1  }
0xe8: {  	v22 =	vmul.f32 v13, v12;
	v8 =	vadd.f32 v10, v8;
	_ =	sdelay $0x1  }
0xe9: {  	v9 =	vmul.f32 v21, v20;
	v8 =	vadd.f32 v22, v8;
	_ =	sdelay $0x1  }
0xea: {  	v8 =	vadd.f32 v9, v8;
	_ =	sdelay $0x1  }
0xeb: {  	(xrf2) =	vadd.scan.msk.f32 $0xffff, v8;
	_ =	sdelay $0x1  }
0xec: {  	v23 =	vmov s1  }
0xed: {  	v24 =	vmov s2;
	_ =	sdelay $0x2  }
0xee: {  	s25 =	simm.s32 $0x10500  }
0xef: {  	s28 =	simm.s32 $0x10700;
	v8 =	vld.idx.msk [tilespmem:v23+s25+$0x0], $0xffff  }
0xf0: {  	v9 =	vld.idx.msk [tilespmem:v24+s28+$0x0], $0xffff;
	_ =	sdelay $0x1  }
0xf1: {  	v25, _, _ =	vpop (xrf2)  }
0xf2: {  	(v2sf) =	vpush v25, $0xF  }
0xf3: {  	(v2sf) =	vpush v8, $0x0  }
0xf4: {  	(v2sf) =	vpush v9, $0x0  }
0xf5: {  	(v2sf) =	vpush v6, $0x6  }
0xf6: {  	(v2sf) =	vpush v7, $0x6;
	_ =	sdelay $0xa  }
0xf7: {  	s29 =	spop (v2sf)  }
0xf8: {  	s11 =	spop (v2sf)  }
0xf9: {  	s15 =	spop (v2sf)  }
0xfa: {  	[dreg:$0x19] =	wrdreg s11;
	s11 =	spop (v2sf)  }
0xfb: {  	[dreg:$0x18] =	wrdreg s15;
	s25 =	sand.u32 $0x1FFFFF80, s11;
	s15 =	spop (v2sf)  }
0xfc: {  	s1 =	sadd.s32 s22, s25;
	s28 =	sand.u32 $0x1FFFFF80, s15  }
0xfd: {  	[tilespmem:s24], [sflag:$0x1] =	stream.strided.gather [hbm4b:s1+s13], $0x2000, s12, s13, $0x38;
	[tilespmem:$0x10A00] =	vst v63  }
0xfe: {  	[dreg:$0x17] =	wrdreg s29;
	s29 =	sshrl.u32 s11, $0x3;
	s1 =	sadd.s32 s8, s28  }
0xff: {  	[tilespmem:s14], [sflag:$0x1] =	stream.strided.gather [hbm4b:s1+s13], $0x2000, s12, s13, $0x38;
	[tilespmem:$0x10A00] =	vst v63  }
0x100: {  	s1 =	sand.u32 $0x1FFFFFF0, s29  }
0x101: {  	s4 =	simm.s32 $0x10500;
	s25 =	sshrl.u32 s15, $0x3;
	s1 =	sadd.s32 s26, s1  }
0x102: {  	[tilespmem:s4], [sflag:$0x1] =	stream.linear.gather [hbm4b:s1+s6], $0x80, $0x38;
	[tilespmem:$0x10A00] =	vst v63  }
0x103: {  	s1 =	sand.u32 $0x1FFFFFF0, s25  }
0x104: {  	s2 =	simm.s32 $0x10700;
	s1 =	sadd.s32 s31, s1  }
0x105: {  	[tilespmem:s2], [sflag:$0x1] =	stream.linear.gather [hbm4b:s1+s6], $0x80, $0x38;
	[tilespmem:$0x10A00] =	vst v63  }
0x106: {  	_ =	swait.ge [sflag:s30], $0x2000  }
0x107: {  	[sflag:s30] =	ssyncset.done $0x0  }
0x108: {  	[sflag:s30] =	ssyncadd.s32 $0xFFFFE000  }
0x109: {  	_ =	swait.ge [sflag:s30], $0x2000  }
0x10a: {  	[sflag:s30] =	ssyncset.done $0x0  }
0x10b: {  	[sflag:s30] =	ssyncadd.s32 $0xFFFFE000  }
0x10c: {  	_ =	swait.ge [sflag:s30], $0x80  }
0x10d: {  	[sflag:s30] =	ssyncset.done $0x0  }
0x10e: {  	[sflag:s30] =	ssyncadd.s32 $0xFFFFFF80  }
0x10f: {  	_ =	swait.ge [sflag:s30], $0x80  }
0x110: {  	(v2sf) =	vpush v6, $0x3  }
0x111: {  	(v2sf) =	vpush v7, $0x3;
	_ =	sdelay $0xd  }
0x112: {  	s28 =	spop (v2sf)  }
0x113: {  	s29 =	spop (v2sf);
	s1 =	sand.u32 $0x7F, s28  }
0x114: {  	s2 =	sand.u32 $0x7F, s29;
	v26 =	vor.u32 s1, v0  }
0x115: {  	v27 =	vor.u32 s2, v0  }
0x116: {  	v28 =	vor.u32 s1, v1  }
0x117: {  	[sflag:s30] =	ssyncset.done $0x0;
	v29 =	vor.u32 s2, v1  }
0x118: {  	[sflag:s30] =	ssyncadd.s32 $0xFFFFFF80;
	v30 =	vor.u32 s1, v2  }
0x119: {  	v31 =	vor.u32 s2, v2;
	v8 =	vld.idx.msk [tilespmem:v26+s16+$0x0], $0xffff  }
0x11a: {  	v32 =	vor.u32 s1, v3;
	v9 =	vld.idx.msk [tilespmem:v27+s19+$0x0], $0xffff  }
0x11b: {  	v33 =	vor.u32 s2, v3;
	v10 =	vld.idx.msk [tilespmem:v28+s16+$0x0], $0xffff  }
0x11c: {  	v11 =	vld.idx.msk [tilespmem:v29+s19+$0x0], $0xffff  }
0x11d: {  	v12 =	vld.idx.msk [tilespmem:v30+s16+$0x0], $0xffff  }
0x11e: {  	v13 =	vld.idx.msk [tilespmem:v31+s19+$0x0], $0xffff  }
0x11f: {  	v34 =	vld.idx.msk [tilespmem:v32+s16+$0x0], $0xffff;
	v8 =	vmul.f32 v9, v8  }
0x120: {  	v35 =	vld.idx.msk [tilespmem:v33+s19+$0x0], $0xffff  }
0x121: {  	v10 =	vmul.f32 v11, v10;
	v8 =	vadd.f32 $0.0e+00, v8;
	_ =	sdelay $0x1  }
0x122: {  	v36 =	vmul.f32 v13, v12;
	v8 =	vadd.f32 v10, v8;
	_ =	sdelay $0x1  }
0x123: {  	v9 =	vmul.f32 v35, v34;
	v8 =	vadd.f32 v36, v8;
	_ =	sdelay $0x1  }
0x124: {  	v8 =	vadd.f32 v9, v8;
	_ =	sdelay $0x1  }
0x125: {  	(xrf2) =	vadd.scan.msk.f32 $0xffff, v8;
	_ =	sdelay $0x1  }
0x126: {  	v37 =	vmov s1  }
0x127: {  	v38 =	vmov s2;
	_ =	sdelay $0x3  }
0x128: {  	v8 =	vld.idx.msk [tilespmem:v37+s20+$0x0], $0xffff  }
0x129: {  	v9 =	vld.idx.msk [tilespmem:v38+s23+$0x0], $0xffff;
	_ =	sdelay $0x1  }
0x12a: {  	v39, _, _ =	vpop (xrf2)  }
0x12b: {  	(v2sf) =	vpush v39, $0xF  }
0x12c: {  	(v2sf) =	vpush v8, $0x0  }
0x12d: {  	(v2sf) =	vpush v9, $0x0  }
0x12e: {  	(v2sf) =	vpush v6, $0x7  }
0x12f: {  	(v2sf) =	vpush v7, $0x7;
	_ =	sdelay $0xa  }
0x130: {  	s4 =	spop (v2sf)  }
0x131: {  	s16 =	spop (v2sf)  }
0x132: {  	s25 =	spop (v2sf)  }
0x133: {  	[dreg:$0x1c] =	wrdreg s16;
	s1 =	spop (v2sf)  }
0x134: {  	[dreg:$0x1a] =	wrdreg s25;
	s28 =	sand.u32 $0x1FFFFF80, s1;
	s16 =	spop (v2sf)  }
0x135: {  	s25 =	simm.s32 $0x6400;
	s2 =	sadd.s32 s22, s28;
	s29 =	sand.u32 $0x1FFFFF80, s16  }
0x136: {  	[tilespmem:s25], [sflag:$0x1] =	stream.strided.gather [hbm4b:s2+s13], $0x2000, s12, s13, $0x38;
	[tilespmem:$0x10A00] =	vst v63  }
0x137: {  	[dreg:$0x1b] =	wrdreg s4;
	s4 =	sshrl.u32 s1, $0x3;
	s2 =	sadd.s32 s8, s29  }
0x138: {  	[tilespmem:s19], [sflag:$0x1] =	stream.strided.gather [hbm4b:s2+s13], $0x2000, s12, s13, $0x38;
	[tilespmem:$0x10A00] =	vst v63  }
0x139: {  	s2 =	sand.u32 $0x1FFFFFF0, s4  }
0x13a: {  	s28 =	sshrl.u32 s16, $0x3;
	s2 =	sadd.s32 s26, s2  }
0x13b: {  	[tilespmem:s20], [sflag:$0x1] =	stream.linear.gather [hbm4b:s2+s6], $0x80, $0x38;
	[tilespmem:$0x10A00] =	vst v63  }
0x13c: {  	s2 =	sand.u32 $0x1FFFFFF0, s28  }
0x13d: {  	s2 =	sadd.s32 s31, s2  }
0x13e: {  	[tilespmem:s23], [sflag:$0x1] =	stream.linear.gather [hbm4b:s2+s6], $0x80, $0x38;
	[tilespmem:$0x10A00] =	vst v63  }
0x13f: {  	_ =	swait.ge [sflag:s30], $0x2000  }
0x140: {  	[sflag:s30] =	ssyncset.done $0x0  }
0x141: {  	[sflag:s30] =	ssyncadd.s32 $0xFFFFE000  }
0x142: {  	_ =	swait.ge [sflag:s30], $0x2000  }
0x143: {  	[sflag:s30] =	ssyncset.done $0x0  }
0x144: {  	[sflag:s30] =	ssyncadd.s32 $0xFFFFE000  }
0x145: {  	s0 =	sand.u32 $0x7F, s0;
	_ =	swait.ge [sflag:s30], $0x80  }
0x146: {  	v40 =	vor.u32 s0, v0;
	s29 =	sand.u32 $0x7F, s5;
	[sflag:s30] =	ssyncset.done $0x0  }
0x147: {  	v41 =	vor.u32 s29, v0;
	[sflag:s30] =	ssyncadd.s32 $0xFFFFFF80  }
0x148: {  	v42 =	vor.u32 s0, v1;
	_ =	swait.ge [sflag:s30], $0x80  }
0x149: {  	v43 =	vor.u32 s29, v1;
	[sflag:s30] =	ssyncset.done $0x0  }
0x14a: {  	v44 =	vor.u32 s0, v2;
	[sflag:s30] =	ssyncadd.s32 $0xFFFFFF80  }
0x14b: {  	v45 =	vor.u32 s29, v2;
	v8 =	vld.idx.msk [tilespmem:v40+s13+$0x0], $0xffff  }
0x14c: {  	v46 =	vor.u32 s0, v3;
	v9 =	vld.idx.msk [tilespmem:v41+s7+$0x0], $0xffff  }
0x14d: {  	v47 =	vor.u32 s29, v3;
	v10 =	vld.idx.msk [tilespmem:v42+s13+$0x0], $0xffff  }
0x14e: {  	v11 =	vld.idx.msk [tilespmem:v43+s7+$0x0], $0xffff  }
0x14f: {  	v12 =	vld.idx.msk [tilespmem:v44+s13+$0x0], $0xffff  }
0x150: {  	v13 =	vld.idx.msk [tilespmem:v45+s7+$0x0], $0xffff  }
0x151: {  	v48 =	vld.idx.msk [tilespmem:v46+s13+$0x0], $0xffff;
	v8 =	vmul.f32 v9, v8  }
0x152: {  	v49 =	vld.idx.msk [tilespmem:v47+s7+$0x0], $0xffff  }
0x153: {  	v10 =	vmul.f32 v11, v10;
	v8 =	vadd.f32 $0.0e+00, v8;
	_ =	sdelay $0x1  }
0x154: {  	v50 =	vmul.f32 v13, v12;
	v8 =	vadd.f32 v10, v8;
	_ =	sdelay $0x1  }
0x155: {  	v9 =	vmul.f32 v49, v48;
	v8 =	vadd.f32 v50, v8;
	_ =	sdelay $0x1  }
0x156: {  	v8 =	vadd.f32 v9, v8;
	_ =	sdelay $0x1  }
0x157: {  	(xrf2) =	vadd.scan.msk.f32 $0xffff, v8;
	_ =	sdelay $0x1  }
0x158: {  	v51 =	vmov s0  }
0x159: {  	v52 =	vmov s29;
	_ =	sdelay $0x3  }
0x15a: {  	v8 =	vld.idx.msk [tilespmem:v51+s3+$0x0], $0xffff  }
0x15b: {  	v9 =	vld.idx.msk [tilespmem:v52+s17+$0x0], $0xffff;
	_ =	sdelay $0x1  }
0x15c: {  	v53, _, _ =	vpop (xrf2)  }
0x15d: {  	(v2sf) =	vpush v53, $0xF  }
0x15e: {  	(v2sf) =	vpush v8, $0x0  }
0x15f: {  	(v2sf) =	vpush v9, $0x0  }
0x160: {  	(v2sf) =	vpush v6, $0x8  }
0x161: {  	(v2sf) =	vpush v7, $0x8;
	_ =	sdelay $0xa  }
0x162: {  	s4 =	spop (v2sf)  }
0x163: {  	s5 =	spop (v2sf)  }
0x164: {  	s28 =	spop (v2sf)  }
0x165: {  	s0 =	spop (v2sf)  }
0x166: {  	[dreg:$0x1f] =	wrdreg s5;
	s29 =	sand.u32 $0x1FFFFF80, s0;
	s5 =	spop (v2sf)  }
0x167: {  	[dreg:$0x1e] =	wrdreg s4;
	s2 =	sadd.s32 s22, s29;
	s4 =	sand.u32 $0x1FFFFF80, s5  }
0x168: {  	[tilespmem:s13], [sflag:$0x1] =	stream.strided.gather [hbm4b:s2+s13], $0x2000, s12, s13, $0x38;
	[tilespmem:$0x10A00] =	vst v63  }
0x169: {  	[dreg:$0x1d] =	wrdreg s28;
	s28 =	sshrl.u32 s0, $0x3;
	s2 =	sadd.s32 s8, s4  }
0x16a: {  	[tilespmem:s7], [sflag:$0x1] =	stream.strided.gather [hbm4b:s2+s13], $0x2000, s12, s13, $0x38;
	[tilespmem:$0x10A00] =	vst v63  }
0x16b: {  	s2 =	sand.u32 $0x1FFFFFF0, s28  }
0x16c: {  	s29 =	sshrl.u32 s5, $0x3;
	s2 =	sadd.s32 s26, s2  }
0x16d: {  	[tilespmem:s3], [sflag:$0x1] =	stream.linear.gather [hbm4b:s2+s6], $0x80, $0x38;
	[tilespmem:$0x10A00] =	vst v63  }
0x16e: {  	s2 =	sand.u32 $0x1FFFFFF0, s29  }
0x16f: {  	s2 =	sadd.s32 s31, s2  }
0x170: {  	[tilespmem:s17], [sflag:$0x1] =	stream.linear.gather [hbm4b:s2+s6], $0x80, $0x38;
	[tilespmem:$0x10A00] =	vst v63  }
0x171: {  	_ =	swait.ge [sflag:s30], $0x2000  }
0x172: {  	[sflag:s30] =	ssyncset.done $0x0  }
0x173: {  	[sflag:s30] =	ssyncadd.s32 $0xFFFFE000  }
0x174: {  	_ =	swait.ge [sflag:s30], $0x2000  }
0x175: {  	[sflag:s30] =	ssyncset.done $0x0  }
0x176: {  	[sflag:s30] =	ssyncadd.s32 $0xFFFFE000  }
0x177: {  	s3 =	sand.u32 $0x7F, s9;
	_ =	swait.ge [sflag:s30], $0x80  }
0x178: {  	s4 =	sand.u32 $0x7F, s10;
	v54 =	vor.u32 s3, v0;
	[sflag:s30] =	ssyncset.done $0x0  }
0x179: {  	v55 =	vor.u32 s4, v0;
	[sflag:s30] =	ssyncadd.s32 $0xFFFFFF80  }
0x17a: {  	v56 =	vor.u32 s3, v1;
	_ =	swait.ge [sflag:s30], $0x80  }
0x17b: {  	v57 =	vor.u32 s4, v1;
	[sflag:s30] =	ssyncset.done $0x0  }
0x17c: {  	v58 =	vor.u32 s3, v2;
	[sflag:s30] =	ssyncadd.s32 $0xFFFFFF80  }
0x17d: {  	v59 =	vor.u32 s4, v2;
	v8 =	vld.idx.msk [tilespmem:v54+s18+$0x0], $0xffff  }
0x17e: {  	v60 =	vor.u32 s3, v3;
	v9 =	vld.idx.msk [tilespmem:v55+s21+$0x0], $0xffff  }
0x17f: {  	v61 =	vor.u32 s4, v3;
	v10 =	vld.idx.msk [tilespmem:v56+s18+$0x0], $0xffff  }
0x180: {  	v11 =	vld.idx.msk [tilespmem:v57+s21+$0x0], $0xffff  }
0x181: {  	v12 =	vld.idx.msk [tilespmem:v58+s18+$0x0], $0xffff  }
0x182: {  	v13 =	vld.idx.msk [tilespmem:v59+s21+$0x0], $0xffff  }
0x183: {  	v62 =	vld.idx.msk [tilespmem:v60+s18+$0x0], $0xffff;
	v8 =	vmul.f32 v9, v8  }
0x184: {  	v63 =	vld.idx.msk [tilespmem:v61+s21+$0x0], $0xffff  }
0x185: {  	v10 =	vmul.f32 v11, v10;
	v8 =	vadd.f32 $0.0e+00, v8;
	_ =	sdelay $0x1  }
0x186: {  	v13 =	vmul.f32 v13, v12;
	v8 =	vadd.f32 v10, v8;
	_ =	sdelay $0x1  }
0x187: {  	v9 =	vmul.f32 v63, v62;
	v8 =	vadd.f32 v13, v8;
	_ =	sdelay $0x1  }
0x188: {  	v8 =	vadd.f32 v9, v8;
	_ =	sdelay $0x1  }
0x189: {  	(xrf2) =	vadd.scan.msk.f32 $0xffff, v8;
	_ =	sdelay $0x1  }
0x18a: {  	v15 =	vmov s3  }
0x18b: {  	v16 =	vmov s4;
	_ =	sdelay $0x2  }
0x18c: {  	s10 =	simm.s32 $0x10480  }
0x18d: {  	s4 =	simm.s32 $0x10680;
	v8 =	vld.idx.msk [tilespmem:v15+s10+$0x0], $0xffff  }
0x18e: {  	v9 =	vld.idx.msk [tilespmem:v16+s4+$0x0], $0xffff;
	_ =	sdelay $0x1  }
0x18f: {  	v17, _, _ =	vpop (xrf2)  }
0x190: {  	(v2sf) =	vpush v17, $0xF  }
0x191: {  	(v2sf) =	vpush v8, $0x0  }
0x192: {  	(v2sf) =	vpush v9, $0x0  }
0x193: {  	(v2sf) =	vpush v6, $0x9;
	_ =	sdelay $0x3  }
0x194: {  	(v2sf) =	vpush v7, $0x9;
	_ =	sdelay $0x7  }
0x195: {  	s9 =	spop (v2sf)  }
0x196: {  	s28 =	spop (v2sf)  }
0x197: {  	s29 =	spop (v2sf)  }
0x198: {  	[smem:$0x7E8] =	sst s9;
	s9 =	spop (v2sf)  }
0x199: {  	s3 =	sand.u32 $0x1FFFFF80, s9  }
0x19a: {  	s2 =	sadd.s32 s22, s3  }
0x19b: {  	[tilespmem:s18], [sflag:$0x1] =	stream.strided.gather [hbm4b:s2+s13], $0x2000, s12, s13, $0x38;
	[tilespmem:$0x10A00] =	vst v63  }
0x19c: {  	s2 =	spop (v2sf)  }
0x19d: {  	[smem:$0x7E9] =	sst s28;
	s28 =	sand.u32 $0x1FFFFF80, s2  }
0x19e: {  	[smem:$0x7EA] =	sst s29;
	s29 =	sshrl.u32 s9, $0x3;
	s3 =	sadd.s32 s8, s28  }
0x19f: {  	[tilespmem:s21], [sflag:$0x1] =	stream.strided.gather [hbm4b:s3+s13], $0x2000, s12, s13, $0x38;
	[tilespmem:$0x10A00] =	vst v63  }
0x1a0: {  	s3 =	sand.u32 $0x1FFFFFF0, s29  }
0x1a1: {  	s3 =	sadd.s32 s26, s3  }
0x1a2: {  	[tilespmem:s10], [sflag:$0x1] =	stream.linear.gather [hbm4b:s3+s6], $0x80, $0x38;
	[tilespmem:$0x10A00] =	vst v63  }
0x1a3: {  	s10 =	sshrl.u32 s2, $0x3  }
0x1a4: {  	s3 =	sand.u32 $0x1FFFFFF0, s10  }
0x1a5: {  	s3 =	sadd.s32 s31, s3  }
0x1a6: {  	[tilespmem:s4], [sflag:$0x1] =	stream.linear.gather [hbm4b:s3+s6], $0x80, $0x38;
	[tilespmem:$0x10A00] =	vst v63  }
0x1a7: {  	_ =	swait.ge [sflag:s30], $0x2000  }
0x1a8: {  	[sflag:s30] =	ssyncset.done $0x0  }
0x1a9: {  	[sflag:s30] =	ssyncadd.s32 $0xFFFFE000  }
0x1aa: {  	_ =	swait.ge [sflag:s30], $0x2000  }
0x1ab: {  	[sflag:s30] =	ssyncset.done $0x0  }
0x1ac: {  	[sflag:s30] =	ssyncadd.s32 $0xFFFFE000  }
0x1ad: {  	s11 =	sand.u32 $0x7F, s11;
	_ =	swait.ge [sflag:s30], $0x80  }
0x1ae: {  	s15 =	sand.u32 $0x7F, s15;
	v18 =	vor.u32 s11, v0;
	[sflag:s30] =	ssyncset.done $0x0  }
0x1af: {  	v19 =	vor.u32 s15, v0;
	[sflag:s30] =	ssyncadd.s32 $0xFFFFFF80  }
0x1b0: {  	v20 =	vor.u32 s11, v1;
	_ =	swait.ge [sflag:s30], $0x80  }
0x1b1: {  	v21 =	vor.u32 s15, v1;
	[sflag:s30] =	ssyncset.done $0x0  }
0x1b2: {  	v22 =	vor.u32 s11, v2;
	[sflag:s30] =	ssyncadd.s32 $0xFFFFFF80  }
0x1b3: {  	v23 =	vor.u32 s15, v2;
	v8 =	vld.idx.msk [tilespmem:v18+s24+$0x0], $0xffff  }
0x1b4: {  	v24 =	vor.u32 s11, v3;
	v9 =	vld.idx.msk [tilespmem:v19+s14+$0x0], $0xffff  }
0x1b5: {  	v25 =	vor.u32 s15, v3;
	v10 =	vld.idx.msk [tilespmem:v20+s24+$0x0], $0xffff  }
0x1b6: {  	v11 =	vld.idx.msk [tilespmem:v21+s14+$0x0], $0xffff  }
0x1b7: {  	v12 =	vld.idx.msk [tilespmem:v22+s24+$0x0], $0xffff  }
0x1b8: {  	v13 =	vld.idx.msk [tilespmem:v23+s14+$0x0], $0xffff  }
0x1b9: {  	v26 =	vld.idx.msk [tilespmem:v24+s24+$0x0], $0xffff;
	v8 =	vmul.f32 v9, v8  }
0x1ba: {  	v27 =	vld.idx.msk [tilespmem:v25+s14+$0x0], $0xffff  }
0x1bb: {  	v10 =	vmul.f32 v11, v10;
	v8 =	vadd.f32 $0.0e+00, v8;
	_ =	sdelay $0x1  }
0x1bc: {  	v28 =	vmul.f32 v13, v12;
	v8 =	vadd.f32 v10, v8;
	_ =	sdelay $0x1  }
0x1bd: {  	v9 =	vmul.f32 v27, v26;
	v8 =	vadd.f32 v28, v8;
	_ =	sdelay $0x1  }
0x1be: {  	v8 =	vadd.f32 v9, v8;
	_ =	sdelay $0x1  }
0x1bf: {  	(xrf2) =	vadd.scan.msk.f32 $0xffff, v8;
	_ =	sdelay $0x1  }
0x1c0: {  	v29 =	vmov s11  }
0x1c1: {  	v30 =	vmov s15;
	_ =	sdelay $0x2  }
0x1c2: {  	s15 =	simm.s32 $0x10500  }
0x1c3: {  	s4 =	simm.s32 $0x10700;
	v8 =	vld.idx.msk [tilespmem:v29+s15+$0x0], $0xffff  }
0x1c4: {  	v9 =	vld.idx.msk [tilespmem:v30+s4+$0x0], $0xffff;
	_ =	sdelay $0x1  }
0x1c5: {  	v31, _, _ =	vpop (xrf2)  }
0x1c6: {  	(v2sf) =	vpush v31, $0xF  }
0x1c7: {  	(v2sf) =	vpush v8, $0x0  }
0x1c8: {  	(v2sf) =	vpush v9, $0x0  }
0x1c9: {  	(v2sf) =	vpush v6, $0xA;
	_ =	sdelay $0x1  }
0x1ca: {  	(v2sf) =	vpush v7, $0xA;
	_ =	sdelay $0x9  }
0x1cb: {  	s28 =	spop (v2sf)  }
0x1cc: {  	s29 =	spop (v2sf)  }
0x1cd: {  	s10 =	spop (v2sf)  }
0x1ce: {  	[smem:$0x7EF] =	sst s10;
	s10 =	spop (v2sf)  }
0x1cf: {  	s11 =	sand.u32 $0x1FFFFF80, s10  }
0x1d0: {  	s3 =	sadd.s32 s22, s11;
	s11 =	spop (v2sf)  }
0x1d1: {  	[tilespmem:s24], [sflag:$0x1] =	stream.strided.gather [hbm4b:s3+s13], $0x2000, s12, s13, $0x38;
	[tilespmem:$0x10A00] =	vst v63  }
0x1d2: {  	[smem:$0x7EB] =	sst s28;
	s28 =	sand.u32 $0x1FFFFF80, s11  }
0x1d3: {  	[smem:$0x7EC] =	sst s29;
	s29 =	sshrl.u32 s10, $0x3;
	s3 =	sadd.s32 s8, s28  }
0x1d4: {  	[tilespmem:s14], [sflag:$0x1] =	stream.strided.gather [hbm4b:s3+s13], $0x2000, s12, s13, $0x38;
	[tilespmem:$0x10A00] =	vst v63  }
0x1d5: {  	s3 =	sand.u32 $0x1FFFFFF0, s29  }
0x1d6: {  	s28 =	sshrl.u32 s11, $0x3;
	s3 =	sadd.s32 s26, s3  }
0x1d7: {  	[tilespmem:s15], [sflag:$0x1] =	stream.linear.gather [hbm4b:s3+s6], $0x80, $0x38;
	[tilespmem:$0x10A00] =	vst v63  }
0x1d8: {  	s3 =	sand.u32 $0x1FFFFFF0, s28  }
0x1d9: {  	s3 =	sadd.s32 s31, s3  }
0x1da: {  	[tilespmem:s4], [sflag:$0x1] =	stream.linear.gather [hbm4b:s3+s6], $0x80, $0x38;
	[tilespmem:$0x10A00] =	vst v63  }
0x1db: {  	_ =	swait.ge [sflag:s30], $0x2000  }
0x1dc: {  	[sflag:s30] =	ssyncset.done $0x0  }
0x1dd: {  	[sflag:s30] =	ssyncadd.s32 $0xFFFFE000  }
0x1de: {  	_ =	swait.ge [sflag:s30], $0x2000  }
0x1df: {  	[sflag:s30] =	ssyncset.done $0x0  }
0x1e0: {  	[sflag:s30] =	ssyncadd.s32 $0xFFFFE000  }
0x1e1: {  	s1 =	sand.u32 $0x7F, s1;
	_ =	swait.ge [sflag:s30], $0x80  }
0x1e2: {  	v32 =	vor.u32 s1, v0;
	s29 =	sand.u32 $0x7F, s16;
	[sflag:s30] =	ssyncset.done $0x0  }
0x1e3: {  	v33 =	vor.u32 s29, v0;
	[sflag:s30] =	ssyncadd.s32 $0xFFFFFF80  }
0x1e4: {  	v34 =	vor.u32 s1, v1;
	_ =	swait.ge [sflag:s30], $0x80  }
0x1e5: {  	v35 =	vor.u32 s29, v1;
	[sflag:s30] =	ssyncset.done $0x0  }
0x1e6: {  	v36 =	vor.u32 s1, v2;
	[sflag:s30] =	ssyncadd.s32 $0xFFFFFF80  }
0x1e7: {  	v37 =	vor.u32 s29, v2;
	v8 =	vld.idx.msk [tilespmem:v32+s25+$0x0], $0xffff  }
0x1e8: {  	v38 =	vor.u32 s1, v3;
	v9 =	vld.idx.msk [tilespmem:v33+s19+$0x0], $0xffff  }
0x1e9: {  	v39 =	vor.u32 s29, v3;
	v10 =	vld.idx.msk [tilespmem:v34+s25+$0x0], $0xffff  }
0x1ea: {  	v11 =	vld.idx.msk [tilespmem:v35+s19+$0x0], $0xffff  }
0x1eb: {  	v12 =	vld.idx.msk [tilespmem:v36+s25+$0x0], $0xffff  }
0x1ec: {  	v13 =	vld.idx.msk [tilespmem:v37+s19+$0x0], $0xffff  }
0x1ed: {  	v40 =	vld.idx.msk [tilespmem:v38+s25+$0x0], $0xffff;
	v8 =	vmul.f32 v9, v8  }
0x1ee: {  	v41 =	vld.idx.msk [tilespmem:v39+s19+$0x0], $0xffff  }
0x1ef: {  	v10 =	vmul.f32 v11, v10;
	v8 =	vadd.f32 $0.0e+00, v8;
	_ =	sdelay $0x1  }
0x1f0: {  	v42 =	vmul.f32 v13, v12;
	v8 =	vadd.f32 v10, v8;
	_ =	sdelay $0x1  }
0x1f1: {  	v9 =	vmul.f32 v41, v40;
	v8 =	vadd.f32 v42, v8;
	_ =	sdelay $0x1  }
0x1f2: {  	v8 =	vadd.f32 v9, v8;
	_ =	sdelay $0x1  }
0x1f3: {  	(xrf2) =	vadd.scan.msk.f32 $0xffff, v8;
	_ =	sdelay $0x1  }
0x1f4: {  	v43 =	vmov s1  }
0x1f5: {  	v44 =	vmov s29;
	_ =	sdelay $0x3  }
0x1f6: {  	v8 =	vld.idx.msk [tilespmem:v43+s20+$0x0], $0xffff  }
0x1f7: {  	v9 =	vld.idx.msk [tilespmem:v44+s23+$0x0], $0xffff;
	_ =	sdelay $0x1  }
0x1f8: {  	v45, _, _ =	vpop (xrf2)  }
0x1f9: {  	(v2sf) =	vpush v45, $0xF  }
0x1fa: {  	(v2sf) =	vpush v8, $0x0  }
0x1fb: {  	(v2sf) =	vpush v9, $0x0  }
0x1fc: {  	(v2sf) =	vpush v6, $0xB;
	_ =	sdelay $0x1  }
0x1fd: {  	(v2sf) =	vpush v7, $0xB;
	_ =	sdelay $0x9  }
0x1fe: {  	s3 =	spop (v2sf)  }
0x1ff: {  	s4 =	spop (v2sf)  }
0x200: {  	s15 =	spop (v2sf)  }
0x201: {  	[smem:$0x7F0] =	sst s15;
	s15 =	spop (v2sf)  }
0x202: {  	s16 =	sand.u32 $0x1FFFFF80, s15  }
0x203: {  	s1 =	sadd.s32 s22, s16;
	s16 =	spop (v2sf)  }
0x204: {  	[tilespmem:s25], [sflag:$0x1] =	stream.strided.gather [hbm4b:s1+s13], $0x2000, s12, s13, $0x38;
	[tilespmem:$0x10A00] =	vst v63  }
0x205: {  	s28 =	sand.u32 $0x1FFFFF80, s16  }
0x206: {  	s29 =	sshrl.u32 s15, $0x3;
	s1 =	sadd.s32 s8, s28  }
0x207: {  	[tilespmem:s19], [sflag:$0x1] =	stream.strided.gather [hbm4b:s1+s13], $0x2000, s12, s13, $0x38;
	[tilespmem:$0x10A00] =	vst v63  }
0x208: {  	s1 =	sand.u32 $0x1FFFFFF0, s29  }
0x209: {  	[smem:$0x7ED] =	sst s3;
	s3 =	sshrl.u32 s16, $0x3;
	s1 =	sadd.s32 s26, s1  }
0x20a: {  	[tilespmem:s20], [sflag:$0x1] =	stream.linear.gather [hbm4b:s1+s6], $0x80, $0x38;
	[tilespmem:$0x10A00] =	vst v63  }
0x20b: {  	s1 =	sand.u32 $0x1FFFFFF0, s3  }
0x20c: {  	[smem:$0x7EE] =	sst s4;
	s1 =	sadd.s32 s31, s1  }
0x20d: {  	[tilespmem:s23], [sflag:$0x1] =	stream.linear.gather [hbm4b:s1+s6], $0x80, $0x38;
	[tilespmem:$0x10A00] =	vst v63  }
0x20e: {  	_ =	swait.ge [sflag:s30], $0x2000  }
0x20f: {  	[sflag:s30] =	ssyncset.done $0x0  }
0x210: {  	[sflag:s30] =	ssyncadd.s32 $0xFFFFE000  }
0x211: {  	_ =	swait.ge [sflag:s30], $0x2000  }
0x212: {  	[sflag:s30] =	ssyncset.done $0x0  }
0x213: {  	[sflag:s30] =	ssyncadd.s32 $0xFFFFE000  }
0x214: {  	s0 =	sand.u32 $0x7F, s0;
	_ =	swait.ge [sflag:s30], $0x80  }
0x215: {  	v46 =	vor.u32 s0, v0;
	s4 =	sand.u32 $0x7F, s5;
	[sflag:s30] =	ssyncset.done $0x0  }
0x216: {  	v47 =	vor.u32 s4, v0;
	[sflag:s30] =	ssyncadd.s32 $0xFFFFFF80  }
0x217: {  	v48 =	vor.u32 s0, v1;
	_ =	swait.ge [sflag:s30], $0x80  }
0x218: {  	v49 =	vor.u32 s4, v1;
	[sflag:s30] =	ssyncset.done $0x0  }
0x219: {  	v50 =	vor.u32 s0, v2;
	[sflag:s30] =	ssyncadd.s32 $0xFFFFFF80  }
0x21a: {  	v51 =	vor.u32 s4, v2;
	v8 =	vld.idx.msk [tilespmem:v46+s13+$0x0], $0xffff  }
0x21b: {  	v52 =	vor.u32 s0, v3;
	v9 =	vld.idx.msk [tilespmem:v47+s7+$0x0], $0xffff  }
0x21c: {  	v53 =	vor.u32 s4, v3;
	v10 =	vld.idx.msk [tilespmem:v48+s13+$0x0], $0xffff  }
0x21d: {  	v11 =	vld.idx.msk [tilespmem:v49+s7+$0x0], $0xffff  }
0x21e: {  	v12 =	vld.idx.msk [tilespmem:v50+s13+$0x0], $0xffff  }
0x21f: {  	v13 =	vld.idx.msk [tilespmem:v51+s7+$0x0], $0xffff  }
0x220: {  	v54 =	vld.idx.msk [tilespmem:v52+s13+$0x0], $0xffff;
	v8 =	vmul.f32 v9, v8  }
0x221: {  	v55 =	vld.idx.msk [tilespmem:v53+s7+$0x0], $0xffff  }
0x222: {  	v10 =	vmul.f32 v11, v10;
	v8 =	vadd.f32 $0.0e+00, v8;
	_ =	sdelay $0x1  }
0x223: {  	v56 =	vmul.f32 v13, v12;
	v8 =	vadd.f32 v10, v8;
	_ =	sdelay $0x1  }
0x224: {  	v9 =	vmul.f32 v55, v54;
	v8 =	vadd.f32 v56, v8;
	_ =	sdelay $0x1  }
0x225: {  	v8 =	vadd.f32 v9, v8;
	_ =	sdelay $0x1  }
0x226: {  	(xrf2) =	vadd.scan.msk.f32 $0xffff, v8;
	_ =	sdelay $0x1  }
0x227: {  	v57 =	vmov s0  }
0x228: {  	v58 =	vmov s4;
	_ =	sdelay $0x2  }
0x229: {  	s5 =	simm.s32 $0x10400  }
0x22a: {  	v8 =	vld.idx.msk [tilespmem:v57+s5+$0x0], $0xffff  }
0x22b: {  	v9 =	vld.idx.msk [tilespmem:v58+s17+$0x0], $0xffff;
	_ =	sdelay $0x1  }
0x22c: {  	v59, _, _ =	vpop (xrf2)  }
0x22d: {  	(v2sf) =	vpush v59, $0xF  }
0x22e: {  	(v2sf) =	vpush v8, $0x0  }
0x22f: {  	(v2sf) =	vpush v9, $0x0  }
0x230: {  	(v2sf) =	vpush v6, $0xC  }
0x231: {  	(v2sf) =	vpush v7, $0xC;
	_ =	sdelay $0xa  }
0x232: {  	s20 =	spop (v2sf)  }
0x233: {  	s23 =	spop (v2sf)  }
0x234: {  	s28 =	spop (v2sf)  }
0x235: {  	[smem:$0x7F1] =	sst s20;
	s20 =	spop (v2sf)  }
0x236: {  	[smem:$0x7F2] =	sst s23;
	s29 =	sand.u32 $0x1FFFFF80, s20;
	s23 =	spop (v2sf)  }
0x237: {  	s0 =	sadd.s32 s22, s29;
	s3 =	sand.u32 $0x1FFFFF80, s23  }
0x238: {  	[tilespmem:s13], [sflag:$0x1] =	stream.strided.gather [hbm4b:s0+s13], $0x2000, s12, s13, $0x38;
	[tilespmem:$0x10A00] =	vst v63  }
0x239: {  	s4 =	sshrl.u32 s20, $0x3;
	s0 =	sadd.s32 s8, s3  }
0x23a: {  	[tilespmem:s7], [sflag:$0x1] =	stream.strided.gather [hbm4b:s0+s13], $0x2000, s12, s13, $0x38;
	[tilespmem:$0x10A00] =	vst v63  }
0x23b: {  	s0 =	sand.u32 $0x1FFFFFF0, s4  }
0x23c: {  	s0 =	sadd.s32 s26, s0  }
0x23d: {  	[tilespmem:s5], [sflag:$0x1] =	stream.linear.gather [hbm4b:s0+s6], $0x80, $0x38;
	[tilespmem:$0x10A00] =	vst v63  }
0x23e: {  	s5 =	sshrl.u32 s23, $0x3  }
0x23f: {  	s0 =	sand.u32 $0x1FFFFFF0, s5  }
0x240: {  	[smem:$0x7F3] =	sst s28;
	s0 =	sadd.s32 s31, s0  }
0x241: {  	[tilespmem:s17], [sflag:$0x1] =	stream.linear.gather [hbm4b:s0+s6], $0x80, $0x38;
	[tilespmem:$0x10A00] =	vst v63  }
0x242: {  	_ =	swait.ge [sflag:s30], $0x2000  }
0x243: {  	[sflag:s30] =	ssyncset.done $0x0  }
0x244: {  	[sflag:s30] =	ssyncadd.s32 $0xFFFFE000  }
0x245: {  	_ =	swait.ge [sflag:s30], $0x2000  }
0x246: {  	[sflag:s30] =	ssyncset.done $0x0  }
0x247: {  	[sflag:s30] =	ssyncadd.s32 $0xFFFFE000  }
0x248: {  	s9 =	sand.u32 $0x7F, s9;
	_ =	swait.ge [sflag:s30], $0x80  }
0x249: {  	v60 =	vor.u32 s9, v0;
	s28 =	sand.u32 $0x7F, s2;
	[sflag:s30] =	ssyncset.done $0x0  }
0x24a: {  	v61 =	vor.u32 s28, v0;
	[sflag:s30] =	ssyncadd.s32 $0xFFFFFF80  }
0x24b: {  	v62 =	vor.u32 s9, v1;
	_ =	swait.ge [sflag:s30], $0x80  }
0x24c: {  	v63 =	vor.u32 s28, v1;
	[sflag:s30] =	ssyncset.done $0x0  }
0x24d: {  	v18 =	vor.u32 s9, v2;
	[sflag:s30] =	ssyncadd.s32 $0xFFFFFF80  }
0x24e: {  	v19 =	vor.u32 s28, v2;
	v8 =	vld.idx.msk [tilespmem:v60+s18+$0x0], $0xffff  }
0x24f: {  	v20 =	vor.u32 s9, v3;
	v9 =	vld.idx.msk [tilespmem:v61+s21+$0x0], $0xffff  }
0x250: {  	v21 =	vor.u32 s28, v3;
	v10 =	vld.idx.msk [tilespmem:v62+s18+$0x0], $0xffff  }
0x251: {  	v11 =	vld.idx.msk [tilespmem:v63+s21+$0x0], $0xffff  }
0x252: {  	v12 =	vld.idx.msk [tilespmem:v18+s18+$0x0], $0xffff  }
0x253: {  	v13 =	vld.idx.msk [tilespmem:v19+s21+$0x0], $0xffff  }
0x254: {  	v22 =	vld.idx.msk [tilespmem:v20+s18+$0x0], $0xffff;
	v8 =	vmul.f32 v9, v8  }
0x255: {  	v23 =	vld.idx.msk [tilespmem:v21+s21+$0x0], $0xffff  }
0x256: {  	v10 =	vmul.f32 v11, v10;
	v8 =	vadd.f32 $0.0e+00, v8;
	_ =	sdelay $0x1  }
0x257: {  	v24 =	vmul.f32 v13, v12;
	v8 =	vadd.f32 v10, v8;
	_ =	sdelay $0x1  }
0x258: {  	v9 =	vmul.f32 v23, v22;
	v8 =	vadd.f32 v24, v8;
	_ =	sdelay $0x1  }
0x259: {  	v8 =	vadd.f32 v9, v8;
	_ =	sdelay $0x1  }
0x25a: {  	(xrf2) =	vadd.scan.msk.f32 $0xffff, v8;
	_ =	sdelay $0x1  }
0x25b: {  	v25 =	vmov s9  }
0x25c: {  	v26 =	vmov s28;
	_ =	sdelay $0x2  }
0x25d: {  	s3 =	simm.s32 $0x10480  }
0x25e: {  	s1 =	simm.s32 $0x10680;
	v8 =	vld.idx.msk [tilespmem:v25+s3+$0x0], $0xffff  }
0x25f: {  	v9 =	vld.idx.msk [tilespmem:v26+s1+$0x0], $0xffff;
	_ =	sdelay $0x1  }
0x260: {  	v27, _, _ =	vpop (xrf2)  }
0x261: {  	(v2sf) =	vpush v27, $0xF  }
0x262: {  	(v2sf) =	vpush v8, $0x0  }
0x263: {  	(v2sf) =	vpush v9, $0x0  }
0x264: {  	(v2sf) =	vpush v6, $0xD  }
0x265: {  	(v2sf) =	vpush v7, $0xD;
	_ =	sdelay $0xa  }
0x266: {  	s29 =	spop (v2sf)  }
0x267: {  	s2 =	spop (v2sf)  }
0x268: {  	s4 =	spop (v2sf)  }
0x269: {  	[smem:$0x7F4] =	sst s29;
	s29 =	spop (v2sf)  }
0x26a: {  	[smem:$0x7F5] =	sst s2;
	s5 =	sand.u32 $0x1FFFFF80, s29;
	s2 =	spop (v2sf)  }
0x26b: {  	s0 =	sadd.s32 s22, s5;
	s9 =	sand.u32 $0x1FFFFF80, s2  }
0x26c: {  	[tilespmem:s18], [sflag:$0x1] =	stream.strided.gather [hbm4b:s0+s13], $0x2000, s12, s13, $0x38;
	[tilespmem:$0x10A00] =	vst v63  }
0x26d: {  	s28 =	sshrl.u32 s29, $0x3;
	s0 =	sadd.s32 s8, s9  }
0x26e: {  	[tilespmem:s21], [sflag:$0x1] =	stream.strided.gather [hbm4b:s0+s13], $0x2000, s12, s13, $0x38;
	[tilespmem:$0x10A00] =	vst v63  }
0x26f: {  	s0 =	sand.u32 $0x1FFFFFF0, s28  }
0x270: {  	s0 =	sadd.s32 s26, s0  }
0x271: {  	[tilespmem:s3], [sflag:$0x1] =	stream.linear.gather [hbm4b:s0+s6], $0x80, $0x38;
	[tilespmem:$0x10A00] =	vst v63  }
0x272: {  	s3 =	sshrl.u32 s2, $0x3  }
0x273: {  	s0 =	sand.u32 $0x1FFFFFF0, s3  }
0x274: {  	[smem:$0x7F8] =	sst s4;
	s0 =	sadd.s32 s31, s0  }
0x275: {  	[tilespmem:s1], [sflag:$0x1] =	stream.linear.gather [hbm4b:s0+s6], $0x80, $0x38;
	[tilespmem:$0x10A00] =	vst v63  }
0x276: {  	_ =	swait.ge [sflag:s30], $0x2000  }
0x277: {  	[sflag:s30] =	ssyncset.done $0x0  }
0x278: {  	[sflag:s30] =	ssyncadd.s32 $0xFFFFE000  }
0x279: {  	_ =	swait.ge [sflag:s30], $0x2000  }
0x27a: {  	[sflag:s30] =	ssyncset.done $0x0  }
0x27b: {  	[sflag:s30] =	ssyncadd.s32 $0xFFFFE000  }
0x27c: {  	s4 =	sand.u32 $0x7F, s10;
	_ =	swait.ge [sflag:s30], $0x80  }
0x27d: {  	v28 =	vor.u32 s4, v0;
	s5 =	sand.u32 $0x7F, s11;
	[sflag:s30] =	ssyncset.done $0x0  }
0x27e: {  	v29 =	vor.u32 s5, v0;
	[sflag:s30] =	ssyncadd.s32 $0xFFFFFF80  }
0x27f: {  	v30 =	vor.u32 s4, v1;
	_ =	swait.ge [sflag:s30], $0x80  }
0x280: {  	v31 =	vor.u32 s5, v1;
	[sflag:s30] =	ssyncset.done $0x0  }
0x281: {  	v32 =	vor.u32 s4, v2;
	[sflag:s30] =	ssyncadd.s32 $0xFFFFFF80  }
0x282: {  	v33 =	vor.u32 s5, v2;
	v8 =	vld.idx.msk [tilespmem:v28+s24+$0x0], $0xffff  }
0x283: {  	v34 =	vor.u32 s4, v3;
	v9 =	vld.idx.msk [tilespmem:v29+s14+$0x0], $0xffff  }
0x284: {  	v35 =	vor.u32 s5, v3;
	v10 =	vld.idx.msk [tilespmem:v30+s24+$0x0], $0xffff  }
0x285: {  	v11 =	vld.idx.msk [tilespmem:v31+s14+$0x0], $0xffff  }
0x286: {  	v12 =	vld.idx.msk [tilespmem:v32+s24+$0x0], $0xffff  }
0x287: {  	v13 =	vld.idx.msk [tilespmem:v33+s14+$0x0], $0xffff  }
0x288: {  	v36 =	vld.idx.msk [tilespmem:v34+s24+$0x0], $0xffff;
	v8 =	vmul.f32 v9, v8  }
0x289: {  	v37 =	vld.idx.msk [tilespmem:v35+s14+$0x0], $0xffff  }
0x28a: {  	v10 =	vmul.f32 v11, v10;
	v8 =	vadd.f32 $0.0e+00, v8;
	_ =	sdelay $0x1  }
0x28b: {  	v38 =	vmul.f32 v13, v12;
	v8 =	vadd.f32 v10, v8;
	_ =	sdelay $0x1  }
0x28c: {  	v9 =	vmul.f32 v37, v36;
	v8 =	vadd.f32 v38, v8;
	_ =	sdelay $0x1  }
0x28d: {  	v8 =	vadd.f32 v9, v8;
	_ =	sdelay $0x1  }
0x28e: {  	(xrf2) =	vadd.scan.msk.f32 $0xffff, v8;
	_ =	sdelay $0x1  }
0x28f: {  	v39 =	vmov s4  }
0x290: {  	v40 =	vmov s5;
	_ =	sdelay $0x2  }
0x291: {  	s4 =	simm.s32 $0x10500  }
0x292: {  	s3 =	simm.s32 $0x10700;
	v8 =	vld.idx.msk [tilespmem:v39+s4+$0x0], $0xffff  }
0x293: {  	v9 =	vld.idx.msk [tilespmem:v40+s3+$0x0], $0xffff;
	_ =	sdelay $0x1  }
0x294: {  	v41, _, _ =	vpop (xrf2)  }
0x295: {  	(v2sf) =	vpush v41, $0xF  }
0x296: {  	(v2sf) =	vpush v8, $0x0  }
0x297: {  	(v2sf) =	vpush v9, $0x0  }
0x298: {  	(v2sf) =	vpush v6, $0xE;
	_ =	sdelay $0x1  }
0x299: {  	(v2sf) =	vpush v7, $0xE;
	_ =	sdelay $0x9  }
0x29a: {  	s10 =	spop (v2sf)  }
0x29b: {  	s11 =	spop (v2sf)  }
0x29c: {  	s28 =	spop (v2sf)  }
0x29d: {  	[smem:$0x7F9] =	sst s28;
	s28 =	spop (v2sf)  }
0x29e: {  	s1 =	sand.u32 $0x1FFFFF80, s28  }
0x29f: {  	s0 =	sadd.s32 s22, s1;
	s1 =	spop (v2sf)  }
0x2a0: {  	[tilespmem:s24], [sflag:$0x1] =	stream.strided.gather [hbm4b:s0+s13], $0x2000, s12, s13, $0x38;
	[tilespmem:$0x10A00] =	vst v63  }
0x2a1: {  	s5 =	sand.u32 $0x1FFFFF80, s1  }
0x2a2: {  	[smem:$0x7F6] =	sst s10;
	s10 =	sshrl.u32 s28, $0x3;
	s0 =	sadd.s32 s8, s5  }
0x2a3: {  	[tilespmem:s14], [sflag:$0x1] =	stream.strided.gather [hbm4b:s0+s13], $0x2000, s12, s13, $0x38;
	[tilespmem:$0x10A00] =	vst v63  }
0x2a4: {  	s0 =	sand.u32 $0x1FFFFFF0, s10  }
0x2a5: {  	[smem:$0x7F7] =	sst s11;
	s11 =	sshrl.u32 s1, $0x3;
	s0 =	sadd.s32 s26, s0  }
0x2a6: {  	[tilespmem:s4], [sflag:$0x1] =	stream.linear.gather [hbm4b:s0+s6], $0x80, $0x38;
	[tilespmem:$0x10A00] =	vst v63  }
0x2a7: {  	s0 =	sand.u32 $0x1FFFFFF0, s11  }
0x2a8: {  	s0 =	sadd.s32 s31, s0  }
0x2a9: {  	[tilespmem:s3], [sflag:$0x1] =	stream.linear.gather [hbm4b:s0+s6], $0x80, $0x38;
	[tilespmem:$0x10A00] =	vst v63  }
0x2aa: {  	_ =	swait.ge [sflag:s30], $0x2000  }
0x2ab: {  	[sflag:s30] =	ssyncset.done $0x0  }
0x2ac: {  	[sflag:s30] =	ssyncadd.s32 $0xFFFFE000  }
0x2ad: {  	_ =	swait.ge [sflag:s30], $0x2000  }
0x2ae: {  	[sflag:s30] =	ssyncset.done $0x0  }
0x2af: {  	[sflag:s30] =	ssyncadd.s32 $0xFFFFE000  }
0x2b0: {  	s15 =	sand.u32 $0x7F, s15;
	_ =	swait.ge [sflag:s30], $0x80  }
0x2b1: {  	v42 =	vor.u32 s15, v0;
	s16 =	sand.u32 $0x7F, s16;
	[sflag:s30] =	ssyncset.done $0x0  }
0x2b2: {  	v43 =	vor.u32 s16, v0;
	[sflag:s30] =	ssyncadd.s32 $0xFFFFFF80  }
0x2b3: {  	v44 =	vor.u32 s15, v1;
	_ =	swait.ge [sflag:s30], $0x80  }
0x2b4: {  	v45 =	vor.u32 s16, v1;
	[sflag:s30] =	ssyncset.done $0x0  }
0x2b5: {  	v46 =	vor.u32 s15, v2;
	[sflag:s30] =	ssyncadd.s32 $0xFFFFFF80  }
0x2b6: {  	v47 =	vor.u32 s16, v2;
	v8 =	vld.idx.msk [tilespmem:v42+s25+$0x0], $0xffff  }
0x2b7: {  	v48 =	vor.u32 s15, v3;
	v9 =	vld.idx.msk [tilespmem:v43+s19+$0x0], $0xffff  }
0x2b8: {  	v49 =	vor.u32 s16, v3;
	v10 =	vld.idx.msk [tilespmem:v44+s25+$0x0], $0xffff  }
0x2b9: {  	v11 =	vld.idx.msk [tilespmem:v45+s19+$0x0], $0xffff  }
0x2ba: {  	v12 =	vld.idx.msk [tilespmem:v46+s25+$0x0], $0xffff  }
0x2bb: {  	v13 =	vld.idx.msk [tilespmem:v47+s19+$0x0], $0xffff  }
0x2bc: {  	v50 =	vld.idx.msk [tilespmem:v48+s25+$0x0], $0xffff;
	v8 =	vmul.f32 v9, v8  }
0x2bd: {  	v51 =	vld.idx.msk [tilespmem:v49+s19+$0x0], $0xffff  }
0x2be: {  	v10 =	vmul.f32 v11, v10;
	v8 =	vadd.f32 $0.0e+00, v8;
	_ =	sdelay $0x1  }
0x2bf: {  	v52 =	vmul.f32 v13, v12;
	v8 =	vadd.f32 v10, v8;
	_ =	sdelay $0x1  }
0x2c0: {  	v9 =	vmul.f32 v51, v50;
	v8 =	vadd.f32 v52, v8;
	_ =	sdelay $0x1  }
0x2c1: {  	v8 =	vadd.f32 v9, v8;
	_ =	sdelay $0x1  }
0x2c2: {  	(xrf2) =	vadd.scan.msk.f32 $0xffff, v8;
	_ =	sdelay $0x1  }
0x2c3: {  	v53 =	vmov s15  }
0x2c4: {  	v54 =	vmov s16;
	_ =	sdelay $0x2  }
0x2c5: {  	s4 =	simm.s32 $0x10580  }
0x2c6: {  	s5 =	simm.s32 $0x10780;
	v8 =	vld.idx.msk [tilespmem:v53+s4+$0x0], $0xffff  }
0x2c7: {  	v9 =	vld.idx.msk [tilespmem:v54+s5+$0x0], $0xffff;
	_ =	sdelay $0x1  }
0x2c8: {  	v55, _, _ =	vpop (xrf2)  }
0x2c9: {  	(v2sf) =	vpush v55, $0xF  }
0x2ca: {  	(v2sf) =	vpush v8, $0x0  }
0x2cb: {  	(v2sf) =	vpush v9, $0x0  }
0x2cc: {  	(v2sf) =	vpush v6, $0xF;
	_ =	sdelay $0x1  }
0x2cd: {  	(v2sf) =	vpush v7, $0xF;
	_ =	sdelay $0x9  }
0x2ce: {  	s10 =	spop (v2sf)  }
0x2cf: {  	s11 =	spop (v2sf)  }
0x2d0: {  	s15 =	spop (v2sf)  }
0x2d1: {  	s19 =	spop (v2sf)  }
0x2d2: {  	s16 =	sand.u32 $0x1FFFFF80, s19  }
0x2d3: {  	s3 =	sadd.s32 s22, s16;
	s16 =	spop (v2sf)  }
0x2d4: {  	[tilespmem:s25], [sflag:$0x1] =	stream.strided.gather [hbm4b:s3+s13], $0x2000, s12, s13, $0x38;
	[tilespmem:$0x10A00] =	vst v63  }
0x2d5: {  	s4 =	sand.u32 $0x1FFFFF80, s16  }
0x2d6: {  	s0 =	simm.s32 $0xE400;
	s5 =	sshrl.u32 s19, $0x3;
	s3 =	sadd.s32 s8, s4  }
0x2d7: {  	[tilespmem:s0], [sflag:$0x1] =	stream.strided.gather [hbm4b:s3+s13], $0x2000, s12, s13, $0x38;
	[tilespmem:$0x10A00] =	vst v63  }
0x2d8: {  	[smem:$0x7FA] =	sst s10;
	s10 =	simm.s32 $0x10580;
	s3 =	sand.u32 $0x1FFFFFF0, s5  }
0x2d9: {  	[smem:$0x7FB] =	sst s11;
	s11 =	sshrl.u32 s16, $0x3;
	s3 =	sadd.s32 s26, s3  }
0x2da: {  	[tilespmem:s10], [sflag:$0x1] =	stream.linear.gather [hbm4b:s3+s6], $0x80, $0x38;
	[tilespmem:$0x10A00] =	vst v63  }
0x2db: {  	s3 =	sand.u32 $0x1FFFFFF0, s11  }
0x2dc: {  	[smem:$0x7FC] =	sst s15;
	s15 =	simm.s32 $0x10780;
	s3 =	sadd.s32 s31, s3  }
0x2dd: {  	[tilespmem:s15], [sflag:$0x1] =	stream.linear.gather [hbm4b:s3+s6], $0x80, $0x38;
	[tilespmem:$0x10A00] =	vst v63  }
0x2de: {  	_ =	swait.ge [sflag:s30], $0x2000  }
0x2df: {  	[sflag:s30] =	ssyncset.done $0x0  }
0x2e0: {  	[sflag:s30] =	ssyncadd.s32 $0xFFFFE000  }
0x2e1: {  	_ =	swait.ge [sflag:s30], $0x2000  }
0x2e2: {  	[sflag:s30] =	ssyncset.done $0x0  }
0x2e3: {  	[sflag:s30] =	ssyncadd.s32 $0xFFFFE000  }
0x2e4: {  	s5 =	sand.u32 $0x7F, s20;
	_ =	swait.ge [sflag:s30], $0x80  }
0x2e5: {  	v56 =	vor.u32 s5, v0;
	s10 =	sand.u32 $0x7F, s23;
	[sflag:s30] =	ssyncset.done $0x0  }
0x2e6: {  	v57 =	vor.u32 s10, v0;
	[sflag:s30] =	ssyncadd.s32 $0xFFFFFF80  }
0x2e7: {  	v58 =	vor.u32 s5, v1;
	_ =	swait.ge [sflag:s30], $0x80  }
0x2e8: {  	v59 =	vor.u32 s10, v1;
	[sflag:s30] =	ssyncset.done $0x0  }
0x2e9: {  	v60 =	vor.u32 s5, v2;
	[sflag:s30] =	ssyncadd.s32 $0xFFFFFF80  }
0x2ea: {  	v61 =	vor.u32 s10, v2;
	v6 =	vld.idx.msk [tilespmem:v56+s13+$0x0], $0xffff  }
0x2eb: {  	v62 =	vor.u32 s5, v3;
	v7 =	vld.idx.msk [tilespmem:v57+s7+$0x0], $0xffff  }
0x2ec: {  	v63 =	vor.u32 s10, v3;
	v8 =	vld.idx.msk [tilespmem:v58+s13+$0x0], $0xffff  }
0x2ed: {  	v9 =	vld.idx.msk [tilespmem:v59+s7+$0x0], $0xffff  }
0x2ee: {  	v10 =	vld.idx.msk [tilespmem:v60+s13+$0x0], $0xffff  }
0x2ef: {  	v11 =	vld.idx.msk [tilespmem:v61+s7+$0x0], $0xffff  }
0x2f0: {  	v16 =	vld.idx.msk [tilespmem:v62+s13+$0x0], $0xffff;
	v6 =	vmul.f32 v7, v6  }
0x2f1: {  	v17 =	vld.idx.msk [tilespmem:v63+s7+$0x0], $0xffff  }
0x2f2: {  	v8 =	vmul.f32 v9, v8;
	v6 =	vadd.f32 $0.0e+00, v6;
	_ =	sdelay $0x1  }
0x2f3: {  	v18 =	vmul.f32 v11, v10;
	v6 =	vadd.f32 v8, v6;
	_ =	sdelay $0x1  }
0x2f4: {  	v7 =	vmul.f32 v17, v16;
	v6 =	vadd.f32 v18, v6;
	_ =	sdelay $0x1  }
0x2f5: {  	v6 =	vadd.f32 v7, v6;
	_ =	sdelay $0x1  }
0x2f6: {  	(xrf2) =	vadd.scan.msk.f32 $0xffff, v6;
	_ =	sdelay $0x1  }
0x2f7: {  	v19 =	vmov s5  }
0x2f8: {  	v20 =	vmov s10;
	_ =	sdelay $0x2  }
0x2f9: {  	s10 =	simm.s32 $0x10400  }
0x2fa: {  	v6 =	vld.idx.msk [tilespmem:v19+s10+$0x0], $0xffff  }
0x2fb: {  	v7 =	vld.idx.msk [tilespmem:v20+s17+$0x0], $0xffff;
	_ =	sdelay $0x1  }
0x2fc: {  	v21, _, _ =	vpop (xrf2)  }
0x2fd: {  	(v2sf) =	vpush v21, $0xF  }
0x2fe: {  	(v2sf) =	vpush v6, $0x0  }
0x2ff: {  	(v2sf) =	vpush v7, $0x0  }
0x300: {  	(v2sf) =	vpush v5, $0x0;
	_ =	sdelay $0x4  }
0x301: {  	(v2sf) =	vpush v4, $0x0;
	_ =	sdelay $0x6  }
0x302: {  	s23 =	spop (v2sf)  }
0x303: {  	s5 =	spop (v2sf)  }
0x304: {  	s11 =	spop (v2sf)  }
0x305: {  	s3 =	spop (v2sf)  }
0x306: {  	s3 =	smov.u32 @p0 s19  }
0x307: {  	s15 =	sand.u32 $0x1FFFFF80, s3  }
0x308: {  	s4 =	sadd.s32 s22, s15  }
0x309: {  	[tilespmem:s13], [sflag:$0x1] =	stream.strided.gather [hbm4b:s4+s13], $0x2000, s12, s13, $0x38;
	[tilespmem:$0x10A00] =	vst v63  }
0x30a: {  	s4 =	spop (v2sf)  }
0x30b: {  	s4 =	smov.u32 @p0 s16  }
0x30c: {  	s3 =	sshrl.u32 s3, $0x3;
	s20 =	sand.u32 $0x1FFFFF80, s4  }
0x30d: {  	[smem:$0x7FD] =	sst s11;
	s3 =	sand.u32 $0x1FFFFFF0, s3;
	s11 =	sadd.s32 s8, s20  }
0x30e: {  	[tilespmem:s7], [sflag:$0x1] =	stream.strided.gather [hbm4b:s11+s13], $0x2000, s12, s13, $0x38;
	[tilespmem:$0x10A00] =	vst v63  }
0x30f: {  	s3 =	sadd.s32 s26, s3  }
0x310: {  	[tilespmem:s10], [sflag:$0x1] =	stream.linear.gather [hbm4b:s3+s6], $0x80, $0x38;
	[tilespmem:$0x10A00] =	vst v63  }
0x311: {  	s10 =	sshrl.u32 s4, $0x3  }
0x312: {  	s3 =	sand.u32 $0x1FFFFFF0, s10  }
0x313: {  	s3 =	sadd.s32 s31, s3  }
0x314: {  	[tilespmem:s17], [sflag:$0x1] =	stream.linear.gather [hbm4b:s3+s6], $0x80, $0x38;
	[tilespmem:$0x10A00] =	vst v63  }
0x315: {  	_ =	swait.ge [sflag:s30], $0x2000  }
0x316: {  	[sflag:s30] =	ssyncset.done $0x0  }
0x317: {  	[sflag:s30] =	ssyncadd.s32 $0xFFFFE000  }
0x318: {  	_ =	swait.ge [sflag:s30], $0x2000  }
0x319: {  	[sflag:s30] =	ssyncset.done $0x0  }
0x31a: {  	[sflag:s30] =	ssyncadd.s32 $0xFFFFE000  }
0x31b: {  	s11 =	sand.u32 $0x7F, s29;
	_ =	swait.ge [sflag:s30], $0x80  }
0x31c: {  	s2 =	sand.u32 $0x7F, s2;
	v22 =	vor.u32 s11, v0;
	[sflag:s30] =	ssyncset.done $0x0  }
0x31d: {  	v23 =	vor.u32 s2, v0;
	[sflag:s30] =	ssyncadd.s32 $0xFFFFFF80  }
0x31e: {  	v24 =	vor.u32 s11, v1;
	_ =	swait.ge [sflag:s30], $0x80  }
0x31f: {  	v25 =	vor.u32 s2, v1;
	[sflag:s30] =	ssyncset.done $0x0  }
0x320: {  	v26 =	vor.u32 s11, v2;
	[sflag:s30] =	ssyncadd.s32 $0xFFFFFF80  }
0x321: {  	v27 =	vor.u32 s2, v2;
	v6 =	vld.idx.msk [tilespmem:v22+s18+$0x0], $0xffff  }
0x322: {  	v28 =	vor.u32 s11, v3;
	v7 =	vld.idx.msk [tilespmem:v23+s21+$0x0], $0xffff  }
0x323: {  	v29 =	vor.u32 s2, v3;
	v8 =	vld.idx.msk [tilespmem:v24+s18+$0x0], $0xffff  }
0x324: {  	v9 =	vld.idx.msk [tilespmem:v25+s21+$0x0], $0xffff  }
0x325: {  	v10 =	vld.idx.msk [tilespmem:v26+s18+$0x0], $0xffff  }
0x326: {  	v11 =	vld.idx.msk [tilespmem:v27+s21+$0x0], $0xffff  }
0x327: {  	v30 =	vld.idx.msk [tilespmem:v28+s18+$0x0], $0xffff;
	v6 =	vmul.f32 v7, v6  }
0x328: {  	v31 =	vld.idx.msk [tilespmem:v29+s21+$0x0], $0xffff  }
0x329: {  	v8 =	vmul.f32 v9, v8;
	v6 =	vadd.f32 $0.0e+00, v6;
	_ =	sdelay $0x1  }
0x32a: {  	v32 =	vmul.f32 v11, v10;
	v6 =	vadd.f32 v8, v6;
	_ =	sdelay $0x1  }
0x32b: {  	v7 =	vmul.f32 v31, v30;
	v6 =	vadd.f32 v32, v6;
	_ =	sdelay $0x1  }
0x32c: {  	v6 =	vadd.f32 v7, v6;
	_ =	sdelay $0x1  }
0x32d: {  	(xrf2) =	vadd.scan.msk.f32 $0xffff, v6;
	_ =	sdelay $0x1  }
0x32e: {  	v33 =	vmov s11  }
0x32f: {  	v34 =	vmov s2;
	_ =	sdelay $0x2  }
0x330: {  	s15 =	simm.s32 $0x10480  }
0x331: {  	s9 =	simm.s32 $0x10680;
	v6 =	vld.idx.msk [tilespmem:v33+s15+$0x0], $0xffff  }
0x332: {  	v7 =	vld.idx.msk [tilespmem:v34+s9+$0x0], $0xffff;
	_ =	sdelay $0x1  }
0x333: {  	v35, _, _ =	vpop (xrf2)  }
0x334: {  	(v2sf) =	vpush v35, $0xF  }
0x335: {  	(v2sf) =	vpush v6, $0x0  }
0x336: {  	(v2sf) =	vpush v7, $0x0  }
0x337: {  	(v2sf) =	vpush v5, $0x1;
	_ =	sdelay $0x4  }
0x338: {  	(v2sf) =	vpush v4, $0x1;
	_ =	sdelay $0x6  }
0x339: {  	s29 =	spop (v2sf)  }
0x33a: {  	s3 =	spop (v2sf)  }
0x33b: {  	s2 =	spop (v2sf)  }
0x33c: {  	s4 =	spop (v2sf)  }
0x33d: {  	s4 =	smov.u32 @p0 s19  }
0x33e: {  	s17 =	sand.u32 $0x1FFFFF80, s4  }
0x33f: {  	s11 =	sadd.s32 s22, s17  }
0x340: {  	[tilespmem:s18], [sflag:$0x1] =	stream.strided.gather [hbm4b:s11+s13], $0x2000, s12, s13, $0x38;
	[tilespmem:$0x10A00] =	vst v63  }
0x341: {  	s11 =	spop (v2sf)  }
0x342: {  	s11 =	smov.u32 @p0 s16  }
0x343: {  	s4 =	sshrl.u32 s4, $0x3;
	s20 =	sand.u32 $0x1FFFFF80, s11  }
0x344: {  	s4 =	sand.u32 $0x1FFFFFF0, s4;
	s10 =	sadd.s32 s8, s20  }
0x345: {  	[tilespmem:s21], [sflag:$0x1] =	stream.strided.gather [hbm4b:s10+s13], $0x2000, s12, s13, $0x38;
	[tilespmem:$0x10A00] =	vst v63  }
0x346: {  	s4 =	sadd.s32 s26, s4;
	s11 =	sshrl.u32 s11, $0x3  }
0x347: {  	[tilespmem:s15], [sflag:$0x1] =	stream.linear.gather [hbm4b:s4+s6], $0x80, $0x38;
	[tilespmem:$0x10A00] =	vst v63  }
0x348: {  	s4 =	sand.u32 $0x1FFFFFF0, s11  }
0x349: {  	s4 =	sadd.s32 s31, s4  }
0x34a: {  	[tilespmem:s9], [sflag:$0x1] =	stream.linear.gather [hbm4b:s4+s6], $0x80, $0x38;
	[tilespmem:$0x10A00] =	vst v63  }
0x34b: {  	_ =	swait.ge [sflag:s30], $0x2000  }
0x34c: {  	[sflag:s30] =	ssyncset.done $0x0  }
0x34d: {  	[sflag:s30] =	ssyncadd.s32 $0xFFFFE000  }
0x34e: {  	_ =	swait.ge [sflag:s30], $0x2000  }
0x34f: {  	[sflag:s30] =	ssyncset.done $0x0  }
0x350: {  	[sflag:s30] =	ssyncadd.s32 $0xFFFFE000  }
0x351: {  	s15 =	sand.u32 $0x7F, s28;
	_ =	swait.ge [sflag:s30], $0x80  }
0x352: {  	s1 =	sand.u32 $0x7F, s1;
	v36 =	vor.u32 s15, v0;
	[sflag:s30] =	ssyncset.done $0x0  }
0x353: {  	v37 =	vor.u32 s1, v0;
	[sflag:s30] =	ssyncadd.s32 $0xFFFFFF80  }
0x354: {  	v38 =	vor.u32 s15, v1;
	_ =	swait.ge [sflag:s30], $0x80  }
0x355: {  	v39 =	vor.u32 s1, v1;
	[sflag:s30] =	ssyncset.done $0x0  }
0x356: {  	v40 =	vor.u32 s15, v2;
	[sflag:s30] =	ssyncadd.s32 $0xFFFFFF80  }
0x357: {  	v41 =	vor.u32 s1, v2;
	v6 =	vld.idx.msk [tilespmem:v36+s24+$0x0], $0xffff  }
0x358: {  	v42 =	vor.u32 s15, v3;
	v7 =	vld.idx.msk [tilespmem:v37+s14+$0x0], $0xffff  }
0x359: {  	v43 =	vor.u32 s1, v3;
	v8 =	vld.idx.msk [tilespmem:v38+s24+$0x0], $0xffff  }
0x35a: {  	v9 =	vld.idx.msk [tilespmem:v39+s14+$0x0], $0xffff  }
0x35b: {  	v10 =	vld.idx.msk [tilespmem:v40+s24+$0x0], $0xffff  }
0x35c: {  	v11 =	vld.idx.msk [tilespmem:v41+s14+$0x0], $0xffff  }
0x35d: {  	v44 =	vld.idx.msk [tilespmem:v42+s24+$0x0], $0xffff;
	v6 =	vmul.f32 v7, v6  }
0x35e: {  	v45 =	vld.idx.msk [tilespmem:v43+s14+$0x0], $0xffff  }
0x35f: {  	v8 =	vmul.f32 v9, v8;
	v6 =	vadd.f32 $0.0e+00, v6;
	_ =	sdelay $0x1  }
0x360: {  	v46 =	vmul.f32 v11, v10;
	v6 =	vadd.f32 v8, v6;
	_ =	sdelay $0x1  }
0x361: {  	v7 =	vmul.f32 v45, v44;
	v6 =	vadd.f32 v46, v6;
	_ =	sdelay $0x1  }
0x362: {  	v6 =	vadd.f32 v7, v6;
	_ =	sdelay $0x1  }
0x363: {  	(xrf2) =	vadd.scan.msk.f32 $0xffff, v6;
	_ =	sdelay $0x1  }
0x364: {  	v47 =	vmov s15  }
0x365: {  	v48 =	vmov s1;
	_ =	sdelay $0x2  }
0x366: {  	s17 =	simm.s32 $0x10500  }
0x367: {  	s18 =	simm.s32 $0x10700;
	v6 =	vld.idx.msk [tilespmem:v47+s17+$0x0], $0xffff  }
0x368: {  	v7 =	vld.idx.msk [tilespmem:v48+s18+$0x0], $0xffff;
	_ =	sdelay $0x1  }
0x369: {  	v49, _, _ =	vpop (xrf2)  }
0x36a: {  	(v2sf) =	vpush v49, $0xF  }
0x36b: {  	(v2sf) =	vpush v6, $0x0  }
0x36c: {  	(v2sf) =	vpush v7, $0x0  }
0x36d: {  	(v2sf) =	vpush v5, $0x2;
	_ =	sdelay $0x4  }
0x36e: {  	(v2sf) =	vpush v4, $0x2;
	_ =	sdelay $0x6  }
0x36f: {  	s28 =	spop (v2sf)  }
0x370: {  	s4 =	spop (v2sf)  }
0x371: {  	s1 =	spop (v2sf)  }
0x372: {  	s10 =	spop (v2sf)  }
0x373: {  	s10 =	smov.u32 @p0 s19  }
0x374: {  	s20 =	sand.u32 $0x1FFFFF80, s10  }
0x375: {  	s11 =	sadd.s32 s22, s20  }
0x376: {  	[tilespmem:s24], [sflag:$0x1] =	stream.strided.gather [hbm4b:s11+s13], $0x2000, s12, s13, $0x38;
	[tilespmem:$0x10A00] =	vst v63  }
0x377: {  	s11 =	spop (v2sf)  }
0x378: {  	s11 =	smov.u32 @p0 s16  }
0x379: {  	s21 =	sand.u32 $0x1FFFFF80, s11  }
0x37a: {  	s24 =	sshrl.u32 s10, $0x3;
	s9 =	sadd.s32 s8, s21  }
0x37b: {  	[tilespmem:s14], [sflag:$0x1] =	stream.strided.gather [hbm4b:s9+s13], $0x2000, s12, s13, $0x38;
	[tilespmem:$0x10A00] =	vst v63  }
0x37c: {  	s9 =	sand.u32 $0x1FFFFFF0, s24  }
0x37d: {  	s10 =	sshrl.u32 s11, $0x3;
	s9 =	sadd.s32 s26, s9  }
0x37e: {  	[tilespmem:s17], [sflag:$0x1] =	stream.linear.gather [hbm4b:s9+s6], $0x80, $0x38;
	[tilespmem:$0x10A00] =	vst v63  }
0x37f: {  	s9 =	sand.u32 $0x1FFFFFF0, s10  }
0x380: {  	s9 =	sadd.s32 s31, s9  }
0x381: {  	[tilespmem:s18], [sflag:$0x1] =	stream.linear.gather [hbm4b:s9+s6], $0x80, $0x38;
	[tilespmem:$0x10A00] =	vst v63  }
0x382: {  	_ =	swait.ge [sflag:s30], $0x2000  }
0x383: {  	[sflag:s30] =	ssyncset.done $0x0  }
0x384: {  	[sflag:s30] =	ssyncadd.s32 $0xFFFFE000  }
0x385: {  	_ =	swait.ge [sflag:s30], $0x2000  }
0x386: {  	[sflag:s30] =	ssyncset.done $0x0  }
0x387: {  	[sflag:s30] =	ssyncadd.s32 $0xFFFFE000  }
0x388: {  	s11 =	sand.u32 $0x7F, s19;
	_ =	swait.ge [sflag:s30], $0x80  }
0x389: {  	v50 =	vor.u32 s11, v0;
	s14 =	sand.u32 $0x7F, s16;
	[sflag:s30] =	ssyncset.done $0x0  }
0x38a: {  	v51 =	vor.u32 s14, v0;
	[sflag:s30] =	ssyncadd.s32 $0xFFFFFF80  }
0x38b: {  	v52 =	vor.u32 s11, v1;
	_ =	swait.ge [sflag:s30], $0x80  }
0x38c: {  	v53 =	vor.u32 s14, v1;
	[sflag:s30] =	ssyncset.done $0x0  }
0x38d: {  	v54 =	vor.u32 s11, v2;
	s18 =	rddreg [dreg:$0x12];
	[sflag:s30] =	ssyncadd.s32 $0xFFFFFF80  }
0x38e: {  	v55 =	vor.u32 s14, v2;
	s20 =	rddreg [dreg:$0x13];
	v6 =	vld.idx.msk [tilespmem:v50+s25+$0x0], $0xffff  }
0x38f: {  	v56 =	vor.u32 s11, v3;
	s24 =	rddreg [dreg:$0x15];
	v7 =	vld.idx.msk [tilespmem:v51+s0+$0x0], $0xffff  }
0x390: {  	v61 =	vmov s11;
	v57 =	vor.u32 s14, v3;
	s11 =	rddreg [dreg:$0x11];
	v8 =	vld.idx.msk [tilespmem:v52+s25+$0x0], $0xffff  }
0x391: {  	v62 =	vmov s14;
	s14 =	rddreg [dreg:$0x14];
	v9 =	vld.idx.msk [tilespmem:v53+s0+$0x0], $0xffff  }
0x392: {  	s21 =	sadd.f32 s18, s20;
	v10 =	vld.idx.msk [tilespmem:v54+s25+$0x0], $0xffff  }
0x393: {  	s20 =	rddreg [dreg:$0x1b];
	v11 =	vld.idx.msk [tilespmem:v55+s0+$0x0], $0xffff  }
0x394: {  	v58 =	vld.idx.msk [tilespmem:v56+s25+$0x0], $0xffff;
	s25 =	rddreg [dreg:$0x16];
	v6 =	vmul.f32 v7, v6  }
0x395: {  	v59 =	vld.idx.msk [tilespmem:v57+s0+$0x0], $0xffff;
	s7 =	sadd.f32 s24, s25  }
0x396: {  	s9 =	sadd.f32 s21, s11;
	v8 =	vmul.f32 v9, v8;
	v6 =	vadd.f32 $0.0e+00, v6  }
0x397: {  	s21 =	rddreg [dreg:$0x1c]  }
0x398: {  	s24 =	rddreg [dreg:$0x18];
	v60 =	vmul.f32 v11, v10;
	v6 =	vadd.f32 v8, v6  }
0x399: {  	s25 =	rddreg [dreg:$0x1a]  }
0x39a: {  	s10 =	sadd.f32 s7, s14;
	v7 =	vmul.f32 v59, v58;
	v6 =	vadd.f32 v60, v6  }
0x39b: {  	s7 =	sadd.f32 s20, s21  }
0x39c: {  	s14 =	rddreg [dreg:$0x1f];
	v6 =	vadd.f32 v7, v6  }
0x39d: {  	s20 =	sld [smem:$0x7EA]  }
0x39e: {  	s21 =	sld [smem:$0x7EB];
	(xrf2) =	vadd.scan.msk.f32 $0xffff, v6  }
0x39f: {  	s7 =	sadd.f32 s7, s25  }
0x3a0: {  	s25 =	smov.u32 s8;
	s8 =	rddreg [dreg:$0x1e]  }
0x3a1: {  	s17 =	simm.s32 $0x10780;
	s8 =	sadd.f32 s8, s14  }
0x3a2: {  	s15 =	simm.s32 $0x10580;
	v7 =	vld.idx.msk [tilespmem:v62+s17+$0x0], $0xffff;
	s17 =	rddreg [dreg:$0x19]  }
0x3a3: {  	v6 =	vld.idx.msk [tilespmem:v61+s15+$0x0], $0xffff;
	s15 =	rddreg [dreg:$0x17]  }
0x3a4: {  	s18 =	sadd.f32 s15, s17  }
0x3a5: {  	s15 =	sld [smem:$0x7E8]  }
0x3a6: {  	s17 =	sld [smem:$0x7E9]  }
0x3a7: {  	s11 =	sadd.f32 s18, s24  }
0x3a8: {  	s18 =	rddreg [dreg:$0x1d];
	v63, _, _ =	vpop (xrf2)  }
0x3a9: {  	s0 =	sadd.f32 s15, s17;
	(v2sf) =	vpush v63, $0xF  }
0x3aa: {  	s8 =	sadd.f32 s8, s18;
	(v2sf) =	vpush v6, $0x0  }
0x3ab: {  	s17 =	sld [smem:$0x7ED]  }
0x3ac: {  	s18 =	sld [smem:$0x7EE]  }
0x3ad: {  	s24 =	sld [smem:$0x7EC];
	(v2sf) =	vpush v7, $0x0  }
0x3ae: {  	s0 =	sadd.f32 s0, s20  }
0x3af: {  	s20 =	sadd.f32 s17, s18  }
0x3b0: {  	s17 =	sld [smem:$0x7F0]  }
0x3b1: {  	s14 =	sadd.f32 s21, s24  }
0x3b2: {  	s18 =	sld [smem:$0x7F1]  }
0x3b3: {  	s24 =	sadd.f32 s20, s17  }
0x3b4: {  	s20 =	sld [smem:$0x7F2]  }
0x3b5: {  	(v2sf) =	vpush v5, $0x3  }
0x3b6: {  	s21 =	sld [smem:$0x7EF]  }
0x3b7: {  	s18 =	sadd.f32 s18, s20  }
0x3b8: {  	s20 =	sld [smem:$0x7F3];
	s17 =	spop (v2sf)  }
0x3b9: {  	s14 =	sadd.f32 s14, s21;
	s21 =	spop (v2sf)  }
0x3ba: {  	s15 =	sadd.f32 s17, s21  }
0x3bb: {  	s17 =	sadd.f32 s18, s20  }
0x3bc: {  	s21 =	spop (v2sf);
	s20 =	sld [smem:$0x7F4]  }
0x3bd: {  	(v2sf) =	vpush v4, $0x3;
	s15 =	sadd.f32 s15, s21  }
0x3be: {  	s21 =	sld [smem:$0x7F5]  }
0x3bf: {  	s5 =	sadd.f32 s23, s5  }
0x3c0: {  	s3 =	sadd.f32 s29, s3  }
0x3c1: {  	s18 =	sadd.f32 s20, s21  }
0x3c2: {  	s20 =	sld [smem:$0x7F6]  }
0x3c3: {  	s21 =	sld [smem:$0x7F7]  }
0x3c4: {  	s4 =	sadd.f32 s28, s4;
	v4 =	vmov s15;
	s15 =	spop (v2sf)  }
0x3c5: {  	s15 =	smov.u32 @p0 s19;
	s19 =	sld [smem:$0x7F9]  }
0x3c6: {  	s21 =	sadd.f32 s20, s21  }
0x3c7: {  	s20 =	sld [smem:$0x7F8]  }
0x3c8: {  	v4 =	vsel vm0, s9, v4;
	s9 =	sadd.f32 s21, s19  }
0x3c9: {  	s21 =	sld [smem:$0x7FB]  }
0x3ca: {  	s18 =	sadd.f32 s18, s20  }
0x3cb: {  	s20 =	sld [smem:$0x7FA]  }
0x3cc: {  	s2 =	sadd.f32 s3, s2;
	v4 =	vsel vm1, s10, v4;
	s10 =	spop (v2sf)  }
0x3cd: {  	s1 =	sadd.f32 s4, s1;
	s10 =	smov.u32 @p0 s16;
	s19 =	sand.u32 $0x1FFFFF80, s15  }
0x3ce: {  	s16 =	simm.s32 $0x6400;
	s21 =	sadd.f32 s20, s21;
	s20 =	sadd.s32 s22, s19  }
0x3cf: {  	[tilespmem:s16], [sflag:$0x1] =	stream.strided.gather [hbm4b:s20+s13], $0x2000, s12, s13, $0x38;
	[tilespmem:$0x10A00] =	vst v63  }
0x3d0: {  	s20 =	sld [smem:$0x7FC]  }
0x3d1: {  	s28 =	rddreg [dreg:$0xf];
	v4 =	vsel vm2, s11, v4  }
0x3d2: {  	s29 =	rddreg [dreg:$0xe];
	v4 =	vsel vm3, s7, v4;
	s11 =	sand.u32 $0x1FFFFF80, s10  }
0x3d3: {  	v4 =	vsel vm4, s8, v4;
	s19 =	simm.s32 $0xE400;
	s7 =	sadd.f32 s21, s20;
	s20 =	sadd.s32 s25, s11  }
0x3d4: {  	v4 =	vsel vm5, s0, v4;
	[tilespmem:s19], [sflag:$0x1] =	stream.strided.gather [hbm4b:s20+s13], $0x2000, s12, s13, $0x38;
	[tilespmem:$0x10A00] =	vst v63  }
0x3d5: {  	s23 =	simm.s32 $0x10780;
	v4 =	vsel vm6, s14, v4;
	s20 =	sld [smem:$0x7FD]  }
0x3d6: {  	p0 =	sne.s32 s29, $0x200;
	s8 =	smov.u32 s25;
	s14 =	simm.s32 $0x10400;
	v4 =	vsel vm7, s24, v4  }
0x3d7: {  	s24 =	simm.s32 $0x10480;
	v4 =	vsel vm8, s17, v4;
	s17 =	simm.s32 $0x10600;
	s25 =	sshrl.u32 s15, $0x3  }
0x3d8: {  	v4 =	vsel vm9, s18, v4;
	s18 =	simm.s32 $0x2400;
	s0 =	sadd.f32 s5, s20;
	s5 =	sand.u32 $0x1FFFFFF0, s25  }
0x3d9: {  	v4 =	vsel vm10, s9, v4;
	s9 =	rddreg [dreg:$0xd];
	s20 =	simm.s32 $0x10580;
	s5 =	sadd.s32 s26, s5  }
0x3da: {  	[tilespmem:s20], [sflag:$0x1] =	stream.linear.gather [hbm4b:s5+s6], $0x80, $0x38;
	[tilespmem:$0x10A00] =	vst v63  }
.Ltmp0:
0x3db: {  	s21 =	simm.s32 $0xA400;
	v4 =	vsel vm11, s7, v4;
	s5 =	sshrl.u32 s10, $0x3;
	(pc) =	sbr.rel @p0 .LBB2_2-.Ltmp0, $4  }
0x3dc: {  	s11 =	simm.s32 $0x10680;
	s7 =	simm.s32 $0x8400;
	v4 =	vsel vm12, s0, v4;
	s15 =	sand.u32 $0x1FFFFFF0, s5  }
0x3dd: {  	s25 =	rddreg [dreg:$0x10];
	s10 =	sadd.s32 $0x10, s9;
	v4 =	vsel vm13, s2, v4;
	s0 =	sadd.s32 s31, s15  }
0x3de: {  	v4 =	vsel vm14, s1, v4;
	[tilespmem:s23], [sflag:$0x1] =	stream.linear.gather [hbm4b:s0+s6], $0x80, $0x38;
	[tilespmem:$0x10A00] =	vst v63  }
0x3df: {  	s2 =	sadd.s32 $0x10, s25;
	s1 =	sadd.s32 $0x10, s28;
	s0 =	sadd.s32 $0x10, s29;
	[tilespmem:s28+$0x0] =	vst v4  }
0x3e0: {  	_ =	swait.ge [sflag:s30], $0x2000  }
0x3e1: {  	[sflag:s30] =	ssyncset.done $0x0  }
0x3e2: {  	[sflag:s30] =	ssyncadd.s32 $0xFFFFE000  }
0x3e3: {  	_ =	swait.ge [sflag:s30], $0x2000  }
0x3e4: {  	[sflag:s30] =	ssyncset.done $0x0  }
0x3e5: {  	[sflag:s30] =	ssyncadd.s32 $0xFFFFE000  }
0x3e6: {  	_ =	swait.ge [sflag:s30], $0x80  }
0x3e7: {  	[sflag:s30] =	ssyncset.done $0x0  }
0x3e8: {  	[sflag:s30] =	ssyncadd.s32 $0xFFFFFF80  }
0x3e9: {  	_ =	swait.ge [sflag:s30], $0x80  }
0x3ea: {  	[sflag:s30] =	ssyncset.done $0x0  }
0x3eb: {  	[sflag:s30] =	ssyncadd.s32 $0xFFFFFF80  }
0x3ec: {  	_ =	swait.ge [sflag:s30], $0x2000  }
0x3ed: {  	[sflag:s30] =	ssyncset.done $0x0  }
0x3ee: {  	[sflag:s30] =	ssyncadd.s32 $0xFFFFE000  }
0x3ef: {  	_ =	swait.ge [sflag:s30], $0x2000  }
0x3f0: {  	[sflag:s30] =	ssyncset.done $0x0  }
0x3f1: {  	[sflag:s30] =	ssyncadd.s32 $0xFFFFE000  }
0x3f2: {  	_ =	swait.ge [sflag:s30], $0x80  }
0x3f3: {  	[sflag:s30] =	ssyncset.done $0x0  }
0x3f4: {  	[sflag:s30] =	ssyncadd.s32 $0xFFFFFF80  }
0x3f5: {  	_ =	swait.ge [sflag:s30], $0x80  }
0x3f6: {  	[sflag:s30] =	ssyncset.done $0x0  }
0x3f7: {  	[sflag:s30] =	ssyncadd.s32 $0xFFFFFF80  }
0x3f8: {  	_ =	swait.ge [sflag:s30], $0x2000  }
0x3f9: {  	[sflag:s30] =	ssyncset.done $0x0  }
0x3fa: {  	[sflag:s30] =	ssyncadd.s32 $0xFFFFE000  }
0x3fb: {  	_ =	swait.ge [sflag:s30], $0x2000  }
0x3fc: {  	[sflag:s30] =	ssyncset.done $0x0  }
0x3fd: {  	[sflag:s30] =	ssyncadd.s32 $0xFFFFE000  }
0x3fe: {  	_ =	swait.ge [sflag:s30], $0x80  }
0x3ff: {  	[sflag:s30] =	ssyncset.done $0x0  }
0x400: {  	[sflag:s30] =	ssyncadd.s32 $0xFFFFFF80  }
0x401: {  	_ =	swait.ge [sflag:s30], $0x80  }
0x402: {  	[sflag:s30] =	ssyncset.done $0x0  }
0x403: {  	[sflag:s30] =	ssyncadd.s32 $0xFFFFFF80  }
0x404: {  	_ =	swait.ge [sflag:s30], $0x2000  }
0x405: {  	[sflag:s30] =	ssyncset.done $0x0  }
0x406: {  	[sflag:s30] =	ssyncadd.s32 $0xFFFFE000  }
0x407: {  	_ =	swait.ge [sflag:s30], $0x2000  }
0x408: {  	[sflag:s30] =	ssyncset.done $0x0  }
0x409: {  	[sflag:s30] =	ssyncadd.s32 $0xFFFFE000  }
0x40a: {  	_ =	swait.ge [sflag:s30], $0x80  }
0x40b: {  	[sflag:s30] =	ssyncset.done $0x0  }
0x40c: {  	[sflag:s30] =	ssyncadd.s32 $0xFFFFFF80  }
0x40d: {  	_ =	swait.ge [sflag:s30], $0x80  }
0x40e: {  	[sflag:s30] =	ssyncset.done $0x0  }
0x40f: {  	s1 =	simm.s32 $0x10800;
	s0 =	rddreg [dreg:$0xa];
	[sflag:s30] =	ssyncadd.s32 $0xFFFFFF80  }
0x410: {  	[hbm4b:s0+s6] =	stream.linear.scatter [tilespmem:s1], [sflag:$0x2], $0x200, $0x38;
	[tilespmem:$0x10A00] =	vst v63  }
0x411: {  	s1 =	simm.s32 $0x2  }
0x412: {  	_ =	swait.ge [sflag:s1], $0x200  }
0x413: {  	s2 =	rddreg [dreg:$0xc]  }
0x414: {  	s29 =	rddreg [dreg:$0xb];
	s2 =	sadd.s32 $0x1, s2  }
0x415: {  	p0 =	sne.s32 s2, s29  }
.Ltmp1:
0x416: {  	_ = 	snop;
	(pc) =	sbr.rel @p0 .LBB2_1-.Ltmp1, $3  }
0x417: {  	_ =	sdelay $0x1  }
0x418: {  	s3 =	simm.s32 $0x4400;
	s4 =	simm.s32 $0xC400;
	[sflag:s1] =	ssyncset.done $0x0  }
0x419: {  	s5 =	simm.s32 $0x10500;
	s9 =	simm.s32 $0x10700;
	[sflag:s1] =	ssyncadd.s32 $0xFFFFFE00  }
0x41a: {  	_ =	sfence.sel $0x180000  }
0x41b: {  	[bflag:$0x0] =	sbarrier.arrive $0xFFFF  }
0x41c: {  	_ =	strace $0x90000047  }
0x41d: {  	s0 =	stileid.u32;
	[bflag:$0x2] =	sbarrier.arrive $0xFFFF  }
0x41e: {  	p0 =	sne.s32 s0, $0x0;
	s0 =	rddreg [dreg:$0x7]  }
0x41f: {  	s0 =	sadd.s32 @!p0 $0x100000, s0  }
0x420: {  	[sflag:s0] =	ssyncadd.tile.s32 @!p0 $0x1;
	_ =	shalt  }
.Lfunc_end2:
_tile_overlayer_lowered:
.L_overlay_start_2:
0x421: {  	(tag) =	ssettag $0x2  }
0x422: {  	s0 =	rddreg [dreg:$0x0];
	s2 =	stileid.u32  }
0x423: {  	s1 =	rddreg [dreg:$0x1];
	p0 =	sne.s32 s2, $0x0  }
0x424: {  	s3 =	rddreg [dreg:$0x2];
	[bflag:$0x3] =	sbarrier.arrive $0xFFFF;
	s2 =	simm.s32 @!p0 $0x1C02  }
0x425: {  	[timem:s3], [sflag:s2] =	dma.local @!p0 [hbm:s0], s1  }
0x426: {  	s0 =	simm.s32 @!p0 $0x2  }
0x427: {  	_ =	swait.ge @!p0 [sflag:s0], s1  }
0x428: {  	s1 =	ssub.s32 @!p0 $0x0, s1;
	[sflag:s0] =	ssyncset.done @!p0 $0x0  }
0x429: {  	[sflag:s0] =	ssyncadd.s32 @!p0 s1  }
0x42a: {  	[bflag:$0x3] =	sbarrier.arrive $0xFFFF  }
0x42b: {  	_ =	shalt  }

</sc_bundles>
